<compile_context>
chip_gen: v7x
topology: tpu7x:2x2x1
jax: 0.10.2.dev20260603
libtpu: 0.0.44.dev20260713+nightly
codegen_flags: <defaults>
</compile_context>

<pallas_src>
import functools

import jax
import jax.numpy as jnp
from jax import lax
from jax.experimental import pallas as pl
from jax.experimental.pallas import tpu as pltpu
from jax.experimental.pallas import tpu_sc as plsc

N_NODES = 50000
NPAD = 51200
ZS = NPAD // 16
N_EDGES = 800000
LANES = 16
TILES = 32
CHUNK = 128
CPT = 200
SBLK = 40
EPAD = TILES * CPT * CHUNK
NBLK = 16
BLK = NPAD // NBLK

_mesh = plsc.VectorSubcoreMesh(
    core_axis_name="c", subcore_axis_name="s", num_cores=2, num_subcores=16)


def _leaky(v):
    return jnp.maximum(v, 0.2 * v)


def _make_edge_pass(nheads):

    @functools.partial(
        pl.kernel,
        out_type=jax.ShapeDtypeStruct((2 * NPAD * 16,), jnp.float32),
        mesh=_mesh,
        scratch_types=[
            pltpu.VMEM((50048,), jnp.float32),
            pltpu.VMEM((SBLK, CHUNK), jnp.int32),
            pltpu.VMEM((SBLK, CHUNK), jnp.int32),
            pltpu.VMEM((CHUNK, 16), jnp.float32),
            pltpu.VMEM((16,), jnp.float32),
            pltpu.VMEM((CHUNK * 16,), jnp.float32),
            pltpu.VMEM((CHUNK,), jnp.int32),
            pltpu.VMEM_SHARED((NPAD, 16), jnp.float32),
        ],
        compiler_params=pltpu.CompilerParams(needs_layout_passes=False),
    )
    def edge_pass(x_hbm, src_hbm, dst_hbm, coef_hbm, out_hbm,
                  x_v, src_v, dst_v, rows_v, coef_v, flat_v, zidx_v, acc_sh):
        c = lax.axis_index("c")
        s = lax.axis_index("s")
        wid = c * 16 + s

        pltpu.sync_copy(x_hbm.at[pl.ds(0, 50048)], x_v)
        pltpu.sync_copy(coef_hbm, coef_v)
        iota16 = lax.iota(jnp.int32, LANES)
        zero16 = jnp.zeros((LANES,), jnp.float32)
        for r in range(CHUNK):
            rows_v[r, :] = zero16
        def fill_zidx(base):
            for k in range(CHUNK // LANES):
                zidx_v[pl.ds(k * LANES, LANES)] = base + k * LANES + iota16

        def zero_blk(b, carry):
            fill_zidx(s * ZS + b * CHUNK)
            pltpu.sync_copy(rows_v, acc_sh.at[zidx_v])
            return carry

        lax.fori_loop(0, ZS // CHUNK, zero_blk, 0)
        coef_vec = coef_v[...]
        cs = [coef_vec[h] for h in range(nheads)]
        cd = [coef_vec[8 + h] for h in range(nheads)]
        plsc.subcore_barrier()

        def chunk_body(j, carry):
            def step(k, kc):
                s16 = src_v[j, pl.ds(k * LANES, LANES)]
                d16 = dst_v[j, pl.ds(k * LANES, LANES)]
                xs = plsc.load_gather(x_v, [s16])
                xd = plsc.load_gather(x_v, [d16])
                r_idx = iota16 + k * LANES
                for h in range(nheads):
                    t = jnp.exp(_leaky(xs * cs[h] + xd * cd[h]))
                    plsc.store_scatter(
                        rows_v, [r_idx, jnp.full((LANES,), h, jnp.int32)], t)
                    plsc.store_scatter(
                        rows_v, [r_idx, jnp.full((LANES,), h + 8, jnp.int32)],
                        t * xs)
                return kc

            lax.fori_loop(0, CHUNK // LANES, step, 0)
            pltpu.sync_copy(rows_v, acc_sh.at[dst_v.at[j]], add=True)
            return carry

        for stage in range(CPT // SBLK):
            row0 = wid * CPT + stage * SBLK
            pltpu.sync_copy(src_hbm.at[pl.ds(row0, SBLK)], src_v)
            pltpu.sync_copy(dst_hbm.at[pl.ds(row0, SBLK)], dst_v)
            lax.fori_loop(0, SBLK, chunk_body, 0)
        plsc.subcore_barrier()

        def repack(r, carry):
            flat_v[pl.ds(r * 16, LANES)] = rows_v[r, :]
            return carry

        base = (c * NPAD + s * ZS) * 16

        def epi_blk(b, carry):
            fill_zidx(s * ZS + b * CHUNK)
            pltpu.sync_copy(acc_sh.at[zidx_v], rows_v)
            lax.fori_loop(0, CHUNK, repack, 0)
            pltpu.sync_copy(flat_v,
                            out_hbm.at[pl.ds(base + b * CHUNK * 16, CHUNK * 16)])
            return carry

        lax.fori_loop(0, ZS // CHUNK, epi_blk, 0)

    return edge_pass


_edge_pass1 = _make_edge_pass(8)
_edge_pass2 = _make_edge_pass(1)


def _node_stage1_body(a0_ref, a1_ref, x_ref, csum_ref, w1f_ref, b1_ref,
                      w2_ref, h2_ref):
    xb = x_ref[...]
    ts = jnp.exp(_leaky(xb * csum_ref[...]))
    a = a0_ref[...] + a1_ref[...]
    den = a[:, :8] + ts
    num = a[:, 8:] + ts * xb
    sval = num / (den + 1e-16)
    srep = jnp.concatenate(
        [jnp.broadcast_to(sval[:, h:h + 1], (BLK, 16)) for h in range(8)],
        axis=1)
    o = srep * w1f_ref[...] + b1_ref[...]
    z = jnp.where(o > 0, o, jnp.exp(jnp.minimum(o, 0.0)) - 1.0)
    h2_ref[...] = jnp.sum(z * w2_ref[...], axis=1, keepdims=True)


_node_stage1 = pl.pallas_call(
    _node_stage1_body,
    grid=(NBLK,),
    in_specs=[
        pl.BlockSpec((BLK, 16), lambda i: (i, 0)),
        pl.BlockSpec((BLK, 16), lambda i: (i, 0)),
        pl.BlockSpec((BLK, 1), lambda i: (i, 0)),
        pl.BlockSpec((1, 8), lambda i: (0, 0)),
        pl.BlockSpec((1, 128), lambda i: (0, 0)),
        pl.BlockSpec((1, 128), lambda i: (0, 0)),
        pl.BlockSpec((1, 128), lambda i: (0, 0)),
    ],
    out_specs=pl.BlockSpec((BLK, 1), lambda i: (i, 0)),
    out_shape=jax.ShapeDtypeStruct((NPAD, 1), jnp.float32),
)


def _node_stage2_body(a0_ref, a1_ref, h2_ref, k_ref, out_ref):
    h2 = h2_ref[...]
    ts = jnp.exp(_leaky(h2 * k_ref[0, 0]))
    a = a0_ref[...] + a1_ref[...]
    den = a[:, 0:1] + ts
    num = a[:, 8:9] + ts * h2
    out_ref[...] = num / (den + 1e-16) + k_ref[0, 1]


_node_stage2 = pl.pallas_call(
    _node_stage2_body,
    grid=(NBLK,),
    in_specs=[
        pl.BlockSpec((BLK, 16), lambda i: (i, 0)),
        pl.BlockSpec((BLK, 16), lambda i: (i, 0)),
        pl.BlockSpec((BLK, 1), lambda i: (i, 0)),
        pl.BlockSpec((1, 2), lambda i: (0, 0)),
    ],
    out_specs=pl.BlockSpec((BLK, 1), lambda i: (i, 0)),
    out_shape=jax.ShapeDtypeStruct((NPAD, 1), jnp.float32),
)


@jax.jit
def kernel(x, edge_index, W1, att_src1, att_dst1, b1, W2, att_src2, att_dst2, b2):
    src = edge_index[0].astype(jnp.int32)
    dst = edge_index[1].astype(jnp.int32)
    pad = EPAD - N_EDGES
    src3d = jnp.pad(src, (0, pad)).reshape(TILES * CPT, CHUNK)
    dst3d = jnp.pad(dst, (0, pad), constant_values=N_NODES).reshape(
        TILES * CPT, CHUNK)
    xf = jnp.pad(x[:, 0], (0, NPAD - N_NODES))

    W1r = W1.reshape(8, 16)
    c_src = (W1r * att_src1[0]).sum(-1)
    c_dst = (W1r * att_dst1[0]).sum(-1)
    coef1 = jnp.concatenate([c_src, c_dst])
    acc1 = _edge_pass1(xf, src3d, dst3d, coef1).reshape(2, NPAD, 16)

    csum = (c_src + c_dst).reshape(1, 8)
    h2 = _node_stage1(acc1[0], acc1[1], xf.reshape(NPAD, 1), csum,
                      W1.reshape(1, 128), b1.reshape(1, 128),
                      W2.reshape(1, 128))

    a_s2 = att_src2[0, 0, 0]
    a_d2 = att_dst2[0, 0, 0]
    coef2 = jnp.zeros((16,), jnp.float32).at[0].set(a_s2).at[8].set(a_d2)
    acc2 = _edge_pass2(h2[:, 0], src3d, dst3d, coef2).reshape(2, NPAD, 16)

    k2 = jnp.stack([a_s2 + a_d2, b2[0]]).reshape(1, 2)
    out = _node_stage2(acc2[0], acc2[1], h2, k2)
    return out[:N_NODES]

# --- scband reference (transcript-rebuilt; emitter-appended) ---
"""Pipeline reference for scband-gat-70050916598070 (READ-ONLY COPY).

The authoritative reference and input builder live on the scoring server;
editing this copy changes nothing except your own understanding.
"""

import jax, jax.numpy as jnp
import numpy as np

N_NODES = 50000
N_EDGES = 800000
H1 = 16  # hidden_channel1
HEADS1 = 8


def _glorot(key, shape):
    fan = shape[0] + shape[-1]
    scale = jnp.sqrt(6.0 / fan)
    return jax.random.uniform(key, shape, dtype=jnp.float32, minval=-scale, maxval=scale)


def setup_inputs(seed: int = 0) -> dict:
    key = jax.random.key(seed)
    ks = jax.random.split(key, 10)
    x = jax.random.normal(ks[0], (N_NODES, 1), dtype=jnp.float32)
    edge_index = jax.random.randint(ks[1], (2, N_EDGES), 0, N_NODES, dtype=jnp.int64)
    # conv1: GATConv(1, 16, heads=8, concat=True)
    W1 = _glorot(ks[2], (1, HEADS1 * H1))
    att_src1 = _glorot(ks[3], (1, HEADS1, H1))
    att_dst1 = _glorot(ks[4], (1, HEADS1, H1))
    b1 = jnp.zeros((HEADS1 * H1,), dtype=jnp.float32)
    # conv2: GATConv(128, 1, heads=1, concat=False)
    W2 = _glorot(ks[5], (HEADS1 * H1, 1))
    att_src2 = _glorot(ks[6], (1, 1, 1))
    att_dst2 = _glorot(ks[7], (1, 1, 1))
    b2 = jnp.zeros((1,), dtype=jnp.float32)
    return {"x": x, "edge_index": edge_index, "W1": W1, "att_src1": att_src1,
            "att_dst1": att_dst1, "b1": b1, "W2": W2, "att_src2": att_src2,
            "att_dst2": att_dst2, "b2": b2}


def _gat_conv(x, edge_index, W, att_src, att_dst, bias, heads, out_ch, concat):
    N = x.shape[0]
    # add self loops (PyG GATConv default add_self_loops=True)
    ar = jnp.arange(N, dtype=edge_index.dtype)
    ei = jnp.concatenate([edge_index, jnp.stack([ar, ar])], axis=1)
    src, dst = ei[0], ei[1]
    h = (x @ W).reshape(N, heads, out_ch)
    alpha_src = (h * att_src).sum(-1)  # [N, H]
    alpha_dst = (h * att_dst).sum(-1)  # [N, H]
    e = jax.nn.leaky_relu(alpha_src[src] + alpha_dst[dst], negative_slope=0.2)  # [E, H]
    m = jax.ops.segment_max(e, dst, num_segments=N)
    e = jnp.exp(e - m[dst])
    denom = jax.ops.segment_sum(e, dst, num_segments=N)
    alpha = e / (denom[dst] + 1e-16)  # softmax over incoming edges per dst
    msg = h[src] * alpha[:, :, None]  # [E, H, C]
    out = jax.ops.segment_sum(msg, dst, num_segments=N)  # [N, H, C]
    if concat:
        out = out.reshape(N, heads * out_ch)
    else:
        out = out.mean(axis=1)
    return out + bias


def reference(x, edge_index, W1, att_src1, att_dst1, b1, W2, att_src2, att_dst2, b2):
    # eval mode: F.dropout(p=0.6, training=False) is identity
    h = _gat_conv(x, edge_index, W1, att_src1, att_dst1, b1, HEADS1, H1, True)
    h = jax.nn.elu(h)
    out = _gat_conv(h, edge_index, W2, att_src2, att_dst2, b2, 1, 1, False)
    return out

if __name__ == "__main__":
    import jax
    _d = setup_inputs()
    print(jax.jit(kernel)(*tuple(_d.values())))

</pallas_src>

<mosaic_0001>
#map = affine_map<(d0, d1) -> (0)>
#map1 = affine_map<(d0, d1) -> (0, 0)>
module attributes {stable_mosaic.version = 14 : i64} {
  func.func @edge_pass(%arg0: i32, %arg1: i32, %arg2: memref<51200xf32, #tpu.memory_space<hbm>>, %arg3: memref<6400x128xi32, #tpu.memory_space<hbm>>, %arg4: memref<6400x128xi32, #tpu.memory_space<hbm>>, %arg5: memref<16xf32, #tpu.memory_space<hbm>>, %arg6: memref<1638400xf32, #tpu.memory_space<hbm>>, %arg7: memref<50048xf32, #tpu.memory_space<vmem>>, %arg8: memref<40x128xi32, #tpu.memory_space<vmem>>, %arg9: memref<40x128xi32, #tpu.memory_space<vmem>>, %arg10: memref<128x16xf32, #tpu.memory_space<vmem>>, %arg11: memref<16xf32, #tpu.memory_space<vmem>>, %arg12: memref<2048xf32, #tpu.memory_space<vmem>>, %arg13: memref<128xi32, #tpu.memory_space<vmem>>, %arg14: memref<51200x16xf32, #tpu.memory_space<vmem_shared>>) attributes {dimension_semantics = [#tpu.dimension_semantics<core_parallel>, #tpu.dimension_semantics<subcore_parallel>], iteration_bounds = array<i64: 2, 16>, scalar_prefetch = 0 : i64, scratch_operands = 8 : i64, tpu.core_type = #tpu.core_type<sc_vector_subcore>, window_params = [{transform_indices = #map}, {transform_indices = #map1}, {transform_indices = #map1}, {transform_indices = #map}, {transform_indices = #map}]} {
    %mul3A = arith.constant 16 : i32
    %mul3A_0 = arith.muli %arg0, %mul3A : i32
    %add3A = arith.addi %mul3A_0, %arg1 : i32
    "tpu.region"() ({
      %run_scoped3A = tpu.sem_alloc : memref<!tpu.dma_semaphore, #tpu.memory_space<semaphore_mem>>
      %dma_start3A = arith.constant 0 : i32
      %dma_start3A_613 = tpu.memref_slice %arg2[%dma_start3A] : memref<51200xf32, #tpu.memory_space<hbm>> -> memref<50048xf32, #tpu.memory_space<hbm>>
      %dma_start3A_614 = arith.constant 0 : i32
      %dma_start3A_615 = tpu.memref_slice %arg2[%dma_start3A_614] : memref<51200xf32, #tpu.memory_space<hbm>> -> memref<50048xf32, #tpu.memory_space<hbm>>
      tpu.enqueue_dma source(%dma_start3A_615 : memref<50048xf32, #tpu.memory_space<hbm>>) target(%arg7 : memref<50048xf32, #tpu.memory_space<vmem>>) target_semaphore(%run_scoped3A : memref<!tpu.dma_semaphore, #tpu.memory_space<semaphore_mem>>)
      %dma_wait3A = arith.constant 0 : i32
      %dma_wait3A_616 = tpu.memref_slice %arg2[%dma_wait3A] : memref<51200xf32, #tpu.memory_space<hbm>> -> memref<50048xf32, #tpu.memory_space<hbm>>
      %dma_wait3A_617 = arith.constant 0 : i32
      %dma_wait3A_618 = tpu.memref_slice %arg2[%dma_wait3A_617] : memref<51200xf32, #tpu.memory_space<hbm>> -> memref<50048xf32, #tpu.memory_space<hbm>>
      tpu.wait_dma2 semaphore(%run_scoped3A : memref<!tpu.dma_semaphore, #tpu.memory_space<semaphore_mem>>) src(%dma_wait3A_618 : memref<50048xf32, #tpu.memory_space<hbm>>) dst(%arg7 : memref<50048xf32, #tpu.memory_space<vmem>>)
      tpu.yield
    }) : () -> ()
    "tpu.region"() ({
      %run_scoped3A = tpu.sem_alloc : memref<!tpu.dma_semaphore, #tpu.memory_space<semaphore_mem>>
      tpu.enqueue_dma source(%arg5 : memref<16xf32, #tpu.memory_space<hbm>>) target(%arg11 : memref<16xf32, #tpu.memory_space<vmem>>) target_semaphore(%run_scoped3A : memref<!tpu.dma_semaphore, #tpu.memory_space<semaphore_mem>>)
      tpu.wait_dma2 semaphore(%run_scoped3A : memref<!tpu.dma_semaphore, #tpu.memory_space<semaphore_mem>>) src(%arg5 : memref<16xf32, #tpu.memory_space<hbm>>) dst(%arg11 : memref<16xf32, #tpu.memory_space<vmem>>)
      tpu.yield
    }) : () -> ()
    %iota3A = tpu.iota {dimensions = array<i32: 0>} : vector<16xi32>
    %broadcast_in_dim3A = arith.constant 0.000000e+00 : f32
    %broadcast_in_dim3A_1 = vector.broadcast %broadcast_in_dim3A : f32 to vector<16xf32>
    %swap3A = arith.constant 0 : i32
    %swap3A_2 = arith.index_cast %swap3A : i32 to index
    %swap3A_3 = arith.constant 0 : index
    %swap3A_4 = tpu.vector_load %arg10[%swap3A_2, %swap3A_3] {strides = array<i32>} : memref<128x16xf32, #tpu.memory_space<vmem>>, vector<16xf32>,
    tpu.vector_store %arg10[%swap3A_2, %swap3A_3], %broadcast_in_dim3A_1 {strides = array<i32>} : memref<128x16xf32, #tpu.memory_space<vmem>>, vector<16xf32>,
    %swap3A_5 = arith.constant 1 : i32
    %swap3A_6 = arith.index_cast %swap3A_5 : i32 to index
    %swap3A_7 = arith.constant 0 : index
    %swap3A_8 = tpu.vector_load %arg10[%swap3A_6, %swap3A_7] {strides = array<i32>} : memref<128x16xf32, #tpu.memory_space<vmem>>, vector<16xf32>,
    tpu.vector_store %arg10[%swap3A_6, %swap3A_7], %broadcast_in_dim3A_1 {strides = array<i32>} : memref<128x16xf32, #tpu.memory_space<vmem>>, vector<16xf32>,
    %swap3A_9 = arith.constant 2 : i32
    %swap3A_10 = arith.index_cast %swap3A_9 : i32 to index
    %swap3A_11 = arith.constant 0 : index
    %swap3A_12 = tpu.vector_load %arg10[%swap3A_10, %swap3A_11] {strides = array<i32>} : memref<128x16xf32, #tpu.memory_space<vmem>>, vector<16xf32>,
    tpu.vector_store %arg10[%swap3A_10, %swap3A_11], %broadcast_in_dim3A_1 {strides = array<i32>} : memref<128x16xf32, #tpu.memory_space<vmem>>, vector<16xf32>,
    %swap3A_13 = arith.constant 3 : i32
    %swap3A_14 = arith.index_cast %swap3A_13 : i32 to index
    %swap3A_15 = arith.constant 0 : index
    %swap3A_16 = tpu.vector_load %arg10[%swap3A_14, %swap3A_15] {strides = array<i32>} : memref<128x16xf32, #tpu.memory_space<vmem>>, vector<16xf32>,
    tpu.vector_store %arg10[%swap3A_14, %swap3A_15], %broadcast_in_dim3A_1 {strides = array<i32>} : memref<128x16xf32, #tpu.memory_space<vmem>>, vector<16xf32>,
    %swap3A_17 = arith.constant 4 : i32
    %swap3A_18 = arith.index_cast %swap3A_17 : i32 to index
    %swap3A_19 = arith.constant 0 : index
    %swap3A_20 = tpu.vector_load %arg10[%swap3A_18, %swap3A_19] {strides = array<i32>} : memref<128x16xf32, #tpu.memory_space<vmem>>, vector<16xf32>,
    tpu.vector_store %arg10[%swap3A_18, %swap3A_19], %broadcast_in_dim3A_1 {strides = array<i32>} : memref<128x16xf32, #tpu.memory_space<vmem>>, vector<16xf32>,
    %swap3A_21 = arith.constant 5 : i32
    %swap3A_22 = arith.index_cast %swap3A_21 : i32 to index
    %swap3A_23 = arith.constant 0 : index
    %swap3A_24 = tpu.vector_load %arg10[%swap3A_22, %swap3A_23] {strides = array<i32>} : memref<128x16xf32, #tpu.memory_space<vmem>>, vector<16xf32>,
    tpu.vector_store %arg10[%swap3A_22, %swap3A_23], %broadcast_in_dim3A_1 {strides = array<i32>} : memref<128x16xf32, #tpu.memory_space<vmem>>, vector<16xf32>,
    %swap3A_25 = arith.constant 6 : i32
    %swap3A_26 = arith.index_cast %swap3A_25 : i32 to index
    %swap3A_27 = arith.constant 0 : index
    %swap3A_28 = tpu.vector_load %arg10[%swap3A_26, %swap3A_27] {strides = array<i32>} : memref<128x16xf32, #tpu.memory_space<vmem>>, vector<16xf32>,
    tpu.vector_store %arg10[%swap3A_26, %swap3A_27], %broadcast_in_dim3A_1 {strides = array<i32>} : memref<128x16xf32, #tpu.memory_space<vmem>>, vector<16xf32>,
    %swap3A_29 = arith.constant 7 : i32
    %swap3A_30 = arith.index_cast %swap3A_29 : i32 to index
    %swap3A_31 = arith.constant 0 : index
    %swap3A_32 = tpu.vector_load %arg10[%swap3A_30, %swap3A_31] {strides = array<i32>} : memref<128x16xf32, #tpu.memory_space<vmem>>, vector<16xf32>,
    tpu.vector_store %arg10[%swap3A_30, %swap3A_31], %broadcast_in_dim3A_1 {strides = array<i32>} : memref<128x16xf32, #tpu.memory_space<vmem>>, vector<16xf32>,
    %swap3A_33 = arith.constant 8 : i32
    %swap3A_34 = arith.index_cast %swap3A_33 : i32 to index
    %swap3A_35 = arith.constant 0 : index
    %swap3A_36 = tpu.vector_load %arg10[%swap3A_34, %swap3A_35] {strides = array<i32>} : memref<128x16xf32, #tpu.memory_space<vmem>>, vector<16xf32>,
    tpu.vector_store %arg10[%swap3A_34, %swap3A_35], %broadcast_in_dim3A_1 {strides = array<i32>} : memref<128x16xf32, #tpu.memory_space<vmem>>, vector<16xf32>,
    %swap3A_37 = arith.constant 9 : i32
    %swap3A_38 = arith.index_cast %swap3A_37 : i32 to index
    %swap3A_39 = arith.constant 0 : index
    %swap3A_40 = tpu.vector_load %arg10[%swap3A_38, %swap3A_39] {strides = array<i32>} : memref<128x16xf32, #tpu.memory_space<vmem>>, vector<16xf32>,
    tpu.vector_store %arg10[%swap3A_38, %swap3A_39], %broadcast_in_dim3A_1 {strides = array<i32>} : memref<128x16xf32, #tpu.memory_space<vmem>>, vector<16xf32>,
    %swap3A_41 = arith.constant 10 : i32
    %swap3A_42 = arith.index_cast %swap3A_41 : i32 to index
    %swap3A_43 = arith.constant 0 : index
    %swap3A_44 = tpu.vector_load %arg10[%swap3A_42, %swap3A_43] {strides = array<i32>} : memref<128x16xf32, #tpu.memory_space<vmem>>, vector<16xf32>,
    tpu.vector_store %arg10[%swap3A_42, %swap3A_43], %broadcast_in_dim3A_1 {strides = array<i32>} : memref<128x16xf32, #tpu.memory_space<vmem>>, vector<16xf32>,
    %swap3A_45 = arith.constant 11 : i32
    %swap3A_46 = arith.index_cast %swap3A_45 : i32 to index
    %swap3A_47 = arith.constant 0 : index
    %swap3A_48 = tpu.vector_load %arg10[%swap3A_46, %swap3A_47] {strides = array<i32>} : memref<128x16xf32, #tpu.memory_space<vmem>>, vector<16xf32>,
    tpu.vector_store %arg10[%swap3A_46, %swap3A_47], %broadcast_in_dim3A_1 {strides = array<i32>} : memref<128x16xf32, #tpu.memory_space<vmem>>, vector<16xf32>,
    %swap3A_49 = arith.constant 12 : i32
    %swap3A_50 = arith.index_cast %swap3A_49 : i32 to index
    %swap3A_51 = arith.constant 0 : index
    %swap3A_52 = tpu.vector_load %arg10[%swap3A_50, %swap3A_51] {strides = array<i32>} : memref<128x16xf32, #tpu.memory_space<vmem>>, vector<16xf32>,
    tpu.vector_store %arg10[%swap3A_50, %swap3A_51], %broadcast_in_dim3A_1 {strides = array<i32>} : memref<128x16xf32, #tpu.memory_space<vmem>>, vector<16xf32>,
    %swap3A_53 = arith.constant 13 : i32
    %swap3A_54 = arith.index_cast %swap3A_53 : i32 to index
    %swap3A_55 = arith.constant 0 : index
    %swap3A_56 = tpu.vector_load %arg10[%swap3A_54, %swap3A_55] {strides = array<i32>} : memref<128x16xf32, #tpu.memory_space<vmem>>, vector<16xf32>,
    tpu.vector_store %arg10[%swap3A_54, %swap3A_55], %broadcast_in_dim3A_1 {strides = array<i32>} : memref<128x16xf32, #tpu.memory_space<vmem>>, vector<16xf32>,
    %swap3A_57 = arith.constant 14 : i32
    %swap3A_58 = arith.index_cast %swap3A_57 : i32 to index
    %swap3A_59 = arith.constant 0 : index
    %swap3A_60 = tpu.vector_load %arg10[%swap3A_58, %swap3A_59] {strides = array<i32>} : memref<128x16xf32, #tpu.memory_space<vmem>>, vector<16xf32>,
    tpu.vector_store %arg10[%swap3A_58, %swap3A_59], %broadcast_in_dim3A_1 {strides = array<i32>} : memref<128x16xf32, #tpu.memory_space<vmem>>, vector<16xf32>,
    %swap3A_61 = arith.constant 15 : i32
    %swap3A_62 = arith.index_cast %swap3A_61 : i32 to index
    %swap3A_63 = arith.constant 0 : index
    %swap3A_64 = tpu.vector_load %arg10[%swap3A_62, %swap3A_63] {strides = array<i32>} : memref<128x16xf32, #tpu.memory_space<vmem>>, vector<16xf32>,
    tpu.vector_store %arg10[%swap3A_62, %swap3A_63], %broadcast_in_dim3A_1 {strides = array<i32>} : memref<128x16xf32, #tpu.memory_space<vmem>>, vector<16xf32>,
    %swap3A_65 = arith.constant 16 : i32
    %swap3A_66 = arith.index_cast %swap3A_65 : i32 to index
    %swap3A_67 = arith.constant 0 : index
    %swap3A_68 = tpu.vector_load %arg10[%swap3A_66, %swap3A_67] {strides = array<i32>} : memref<128x16xf32, #tpu.memory_space<vmem>>, vector<16xf32>,
    tpu.vector_store %arg10[%swap3A_66, %swap3A_67], %broadcast_in_dim3A_1 {strides = array<i32>} : memref<128x16xf32, #tpu.memory_space<vmem>>, vector<16xf32>,
    %swap3A_69 = arith.constant 17 : i32
    %swap3A_70 = arith.index_cast %swap3A_69 : i32 to index
    %swap3A_71 = arith.constant 0 : index
    %swap3A_72 = tpu.vector_load %arg10[%swap3A_70, %swap3A_71] {strides = array<i32>} : memref<128x16xf32, #tpu.memory_space<vmem>>, vector<16xf32>,
    tpu.vector_store %arg10[%swap3A_70, %swap3A_71], %broadcast_in_dim3A_1 {strides = array<i32>} : memref<128x16xf32, #tpu.memory_space<vmem>>, vector<16xf32>,
    %swap3A_73 = arith.constant 18 : i32
    %swap3A_74 = arith.index_cast %swap3A_73 : i32 to index
    %swap3A_75 = arith.constant 0 : index
    %swap3A_76 = tpu.vector_load %arg10[%swap3A_74, %swap3A_75] {strides = array<i32>} : memref<128x16xf32, #tpu.memory_space<vmem>>, vector<16xf32>,
    tpu.vector_store %arg10[%swap3A_74, %swap3A_75], %broadcast_in_dim3A_1 {strides = array<i32>} : memref<128x16xf32, #tpu.memory_space<vmem>>, vector<16xf32>,
    %swap3A_77 = arith.constant 19 : i32
    %swap3A_78 = arith.index_cast %swap3A_77 : i32 to index
    %swap3A_79 = arith.constant 0 : index
    %swap3A_80 = tpu.vector_load %arg10[%swap3A_78, %swap3A_79] {strides = array<i32>} : memref<128x16xf32, #tpu.memory_space<vmem>>, vector<16xf32>,
    tpu.vector_store %arg10[%swap3A_78, %swap3A_79], %broadcast_in_dim3A_1 {strides = array<i32>} : memref<128x16xf32, #tpu.memory_space<vmem>>, vector<16xf32>,
    %swap3A_81 = arith.constant 20 : i32
    %swap3A_82 = arith.index_cast %swap3A_81 : i32 to index
    %swap3A_83 = arith.constant 0 : index
    %swap3A_84 = tpu.vector_load %arg10[%swap3A_82, %swap3A_83] {strides = array<i32>} : memref<128x16xf32, #tpu.memory_space<vmem>>, vector<16xf32>,
    tpu.vector_store %arg10[%swap3A_82, %swap3A_83], %broadcast_in_dim3A_1 {strides = array<i32>} : memref<128x16xf32, #tpu.memory_space<vmem>>, vector<16xf32>,
    %swap3A_85 = arith.constant 21 : i32
    %swap3A_86 = arith.index_cast %swap3A_85 : i32 to index
    %swap3A_87 = arith.constant 0 : index
    %swap3A_88 = tpu.vector_load %arg10[%swap3A_86, %swap3A_87] {strides = array<i32>} : memref<128x16xf32, #tpu.memory_space<vmem>>, vector<16xf32>,
    tpu.vector_store %arg10[%swap3A_86, %swap3A_87], %broadcast_in_dim3A_1 {strides = array<i32>} : memref<128x16xf32, #tpu.memory_space<vmem>>, vector<16xf32>,
    %swap3A_89 = arith.constant 22 : i32
    %swap3A_90 = arith.index_cast %swap3A_89 : i32 to index
    %swap3A_91 = arith.constant 0 : index
    %swap3A_92 = tpu.vector_load %arg10[%swap3A_90, %swap3A_91] {strides = array<i32>} : memref<128x16xf32, #tpu.memory_space<vmem>>, vector<16xf32>,
    tpu.vector_store %arg10[%swap3A_90, %swap3A_91], %broadcast_in_dim3A_1 {strides = array<i32>} : memref<128x16xf32, #tpu.memory_space<vmem>>, vector<16xf32>,
    %swap3A_93 = arith.constant 23 : i32
    %swap3A_94 = arith.index_cast %swap3A_93 : i32 to index
    %swap3A_95 = arith.constant 0 : index
    %swap3A_96 = tpu.vector_load %arg10[%swap3A_94, %swap3A_95] {strides = array<i32>} : memref<128x16xf32, #tpu.memory_space<vmem>>, vector<16xf32>,
    tpu.vector_store %arg10[%swap3A_94, %swap3A_95], %broadcast_in_dim3A_1 {strides = array<i32>} : memref<128x16xf32, #tpu.memory_space<vmem>>, vector<16xf32>,
    %swap3A_97 = arith.constant 24 : i32
    %swap3A_98 = arith.index_cast %swap3A_97 : i32 to index
    %swap3A_99 = arith.constant 0 : index
    %swap3A_100 = tpu.vector_load %arg10[%swap3A_98, %swap3A_99] {strides = array<i32>} : memref<128x16xf32, #tpu.memory_space<vmem>>, vector<16xf32>,
    tpu.vector_store %arg10[%swap3A_98, %swap3A_99], %broadcast_in_dim3A_1 {strides = array<i32>} : memref<128x16xf32, #tpu.memory_space<vmem>>, vector<16xf32>,
    %swap3A_101 = arith.constant 25 : i32
    %swap3A_102 = arith.index_cast %swap3A_101 : i32 to index
    %swap3A_103 = arith.constant 0 : index
    %swap3A_104 = tpu.vector_load %arg10[%swap3A_102, %swap3A_103] {strides = array<i32>} : memref<128x16xf32, #tpu.memory_space<vmem>>, vector<16xf32>,
    tpu.vector_store %arg10[%swap3A_102, %swap3A_103], %broadcast_in_dim3A_1 {strides = array<i32>} : memref<128x16xf32, #tpu.memory_space<vmem>>, vector<16xf32>,
    %swap3A_105 = arith.constant 26 : i32
    %swap3A_106 = arith.index_cast %swap3A_105 : i32 to index
    %swap3A_107 = arith.constant 0 : index
    %swap3A_108 = tpu.vector_load %arg10[%swap3A_106, %swap3A_107] {strides = array<i32>} : memref<128x16xf32, #tpu.memory_space<vmem>>, vector<16xf32>,
    tpu.vector_store %arg10[%swap3A_106, %swap3A_107], %broadcast_in_dim3A_1 {strides = array<i32>} : memref<128x16xf32, #tpu.memory_space<vmem>>, vector<16xf32>,
    %swap3A_109 = arith.constant 27 : i32
    %swap3A_110 = arith.index_cast %swap3A_109 : i32 to index
    %swap3A_111 = arith.constant 0 : index
    %swap3A_112 = tpu.vector_load %arg10[%swap3A_110, %swap3A_111] {strides = array<i32>} : memref<128x16xf32, #tpu.memory_space<vmem>>, vector<16xf32>,
    tpu.vector_store %arg10[%swap3A_110, %swap3A_111], %broadcast_in_dim3A_1 {strides = array<i32>} : memref<128x16xf32, #tpu.memory_space<vmem>>, vector<16xf32>,
    %swap3A_113 = arith.constant 28 : i32
    %swap3A_114 = arith.index_cast %swap3A_113 : i32 to index
    %swap3A_115 = arith.constant 0 : index
    %swap3A_116 = tpu.vector_load %arg10[%swap3A_114, %swap3A_115] {strides = array<i32>} : memref<128x16xf32, #tpu.memory_space<vmem>>, vector<16xf32>,
    tpu.vector_store %arg10[%swap3A_114, %swap3A_115], %broadcast_in_dim3A_1 {strides = array<i32>} : memref<128x16xf32, #tpu.memory_space<vmem>>, vector<16xf32>,
    %swap3A_117 = arith.constant 29 : i32
    %swap3A_118 = arith.index_cast %swap3A_117 : i32 to index
    %swap3A_119 = arith.constant 0 : index
    %swap3A_120 = tpu.vector_load %arg10[%swap3A_118, %swap3A_119] {strides = array<i32>} : memref<128x16xf32, #tpu.memory_space<vmem>>, vector<16xf32>,
    tpu.vector_store %arg10[%swap3A_118, %swap3A_119], %broadcast_in_dim3A_1 {strides = array<i32>} : memref<128x16xf32, #tpu.memory_space<vmem>>, vector<16xf32>,
    %swap3A_121 = arith.constant 30 : i32
    %swap3A_122 = arith.index_cast %swap3A_121 : i32 to index
    %swap3A_123 = arith.constant 0 : index
    %swap3A_124 = tpu.vector_load %arg10[%swap3A_122, %swap3A_123] {strides = array<i32>} : memref<128x16xf32, #tpu.memory_space<vmem>>, vector<16xf32>,
    tpu.vector_store %arg10[%swap3A_122, %swap3A_123], %broadcast_in_dim3A_1 {strides = array<i32>} : memref<128x16xf32, #tpu.memory_space<vmem>>, vector<16xf32>,
    %swap3A_125 = arith.constant 31 : i32
    %swap3A_126 = arith.index_cast %swap3A_125 : i32 to index
    %swap3A_127 = arith.constant 0 : index
    %swap3A_128 = tpu.vector_load %arg10[%swap3A_126, %swap3A_127] {strides = array<i32>} : memref<128x16xf32, #tpu.memory_space<vmem>>, vector<16xf32>,
    tpu.vector_store %arg10[%swap3A_126, %swap3A_127], %broadcast_in_dim3A_1 {strides = array<i32>} : memref<128x16xf32, #tpu.memory_space<vmem>>, vector<16xf32>,
    %swap3A_129 = arith.constant 32 : i32
    %swap3A_130 = arith.index_cast %swap3A_129 : i32 to index
    %swap3A_131 = arith.constant 0 : index
    %swap3A_132 = tpu.vector_load %arg10[%swap3A_130, %swap3A_131] {strides = array<i32>} : memref<128x16xf32, #tpu.memory_space<vmem>>, vector<16xf32>,
    tpu.vector_store %arg10[%swap3A_130, %swap3A_131], %broadcast_in_dim3A_1 {strides = array<i32>} : memref<128x16xf32, #tpu.memory_space<vmem>>, vector<16xf32>,
    %swap3A_133 = arith.constant 33 : i32
    %swap3A_134 = arith.index_cast %swap3A_133 : i32 to index
    %swap3A_135 = arith.constant 0 : index
    %swap3A_136 = tpu.vector_load %arg10[%swap3A_134, %swap3A_135] {strides = array<i32>} : memref<128x16xf32, #tpu.memory_space<vmem>>, vector<16xf32>,
    tpu.vector_store %arg10[%swap3A_134, %swap3A_135], %broadcast_in_dim3A_1 {strides = array<i32>} : memref<128x16xf32, #tpu.memory_space<vmem>>, vector<16xf32>,
    %swap3A_137 = arith.constant 34 : i32
    %swap3A_138 = arith.index_cast %swap3A_137 : i32 to index
    %swap3A_139 = arith.constant 0 : index
    %swap3A_140 = tpu.vector_load %arg10[%swap3A_138, %swap3A_139] {strides = array<i32>} : memref<128x16xf32, #tpu.memory_space<vmem>>, vector<16xf32>,
    tpu.vector_store %arg10[%swap3A_138, %swap3A_139], %broadcast_in_dim3A_1 {strides = array<i32>} : memref<128x16xf32, #tpu.memory_space<vmem>>, vector<16xf32>,
    %swap3A_141 = arith.constant 35 : i32
    %swap3A_142 = arith.index_cast %swap3A_141 : i32 to index
    %swap3A_143 = arith.constant 0 : index
    %swap3A_144 = tpu.vector_load %arg10[%swap3A_142, %swap3A_143] {strides = array<i32>} : memref<128x16xf32, #tpu.memory_space<vmem>>, vector<16xf32>,
    tpu.vector_store %arg10[%swap3A_142, %swap3A_143], %broadcast_in_dim3A_1 {strides = array<i32>} : memref<128x16xf32, #tpu.memory_space<vmem>>, vector<16xf32>,
    %swap3A_145 = arith.constant 36 : i32
    %swap3A_146 = arith.index_cast %swap3A_145 : i32 to index
    %swap3A_147 = arith.constant 0 : index
    %swap3A_148 = tpu.vector_load %arg10[%swap3A_146, %swap3A_147] {strides = array<i32>} : memref<128x16xf32, #tpu.memory_space<vmem>>, vector<16xf32>,
    tpu.vector_store %arg10[%swap3A_146, %swap3A_147], %broadcast_in_dim3A_1 {strides = array<i32>} : memref<128x16xf32, #tpu.memory_space<vmem>>, vector<16xf32>,
    %swap3A_149 = arith.constant 37 : i32
    %swap3A_150 = arith.index_cast %swap3A_149 : i32 to index
    %swap3A_151 = arith.constant 0 : index
    %swap3A_152 = tpu.vector_load %arg10[%swap3A_150, %swap3A_151] {strides = array<i32>} : memref<128x16xf32, #tpu.memory_space<vmem>>, vector<16xf32>,
    tpu.vector_store %arg10[%swap3A_150, %swap3A_151], %broadcast_in_dim3A_1 {strides = array<i32>} : memref<128x16xf32, #tpu.memory_space<vmem>>, vector<16xf32>,
    %swap3A_153 = arith.constant 38 : i32
    %swap3A_154 = arith.index_cast %swap3A_153 : i32 to index
    %swap3A_155 = arith.constant 0 : index
    %swap3A_156 = tpu.vector_load %arg10[%swap3A_154, %swap3A_155] {strides = array<i32>} : memref<128x16xf32, #tpu.memory_space<vmem>>, vector<16xf32>,
    tpu.vector_store %arg10[%swap3A_154, %swap3A_155], %broadcast_in_dim3A_1 {strides = array<i32>} : memref<128x16xf32, #tpu.memory_space<vmem>>, vector<16xf32>,
    %swap3A_157 = arith.constant 39 : i32
    %swap3A_158 = arith.index_cast %swap3A_157 : i32 to index
    %swap3A_159 = arith.constant 0 : index
    %swap3A_160 = tpu.vector_load %arg10[%swap3A_158, %swap3A_159] {strides = array<i32>} : memref<128x16xf32, #tpu.memory_space<vmem>>, vector<16xf32>,
    tpu.vector_store %arg10[%swap3A_158, %swap3A_159], %broadcast_in_dim3A_1 {strides = array<i32>} : memref<128x16xf32, #tpu.memory_space<vmem>>, vector<16xf32>,
    %swap3A_161 = arith.constant 40 : i32
    %swap3A_162 = arith.index_cast %swap3A_161 : i32 to index
    %swap3A_163 = arith.constant 0 : index
    %swap3A_164 = tpu.vector_load %arg10[%swap3A_162, %swap3A_163] {strides = array<i32>} : memref<128x16xf32, #tpu.memory_space<vmem>>, vector<16xf32>,
    tpu.vector_store %arg10[%swap3A_162, %swap3A_163], %broadcast_in_dim3A_1 {strides = array<i32>} : memref<128x16xf32, #tpu.memory_space<vmem>>, vector<16xf32>,
    %swap3A_165 = arith.constant 41 : i32
    %swap3A_166 = arith.index_cast %swap3A_165 : i32 to index
    %swap3A_167 = arith.constant 0 : index
    %swap3A_168 = tpu.vector_load %arg10[%swap3A_166, %swap3A_167] {strides = array<i32>} : memref<128x16xf32, #tpu.memory_space<vmem>>, vector<16xf32>,
    tpu.vector_store %arg10[%swap3A_166, %swap3A_167], %broadcast_in_dim3A_1 {strides = array<i32>} : memref<128x16xf32, #tpu.memory_space<vmem>>, vector<16xf32>,
    %swap3A_169 = arith.constant 42 : i32
    %swap3A_170 = arith.index_cast %swap3A_169 : i32 to index
    %swap3A_171 = arith.constant 0 : index
    %swap3A_172 = tpu.vector_load %arg10[%swap3A_170, %swap3A_171] {strides = array<i32>} : memref<128x16xf32, #tpu.memory_space<vmem>>, vector<16xf32>,
    tpu.vector_store %arg10[%swap3A_170, %swap3A_171], %broadcast_in_dim3A_1 {strides = array<i32>} : memref<128x16xf32, #tpu.memory_space<vmem>>, vector<16xf32>,
    %swap3A_173 = arith.constant 43 : i32
    %swap3A_174 = arith.index_cast %swap3A_173 : i32 to index
    %swap3A_175 = arith.constant 0 : index
    %swap3A_176 = tpu.vector_load %arg10[%swap3A_174, %swap3A_175] {strides = array<i32>} : memref<128x16xf32, #tpu.memory_space<vmem>>, vector<16xf32>,
    tpu.vector_store %arg10[%swap3A_174, %swap3A_175], %broadcast_in_dim3A_1 {strides = array<i32>} : memref<128x16xf32, #tpu.memory_space<vmem>>, vector<16xf32>,
    %swap3A_177 = arith.constant 44 : i32
    %swap3A_178 = arith.index_cast %swap3A_177 : i32 to index
    %swap3A_179 = arith.constant 0 : index
    %swap3A_180 = tpu.vector_load %arg10[%swap3A_178, %swap3A_179] {strides = array<i32>} : memref<128x16xf32, #tpu.memory_space<vmem>>, vector<16xf32>,
    tpu.vector_store %arg10[%swap3A_178, %swap3A_179], %broadcast_in_dim3A_1 {strides = array<i32>} : memref<128x16xf32, #tpu.memory_space<vmem>>, vector<16xf32>,
    %swap3A_181 = arith.constant 45 : i32
    %swap3A_182 = arith.index_cast %swap3A_181 : i32 to index
    %swap3A_183 = arith.constant 0 : index
    %swap3A_184 = tpu.vector_load %arg10[%swap3A_182, %swap3A_183] {strides = array<i32>} : memref<128x16xf32, #tpu.memory_space<vmem>>, vector<16xf32>,
    tpu.vector_store %arg10[%swap3A_182, %swap3A_183], %broadcast_in_dim3A_1 {strides = array<i32>} : memref<128x16xf32, #tpu.memory_space<vmem>>, vector<16xf32>,
    %swap3A_185 = arith.constant 46 : i32
    %swap3A_186 = arith.index_cast %swap3A_185 : i32 to index
    %swap3A_187 = arith.constant 0 : index
    %swap3A_188 = tpu.vector_load %arg10[%swap3A_186, %swap3A_187] {strides = array<i32>} : memref<128x16xf32, #tpu.memory_space<vmem>>, vector<16xf32>,
    tpu.vector_store %arg10[%swap3A_186, %swap3A_187], %broadcast_in_dim3A_1 {strides = array<i32>} : memref<128x16xf32, #tpu.memory_space<vmem>>, vector<16xf32>,
    %swap3A_189 = arith.constant 47 : i32
    %swap3A_190 = arith.index_cast %swap3A_189 : i32 to index
    %swap3A_191 = arith.constant 0 : index
    %swap3A_192 = tpu.vector_load %arg10[%swap3A_190, %swap3A_191] {strides = array<i32>} : memref<128x16xf32, #tpu.memory_space<vmem>>, vector<16xf32>,
    tpu.vector_store %arg10[%swap3A_190, %swap3A_191], %broadcast_in_dim3A_1 {strides = array<i32>} : memref<128x16xf32, #tpu.memory_space<vmem>>, vector<16xf32>,
    %swap3A_193 = arith.constant 48 : i32
    %swap3A_194 = arith.index_cast %swap3A_193 : i32 to index
    %swap3A_195 = arith.constant 0 : index
    %swap3A_196 = tpu.vector_load %arg10[%swap3A_194, %swap3A_195] {strides = array<i32>} : memref<128x16xf32, #tpu.memory_space<vmem>>, vector<16xf32>,
    tpu.vector_store %arg10[%swap3A_194, %swap3A_195], %broadcast_in_dim3A_1 {strides = array<i32>} : memref<128x16xf32, #tpu.memory_space<vmem>>, vector<16xf32>,
    %swap3A_197 = arith.constant 49 : i32
    %swap3A_198 = arith.index_cast %swap3A_197 : i32 to index
    %swap3A_199 = arith.constant 0 : index
    %swap3A_200 = tpu.vector_load %arg10[%swap3A_198, %swap3A_199] {strides = array<i32>} : memref<128x16xf32, #tpu.memory_space<vmem>>, vector<16xf32>,
    tpu.vector_store %arg10[%swap3A_198, %swap3A_199], %broadcast_in_dim3A_1 {strides = array<i32>} : memref<128x16xf32, #tpu.memory_space<vmem>>, vector<16xf32>,
    %swap3A_201 = arith.constant 50 : i32
    %swap3A_202 = arith.index_cast %swap3A_201 : i32 to index
    %swap3A_203 = arith.constant 0 : index
    %swap3A_204 = tpu.vector_load %arg10[%swap3A_202, %swap3A_203] {strides = array<i32>} : memref<128x16xf32, #tpu.memory_space<vmem>>, vector<16xf32>,
    tpu.vector_store %arg10[%swap3A_202, %swap3A_203], %broadcast_in_dim3A_1 {strides = array<i32>} : memref<128x16xf32, #tpu.memory_space<vmem>>, vector<16xf32>,
    %swap3A_205 = arith.constant 51 : i32
    %swap3A_206 = arith.index_cast %swap3A_205 : i32 to index
    %swap3A_207 = arith.constant 0 : index
    %swap3A_208 = tpu.vector_load %arg10[%swap3A_206, %swap3A_207] {strides = array<i32>} : memref<128x16xf32, #tpu.memory_space<vmem>>, vector<16xf32>,
    tpu.vector_store %arg10[%swap3A_206, %swap3A_207], %broadcast_in_dim3A_1 {strides = array<i32>} : memref<128x16xf32, #tpu.memory_space<vmem>>, vector<16xf32>,
    %swap3A_209 = arith.constant 52 : i32
    %swap3A_210 = arith.index_cast %swap3A_209 : i32 to index
    %swap3A_211 = arith.constant 0 : index
    %swap3A_212 = tpu.vector_load %arg10[%swap3A_210, %swap3A_211] {strides = array<i32>} : memref<128x16xf32, #tpu.memory_space<vmem>>, vector<16xf32>,
    tpu.vector_store %arg10[%swap3A_210, %swap3A_211], %broadcast_in_dim3A_1 {strides = array<i32>} : memref<128x16xf32, #tpu.memory_space<vmem>>, vector<16xf32>,
    %swap3A_213 = arith.constant 53 : i32
    %swap3A_214 = arith.index_cast %swap3A_213 : i32 to index
    %swap3A_215 = arith.constant 0 : index
    %swap3A_216 = tpu.vector_load %arg10[%swap3A_214, %swap3A_215] {strides = array<i32>} : memref<128x16xf32, #tpu.memory_space<vmem>>, vector<16xf32>,
    tpu.vector_store %arg10[%swap3A_214, %swap3A_215], %broadcast_in_dim3A_1 {strides = array<i32>} : memref<128x16xf32, #tpu.memory_space<vmem>>, vector<16xf32>,
    %swap3A_217 = arith.constant 54 : i32
    %swap3A_218 = arith.index_cast %swap3A_217 : i32 to index
    %swap3A_219 = arith.constant 0 : index
    %swap3A_220 = tpu.vector_load %arg10[%swap3A_218, %swap3A_219] {strides = array<i32>} : memref<128x16xf32, #tpu.memory_space<vmem>>, vector<16xf32>,
    tpu.vector_store %arg10[%swap3A_218, %swap3A_219], %broadcast_in_dim3A_1 {strides = array<i32>} : memref<128x16xf32, #tpu.memory_space<vmem>>, vector<16xf32>,
    %swap3A_221 = arith.constant 55 : i32
    %swap3A_222 = arith.index_cast %swap3A_221 : i32 to index
    %swap3A_223 = arith.constant 0 : index
    %swap3A_224 = tpu.vector_load %arg10[%swap3A_222, %swap3A_223] {strides = array<i32>} : memref<128x16xf32, #tpu.memory_space<vmem>>, vector<16xf32>,
    tpu.vector_store %arg10[%swap3A_222, %swap3A_223], %broadcast_in_dim3A_1 {strides = array<i32>} : memref<128x16xf32, #tpu.memory_space<vmem>>, vector<16xf32>,
    %swap3A_225 = arith.constant 56 : i32
    %swap3A_226 = arith.index_cast %swap3A_225 : i32 to index
    %swap3A_227 = arith.constant 0 : index
    %swap3A_228 = tpu.vector_load %arg10[%swap3A_226, %swap3A_227] {strides = array<i32>} : memref<128x16xf32, #tpu.memory_space<vmem>>, vector<16xf32>,
    tpu.vector_store %arg10[%swap3A_226, %swap3A_227], %broadcast_in_dim3A_1 {strides = array<i32>} : memref<128x16xf32, #tpu.memory_space<vmem>>, vector<16xf32>,
    %swap3A_229 = arith.constant 57 : i32
    %swap3A_230 = arith.index_cast %swap3A_229 : i32 to index
    %swap3A_231 = arith.constant 0 : index
    %swap3A_232 = tpu.vector_load %arg10[%swap3A_230, %swap3A_231] {strides = array<i32>} : memref<128x16xf32, #tpu.memory_space<vmem>>, vector<16xf32>,
    tpu.vector_store %arg10[%swap3A_230, %swap3A_231], %broadcast_in_dim3A_1 {strides = array<i32>} : memref<128x16xf32, #tpu.memory_space<vmem>>, vector<16xf32>,
    %swap3A_233 = arith.constant 58 : i32
    %swap3A_234 = arith.index_cast %swap3A_233 : i32 to index
    %swap3A_235 = arith.constant 0 : index
    %swap3A_236 = tpu.vector_load %arg10[%swap3A_234, %swap3A_235] {strides = array<i32>} : memref<128x16xf32, #tpu.memory_space<vmem>>, vector<16xf32>,
    tpu.vector_store %arg10[%swap3A_234, %swap3A_235], %broadcast_in_dim3A_1 {strides = array<i32>} : memref<128x16xf32, #tpu.memory_space<vmem>>, vector<16xf32>,
    %swap3A_237 = arith.constant 59 : i32
    %swap3A_238 = arith.index_cast %swap3A_237 : i32 to index
    %swap3A_239 = arith.constant 0 : index
    %swap3A_240 = tpu.vector_load %arg10[%swap3A_238, %swap3A_239] {strides = array<i32>} : memref<128x16xf32, #tpu.memory_space<vmem>>, vector<16xf32>,
    tpu.vector_store %arg10[%swap3A_238, %swap3A_239], %broadcast_in_dim3A_1 {strides = array<i32>} : memref<128x16xf32, #tpu.memory_space<vmem>>, vector<16xf32>,
    %swap3A_241 = arith.constant 60 : i32
    %swap3A_242 = arith.index_cast %swap3A_241 : i32 to index
    %swap3A_243 = arith.constant 0 : index
    %swap3A_244 = tpu.vector_load %arg10[%swap3A_242, %swap3A_243] {strides = array<i32>} : memref<128x16xf32, #tpu.memory_space<vmem>>, vector<16xf32>,
    tpu.vector_store %arg10[%swap3A_242, %swap3A_243], %broadcast_in_dim3A_1 {strides = array<i32>} : memref<128x16xf32, #tpu.memory_space<vmem>>, vector<16xf32>,
    %swap3A_245 = arith.constant 61 : i32
    %swap3A_246 = arith.index_cast %swap3A_245 : i32 to index
    %swap3A_247 = arith.constant 0 : index
    %swap3A_248 = tpu.vector_load %arg10[%swap3A_246, %swap3A_247] {strides = array<i32>} : memref<128x16xf32, #tpu.memory_space<vmem>>, vector<16xf32>,
    tpu.vector_store %arg10[%swap3A_246, %swap3A_247], %broadcast_in_dim3A_1 {strides = array<i32>} : memref<128x16xf32, #tpu.memory_space<vmem>>, vector<16xf32>,
    %swap3A_249 = arith.constant 62 : i32
    %swap3A_250 = arith.index_cast %swap3A_249 : i32 to index
    %swap3A_251 = arith.constant 0 : index
    %swap3A_252 = tpu.vector_load %arg10[%swap3A_250, %swap3A_251] {strides = array<i32>} : memref<128x16xf32, #tpu.memory_space<vmem>>, vector<16xf32>,
    tpu.vector_store %arg10[%swap3A_250, %swap3A_251], %broadcast_in_dim3A_1 {strides = array<i32>} : memref<128x16xf32, #tpu.memory_space<vmem>>, vector<16xf32>,
    %swap3A_253 = arith.constant 63 : i32
    %swap3A_254 = arith.index_cast %swap3A_253 : i32 to index
    %swap3A_255 = arith.constant 0 : index
    %swap3A_256 = tpu.vector_load %arg10[%swap3A_254, %swap3A_255] {strides = array<i32>} : memref<128x16xf32, #tpu.memory_space<vmem>>, vector<16xf32>,
    tpu.vector_store %arg10[%swap3A_254, %swap3A_255], %broadcast_in_dim3A_1 {strides = array<i32>} : memref<128x16xf32, #tpu.memory_space<vmem>>, vector<16xf32>,
    %swap3A_257 = arith.constant 64 : i32
    %swap3A_258 = arith.index_cast %swap3A_257 : i32 to index
    %swap3A_259 = arith.constant 0 : index
    %swap3A_260 = tpu.vector_load %arg10[%swap3A_258, %swap3A_259] {strides = array<i32>} : memref<128x16xf32, #tpu.memory_space<vmem>>, vector<16xf32>,
    tpu.vector_store %arg10[%swap3A_258, %swap3A_259], %broadcast_in_dim3A_1 {strides = array<i32>} : memref<128x16xf32, #tpu.memory_space<vmem>>, vector<16xf32>,
    %swap3A_261 = arith.constant 65 : i32
    %swap3A_262 = arith.index_cast %swap3A_261 : i32 to index
    %swap3A_263 = arith.constant 0 : index
    %swap3A_264 = tpu.vector_load %arg10[%swap3A_262, %swap3A_263] {strides = array<i32>} : memref<128x16xf32, #tpu.memory_space<vmem>>, vector<16xf32>,
    tpu.vector_store %arg10[%swap3A_262, %swap3A_263], %broadcast_in_dim3A_1 {strides = array<i32>} : memref<128x16xf32, #tpu.memory_space<vmem>>, vector<16xf32>,
    %swap3A_265 = arith.constant 66 : i32
    %swap3A_266 = arith.index_cast %swap3A_265 : i32 to index
    %swap3A_267 = arith.constant 0 : index
    %swap3A_268 = tpu.vector_load %arg10[%swap3A_266, %swap3A_267] {strides = array<i32>} : memref<128x16xf32, #tpu.memory_space<vmem>>, vector<16xf32>,
    tpu.vector_store %arg10[%swap3A_266, %swap3A_267], %broadcast_in_dim3A_1 {strides = array<i32>} : memref<128x16xf32, #tpu.memory_space<vmem>>, vector<16xf32>,
    %swap3A_269 = arith.constant 67 : i32
    %swap3A_270 = arith.index_cast %swap3A_269 : i32 to index
    %swap3A_271 = arith.constant 0 : index
    %swap3A_272 = tpu.vector_load %arg10[%swap3A_270, %swap3A_271] {strides = array<i32>} : memref<128x16xf32, #tpu.memory_space<vmem>>, vector<16xf32>,
    tpu.vector_store %arg10[%swap3A_270, %swap3A_271], %broadcast_in_dim3A_1 {strides = array<i32>} : memref<128x16xf32, #tpu.memory_space<vmem>>, vector<16xf32>,
    %swap3A_273 = arith.constant 68 : i32
    %swap3A_274 = arith.index_cast %swap3A_273 : i32 to index
    %swap3A_275 = arith.constant 0 : index
    %swap3A_276 = tpu.vector_load %arg10[%swap3A_274, %swap3A_275] {strides = array<i32>} : memref<128x16xf32, #tpu.memory_space<vmem>>, vector<16xf32>,
    tpu.vector_store %arg10[%swap3A_274, %swap3A_275], %broadcast_in_dim3A_1 {strides = array<i32>} : memref<128x16xf32, #tpu.memory_space<vmem>>, vector<16xf32>,
    %swap3A_277 = arith.constant 69 : i32
    %swap3A_278 = arith.index_cast %swap3A_277 : i32 to index
    %swap3A_279 = arith.constant 0 : index
    %swap3A_280 = tpu.vector_load %arg10[%swap3A_278, %swap3A_279] {strides = array<i32>} : memref<128x16xf32, #tpu.memory_space<vmem>>, vector<16xf32>,
    tpu.vector_store %arg10[%swap3A_278, %swap3A_279], %broadcast_in_dim3A_1 {strides = array<i32>} : memref<128x16xf32, #tpu.memory_space<vmem>>, vector<16xf32>,
    %swap3A_281 = arith.constant 70 : i32
    %swap3A_282 = arith.index_cast %swap3A_281 : i32 to index
    %swap3A_283 = arith.constant 0 : index
    %swap3A_284 = tpu.vector_load %arg10[%swap3A_282, %swap3A_283] {strides = array<i32>} : memref<128x16xf32, #tpu.memory_space<vmem>>, vector<16xf32>,
    tpu.vector_store %arg10[%swap3A_282, %swap3A_283], %broadcast_in_dim3A_1 {strides = array<i32>} : memref<128x16xf32, #tpu.memory_space<vmem>>, vector<16xf32>,
    %swap3A_285 = arith.constant 71 : i32
    %swap3A_286 = arith.index_cast %swap3A_285 : i32 to index
    %swap3A_287 = arith.constant 0 : index
    %swap3A_288 = tpu.vector_load %arg10[%swap3A_286, %swap3A_287] {strides = array<i32>} : memref<128x16xf32, #tpu.memory_space<vmem>>, vector<16xf32>,
    tpu.vector_store %arg10[%swap3A_286, %swap3A_287], %broadcast_in_dim3A_1 {strides = array<i32>} : memref<128x16xf32, #tpu.memory_space<vmem>>, vector<16xf32>,
    %swap3A_289 = arith.constant 72 : i32
    %swap3A_290 = arith.index_cast %swap3A_289 : i32 to index
    %swap3A_291 = arith.constant 0 : index
    %swap3A_292 = tpu.vector_load %arg10[%swap3A_290, %swap3A_291] {strides = array<i32>} : memref<128x16xf32, #tpu.memory_space<vmem>>, vector<16xf32>,
    tpu.vector_store %arg10[%swap3A_290, %swap3A_291], %broadcast_in_dim3A_1 {strides = array<i32>} : memref<128x16xf32, #tpu.memory_space<vmem>>, vector<16xf32>,
    %swap3A_293 = arith.constant 73 : i32
    %swap3A_294 = arith.index_cast %swap3A_293 : i32 to index
    %swap3A_295 = arith.constant 0 : index
    %swap3A_296 = tpu.vector_load %arg10[%swap3A_294, %swap3A_295] {strides = array<i32>} : memref<128x16xf32, #tpu.memory_space<vmem>>, vector<16xf32>,
    tpu.vector_store %arg10[%swap3A_294, %swap3A_295], %broadcast_in_dim3A_1 {strides = array<i32>} : memref<128x16xf32, #tpu.memory_space<vmem>>, vector<16xf32>,
    %swap3A_297 = arith.constant 74 : i32
    %swap3A_298 = arith.index_cast %swap3A_297 : i32 to index
    %swap3A_299 = arith.constant 0 : index
    %swap3A_300 = tpu.vector_load %arg10[%swap3A_298, %swap3A_299] {strides = array<i32>} : memref<128x16xf32, #tpu.memory_space<vmem>>, vector<16xf32>,
    tpu.vector_store %arg10[%swap3A_298, %swap3A_299], %broadcast_in_dim3A_1 {strides = array<i32>} : memref<128x16xf32, #tpu.memory_space<vmem>>, vector<16xf32>,
    %swap3A_301 = arith.constant 75 : i32
    %swap3A_302 = arith.index_cast %swap3A_301 : i32 to index
    %swap3A_303 = arith.constant 0 : index
    %swap3A_304 = tpu.vector_load %arg10[%swap3A_302, %swap3A_303] {strides = array<i32>} : memref<128x16xf32, #tpu.memory_space<vmem>>, vector<16xf32>,
    tpu.vector_store %arg10[%swap3A_302, %swap3A_303], %broadcast_in_dim3A_1 {strides = array<i32>} : memref<128x16xf32, #tpu.memory_space<vmem>>, vector<16xf32>,
    %swap3A_305 = arith.constant 76 : i32
    %swap3A_306 = arith.index_cast %swap3A_305 : i32 to index
    %swap3A_307 = arith.constant 0 : index
    %swap3A_308 = tpu.vector_load %arg10[%swap3A_306, %swap3A_307] {strides = array<i32>} : memref<128x16xf32, #tpu.memory_space<vmem>>, vector<16xf32>,
    tpu.vector_store %arg10[%swap3A_306, %swap3A_307], %broadcast_in_dim3A_1 {strides = array<i32>} : memref<128x16xf32, #tpu.memory_space<vmem>>, vector<16xf32>,
    %swap3A_309 = arith.constant 77 : i32
    %swap3A_310 = arith.index_cast %swap3A_309 : i32 to index
    %swap3A_311 = arith.constant 0 : index
    %swap3A_312 = tpu.vector_load %arg10[%swap3A_310, %swap3A_311] {strides = array<i32>} : memref<128x16xf32, #tpu.memory_space<vmem>>, vector<16xf32>,
    tpu.vector_store %arg10[%swap3A_310, %swap3A_311], %broadcast_in_dim3A_1 {strides = array<i32>} : memref<128x16xf32, #tpu.memory_space<vmem>>, vector<16xf32>,
    %swap3A_313 = arith.constant 78 : i32
    %swap3A_314 = arith.index_cast %swap3A_313 : i32 to index
    %swap3A_315 = arith.constant 0 : index
    %swap3A_316 = tpu.vector_load %arg10[%swap3A_314, %swap3A_315] {strides = array<i32>} : memref<128x16xf32, #tpu.memory_space<vmem>>, vector<16xf32>,
    tpu.vector_store %arg10[%swap3A_314, %swap3A_315], %broadcast_in_dim3A_1 {strides = array<i32>} : memref<128x16xf32, #tpu.memory_space<vmem>>, vector<16xf32>,
    %swap3A_317 = arith.constant 79 : i32
    %swap3A_318 = arith.index_cast %swap3A_317 : i32 to index
    %swap3A_319 = arith.constant 0 : index
    %swap3A_320 = tpu.vector_load %arg10[%swap3A_318, %swap3A_319] {strides = array<i32>} : memref<128x16xf32, #tpu.memory_space<vmem>>, vector<16xf32>,
    tpu.vector_store %arg10[%swap3A_318, %swap3A_319], %broadcast_in_dim3A_1 {strides = array<i32>} : memref<128x16xf32, #tpu.memory_space<vmem>>, vector<16xf32>,
    %swap3A_321 = arith.constant 80 : i32
    %swap3A_322 = arith.index_cast %swap3A_321 : i32 to index
    %swap3A_323 = arith.constant 0 : index
    %swap3A_324 = tpu.vector_load %arg10[%swap3A_322, %swap3A_323] {strides = array<i32>} : memref<128x16xf32, #tpu.memory_space<vmem>>, vector<16xf32>,
    tpu.vector_store %arg10[%swap3A_322, %swap3A_323], %broadcast_in_dim3A_1 {strides = array<i32>} : memref<128x16xf32, #tpu.memory_space<vmem>>, vector<16xf32>,
    %swap3A_325 = arith.constant 81 : i32
    %swap3A_326 = arith.index_cast %swap3A_325 : i32 to index
    %swap3A_327 = arith.constant 0 : index
    %swap3A_328 = tpu.vector_load %arg10[%swap3A_326, %swap3A_327] {strides = array<i32>} : memref<128x16xf32, #tpu.memory_space<vmem>>, vector<16xf32>,
    tpu.vector_store %arg10[%swap3A_326, %swap3A_327], %broadcast_in_dim3A_1 {strides = array<i32>} : memref<128x16xf32, #tpu.memory_space<vmem>>, vector<16xf32>,
    %swap3A_329 = arith.constant 82 : i32
    %swap3A_330 = arith.index_cast %swap3A_329 : i32 to index
    %swap3A_331 = arith.constant 0 : index
    %swap3A_332 = tpu.vector_load %arg10[%swap3A_330, %swap3A_331] {strides = array<i32>} : memref<128x16xf32, #tpu.memory_space<vmem>>, vector<16xf32>,
    tpu.vector_store %arg10[%swap3A_330, %swap3A_331], %broadcast_in_dim3A_1 {strides = array<i32>} : memref<128x16xf32, #tpu.memory_space<vmem>>, vector<16xf32>,
    %swap3A_333 = arith.constant 83 : i32
    %swap3A_334 = arith.index_cast %swap3A_333 : i32 to index
    %swap3A_335 = arith.constant 0 : index
    %swap3A_336 = tpu.vector_load %arg10[%swap3A_334, %swap3A_335] {strides = array<i32>} : memref<128x16xf32, #tpu.memory_space<vmem>>, vector<16xf32>,
    tpu.vector_store %arg10[%swap3A_334, %swap3A_335], %broadcast_in_dim3A_1 {strides = array<i32>} : memref<128x16xf32, #tpu.memory_space<vmem>>, vector<16xf32>,
    %swap3A_337 = arith.constant 84 : i32
    %swap3A_338 = arith.index_cast %swap3A_337 : i32 to index
    %swap3A_339 = arith.constant 0 : index
    %swap3A_340 = tpu.vector_load %arg10[%swap3A_338, %swap3A_339] {strides = array<i32>} : memref<128x16xf32, #tpu.memory_space<vmem>>, vector<16xf32>,
    tpu.vector_store %arg10[%swap3A_338, %swap3A_339], %broadcast_in_dim3A_1 {strides = array<i32>} : memref<128x16xf32, #tpu.memory_space<vmem>>, vector<16xf32>,
    %swap3A_341 = arith.constant 85 : i32
    %swap3A_342 = arith.index_cast %swap3A_341 : i32 to index
    %swap3A_343 = arith.constant 0 : index
    %swap3A_344 = tpu.vector_load %arg10[%swap3A_342, %swap3A_343] {strides = array<i32>} : memref<128x16xf32, #tpu.memory_space<vmem>>, vector<16xf32>,
    tpu.vector_store %arg10[%swap3A_342, %swap3A_343], %broadcast_in_dim3A_1 {strides = array<i32>} : memref<128x16xf32, #tpu.memory_space<vmem>>, vector<16xf32>,
    %swap3A_345 = arith.constant 86 : i32
    %swap3A_346 = arith.index_cast %swap3A_345 : i32 to index
    %swap3A_347 = arith.constant 0 : index
    %swap3A_348 = tpu.vector_load %arg10[%swap3A_346, %swap3A_347] {strides = array<i32>} : memref<128x16xf32, #tpu.memory_space<vmem>>, vector<16xf32>,
    tpu.vector_store %arg10[%swap3A_346, %swap3A_347], %broadcast_in_dim3A_1 {strides = array<i32>} : memref<128x16xf32, #tpu.memory_space<vmem>>, vector<16xf32>,
    %swap3A_349 = arith.constant 87 : i32
    %swap3A_350 = arith.index_cast %swap3A_349 : i32 to index
    %swap3A_351 = arith.constant 0 : index
    %swap3A_352 = tpu.vector_load %arg10[%swap3A_350, %swap3A_351] {strides = array<i32>} : memref<128x16xf32, #tpu.memory_space<vmem>>, vector<16xf32>,
    tpu.vector_store %arg10[%swap3A_350, %swap3A_351], %broadcast_in_dim3A_1 {strides = array<i32>} : memref<128x16xf32, #tpu.memory_space<vmem>>, vector<16xf32>,
    %swap3A_353 = arith.constant 88 : i32
    %swap3A_354 = arith.index_cast %swap3A_353 : i32 to index
    %swap3A_355 = arith.constant 0 : index
    %swap3A_356 = tpu.vector_load %arg10[%swap3A_354, %swap3A_355] {strides = array<i32>} : memref<128x16xf32, #tpu.memory_space<vmem>>, vector<16xf32>,
    tpu.vector_store %arg10[%swap3A_354, %swap3A_355], %broadcast_in_dim3A_1 {strides = array<i32>} : memref<128x16xf32, #tpu.memory_space<vmem>>, vector<16xf32>,
    %swap3A_357 = arith.constant 89 : i32
    %swap3A_358 = arith.index_cast %swap3A_357 : i32 to index
    %swap3A_359 = arith.constant 0 : index
    %swap3A_360 = tpu.vector_load %arg10[%swap3A_358, %swap3A_359] {strides = array<i32>} : memref<128x16xf32, #tpu.memory_space<vmem>>, vector<16xf32>,
    tpu.vector_store %arg10[%swap3A_358, %swap3A_359], %broadcast_in_dim3A_1 {strides = array<i32>} : memref<128x16xf32, #tpu.memory_space<vmem>>, vector<16xf32>,
    %swap3A_361 = arith.constant 90 : i32
    %swap3A_362 = arith.index_cast %swap3A_361 : i32 to index
    %swap3A_363 = arith.constant 0 : index
    %swap3A_364 = tpu.vector_load %arg10[%swap3A_362, %swap3A_363] {strides = array<i32>} : memref<128x16xf32, #tpu.memory_space<vmem>>, vector<16xf32>,
    tpu.vector_store %arg10[%swap3A_362, %swap3A_363], %broadcast_in_dim3A_1 {strides = array<i32>} : memref<128x16xf32, #tpu.memory_space<vmem>>, vector<16xf32>,
    %swap3A_365 = arith.constant 91 : i32
    %swap3A_366 = arith.index_cast %swap3A_365 : i32 to index
    %swap3A_367 = arith.constant 0 : index
    %swap3A_368 = tpu.vector_load %arg10[%swap3A_366, %swap3A_367] {strides = array<i32>} : memref<128x16xf32, #tpu.memory_space<vmem>>, vector<16xf32>,
    tpu.vector_store %arg10[%swap3A_366, %swap3A_367], %broadcast_in_dim3A_1 {strides = array<i32>} : memref<128x16xf32, #tpu.memory_space<vmem>>, vector<16xf32>,
    %swap3A_369 = arith.constant 92 : i32
    %swap3A_370 = arith.index_cast %swap3A_369 : i32 to index
    %swap3A_371 = arith.constant 0 : index
    %swap3A_372 = tpu.vector_load %arg10[%swap3A_370, %swap3A_371] {strides = array<i32>} : memref<128x16xf32, #tpu.memory_space<vmem>>, vector<16xf32>,
    tpu.vector_store %arg10[%swap3A_370, %swap3A_371], %broadcast_in_dim3A_1 {strides = array<i32>} : memref<128x16xf32, #tpu.memory_space<vmem>>, vector<16xf32>,
    %swap3A_373 = arith.constant 93 : i32
    %swap3A_374 = arith.index_cast %swap3A_373 : i32 to index
    %swap3A_375 = arith.constant 0 : index
    %swap3A_376 = tpu.vector_load %arg10[%swap3A_374, %swap3A_375] {strides = array<i32>} : memref<128x16xf32, #tpu.memory_space<vmem>>, vector<16xf32>,
    tpu.vector_store %arg10[%swap3A_374, %swap3A_375], %broadcast_in_dim3A_1 {strides = array<i32>} : memref<128x16xf32, #tpu.memory_space<vmem>>, vector<16xf32>,
    %swap3A_377 = arith.constant 94 : i32
    %swap3A_378 = arith.index_cast %swap3A_377 : i32 to index
    %swap3A_379 = arith.constant 0 : index
    %swap3A_380 = tpu.vector_load %arg10[%swap3A_378, %swap3A_379] {strides = array<i32>} : memref<128x16xf32, #tpu.memory_space<vmem>>, vector<16xf32>,
    tpu.vector_store %arg10[%swap3A_378, %swap3A_379], %broadcast_in_dim3A_1 {strides = array<i32>} : memref<128x16xf32, #tpu.memory_space<vmem>>, vector<16xf32>,
    %swap3A_381 = arith.constant 95 : i32
    %swap3A_382 = arith.index_cast %swap3A_381 : i32 to index
    %swap3A_383 = arith.constant 0 : index
    %swap3A_384 = tpu.vector_load %arg10[%swap3A_382, %swap3A_383] {strides = array<i32>} : memref<128x16xf32, #tpu.memory_space<vmem>>, vector<16xf32>,
    tpu.vector_store %arg10[%swap3A_382, %swap3A_383], %broadcast_in_dim3A_1 {strides = array<i32>} : memref<128x16xf32, #tpu.memory_space<vmem>>, vector<16xf32>,
    %swap3A_385 = arith.constant 96 : i32
    %swap3A_386 = arith.index_cast %swap3A_385 : i32 to index
    %swap3A_387 = arith.constant 0 : index
    %swap3A_388 = tpu.vector_load %arg10[%swap3A_386, %swap3A_387] {strides = array<i32>} : memref<128x16xf32, #tpu.memory_space<vmem>>, vector<16xf32>,
    tpu.vector_store %arg10[%swap3A_386, %swap3A_387], %broadcast_in_dim3A_1 {strides = array<i32>} : memref<128x16xf32, #tpu.memory_space<vmem>>, vector<16xf32>,
    %swap3A_389 = arith.constant 97 : i32
    %swap3A_390 = arith.index_cast %swap3A_389 : i32 to index
    %swap3A_391 = arith.constant 0 : index
    %swap3A_392 = tpu.vector_load %arg10[%swap3A_390, %swap3A_391] {strides = array<i32>} : memref<128x16xf32, #tpu.memory_space<vmem>>, vector<16xf32>,
    tpu.vector_store %arg10[%swap3A_390, %swap3A_391], %broadcast_in_dim3A_1 {strides = array<i32>} : memref<128x16xf32, #tpu.memory_space<vmem>>, vector<16xf32>,
    %swap3A_393 = arith.constant 98 : i32
    %swap3A_394 = arith.index_cast %swap3A_393 : i32 to index
    %swap3A_395 = arith.constant 0 : index
    %swap3A_396 = tpu.vector_load %arg10[%swap3A_394, %swap3A_395] {strides = array<i32>} : memref<128x16xf32, #tpu.memory_space<vmem>>, vector<16xf32>,
    tpu.vector_store %arg10[%swap3A_394, %swap3A_395], %broadcast_in_dim3A_1 {strides = array<i32>} : memref<128x16xf32, #tpu.memory_space<vmem>>, vector<16xf32>,
    %swap3A_397 = arith.constant 99 : i32
    %swap3A_398 = arith.index_cast %swap3A_397 : i32 to index
    %swap3A_399 = arith.constant 0 : index
    %swap3A_400 = tpu.vector_load %arg10[%swap3A_398, %swap3A_399] {strides = array<i32>} : memref<128x16xf32, #tpu.memory_space<vmem>>, vector<16xf32>,
    tpu.vector_store %arg10[%swap3A_398, %swap3A_399], %broadcast_in_dim3A_1 {strides = array<i32>} : memref<128x16xf32, #tpu.memory_space<vmem>>, vector<16xf32>,
    %swap3A_401 = arith.constant 100 : i32
    %swap3A_402 = arith.index_cast %swap3A_401 : i32 to index
    %swap3A_403 = arith.constant 0 : index
    %swap3A_404 = tpu.vector_load %arg10[%swap3A_402, %swap3A_403] {strides = array<i32>} : memref<128x16xf32, #tpu.memory_space<vmem>>, vector<16xf32>,
    tpu.vector_store %arg10[%swap3A_402, %swap3A_403], %broadcast_in_dim3A_1 {strides = array<i32>} : memref<128x16xf32, #tpu.memory_space<vmem>>, vector<16xf32>,
    %swap3A_405 = arith.constant 101 : i32
    %swap3A_406 = arith.index_cast %swap3A_405 : i32 to index
    %swap3A_407 = arith.constant 0 : index
    %swap3A_408 = tpu.vector_load %arg10[%swap3A_406, %swap3A_407] {strides = array<i32>} : memref<128x16xf32, #tpu.memory_space<vmem>>, vector<16xf32>,
    tpu.vector_store %arg10[%swap3A_406, %swap3A_407], %broadcast_in_dim3A_1 {strides = array<i32>} : memref<128x16xf32, #tpu.memory_space<vmem>>, vector<16xf32>,
    %swap3A_409 = arith.constant 102 : i32
    %swap3A_410 = arith.index_cast %swap3A_409 : i32 to index
    %swap3A_411 = arith.constant 0 : index
    %swap3A_412 = tpu.vector_load %arg10[%swap3A_410, %swap3A_411] {strides = array<i32>} : memref<128x16xf32, #tpu.memory_space<vmem>>, vector<16xf32>,
    tpu.vector_store %arg10[%swap3A_410, %swap3A_411], %broadcast_in_dim3A_1 {strides = array<i32>} : memref<128x16xf32, #tpu.memory_space<vmem>>, vector<16xf32>,
    %swap3A_413 = arith.constant 103 : i32
    %swap3A_414 = arith.index_cast %swap3A_413 : i32 to index
    %swap3A_415 = arith.constant 0 : index
    %swap3A_416 = tpu.vector_load %arg10[%swap3A_414, %swap3A_415] {strides = array<i32>} : memref<128x16xf32, #tpu.memory_space<vmem>>, vector<16xf32>,
    tpu.vector_store %arg10[%swap3A_414, %swap3A_415], %broadcast_in_dim3A_1 {strides = array<i32>} : memref<128x16xf32, #tpu.memory_space<vmem>>, vector<16xf32>,
    %swap3A_417 = arith.constant 104 : i32
    %swap3A_418 = arith.index_cast %swap3A_417 : i32 to index
    %swap3A_419 = arith.constant 0 : index
    %swap3A_420 = tpu.vector_load %arg10[%swap3A_418, %swap3A_419] {strides = array<i32>} : memref<128x16xf32, #tpu.memory_space<vmem>>, vector<16xf32>,
    tpu.vector_store %arg10[%swap3A_418, %swap3A_419], %broadcast_in_dim3A_1 {strides = array<i32>} : memref<128x16xf32, #tpu.memory_space<vmem>>, vector<16xf32>,
    %swap3A_421 = arith.constant 105 : i32
    %swap3A_422 = arith.index_cast %swap3A_421 : i32 to index
    %swap3A_423 = arith.constant 0 : index
    %swap3A_424 = tpu.vector_load %arg10[%swap3A_422, %swap3A_423] {strides = array<i32>} : memref<128x16xf32, #tpu.memory_space<vmem>>, vector<16xf32>,
    tpu.vector_store %arg10[%swap3A_422, %swap3A_423], %broadcast_in_dim3A_1 {strides = array<i32>} : memref<128x16xf32, #tpu.memory_space<vmem>>, vector<16xf32>,
    %swap3A_425 = arith.constant 106 : i32
    %swap3A_426 = arith.index_cast %swap3A_425 : i32 to index
    %swap3A_427 = arith.constant 0 : index
    %swap3A_428 = tpu.vector_load %arg10[%swap3A_426, %swap3A_427] {strides = array<i32>} : memref<128x16xf32, #tpu.memory_space<vmem>>, vector<16xf32>,
    tpu.vector_store %arg10[%swap3A_426, %swap3A_427], %broadcast_in_dim3A_1 {strides = array<i32>} : memref<128x16xf32, #tpu.memory_space<vmem>>, vector<16xf32>,
    %swap3A_429 = arith.constant 107 : i32
    %swap3A_430 = arith.index_cast %swap3A_429 : i32 to index
    %swap3A_431 = arith.constant 0 : index
    %swap3A_432 = tpu.vector_load %arg10[%swap3A_430, %swap3A_431] {strides = array<i32>} : memref<128x16xf32, #tpu.memory_space<vmem>>, vector<16xf32>,
    tpu.vector_store %arg10[%swap3A_430, %swap3A_431], %broadcast_in_dim3A_1 {strides = array<i32>} : memref<128x16xf32, #tpu.memory_space<vmem>>, vector<16xf32>,
    %swap3A_433 = arith.constant 108 : i32
    %swap3A_434 = arith.index_cast %swap3A_433 : i32 to index
    %swap3A_435 = arith.constant 0 : index
    %swap3A_436 = tpu.vector_load %arg10[%swap3A_434, %swap3A_435] {strides = array<i32>} : memref<128x16xf32, #tpu.memory_space<vmem>>, vector<16xf32>,
    tpu.vector_store %arg10[%swap3A_434, %swap3A_435], %broadcast_in_dim3A_1 {strides = array<i32>} : memref<128x16xf32, #tpu.memory_space<vmem>>, vector<16xf32>,
    %swap3A_437 = arith.constant 109 : i32
    %swap3A_438 = arith.index_cast %swap3A_437 : i32 to index
    %swap3A_439 = arith.constant 0 : index
    %swap3A_440 = tpu.vector_load %arg10[%swap3A_438, %swap3A_439] {strides = array<i32>} : memref<128x16xf32, #tpu.memory_space<vmem>>, vector<16xf32>,
    tpu.vector_store %arg10[%swap3A_438, %swap3A_439], %broadcast_in_dim3A_1 {strides = array<i32>} : memref<128x16xf32, #tpu.memory_space<vmem>>, vector<16xf32>,
    %swap3A_441 = arith.constant 110 : i32
    %swap3A_442 = arith.index_cast %swap3A_441 : i32 to index
    %swap3A_443 = arith.constant 0 : index
    %swap3A_444 = tpu.vector_load %arg10[%swap3A_442, %swap3A_443] {strides = array<i32>} : memref<128x16xf32, #tpu.memory_space<vmem>>, vector<16xf32>,
    tpu.vector_store %arg10[%swap3A_442, %swap3A_443], %broadcast_in_dim3A_1 {strides = array<i32>} : memref<128x16xf32, #tpu.memory_space<vmem>>, vector<16xf32>,
    %swap3A_445 = arith.constant 111 : i32
    %swap3A_446 = arith.index_cast %swap3A_445 : i32 to index
    %swap3A_447 = arith.constant 0 : index
    %swap3A_448 = tpu.vector_load %arg10[%swap3A_446, %swap3A_447] {strides = array<i32>} : memref<128x16xf32, #tpu.memory_space<vmem>>, vector<16xf32>,
    tpu.vector_store %arg10[%swap3A_446, %swap3A_447], %broadcast_in_dim3A_1 {strides = array<i32>} : memref<128x16xf32, #tpu.memory_space<vmem>>, vector<16xf32>,
    %swap3A_449 = arith.constant 112 : i32
    %swap3A_450 = arith.index_cast %swap3A_449 : i32 to index
    %swap3A_451 = arith.constant 0 : index
    %swap3A_452 = tpu.vector_load %arg10[%swap3A_450, %swap3A_451] {strides = array<i32>} : memref<128x16xf32, #tpu.memory_space<vmem>>, vector<16xf32>,
    tpu.vector_store %arg10[%swap3A_450, %swap3A_451], %broadcast_in_dim3A_1 {strides = array<i32>} : memref<128x16xf32, #tpu.memory_space<vmem>>, vector<16xf32>,
    %swap3A_453 = arith.constant 113 : i32
    %swap3A_454 = arith.index_cast %swap3A_453 : i32 to index
    %swap3A_455 = arith.constant 0 : index
    %swap3A_456 = tpu.vector_load %arg10[%swap3A_454, %swap3A_455] {strides = array<i32>} : memref<128x16xf32, #tpu.memory_space<vmem>>, vector<16xf32>,
    tpu.vector_store %arg10[%swap3A_454, %swap3A_455], %broadcast_in_dim3A_1 {strides = array<i32>} : memref<128x16xf32, #tpu.memory_space<vmem>>, vector<16xf32>,
    %swap3A_457 = arith.constant 114 : i32
    %swap3A_458 = arith.index_cast %swap3A_457 : i32 to index
    %swap3A_459 = arith.constant 0 : index
    %swap3A_460 = tpu.vector_load %arg10[%swap3A_458, %swap3A_459] {strides = array<i32>} : memref<128x16xf32, #tpu.memory_space<vmem>>, vector<16xf32>,
    tpu.vector_store %arg10[%swap3A_458, %swap3A_459], %broadcast_in_dim3A_1 {strides = array<i32>} : memref<128x16xf32, #tpu.memory_space<vmem>>, vector<16xf32>,
    %swap3A_461 = arith.constant 115 : i32
    %swap3A_462 = arith.index_cast %swap3A_461 : i32 to index
    %swap3A_463 = arith.constant 0 : index
    %swap3A_464 = tpu.vector_load %arg10[%swap3A_462, %swap3A_463] {strides = array<i32>} : memref<128x16xf32, #tpu.memory_space<vmem>>, vector<16xf32>,
    tpu.vector_store %arg10[%swap3A_462, %swap3A_463], %broadcast_in_dim3A_1 {strides = array<i32>} : memref<128x16xf32, #tpu.memory_space<vmem>>, vector<16xf32>,
    %swap3A_465 = arith.constant 116 : i32
    %swap3A_466 = arith.index_cast %swap3A_465 : i32 to index
    %swap3A_467 = arith.constant 0 : index
    %swap3A_468 = tpu.vector_load %arg10[%swap3A_466, %swap3A_467] {strides = array<i32>} : memref<128x16xf32, #tpu.memory_space<vmem>>, vector<16xf32>,
    tpu.vector_store %arg10[%swap3A_466, %swap3A_467], %broadcast_in_dim3A_1 {strides = array<i32>} : memref<128x16xf32, #tpu.memory_space<vmem>>, vector<16xf32>,
    %swap3A_469 = arith.constant 117 : i32
    %swap3A_470 = arith.index_cast %swap3A_469 : i32 to index
    %swap3A_471 = arith.constant 0 : index
    %swap3A_472 = tpu.vector_load %arg10[%swap3A_470, %swap3A_471] {strides = array<i32>} : memref<128x16xf32, #tpu.memory_space<vmem>>, vector<16xf32>,
    tpu.vector_store %arg10[%swap3A_470, %swap3A_471], %broadcast_in_dim3A_1 {strides = array<i32>} : memref<128x16xf32, #tpu.memory_space<vmem>>, vector<16xf32>,
    %swap3A_473 = arith.constant 118 : i32
    %swap3A_474 = arith.index_cast %swap3A_473 : i32 to index
    %swap3A_475 = arith.constant 0 : index
    %swap3A_476 = tpu.vector_load %arg10[%swap3A_474, %swap3A_475] {strides = array<i32>} : memref<128x16xf32, #tpu.memory_space<vmem>>, vector<16xf32>,
    tpu.vector_store %arg10[%swap3A_474, %swap3A_475], %broadcast_in_dim3A_1 {strides = array<i32>} : memref<128x16xf32, #tpu.memory_space<vmem>>, vector<16xf32>,
    %swap3A_477 = arith.constant 119 : i32
    %swap3A_478 = arith.index_cast %swap3A_477 : i32 to index
    %swap3A_479 = arith.constant 0 : index
    %swap3A_480 = tpu.vector_load %arg10[%swap3A_478, %swap3A_479] {strides = array<i32>} : memref<128x16xf32, #tpu.memory_space<vmem>>, vector<16xf32>,
    tpu.vector_store %arg10[%swap3A_478, %swap3A_479], %broadcast_in_dim3A_1 {strides = array<i32>} : memref<128x16xf32, #tpu.memory_space<vmem>>, vector<16xf32>,
    %swap3A_481 = arith.constant 120 : i32
    %swap3A_482 = arith.index_cast %swap3A_481 : i32 to index
    %swap3A_483 = arith.constant 0 : index
    %swap3A_484 = tpu.vector_load %arg10[%swap3A_482, %swap3A_483] {strides = array<i32>} : memref<128x16xf32, #tpu.memory_space<vmem>>, vector<16xf32>,
    tpu.vector_store %arg10[%swap3A_482, %swap3A_483], %broadcast_in_dim3A_1 {strides = array<i32>} : memref<128x16xf32, #tpu.memory_space<vmem>>, vector<16xf32>,
    %swap3A_485 = arith.constant 121 : i32
    %swap3A_486 = arith.index_cast %swap3A_485 : i32 to index
    %swap3A_487 = arith.constant 0 : index
    %swap3A_488 = tpu.vector_load %arg10[%swap3A_486, %swap3A_487] {strides = array<i32>} : memref<128x16xf32, #tpu.memory_space<vmem>>, vector<16xf32>,
    tpu.vector_store %arg10[%swap3A_486, %swap3A_487], %broadcast_in_dim3A_1 {strides = array<i32>} : memref<128x16xf32, #tpu.memory_space<vmem>>, vector<16xf32>,
    %swap3A_489 = arith.constant 122 : i32
    %swap3A_490 = arith.index_cast %swap3A_489 : i32 to index
    %swap3A_491 = arith.constant 0 : index
    %swap3A_492 = tpu.vector_load %arg10[%swap3A_490, %swap3A_491] {strides = array<i32>} : memref<128x16xf32, #tpu.memory_space<vmem>>, vector<16xf32>,
    tpu.vector_store %arg10[%swap3A_490, %swap3A_491], %broadcast_in_dim3A_1 {strides = array<i32>} : memref<128x16xf32, #tpu.memory_space<vmem>>, vector<16xf32>,
    %swap3A_493 = arith.constant 123 : i32
    %swap3A_494 = arith.index_cast %swap3A_493 : i32 to index
    %swap3A_495 = arith.constant 0 : index
    %swap3A_496 = tpu.vector_load %arg10[%swap3A_494, %swap3A_495] {strides = array<i32>} : memref<128x16xf32, #tpu.memory_space<vmem>>, vector<16xf32>,
    tpu.vector_store %arg10[%swap3A_494, %swap3A_495], %broadcast_in_dim3A_1 {strides = array<i32>} : memref<128x16xf32, #tpu.memory_space<vmem>>, vector<16xf32>,
    %swap3A_497 = arith.constant 124 : i32
    %swap3A_498 = arith.index_cast %swap3A_497 : i32 to index
    %swap3A_499 = arith.constant 0 : index
    %swap3A_500 = tpu.vector_load %arg10[%swap3A_498, %swap3A_499] {strides = array<i32>} : memref<128x16xf32, #tpu.memory_space<vmem>>, vector<16xf32>,
    tpu.vector_store %arg10[%swap3A_498, %swap3A_499], %broadcast_in_dim3A_1 {strides = array<i32>} : memref<128x16xf32, #tpu.memory_space<vmem>>, vector<16xf32>,
    %swap3A_501 = arith.constant 125 : i32
    %swap3A_502 = arith.index_cast %swap3A_501 : i32 to index
    %swap3A_503 = arith.constant 0 : index
    %swap3A_504 = tpu.vector_load %arg10[%swap3A_502, %swap3A_503] {strides = array<i32>} : memref<128x16xf32, #tpu.memory_space<vmem>>, vector<16xf32>,
    tpu.vector_store %arg10[%swap3A_502, %swap3A_503], %broadcast_in_dim3A_1 {strides = array<i32>} : memref<128x16xf32, #tpu.memory_space<vmem>>, vector<16xf32>,
    %swap3A_505 = arith.constant 126 : i32
    %swap3A_506 = arith.index_cast %swap3A_505 : i32 to index
    %swap3A_507 = arith.constant 0 : index
    %swap3A_508 = tpu.vector_load %arg10[%swap3A_506, %swap3A_507] {strides = array<i32>} : memref<128x16xf32, #tpu.memory_space<vmem>>, vector<16xf32>,
    tpu.vector_store %arg10[%swap3A_506, %swap3A_507], %broadcast_in_dim3A_1 {strides = array<i32>} : memref<128x16xf32, #tpu.memory_space<vmem>>, vector<16xf32>,
    %swap3A_509 = arith.constant 127 : i32
    %swap3A_510 = arith.index_cast %swap3A_509 : i32 to index
    %swap3A_511 = arith.constant 0 : index
    %swap3A_512 = tpu.vector_load %arg10[%swap3A_510, %swap3A_511] {strides = array<i32>} : memref<128x16xf32, #tpu.memory_space<vmem>>, vector<16xf32>,
    tpu.vector_store %arg10[%swap3A_510, %swap3A_511], %broadcast_in_dim3A_1 {strides = array<i32>} : memref<128x16xf32, #tpu.memory_space<vmem>>, vector<16xf32>,
    %scan3A = arith.constant 0 : i32
    %scan3A_513 = arith.constant 0 : i32
    %scan3A_514 = arith.constant 25 : i32
    %scan3A_515 = arith.addi %scan3A_513, %scan3A_514 : i32
    %scan3A_516 = arith.constant 1 : i32
    scf.for %scan3A_613 = %scan3A_513 to %scan3A_515 step %scan3A_516  : i32 {
      %mul3A_614 = arith.constant 3200 : i32
      %mul3A_615 = arith.muli %arg1, %mul3A_614 : i32
      %mul3A_616 = arith.constant 128 : i32
      %mul3A_617 = arith.muli %scan3A_613, %mul3A_616 : i32
      %add3A_618 = arith.addi %mul3A_615, %mul3A_617 : i32
      %add3A_619 = arith.constant 0 : i32
      %add3A_620 = arith.addi %add3A_618, %add3A_619 : i32
      %add3A_621 = vector.broadcast %add3A_620 : i32 to vector<16xi32>
      %add3A_622 = arith.addi %add3A_621, %iota3A : vector<16xi32>
      %swap3A_623 = arith.constant 0 : index
      %swap3A_624 = tpu.vector_load %arg13[%swap3A_623] {strides = array<i32>} : memref<128xi32, #tpu.memory_space<vmem>>, vector<16xi32>,
      tpu.vector_store %arg13[%swap3A_623], %add3A_622 {strides = array<i32>} : memref<128xi32, #tpu.memory_space<vmem>>, vector<16xi32>,
      %add3A_625 = arith.constant 16 : i32
      %add3A_626 = arith.addi %add3A_618, %add3A_625 : i32
      %add3A_627 = vector.broadcast %add3A_626 : i32 to vector<16xi32>
      %add3A_628 = arith.addi %add3A_627, %iota3A : vector<16xi32>
      %swap3A_629 = arith.constant 16 : index
      %swap3A_630 = tpu.vector_load %arg13[%swap3A_629] {strides = array<i32>} : memref<128xi32, #tpu.memory_space<vmem>>, vector<16xi32>,
      tpu.vector_store %arg13[%swap3A_629], %add3A_628 {strides = array<i32>} : memref<128xi32, #tpu.memory_space<vmem>>, vector<16xi32>,
      %add3A_631 = arith.constant 32 : i32
      %add3A_632 = arith.addi %add3A_618, %add3A_631 : i32
      %add3A_633 = vector.broadcast %add3A_632 : i32 to vector<16xi32>
      %add3A_634 = arith.addi %add3A_633, %iota3A : vector<16xi32>
      %swap3A_635 = arith.constant 32 : index
      %swap3A_636 = tpu.vector_load %arg13[%swap3A_635] {strides = array<i32>} : memref<128xi32, #tpu.memory_space<vmem>>, vector<16xi32>,
      tpu.vector_store %arg13[%swap3A_635], %add3A_634 {strides = array<i32>} : memref<128xi32, #tpu.memory_space<vmem>>, vector<16xi32>,
      %add3A_637 = arith.constant 48 : i32
      %add3A_638 = arith.addi %add3A_618, %add3A_637 : i32
      %add3A_639 = vector.broadcast %add3A_638 : i32 to vector<16xi32>
      %add3A_640 = arith.addi %add3A_639, %iota3A : vector<16xi32>
      %swap3A_641 = arith.constant 48 : index
      %swap3A_642 = tpu.vector_load %arg13[%swap3A_641] {strides = array<i32>} : memref<128xi32, #tpu.memory_space<vmem>>, vector<16xi32>,
      tpu.vector_store %arg13[%swap3A_641], %add3A_640 {strides = array<i32>} : memref<128xi32, #tpu.memory_space<vmem>>, vector<16xi32>,
      %add3A_643 = arith.constant 64 : i32
      %add3A_644 = arith.addi %add3A_618, %add3A_643 : i32
      %add3A_645 = vector.broadcast %add3A_644 : i32 to vector<16xi32>
      %add3A_646 = arith.addi %add3A_645, %iota3A : vector<16xi32>
      %swap3A_647 = arith.constant 64 : index
      %swap3A_648 = tpu.vector_load %arg13[%swap3A_647] {strides = array<i32>} : memref<128xi32, #tpu.memory_space<vmem>>, vector<16xi32>,
      tpu.vector_store %arg13[%swap3A_647], %add3A_646 {strides = array<i32>} : memref<128xi32, #tpu.memory_space<vmem>>, vector<16xi32>,
      %add3A_649 = arith.constant 80 : i32
      %add3A_650 = arith.addi %add3A_618, %add3A_649 : i32
      %add3A_651 = vector.broadcast %add3A_650 : i32 to vector<16xi32>
      %add3A_652 = arith.addi %add3A_651, %iota3A : vector<16xi32>
      %swap3A_653 = arith.constant 80 : index
      %swap3A_654 = tpu.vector_load %arg13[%swap3A_653] {strides = array<i32>} : memref<128xi32, #tpu.memory_space<vmem>>, vector<16xi32>,
      tpu.vector_store %arg13[%swap3A_653], %add3A_652 {strides = array<i32>} : memref<128xi32, #tpu.memory_space<vmem>>, vector<16xi32>,
      %add3A_655 = arith.constant 96 : i32
      %add3A_656 = arith.addi %add3A_618, %add3A_655 : i32
      %add3A_657 = vector.broadcast %add3A_656 : i32 to vector<16xi32>
      %add3A_658 = arith.addi %add3A_657, %iota3A : vector<16xi32>
      %swap3A_659 = arith.constant 96 : index
      %swap3A_660 = tpu.vector_load %arg13[%swap3A_659] {strides = array<i32>} : memref<128xi32, #tpu.memory_space<vmem>>, vector<16xi32>,
      tpu.vector_store %arg13[%swap3A_659], %add3A_658 {strides = array<i32>} : memref<128xi32, #tpu.memory_space<vmem>>, vector<16xi32>,
      %add3A_661 = arith.constant 112 : i32
      %add3A_662 = arith.addi %add3A_618, %add3A_661 : i32
      %add3A_663 = vector.broadcast %add3A_662 : i32 to vector<16xi32>
      %add3A_664 = arith.addi %add3A_663, %iota3A : vector<16xi32>
      %swap3A_665 = arith.constant 112 : index
      %swap3A_666 = tpu.vector_load %arg13[%swap3A_665] {strides = array<i32>} : memref<128xi32, #tpu.memory_space<vmem>>, vector<16xi32>,
      tpu.vector_store %arg13[%swap3A_665], %add3A_664 {strides = array<i32>} : memref<128xi32, #tpu.memory_space<vmem>>, vector<16xi32>,
      "tpu.region"() ({
        %run_scoped3A = tpu.sem_alloc : memref<!tpu.dma_semaphore, #tpu.memory_space<semaphore_mem>>
        %dma_start3A = arith.constant 0 : i32
        %dma_start3A_667 = arith.constant 0 : i32
        %dma_start3A_668 = tpu.memref_slice %arg14[%dma_start3A, %dma_start3A_667] : memref<51200x16xf32, #tpu.memory_space<vmem_shared>> -> memref<51200x16xf32, #tpu.memory_space<vmem_shared>>
        tpu.enqueue_indirect_dma source(%arg10 : memref<128x16xf32, #tpu.memory_space<vmem>>) target(%dma_start3A_668 : memref<51200x16xf32, #tpu.memory_space<vmem_shared>>) offsets(%arg13 : memref<128xi32, #tpu.memory_space<vmem>>) semaphore(%run_scoped3A : memref<!tpu.dma_semaphore, #tpu.memory_space<semaphore_mem>>)
        %dma_wait3A = arith.constant 0 : i32
        %dma_wait3A_669 = arith.constant 0 : i32
        %dma_wait3A_670 = tpu.memref_slice %arg14[%dma_wait3A, %dma_wait3A_669] : memref<51200x16xf32, #tpu.memory_space<vmem_shared>> -> memref<51200x16xf32, #tpu.memory_space<vmem_shared>>
        tpu.wait_indirect_dma semaphore(%run_scoped3A : memref<!tpu.dma_semaphore, #tpu.memory_space<semaphore_mem>>) src(%arg10 : memref<128x16xf32, #tpu.memory_space<vmem>>) dst(%dma_wait3A_670 : memref<51200x16xf32, #tpu.memory_space<vmem_shared>>)
        tpu.yield
      }) : () -> ()
    }
    %scan3A_517 = arith.constant 25 : i32
    %get3A = arith.constant 0 : index
    %get3A_518 = tpu.vector_load %arg11[%get3A] {strides = array<i32>} : memref<16xf32, #tpu.memory_space<vmem>>, vector<16xf32>,
    %slice3A = vector.extract_strided_slice %get3A_518 {offsets = [0], sizes = [1], strides = [1]} : vector<16xf32> to vector<1xf32>
    %squeeze3A = vector.extract %slice3A[0] : f32 from vector<1xf32>
    %slice3A_519 = vector.extract_strided_slice %get3A_518 {offsets = [1], sizes = [1], strides = [1]} : vector<16xf32> to vector<1xf32>
    %squeeze3A_520 = vector.extract %slice3A_519[0] : f32 from vector<1xf32>
    %slice3A_521 = vector.extract_strided_slice %get3A_518 {offsets = [2], sizes = [1], strides = [1]} : vector<16xf32> to vector<1xf32>
    %squeeze3A_522 = vector.extract %slice3A_521[0] : f32 from vector<1xf32>
    %slice3A_523 = vector.extract_strided_slice %get3A_518 {offsets = [3], sizes = [1], strides = [1]} : vector<16xf32> to vector<1xf32>
    %squeeze3A_524 = vector.extract %slice3A_523[0] : f32 from vector<1xf32>
    %slice3A_525 = vector.extract_strided_slice %get3A_518 {offsets = [4], sizes = [1], strides = [1]} : vector<16xf32> to vector<1xf32>
    %squeeze3A_526 = vector.extract %slice3A_525[0] : f32 from vector<1xf32>
    %slice3A_527 = vector.extract_strided_slice %get3A_518 {offsets = [5], sizes = [1], strides = [1]} : vector<16xf32> to vector<1xf32>
    %squeeze3A_528 = vector.extract %slice3A_527[0] : f32 from vector<1xf32>
    %slice3A_529 = vector.extract_strided_slice %get3A_518 {offsets = [6], sizes = [1], strides = [1]} : vector<16xf32> to vector<1xf32>
    %squeeze3A_530 = vector.extract %slice3A_529[0] : f32 from vector<1xf32>
    %slice3A_531 = vector.extract_strided_slice %get3A_518 {offsets = [7], sizes = [1], strides = [1]} : vector<16xf32> to vector<1xf32>
    %squeeze3A_532 = vector.extract %slice3A_531[0] : f32 from vector<1xf32>
    %slice3A_533 = vector.extract_strided_slice %get3A_518 {offsets = [8], sizes = [1], strides = [1]} : vector<16xf32> to vector<1xf32>
    %squeeze3A_534 = vector.extract %slice3A_533[0] : f32 from vector<1xf32>
    %slice3A_535 = vector.extract_strided_slice %get3A_518 {offsets = [9], sizes = [1], strides = [1]} : vector<16xf32> to vector<1xf32>
    %squeeze3A_536 = vector.extract %slice3A_535[0] : f32 from vector<1xf32>
    %slice3A_537 = vector.extract_strided_slice %get3A_518 {offsets = [10], sizes = [1], strides = [1]} : vector<16xf32> to vector<1xf32>
    %squeeze3A_538 = vector.extract %slice3A_537[0] : f32 from vector<1xf32>
    %slice3A_539 = vector.extract_strided_slice %get3A_518 {offsets = [11], sizes = [1], strides = [1]} : vector<16xf32> to vector<1xf32>
    %squeeze3A_540 = vector.extract %slice3A_539[0] : f32 from vector<1xf32>
    %slice3A_541 = vector.extract_strided_slice %get3A_518 {offsets = [12], sizes = [1], strides = [1]} : vector<16xf32> to vector<1xf32>
    %squeeze3A_542 = vector.extract %slice3A_541[0] : f32 from vector<1xf32>
    %slice3A_543 = vector.extract_strided_slice %get3A_518 {offsets = [13], sizes = [1], strides = [1]} : vector<16xf32> to vector<1xf32>
    %squeeze3A_544 = vector.extract %slice3A_543[0] : f32 from vector<1xf32>
    %slice3A_545 = vector.extract_strided_slice %get3A_518 {offsets = [14], sizes = [1], strides = [1]} : vector<16xf32> to vector<1xf32>
    %squeeze3A_546 = vector.extract %slice3A_545[0] : f32 from vector<1xf32>
    %slice3A_547 = vector.extract_strided_slice %get3A_518 {offsets = [15], sizes = [1], strides = [1]} : vector<16xf32> to vector<1xf32>
    %squeeze3A_548 = vector.extract %slice3A_547[0] : f32 from vector<1xf32>
    %barrier3A = arith.constant 0 : index
    tpu.barrier barrier_id(%barrier3A)
    %mul3A_549 = arith.constant 200 : i32
    %mul3A_550 = arith.muli %add3A, %mul3A_549 : i32
    %add3A_551 = arith.constant 0 : i32
    %add3A_552 = arith.addi %mul3A_550, %add3A_551 : i32
    "tpu.region"() ({
      %run_scoped3A = tpu.sem_alloc : memref<!tpu.dma_semaphore, #tpu.memory_space<semaphore_mem>>
      %dma_start3A = arith.constant 0 : i32
      %dma_start3A_613 = tpu.memref_slice %arg3[%add3A_552, %dma_start3A] : memref<6400x128xi32, #tpu.memory_space<hbm>> -> memref<40x128xi32, #tpu.memory_space<hbm>>
      %dma_start3A_614 = arith.constant 0 : i32
      %dma_start3A_615 = tpu.memref_slice %arg3[%add3A_552, %dma_start3A_614] : memref<6400x128xi32, #tpu.memory_space<hbm>> -> memref<40x128xi32, #tpu.memory_space<hbm>>
      tpu.enqueue_dma source(%dma_start3A_615 : memref<40x128xi32, #tpu.memory_space<hbm>>) target(%arg8 : memref<40x128xi32, #tpu.memory_space<vmem>>) target_semaphore(%run_scoped3A : memref<!tpu.dma_semaphore, #tpu.memory_space<semaphore_mem>>)
      %dma_wait3A = arith.constant 0 : i32
      %dma_wait3A_616 = tpu.memref_slice %arg3[%add3A_552, %dma_wait3A] : memref<6400x128xi32, #tpu.memory_space<hbm>> -> memref<40x128xi32, #tpu.memory_space<hbm>>
      %dma_wait3A_617 = arith.constant 0 : i32
      %dma_wait3A_618 = tpu.memref_slice %arg3[%add3A_552, %dma_wait3A_617] : memref<6400x128xi32, #tpu.memory_space<hbm>> -> memref<40x128xi32, #tpu.memory_space<hbm>>
      tpu.wait_dma2 semaphore(%run_scoped3A : memref<!tpu.dma_semaphore, #tpu.memory_space<semaphore_mem>>) src(%dma_wait3A_618 : memref<40x128xi32, #tpu.memory_space<hbm>>) dst(%arg8 : memref<40x128xi32, #tpu.memory_space<vmem>>)
      tpu.yield
    }) : () -> ()
    "tpu.region"() ({
      %run_scoped3A = tpu.sem_alloc : memref<!tpu.dma_semaphore, #tpu.memory_space<semaphore_mem>>
      %dma_start3A = arith.constant 0 : i32
      %dma_start3A_613 = tpu.memref_slice %arg4[%add3A_552, %dma_start3A] : memref<6400x128xi32, #tpu.memory_space<hbm>> -> memref<40x128xi32, #tpu.memory_space<hbm>>
      %dma_start3A_614 = arith.constant 0 : i32
      %dma_start3A_615 = tpu.memref_slice %arg4[%add3A_552, %dma_start3A_614] : memref<6400x128xi32, #tpu.memory_space<hbm>> -> memref<40x128xi32, #tpu.memory_space<hbm>>
      tpu.enqueue_dma source(%dma_start3A_615 : memref<40x128xi32, #tpu.memory_space<hbm>>) target(%arg9 : memref<40x128xi32, #tpu.memory_space<vmem>>) target_semaphore(%run_scoped3A : memref<!tpu.dma_semaphore, #tpu.memory_space<semaphore_mem>>)
      %dma_wait3A = arith.constant 0 : i32
      %dma_wait3A_616 = tpu.memref_slice %arg4[%add3A_552, %dma_wait3A] : memref<6400x128xi32, #tpu.memory_space<hbm>> -> memref<40x128xi32, #tpu.memory_space<hbm>>
      %dma_wait3A_617 = arith.constant 0 : i32
      %dma_wait3A_618 = tpu.memref_slice %arg4[%add3A_552, %dma_wait3A_617] : memref<6400x128xi32, #tpu.memory_space<hbm>> -> memref<40x128xi32, #tpu.memory_space<hbm>>
      tpu.wait_dma2 semaphore(%run_scoped3A : memref<!tpu.dma_semaphore, #tpu.memory_space<semaphore_mem>>) src(%dma_wait3A_618 : memref<40x128xi32, #tpu.memory_space<hbm>>) dst(%arg9 : memref<40x128xi32, #tpu.memory_space<vmem>>)
      tpu.yield
    }) : () -> ()
    %scan3A_553 = arith.constant 0 : i32
    %scan3A_554 = arith.constant 0 : i32
    %scan3A_555 = arith.constant 40 : i32
    %scan3A_556 = arith.addi %scan3A_554, %scan3A_555 : i32
    %scan3A_557 = arith.constant 1 : i32
    scf.for %scan3A_613 = %scan3A_554 to %scan3A_556 step %scan3A_557  : i32 {
      %scan3A_614 = arith.constant 0 : i32
      %scan3A_615 = arith.constant 0 : i32
      %scan3A_616 = arith.constant 8 : i32
      %scan3A_617 = arith.addi %scan3A_615, %scan3A_616 : i32
      %scan3A_618 = arith.constant 1 : i32
      scf.for %scan3A_620 = %scan3A_615 to %scan3A_617 step %scan3A_618  : i32 {
        %mul3A_621 = arith.constant 16 : i32
        %mul3A_622 = arith.muli %scan3A_620, %mul3A_621 : i32
        %get3A_623 = arith.index_cast %scan3A_613 : i32 to index
        %get3A_624 = arith.index_cast %mul3A_622 : i32 to index
        %get3A_625 = tpu.vector_load %arg8[%get3A_623, %get3A_624] {strides = array<i32>} : memref<40x128xi32, #tpu.memory_space<vmem>>, vector<16xi32>,
        %mul3A_626 = arith.constant 16 : i32
        %mul3A_627 = arith.muli %scan3A_620, %mul3A_626 : i32
        %get3A_628 = arith.index_cast %scan3A_613 : i32 to index
        %get3A_629 = arith.index_cast %mul3A_627 : i32 to index
        %get3A_630 = tpu.vector_load %arg9[%get3A_628, %get3A_629] {strides = array<i32>} : memref<40x128xi32, #tpu.memory_space<vmem>>, vector<16xi32>,
        %gather3A = tpu.vector_load_idx %arg7[%get3A_625] : memref<50048xf32, #tpu.memory_space<vmem>>[vector<16xi32>], vector<16xf32>,
        %gather3A_631 = tpu.vector_load_idx %arg7[%get3A_630] : memref<50048xf32, #tpu.memory_space<vmem>>[vector<16xi32>], vector<16xf32>,
        %mul3A_632 = arith.constant 16 : i32
        %mul3A_633 = arith.muli %scan3A_620, %mul3A_632 : i32
        %add3A_634 = vector.broadcast %mul3A_633 : i32 to vector<16xi32>
        %add3A_635 = arith.addi %iota3A, %add3A_634 : vector<16xi32>
        %mul3A_636 = vector.broadcast %squeeze3A : f32 to vector<16xf32>
        %mul3A_637 = arith.mulf %gather3A, %mul3A_636 : vector<16xf32>
        %mul3A_638 = vector.broadcast %squeeze3A_534 : f32 to vector<16xf32>
        %mul3A_639 = arith.mulf %gather3A_631, %mul3A_638 : vector<16xf32>
        %add3A_640 = arith.addf %mul3A_637, %mul3A_639 : vector<16xf32>
        %mul3A_641 = arith.constant 2.000000e-01 : f32
        %mul3A_642 = vector.broadcast %mul3A_641 : f32 to vector<16xf32>
        %mul3A_643 = arith.mulf %mul3A_642, %add3A_640 : vector<16xf32>
        %max3A = arith.maximumf %add3A_640, %mul3A_643 : vector<16xf32>
        %exp3A = math.exp %max3A : vector<16xf32>
        %broadcast_in_dim3A_644 = arith.constant 0 : i32
        %broadcast_in_dim3A_645 = vector.broadcast %broadcast_in_dim3A_644 : i32 to vector<16xi32>
        tpu.vector_store_idx %arg10[%add3A_635, %broadcast_in_dim3A_645], %exp3A : memref<128x16xf32, #tpu.memory_space<vmem>>[vector<16xi32>, vector<16xi32>], vector<16xf32>,
        %broadcast_in_dim3A_646 = arith.constant 8 : i32
        %broadcast_in_dim3A_647 = vector.broadcast %broadcast_in_dim3A_646 : i32 to vector<16xi32>
        %mul3A_648 = arith.mulf %exp3A, %gather3A : vector<16xf32>
        tpu.vector_store_idx %arg10[%add3A_635, %broadcast_in_dim3A_647], %mul3A_648 : memref<128x16xf32, #tpu.memory_space<vmem>>[vector<16xi32>, vector<16xi32>], vector<16xf32>,
        %mul3A_649 = vector.broadcast %squeeze3A_520 : f32 to vector<16xf32>
        %mul3A_650 = arith.mulf %gather3A, %mul3A_649 : vector<16xf32>
        %mul3A_651 = vector.broadcast %squeeze3A_536 : f32 to vector<16xf32>
        %mul3A_652 = arith.mulf %gather3A_631, %mul3A_651 : vector<16xf32>
        %add3A_653 = arith.addf %mul3A_650, %mul3A_652 : vector<16xf32>
        %mul3A_654 = arith.constant 2.000000e-01 : f32
        %mul3A_655 = vector.broadcast %mul3A_654 : f32 to vector<16xf32>
        %mul3A_656 = arith.mulf %mul3A_655, %add3A_653 : vector<16xf32>
        %max3A_657 = arith.maximumf %add3A_653, %mul3A_656 : vector<16xf32>
        %exp3A_658 = math.exp %max3A_657 : vector<16xf32>
        %broadcast_in_dim3A_659 = arith.constant 1 : i32
        %broadcast_in_dim3A_660 = vector.broadcast %broadcast_in_dim3A_659 : i32 to vector<16xi32>
        tpu.vector_store_idx %arg10[%add3A_635, %broadcast_in_dim3A_660], %exp3A_658 : memref<128x16xf32, #tpu.memory_space<vmem>>[vector<16xi32>, vector<16xi32>], vector<16xf32>,
        %broadcast_in_dim3A_661 = arith.constant 9 : i32
        %broadcast_in_dim3A_662 = vector.broadcast %broadcast_in_dim3A_661 : i32 to vector<16xi32>
        %mul3A_663 = arith.mulf %exp3A_658, %gather3A : vector<16xf32>
        tpu.vector_store_idx %arg10[%add3A_635, %broadcast_in_dim3A_662], %mul3A_663 : memref<128x16xf32, #tpu.memory_space<vmem>>[vector<16xi32>, vector<16xi32>], vector<16xf32>,
        %mul3A_664 = vector.broadcast %squeeze3A_522 : f32 to vector<16xf32>
        %mul3A_665 = arith.mulf %gather3A, %mul3A_664 : vector<16xf32>
        %mul3A_666 = vector.broadcast %squeeze3A_538 : f32 to vector<16xf32>
        %mul3A_667 = arith.mulf %gather3A_631, %mul3A_666 : vector<16xf32>
        %add3A_668 = arith.addf %mul3A_665, %mul3A_667 : vector<16xf32>
        %mul3A_669 = arith.constant 2.000000e-01 : f32
        %mul3A_670 = vector.broadcast %mul3A_669 : f32 to vector<16xf32>
        %mul3A_671 = arith.mulf %mul3A_670, %add3A_668 : vector<16xf32>
        %max3A_672 = arith.maximumf %add3A_668, %mul3A_671 : vector<16xf32>
        %exp3A_673 = math.exp %max3A_672 : vector<16xf32>
        %broadcast_in_dim3A_674 = arith.constant 2 : i32
        %broadcast_in_dim3A_675 = vector.broadcast %broadcast_in_dim3A_674 : i32 to vector<16xi32>
        tpu.vector_store_idx %arg10[%add3A_635, %broadcast_in_dim3A_675], %exp3A_673 : memref<128x16xf32, #tpu.memory_space<vmem>>[vector<16xi32>, vector<16xi32>], vector<16xf32>,
        %broadcast_in_dim3A_676 = arith.constant 10 : i32
        %broadcast_in_dim3A_677 = vector.broadcast %broadcast_in_dim3A_676 : i32 to vector<16xi32>
        %mul3A_678 = arith.mulf %exp3A_673, %gather3A : vector<16xf32>
        tpu.vector_store_idx %arg10[%add3A_635, %broadcast_in_dim3A_677], %mul3A_678 : memref<128x16xf32, #tpu.memory_space<vmem>>[vector<16xi32>, vector<16xi32>], vector<16xf32>,
        %mul3A_679 = vector.broadcast %squeeze3A_524 : f32 to vector<16xf32>
        %mul3A_680 = arith.mulf %gather3A, %mul3A_679 : vector<16xf32>
        %mul3A_681 = vector.broadcast %squeeze3A_540 : f32 to vector<16xf32>
        %mul3A_682 = arith.mulf %gather3A_631, %mul3A_681 : vector<16xf32>
        %add3A_683 = arith.addf %mul3A_680, %mul3A_682 : vector<16xf32>
        %mul3A_684 = arith.constant 2.000000e-01 : f32
        %mul3A_685 = vector.broadcast %mul3A_684 : f32 to vector<16xf32>
        %mul3A_686 = arith.mulf %mul3A_685, %add3A_683 : vector<16xf32>
        %max3A_687 = arith.maximumf %add3A_683, %mul3A_686 : vector<16xf32>
        %exp3A_688 = math.exp %max3A_687 : vector<16xf32>
        %broadcast_in_dim3A_689 = arith.constant 3 : i32
        %broadcast_in_dim3A_690 = vector.broadcast %broadcast_in_dim3A_689 : i32 to vector<16xi32>
        tpu.vector_store_idx %arg10[%add3A_635, %broadcast_in_dim3A_690], %exp3A_688 : memref<128x16xf32, #tpu.memory_space<vmem>>[vector<16xi32>, vector<16xi32>], vector<16xf32>,
        %broadcast_in_dim3A_691 = arith.constant 11 : i32
        %broadcast_in_dim3A_692 = vector.broadcast %broadcast_in_dim3A_691 : i32 to vector<16xi32>
        %mul3A_693 = arith.mulf %exp3A_688, %gather3A : vector<16xf32>
        tpu.vector_store_idx %arg10[%add3A_635, %broadcast_in_dim3A_692], %mul3A_693 : memref<128x16xf32, #tpu.memory_space<vmem>>[vector<16xi32>, vector<16xi32>], vector<16xf32>,
        %mul3A_694 = vector.broadcast %squeeze3A_526 : f32 to vector<16xf32>
        %mul3A_695 = arith.mulf %gather3A, %mul3A_694 : vector<16xf32>
        %mul3A_696 = vector.broadcast %squeeze3A_542 : f32 to vector<16xf32>
        %mul3A_697 = arith.mulf %gather3A_631, %mul3A_696 : vector<16xf32>
        %add3A_698 = arith.addf %mul3A_695, %mul3A_697 : vector<16xf32>
        %mul3A_699 = arith.constant 2.000000e-01 : f32
        %mul3A_700 = vector.broadcast %mul3A_699 : f32 to vector<16xf32>
        %mul3A_701 = arith.mulf %mul3A_700, %add3A_698 : vector<16xf32>
        %max3A_702 = arith.maximumf %add3A_698, %mul3A_701 : vector<16xf32>
        %exp3A_703 = math.exp %max3A_702 : vector<16xf32>
        %broadcast_in_dim3A_704 = arith.constant 4 : i32
        %broadcast_in_dim3A_705 = vector.broadcast %broadcast_in_dim3A_704 : i32 to vector<16xi32>
        tpu.vector_store_idx %arg10[%add3A_635, %broadcast_in_dim3A_705], %exp3A_703 : memref<128x16xf32, #tpu.memory_space<vmem>>[vector<16xi32>, vector<16xi32>], vector<16xf32>,
        %broadcast_in_dim3A_706 = arith.constant 12 : i32
        %broadcast_in_dim3A_707 = vector.broadcast %broadcast_in_dim3A_706 : i32 to vector<16xi32>
        %mul3A_708 = arith.mulf %exp3A_703, %gather3A : vector<16xf32>
        tpu.vector_store_idx %arg10[%add3A_635, %broadcast_in_dim3A_707], %mul3A_708 : memref<128x16xf32, #tpu.memory_space<vmem>>[vector<16xi32>, vector<16xi32>], vector<16xf32>,
        %mul3A_709 = vector.broadcast %squeeze3A_528 : f32 to vector<16xf32>
        %mul3A_710 = arith.mulf %gather3A, %mul3A_709 : vector<16xf32>
        %mul3A_711 = vector.broadcast %squeeze3A_544 : f32 to vector<16xf32>
        %mul3A_712 = arith.mulf %gather3A_631, %mul3A_711 : vector<16xf32>
        %add3A_713 = arith.addf %mul3A_710, %mul3A_712 : vector<16xf32>
        %mul3A_714 = arith.constant 2.000000e-01 : f32
        %mul3A_715 = vector.broadcast %mul3A_714 : f32 to vector<16xf32>
        %mul3A_716 = arith.mulf %mul3A_715, %add3A_713 : vector<16xf32>
        %max3A_717 = arith.maximumf %add3A_713, %mul3A_716 : vector<16xf32>
        %exp3A_718 = math.exp %max3A_717 : vector<16xf32>
        %broadcast_in_dim3A_719 = arith.constant 5 : i32
        %broadcast_in_dim3A_720 = vector.broadcast %broadcast_in_dim3A_719 : i32 to vector<16xi32>
        tpu.vector_store_idx %arg10[%add3A_635, %broadcast_in_dim3A_720], %exp3A_718 : memref<128x16xf32, #tpu.memory_space<vmem>>[vector<16xi32>, vector<16xi32>], vector<16xf32>,
        %broadcast_in_dim3A_721 = arith.constant 13 : i32
        %broadcast_in_dim3A_722 = vector.broadcast %broadcast_in_dim3A_721 : i32 to vector<16xi32>
        %mul3A_723 = arith.mulf %exp3A_718, %gather3A : vector<16xf32>
        tpu.vector_store_idx %arg10[%add3A_635, %broadcast_in_dim3A_722], %mul3A_723 : memref<128x16xf32, #tpu.memory_space<vmem>>[vector<16xi32>, vector<16xi32>], vector<16xf32>,
        %mul3A_724 = vector.broadcast %squeeze3A_530 : f32 to vector<16xf32>
        %mul3A_725 = arith.mulf %gather3A, %mul3A_724 : vector<16xf32>
        %mul3A_726 = vector.broadcast %squeeze3A_546 : f32 to vector<16xf32>
        %mul3A_727 = arith.mulf %gather3A_631, %mul3A_726 : vector<16xf32>
        %add3A_728 = arith.addf %mul3A_725, %mul3A_727 : vector<16xf32>
        %mul3A_729 = arith.constant 2.000000e-01 : f32
        %mul3A_730 = vector.broadcast %mul3A_729 : f32 to vector<16xf32>
        %mul3A_731 = arith.mulf %mul3A_730, %add3A_728 : vector<16xf32>
        %max3A_732 = arith.maximumf %add3A_728, %mul3A_731 : vector<16xf32>
        %exp3A_733 = math.exp %max3A_732 : vector<16xf32>
        %broadcast_in_dim3A_734 = arith.constant 6 : i32
        %broadcast_in_dim3A_735 = vector.broadcast %broadcast_in_dim3A_734 : i32 to vector<16xi32>
        tpu.vector_store_idx %arg10[%add3A_635, %broadcast_in_dim3A_735], %exp3A_733 : memref<128x16xf32, #tpu.memory_space<vmem>>[vector<16xi32>, vector<16xi32>], vector<16xf32>,
        %broadcast_in_dim3A_736 = arith.constant 14 : i32
        %broadcast_in_dim3A_737 = vector.broadcast %broadcast_in_dim3A_736 : i32 to vector<16xi32>
        %mul3A_738 = arith.mulf %exp3A_733, %gather3A : vector<16xf32>
        tpu.vector_store_idx %arg10[%add3A_635, %broadcast_in_dim3A_737], %mul3A_738 : memref<128x16xf32, #tpu.memory_space<vmem>>[vector<16xi32>, vector<16xi32>], vector<16xf32>,
        %mul3A_739 = vector.broadcast %squeeze3A_532 : f32 to vector<16xf32>
        %mul3A_740 = arith.mulf %gather3A, %mul3A_739 : vector<16xf32>
        %mul3A_741 = vector.broadcast %squeeze3A_548 : f32 to vector<16xf32>
        %mul3A_742 = arith.mulf %gather3A_631, %mul3A_741 : vector<16xf32>
        %add3A_743 = arith.addf %mul3A_740, %mul3A_742 : vector<16xf32>
        %mul3A_744 = arith.constant 2.000000e-01 : f32
        %mul3A_745 = vector.broadcast %mul3A_744 : f32 to vector<16xf32>
        %mul3A_746 = arith.mulf %mul3A_745, %add3A_743 : vector<16xf32>
        %max3A_747 = arith.maximumf %add3A_743, %mul3A_746 : vector<16xf32>
        %exp3A_748 = math.exp %max3A_747 : vector<16xf32>
        %broadcast_in_dim3A_749 = arith.constant 7 : i32
        %broadcast_in_dim3A_750 = vector.broadcast %broadcast_in_dim3A_749 : i32 to vector<16xi32>
        tpu.vector_store_idx %arg10[%add3A_635, %broadcast_in_dim3A_750], %exp3A_748 : memref<128x16xf32, #tpu.memory_space<vmem>>[vector<16xi32>, vector<16xi32>], vector<16xf32>,
        %broadcast_in_dim3A_751 = arith.constant 15 : i32
        %broadcast_in_dim3A_752 = vector.broadcast %broadcast_in_dim3A_751 : i32 to vector<16xi32>
        %mul3A_753 = arith.mulf %exp3A_748, %gather3A : vector<16xf32>
        tpu.vector_store_idx %arg10[%add3A_635, %broadcast_in_dim3A_752], %mul3A_753 : memref<128x16xf32, #tpu.memory_space<vmem>>[vector<16xi32>, vector<16xi32>], vector<16xf32>,
      }
      %scan3A_619 = arith.constant 8 : i32
      "tpu.region"() ({
        %run_scoped3A = tpu.sem_alloc : memref<!tpu.dma_semaphore, #tpu.memory_space<semaphore_mem>>
        %dma_start3A = arith.constant 0 : i32
        %dma_start3A_620 = tpu.memref_slice %arg9[%scan3A_613, %dma_start3A] : memref<40x128xi32, #tpu.memory_space<vmem>> -> memref<1x128xi32, #tpu.memory_space<vmem>>
        %dma_start3A_621 = tpu.memref_squeeze %dma_start3A_620 : memref<1x128xi32, #tpu.memory_space<vmem>> -> memref<128xi32, #tpu.memory_space<vmem>>
        %dma_start3A_622 = arith.constant 0 : i32
        %dma_start3A_623 = arith.constant 0 : i32
        %dma_start3A_624 = tpu.memref_slice %arg14[%dma_start3A_622, %dma_start3A_623] : memref<51200x16xf32, #tpu.memory_space<vmem_shared>> -> memref<51200x16xf32, #tpu.memory_space<vmem_shared>>
        tpu.enqueue_indirect_dma source(%arg10 : memref<128x16xf32, #tpu.memory_space<vmem>>) target(%dma_start3A_624 : memref<51200x16xf32, #tpu.memory_space<vmem_shared>>) offsets(%dma_start3A_621 : memref<128xi32, #tpu.memory_space<vmem>>) semaphore(%run_scoped3A : memref<!tpu.dma_semaphore, #tpu.memory_space<semaphore_mem>>) {add = true}
        %dma_wait3A = arith.constant 0 : i32
        %dma_wait3A_625 = tpu.memref_slice %arg9[%scan3A_613, %dma_wait3A] : memref<40x128xi32, #tpu.memory_space<vmem>> -> memref<1x128xi32, #tpu.memory_space<vmem>>
        %dma_wait3A_626 = tpu.memref_squeeze %dma_wait3A_625 : memref<1x128xi32, #tpu.memory_space<vmem>> -> memref<128xi32, #tpu.memory_space<vmem>>
        %dma_wait3A_627 = arith.constant 0 : i32
        %dma_wait3A_628 = arith.constant 0 : i32
        %dma_wait3A_629 = tpu.memref_slice %arg14[%dma_wait3A_627, %dma_wait3A_628] : memref<51200x16xf32, #tpu.memory_space<vmem_shared>> -> memref<51200x16xf32, #tpu.memory_space<vmem_shared>>
        tpu.wait_indirect_dma semaphore(%run_scoped3A : memref<!tpu.dma_semaphore, #tpu.memory_space<semaphore_mem>>) src(%arg10 : memref<128x16xf32, #tpu.memory_space<vmem>>) dst(%dma_wait3A_629 : memref<51200x16xf32, #tpu.memory_space<vmem_shared>>)
        tpu.yield
      }) : () -> ()
    }
    %scan3A_558 = arith.constant 40 : i32
    %mul3A_559 = arith.constant 200 : i32
    %mul3A_560 = arith.muli %add3A, %mul3A_559 : i32
    %add3A_561 = arith.constant 40 : i32
    %add3A_562 = arith.addi %mul3A_560, %add3A_561 : i32
    "tpu.region"() ({
      %run_scoped3A = tpu.sem_alloc : memref<!tpu.dma_semaphore, #tpu.memory_space<semaphore_mem>>
      %dma_start3A = arith.constant 0 : i32
      %dma_start3A_613 = tpu.memref_slice %arg3[%add3A_562, %dma_start3A] : memref<6400x128xi32, #tpu.memory_space<hbm>> -> memref<40x128xi32, #tpu.memory_space<hbm>>
      %dma_start3A_614 = arith.constant 0 : i32
      %dma_start3A_615 = tpu.memref_slice %arg3[%add3A_562, %dma_start3A_614] : memref<6400x128xi32, #tpu.memory_space<hbm>> -> memref<40x128xi32, #tpu.memory_space<hbm>>
      tpu.enqueue_dma source(%dma_start3A_615 : memref<40x128xi32, #tpu.memory_space<hbm>>) target(%arg8 : memref<40x128xi32, #tpu.memory_space<vmem>>) target_semaphore(%run_scoped3A : memref<!tpu.dma_semaphore, #tpu.memory_space<semaphore_mem>>)
      %dma_wait3A = arith.constant 0 : i32
      %dma_wait3A_616 = tpu.memref_slice %arg3[%add3A_562, %dma_wait3A] : memref<6400x128xi32, #tpu.memory_space<hbm>> -> memref<40x128xi32, #tpu.memory_space<hbm>>
      %dma_wait3A_617 = arith.constant 0 : i32
      %dma_wait3A_618 = tpu.memref_slice %arg3[%add3A_562, %dma_wait3A_617] : memref<6400x128xi32, #tpu.memory_space<hbm>> -> memref<40x128xi32, #tpu.memory_space<hbm>>
      tpu.wait_dma2 semaphore(%run_scoped3A : memref<!tpu.dma_semaphore, #tpu.memory_space<semaphore_mem>>) src(%dma_wait3A_618 : memref<40x128xi32, #tpu.memory_space<hbm>>) dst(%arg8 : memref<40x128xi32, #tpu.memory_space<vmem>>)
      tpu.yield
    }) : () -> ()
    "tpu.region"() ({
      %run_scoped3A = tpu.sem_alloc : memref<!tpu.dma_semaphore, #tpu.memory_space<semaphore_mem>>
      %dma_start3A = arith.constant 0 : i32
      %dma_start3A_613 = tpu.memref_slice %arg4[%add3A_562, %dma_start3A] : memref<6400x128xi32, #tpu.memory_space<hbm>> -> memref<40x128xi32, #tpu.memory_space<hbm>>
      %dma_start3A_614 = arith.constant 0 : i32
      %dma_start3A_615 = tpu.memref_slice %arg4[%add3A_562, %dma_start3A_614] : memref<6400x128xi32, #tpu.memory_space<hbm>> -> memref<40x128xi32, #tpu.memory_space<hbm>>
      tpu.enqueue_dma source(%dma_start3A_615 : memref<40x128xi32, #tpu.memory_space<hbm>>) target(%arg9 : memref<40x128xi32, #tpu.memory_space<vmem>>) target_semaphore(%run_scoped3A : memref<!tpu.dma_semaphore, #tpu.memory_space<semaphore_mem>>)
      %dma_wait3A = arith.constant 0 : i32
      %dma_wait3A_616 = tpu.memref_slice %arg4[%add3A_562, %dma_wait3A] : memref<6400x128xi32, #tpu.memory_space<hbm>> -> memref<40x128xi32, #tpu.memory_space<hbm>>
      %dma_wait3A_617 = arith.constant 0 : i32
      %dma_wait3A_618 = tpu.memref_slice %arg4[%add3A_562, %dma_wait3A_617] : memref<6400x128xi32, #tpu.memory_space<hbm>> -> memref<40x128xi32, #tpu.memory_space<hbm>>
      tpu.wait_dma2 semaphore(%run_scoped3A : memref<!tpu.dma_semaphore, #tpu.memory_space<semaphore_mem>>) src(%dma_wait3A_618 : memref<40x128xi32, #tpu.memory_space<hbm>>) dst(%arg9 : memref<40x128xi32, #tpu.memory_space<vmem>>)
      tpu.yield
    }) : () -> ()
    %scan3A_563 = arith.constant 0 : i32
    %scan3A_564 = arith.constant 0 : i32
    %scan3A_565 = arith.constant 40 : i32
    %scan3A_566 = arith.addi %scan3A_564, %scan3A_565 : i32
    %scan3A_567 = arith.constant 1 : i32
    scf.for %scan3A_613 = %scan3A_564 to %scan3A_566 step %scan3A_567  : i32 {
      %scan3A_614 = arith.constant 0 : i32
      %scan3A_615 = arith.constant 0 : i32
      %scan3A_616 = arith.constant 8 : i32
      %scan3A_617 = arith.addi %scan3A_615, %scan3A_616 : i32
      %scan3A_618 = arith.constant 1 : i32
      scf.for %scan3A_620 = %scan3A_615 to %scan3A_617 step %scan3A_618  : i32 {
        %mul3A_621 = arith.constant 16 : i32
        %mul3A_622 = arith.muli %scan3A_620, %mul3A_621 : i32
        %get3A_623 = arith.index_cast %scan3A_613 : i32 to index
        %get3A_624 = arith.index_cast %mul3A_622 : i32 to index
        %get3A_625 = tpu.vector_load %arg8[%get3A_623, %get3A_624] {strides = array<i32>} : memref<40x128xi32, #tpu.memory_space<vmem>>, vector<16xi32>,
        %mul3A_626 = arith.constant 16 : i32
        %mul3A_627 = arith.muli %scan3A_620, %mul3A_626 : i32
        %get3A_628 = arith.index_cast %scan3A_613 : i32 to index
        %get3A_629 = arith.index_cast %mul3A_627 : i32 to index
        %get3A_630 = tpu.vector_load %arg9[%get3A_628, %get3A_629] {strides = array<i32>} : memref<40x128xi32, #tpu.memory_space<vmem>>, vector<16xi32>,
        %gather3A = tpu.vector_load_idx %arg7[%get3A_625] : memref<50048xf32, #tpu.memory_space<vmem>>[vector<16xi32>], vector<16xf32>,
        %gather3A_631 = tpu.vector_load_idx %arg7[%get3A_630] : memref<50048xf32, #tpu.memory_space<vmem>>[vector<16xi32>], vector<16xf32>,
        %mul3A_632 = arith.constant 16 : i32
        %mul3A_633 = arith.muli %scan3A_620, %mul3A_632 : i32
        %add3A_634 = vector.broadcast %mul3A_633 : i32 to vector<16xi32>
        %add3A_635 = arith.addi %iota3A, %add3A_634 : vector<16xi32>
        %mul3A_636 = vector.broadcast %squeeze3A : f32 to vector<16xf32>
        %mul3A_637 = arith.mulf %gather3A, %mul3A_636 : vector<16xf32>
        %mul3A_638 = vector.broadcast %squeeze3A_534 : f32 to vector<16xf32>
        %mul3A_639 = arith.mulf %gather3A_631, %mul3A_638 : vector<16xf32>
        %add3A_640 = arith.addf %mul3A_637, %mul3A_639 : vector<16xf32>
        %mul3A_641 = arith.constant 2.000000e-01 : f32
        %mul3A_642 = vector.broadcast %mul3A_641 : f32 to vector<16xf32>
        %mul3A_643 = arith.mulf %mul3A_642, %add3A_640 : vector<16xf32>
        %max3A = arith.maximumf %add3A_640, %mul3A_643 : vector<16xf32>
        %exp3A = math.exp %max3A : vector<16xf32>
        %broadcast_in_dim3A_644 = arith.constant 0 : i32
        %broadcast_in_dim3A_645 = vector.broadcast %broadcast_in_dim3A_644 : i32 to vector<16xi32>
        tpu.vector_store_idx %arg10[%add3A_635, %broadcast_in_dim3A_645], %exp3A : memref<128x16xf32, #tpu.memory_space<vmem>>[vector<16xi32>, vector<16xi32>], vector<16xf32>,
        %broadcast_in_dim3A_646 = arith.constant 8 : i32
        %broadcast_in_dim3A_647 = vector.broadcast %broadcast_in_dim3A_646 : i32 to vector<16xi32>
        %mul3A_648 = arith.mulf %exp3A, %gather3A : vector<16xf32>
        tpu.vector_store_idx %arg10[%add3A_635, %broadcast_in_dim3A_647], %mul3A_648 : memref<128x16xf32, #tpu.memory_space<vmem>>[vector<16xi32>, vector<16xi32>], vector<16xf32>,
        %mul3A_649 = vector.broadcast %squeeze3A_520 : f32 to vector<16xf32>
        %mul3A_650 = arith.mulf %gather3A, %mul3A_649 : vector<16xf32>
        %mul3A_651 = vector.broadcast %squeeze3A_536 : f32 to vector<16xf32>
        %mul3A_652 = arith.mulf %gather3A_631, %mul3A_651 : vector<16xf32>
        %add3A_653 = arith.addf %mul3A_650, %mul3A_652 : vector<16xf32>
        %mul3A_654 = arith.constant 2.000000e-01 : f32
        %mul3A_655 = vector.broadcast %mul3A_654 : f32 to vector<16xf32>
        %mul3A_656 = arith.mulf %mul3A_655, %add3A_653 : vector<16xf32>
        %max3A_657 = arith.maximumf %add3A_653, %mul3A_656 : vector<16xf32>
        %exp3A_658 = math.exp %max3A_657 : vector<16xf32>
        %broadcast_in_dim3A_659 = arith.constant 1 : i32
        %broadcast_in_dim3A_660 = vector.broadcast %broadcast_in_dim3A_659 : i32 to vector<16xi32>
        tpu.vector_store_idx %arg10[%add3A_635, %broadcast_in_dim3A_660], %exp3A_658 : memref<128x16xf32, #tpu.memory_space<vmem>>[vector<16xi32>, vector<16xi32>], vector<16xf32>,
        %broadcast_in_dim3A_661 = arith.constant 9 : i32
        %broadcast_in_dim3A_662 = vector.broadcast %broadcast_in_dim3A_661 : i32 to vector<16xi32>
        %mul3A_663 = arith.mulf %exp3A_658, %gather3A : vector<16xf32>
        tpu.vector_store_idx %arg10[%add3A_635, %broadcast_in_dim3A_662], %mul3A_663 : memref<128x16xf32, #tpu.memory_space<vmem>>[vector<16xi32>, vector<16xi32>], vector<16xf32>,
        %mul3A_664 = vector.broadcast %squeeze3A_522 : f32 to vector<16xf32>
        %mul3A_665 = arith.mulf %gather3A, %mul3A_664 : vector<16xf32>
        %mul3A_666 = vector.broadcast %squeeze3A_538 : f32 to vector<16xf32>
        %mul3A_667 = arith.mulf %gather3A_631, %mul3A_666 : vector<16xf32>
        %add3A_668 = arith.addf %mul3A_665, %mul3A_667 : vector<16xf32>
        %mul3A_669 = arith.constant 2.000000e-01 : f32
        %mul3A_670 = vector.broadcast %mul3A_669 : f32 to vector<16xf32>
        %mul3A_671 = arith.mulf %mul3A_670, %add3A_668 : vector<16xf32>
        %max3A_672 = arith.maximumf %add3A_668, %mul3A_671 : vector<16xf32>
        %exp3A_673 = math.exp %max3A_672 : vector<16xf32>
        %broadcast_in_dim3A_674 = arith.constant 2 : i32
        %broadcast_in_dim3A_675 = vector.broadcast %broadcast_in_dim3A_674 : i32 to vector<16xi32>
        tpu.vector_store_idx %arg10[%add3A_635, %broadcast_in_dim3A_675], %exp3A_673 : memref<128x16xf32, #tpu.memory_space<vmem>>[vector<16xi32>, vector<16xi32>], vector<16xf32>,
        %broadcast_in_dim3A_676 = arith.constant 10 : i32
        %broadcast_in_dim3A_677 = vector.broadcast %broadcast_in_dim3A_676 : i32 to vector<16xi32>
        %mul3A_678 = arith.mulf %exp3A_673, %gather3A : vector<16xf32>
        tpu.vector_store_idx %arg10[%add3A_635, %broadcast_in_dim3A_677], %mul3A_678 : memref<128x16xf32, #tpu.memory_space<vmem>>[vector<16xi32>, vector<16xi32>], vector<16xf32>,
        %mul3A_679 = vector.broadcast %squeeze3A_524 : f32 to vector<16xf32>
        %mul3A_680 = arith.mulf %gather3A, %mul3A_679 : vector<16xf32>
        %mul3A_681 = vector.broadcast %squeeze3A_540 : f32 to vector<16xf32>
        %mul3A_682 = arith.mulf %gather3A_631, %mul3A_681 : vector<16xf32>
        %add3A_683 = arith.addf %mul3A_680, %mul3A_682 : vector<16xf32>
        %mul3A_684 = arith.constant 2.000000e-01 : f32
        %mul3A_685 = vector.broadcast %mul3A_684 : f32 to vector<16xf32>
        %mul3A_686 = arith.mulf %mul3A_685, %add3A_683 : vector<16xf32>
        %max3A_687 = arith.maximumf %add3A_683, %mul3A_686 : vector<16xf32>
        %exp3A_688 = math.exp %max3A_687 : vector<16xf32>
        %broadcast_in_dim3A_689 = arith.constant 3 : i32
        %broadcast_in_dim3A_690 = vector.broadcast %broadcast_in_dim3A_689 : i32 to vector<16xi32>
        tpu.vector_store_idx %arg10[%add3A_635, %broadcast_in_dim3A_690], %exp3A_688 : memref<128x16xf32, #tpu.memory_space<vmem>>[vector<16xi32>, vector<16xi32>], vector<16xf32>,
        %broadcast_in_dim3A_691 = arith.constant 11 : i32
        %broadcast_in_dim3A_692 = vector.broadcast %broadcast_in_dim3A_691 : i32 to vector<16xi32>
        %mul3A_693 = arith.mulf %exp3A_688, %gather3A : vector<16xf32>
        tpu.vector_store_idx %arg10[%add3A_635, %broadcast_in_dim3A_692], %mul3A_693 : memref<128x16xf32, #tpu.memory_space<vmem>>[vector<16xi32>, vector<16xi32>], vector<16xf32>,
        %mul3A_694 = vector.broadcast %squeeze3A_526 : f32 to vector<16xf32>
        %mul3A_695 = arith.mulf %gather3A, %mul3A_694 : vector<16xf32>
        %mul3A_696 = vector.broadcast %squeeze3A_542 : f32 to vector<16xf32>
        %mul3A_697 = arith.mulf %gather3A_631, %mul3A_696 : vector<16xf32>
        %add3A_698 = arith.addf %mul3A_695, %mul3A_697 : vector<16xf32>
        %mul3A_699 = arith.constant 2.000000e-01 : f32
        %mul3A_700 = vector.broadcast %mul3A_699 : f32 to vector<16xf32>
        %mul3A_701 = arith.mulf %mul3A_700, %add3A_698 : vector<16xf32>
        %max3A_702 = arith.maximumf %add3A_698, %mul3A_701 : vector<16xf32>
        %exp3A_703 = math.exp %max3A_702 : vector<16xf32>
        %broadcast_in_dim3A_704 = arith.constant 4 : i32
        %broadcast_in_dim3A_705 = vector.broadcast %broadcast_in_dim3A_704 : i32 to vector<16xi32>
        tpu.vector_store_idx %arg10[%add3A_635, %broadcast_in_dim3A_705], %exp3A_703 : memref<128x16xf32, #tpu.memory_space<vmem>>[vector<16xi32>, vector<16xi32>], vector<16xf32>,
        %broadcast_in_dim3A_706 = arith.constant 12 : i32
        %broadcast_in_dim3A_707 = vector.broadcast %broadcast_in_dim3A_706 : i32 to vector<16xi32>
        %mul3A_708 = arith.mulf %exp3A_703, %gather3A : vector<16xf32>
        tpu.vector_store_idx %arg10[%add3A_635, %broadcast_in_dim3A_707], %mul3A_708 : memref<128x16xf32, #tpu.memory_space<vmem>>[vector<16xi32>, vector<16xi32>], vector<16xf32>,
        %mul3A_709 = vector.broadcast %squeeze3A_528 : f32 to vector<16xf32>
        %mul3A_710 = arith.mulf %gather3A, %mul3A_709 : vector<16xf32>
        %mul3A_711 = vector.broadcast %squeeze3A_544 : f32 to vector<16xf32>
        %mul3A_712 = arith.mulf %gather3A_631, %mul3A_711 : vector<16xf32>
        %add3A_713 = arith.addf %mul3A_710, %mul3A_712 : vector<16xf32>
        %mul3A_714 = arith.constant 2.000000e-01 : f32
        %mul3A_715 = vector.broadcast %mul3A_714 : f32 to vector<16xf32>
        %mul3A_716 = arith.mulf %mul3A_715, %add3A_713 : vector<16xf32>
        %max3A_717 = arith.maximumf %add3A_713, %mul3A_716 : vector<16xf32>
        %exp3A_718 = math.exp %max3A_717 : vector<16xf32>
        %broadcast_in_dim3A_719 = arith.constant 5 : i32
        %broadcast_in_dim3A_720 = vector.broadcast %broadcast_in_dim3A_719 : i32 to vector<16xi32>
        tpu.vector_store_idx %arg10[%add3A_635, %broadcast_in_dim3A_720], %exp3A_718 : memref<128x16xf32, #tpu.memory_space<vmem>>[vector<16xi32>, vector<16xi32>], vector<16xf32>,
        %broadcast_in_dim3A_721 = arith.constant 13 : i32
        %broadcast_in_dim3A_722 = vector.broadcast %broadcast_in_dim3A_721 : i32 to vector<16xi32>
        %mul3A_723 = arith.mulf %exp3A_718, %gather3A : vector<16xf32>
        tpu.vector_store_idx %arg10[%add3A_635, %broadcast_in_dim3A_722], %mul3A_723 : memref<128x16xf32, #tpu.memory_space<vmem>>[vector<16xi32>, vector<16xi32>], vector<16xf32>,
        %mul3A_724 = vector.broadcast %squeeze3A_530 : f32 to vector<16xf32>
        %mul3A_725 = arith.mulf %gather3A, %mul3A_724 : vector<16xf32>
        %mul3A_726 = vector.broadcast %squeeze3A_546 : f32 to vector<16xf32>
        %mul3A_727 = arith.mulf %gather3A_631, %mul3A_726 : vector<16xf32>
        %add3A_728 = arith.addf %mul3A_725, %mul3A_727 : vector<16xf32>
        %mul3A_729 = arith.constant 2.000000e-01 : f32
        %mul3A_730 = vector.broadcast %mul3A_729 : f32 to vector<16xf32>
        %mul3A_731 = arith.mulf %mul3A_730, %add3A_728 : vector<16xf32>
        %max3A_732 = arith.maximumf %add3A_728, %mul3A_731 : vector<16xf32>
        %exp3A_733 = math.exp %max3A_732 : vector<16xf32>
        %broadcast_in_dim3A_734 = arith.constant 6 : i32
        %broadcast_in_dim3A_735 = vector.broadcast %broadcast_in_dim3A_734 : i32 to vector<16xi32>
        tpu.vector_store_idx %arg10[%add3A_635, %broadcast_in_dim3A_735], %exp3A_733 : memref<128x16xf32, #tpu.memory_space<vmem>>[vector<16xi32>, vector<16xi32>], vector<16xf32>,
        %broadcast_in_dim3A_736 = arith.constant 14 : i32
        %broadcast_in_dim3A_737 = vector.broadcast %broadcast_in_dim3A_736 : i32 to vector<16xi32>
        %mul3A_738 = arith.mulf %exp3A_733, %gather3A : vector<16xf32>
        tpu.vector_store_idx %arg10[%add3A_635, %broadcast_in_dim3A_737], %mul3A_738 : memref<128x16xf32, #tpu.memory_space<vmem>>[vector<16xi32>, vector<16xi32>], vector<16xf32>,
        %mul3A_739 = vector.broadcast %squeeze3A_532 : f32 to vector<16xf32>
        %mul3A_740 = arith.mulf %gather3A, %mul3A_739 : vector<16xf32>
        %mul3A_741 = vector.broadcast %squeeze3A_548 : f32 to vector<16xf32>
        %mul3A_742 = arith.mulf %gather3A_631, %mul3A_741 : vector<16xf32>
        %add3A_743 = arith.addf %mul3A_740, %mul3A_742 : vector<16xf32>
        %mul3A_744 = arith.constant 2.000000e-01 : f32
        %mul3A_745 = vector.broadcast %mul3A_744 : f32 to vector<16xf32>
        %mul3A_746 = arith.mulf %mul3A_745, %add3A_743 : vector<16xf32>
        %max3A_747 = arith.maximumf %add3A_743, %mul3A_746 : vector<16xf32>
        %exp3A_748 = math.exp %max3A_747 : vector<16xf32>
        %broadcast_in_dim3A_749 = arith.constant 7 : i32
        %broadcast_in_dim3A_750 = vector.broadcast %broadcast_in_dim3A_749 : i32 to vector<16xi32>
        tpu.vector_store_idx %arg10[%add3A_635, %broadcast_in_dim3A_750], %exp3A_748 : memref<128x16xf32, #tpu.memory_space<vmem>>[vector<16xi32>, vector<16xi32>], vector<16xf32>,
        %broadcast_in_dim3A_751 = arith.constant 15 : i32
        %broadcast_in_dim3A_752 = vector.broadcast %broadcast_in_dim3A_751 : i32 to vector<16xi32>
        %mul3A_753 = arith.mulf %exp3A_748, %gather3A : vector<16xf32>
        tpu.vector_store_idx %arg10[%add3A_635, %broadcast_in_dim3A_752], %mul3A_753 : memref<128x16xf32, #tpu.memory_space<vmem>>[vector<16xi32>, vector<16xi32>], vector<16xf32>,
      }
      %scan3A_619 = arith.constant 8 : i32
      "tpu.region"() ({
        %run_scoped3A = tpu.sem_alloc : memref<!tpu.dma_semaphore, #tpu.memory_space<semaphore_mem>>
        %dma_start3A = arith.constant 0 : i32
        %dma_start3A_620 = tpu.memref_slice %arg9[%scan3A_613, %dma_start3A] : memref<40x128xi32, #tpu.memory_space<vmem>> -> memref<1x128xi32, #tpu.memory_space<vmem>>
        %dma_start3A_621 = tpu.memref_squeeze %dma_start3A_620 : memref<1x128xi32, #tpu.memory_space<vmem>> -> memref<128xi32, #tpu.memory_space<vmem>>
        %dma_start3A_622 = arith.constant 0 : i32
        %dma_start3A_623 = arith.constant 0 : i32
        %dma_start3A_624 = tpu.memref_slice %arg14[%dma_start3A_622, %dma_start3A_623] : memref<51200x16xf32, #tpu.memory_space<vmem_shared>> -> memref<51200x16xf32, #tpu.memory_space<vmem_shared>>
        tpu.enqueue_indirect_dma source(%arg10 : memref<128x16xf32, #tpu.memory_space<vmem>>) target(%dma_start3A_624 : memref<51200x16xf32, #tpu.memory_space<vmem_shared>>) offsets(%dma_start3A_621 : memref<128xi32, #tpu.memory_space<vmem>>) semaphore(%run_scoped3A : memref<!tpu.dma_semaphore, #tpu.memory_space<semaphore_mem>>) {add = true}
        %dma_wait3A = arith.constant 0 : i32
        %dma_wait3A_625 = tpu.memref_slice %arg9[%scan3A_613, %dma_wait3A] : memref<40x128xi32, #tpu.memory_space<vmem>> -> memref<1x128xi32, #tpu.memory_space<vmem>>
        %dma_wait3A_626 = tpu.memref_squeeze %dma_wait3A_625 : memref<1x128xi32, #tpu.memory_space<vmem>> -> memref<128xi32, #tpu.memory_space<vmem>>
        %dma_wait3A_627 = arith.constant 0 : i32
        %dma_wait3A_628 = arith.constant 0 : i32
        %dma_wait3A_629 = tpu.memref_slice %arg14[%dma_wait3A_627, %dma_wait3A_628] : memref<51200x16xf32, #tpu.memory_space<vmem_shared>> -> memref<51200x16xf32, #tpu.memory_space<vmem_shared>>
        tpu.wait_indirect_dma semaphore(%run_scoped3A : memref<!tpu.dma_semaphore, #tpu.memory_space<semaphore_mem>>) src(%arg10 : memref<128x16xf32, #tpu.memory_space<vmem>>) dst(%dma_wait3A_629 : memref<51200x16xf32, #tpu.memory_space<vmem_shared>>)
        tpu.yield
      }) : () -> ()
    }
    %scan3A_568 = arith.constant 40 : i32
    %mul3A_569 = arith.constant 200 : i32
    %mul3A_570 = arith.muli %add3A, %mul3A_569 : i32
    %add3A_571 = arith.constant 80 : i32
    %add3A_572 = arith.addi %mul3A_570, %add3A_571 : i32
    "tpu.region"() ({
      %run_scoped3A = tpu.sem_alloc : memref<!tpu.dma_semaphore, #tpu.memory_space<semaphore_mem>>
      %dma_start3A = arith.constant 0 : i32
      %dma_start3A_613 = tpu.memref_slice %arg3[%add3A_572, %dma_start3A] : memref<6400x128xi32, #tpu.memory_space<hbm>> -> memref<40x128xi32, #tpu.memory_space<hbm>>
      %dma_start3A_614 = arith.constant 0 : i32
      %dma_start3A_615 = tpu.memref_slice %arg3[%add3A_572, %dma_start3A_614] : memref<6400x128xi32, #tpu.memory_space<hbm>> -> memref<40x128xi32, #tpu.memory_space<hbm>>
      tpu.enqueue_dma source(%dma_start3A_615 : memref<40x128xi32, #tpu.memory_space<hbm>>) target(%arg8 : memref<40x128xi32, #tpu.memory_space<vmem>>) target_semaphore(%run_scoped3A : memref<!tpu.dma_semaphore, #tpu.memory_space<semaphore_mem>>)
      %dma_wait3A = arith.constant 0 : i32
      %dma_wait3A_616 = tpu.memref_slice %arg3[%add3A_572, %dma_wait3A] : memref<6400x128xi32, #tpu.memory_space<hbm>> -> memref<40x128xi32, #tpu.memory_space<hbm>>
      %dma_wait3A_617 = arith.constant 0 : i32
      %dma_wait3A_618 = tpu.memref_slice %arg3[%add3A_572, %dma_wait3A_617] : memref<6400x128xi32, #tpu.memory_space<hbm>> -> memref<40x128xi32, #tpu.memory_space<hbm>>
      tpu.wait_dma2 semaphore(%run_scoped3A : memref<!tpu.dma_semaphore, #tpu.memory_space<semaphore_mem>>) src(%dma_wait3A_618 : memref<40x128xi32, #tpu.memory_space<hbm>>) dst(%arg8 : memref<40x128xi32, #tpu.memory_space<vmem>>)
      tpu.yield
    }) : () -> ()
    "tpu.region"() ({
      %run_scoped3A = tpu.sem_alloc : memref<!tpu.dma_semaphore, #tpu.memory_space<semaphore_mem>>
      %dma_start3A = arith.constant 0 : i32
      %dma_start3A_613 = tpu.memref_slice %arg4[%add3A_572, %dma_start3A] : memref<6400x128xi32, #tpu.memory_space<hbm>> -> memref<40x128xi32, #tpu.memory_space<hbm>>
      %dma_start3A_614 = arith.constant 0 : i32
      %dma_start3A_615 = tpu.memref_slice %arg4[%add3A_572, %dma_start3A_614] : memref<6400x128xi32, #tpu.memory_space<hbm>> -> memref<40x128xi32, #tpu.memory_space<hbm>>
      tpu.enqueue_dma source(%dma_start3A_615 : memref<40x128xi32, #tpu.memory_space<hbm>>) target(%arg9 : memref<40x128xi32, #tpu.memory_space<vmem>>) target_semaphore(%run_scoped3A : memref<!tpu.dma_semaphore, #tpu.memory_space<semaphore_mem>>)
      %dma_wait3A = arith.constant 0 : i32
      %dma_wait3A_616 = tpu.memref_slice %arg4[%add3A_572, %dma_wait3A] : memref<6400x128xi32, #tpu.memory_space<hbm>> -> memref<40x128xi32, #tpu.memory_space<hbm>>
      %dma_wait3A_617 = arith.constant 0 : i32
      %dma_wait3A_618 = tpu.memref_slice %arg4[%add3A_572, %dma_wait3A_617] : memref<6400x128xi32, #tpu.memory_space<hbm>> -> memref<40x128xi32, #tpu.memory_space<hbm>>
      tpu.wait_dma2 semaphore(%run_scoped3A : memref<!tpu.dma_semaphore, #tpu.memory_space<semaphore_mem>>) src(%dma_wait3A_618 : memref<40x128xi32, #tpu.memory_space<hbm>>) dst(%arg9 : memref<40x128xi32, #tpu.memory_space<vmem>>)
      tpu.yield
    }) : () -> ()
    %scan3A_573 = arith.constant 0 : i32
    %scan3A_574 = arith.constant 0 : i32
    %scan3A_575 = arith.constant 40 : i32
    %scan3A_576 = arith.addi %scan3A_574, %scan3A_575 : i32
    %scan3A_577 = arith.constant 1 : i32
    scf.for %scan3A_613 = %scan3A_574 to %scan3A_576 step %scan3A_577  : i32 {
      %scan3A_614 = arith.constant 0 : i32
      %scan3A_615 = arith.constant 0 : i32
      %scan3A_616 = arith.constant 8 : i32
      %scan3A_617 = arith.addi %scan3A_615, %scan3A_616 : i32
      %scan3A_618 = arith.constant 1 : i32
      scf.for %scan3A_620 = %scan3A_615 to %scan3A_617 step %scan3A_618  : i32 {
        %mul3A_621 = arith.constant 16 : i32
        %mul3A_622 = arith.muli %scan3A_620, %mul3A_621 : i32
        %get3A_623 = arith.index_cast %scan3A_613 : i32 to index
        %get3A_624 = arith.index_cast %mul3A_622 : i32 to index
        %get3A_625 = tpu.vector_load %arg8[%get3A_623, %get3A_624] {strides = array<i32>} : memref<40x128xi32, #tpu.memory_space<vmem>>, vector<16xi32>,
        %mul3A_626 = arith.constant 16 : i32
        %mul3A_627 = arith.muli %scan3A_620, %mul3A_626 : i32
        %get3A_628 = arith.index_cast %scan3A_613 : i32 to index
        %get3A_629 = arith.index_cast %mul3A_627 : i32 to index
        %get3A_630 = tpu.vector_load %arg9[%get3A_628, %get3A_629] {strides = array<i32>} : memref<40x128xi32, #tpu.memory_space<vmem>>, vector<16xi32>,
        %gather3A = tpu.vector_load_idx %arg7[%get3A_625] : memref<50048xf32, #tpu.memory_space<vmem>>[vector<16xi32>], vector<16xf32>,
        %gather3A_631 = tpu.vector_load_idx %arg7[%get3A_630] : memref<50048xf32, #tpu.memory_space<vmem>>[vector<16xi32>], vector<16xf32>,
        %mul3A_632 = arith.constant 16 : i32
        %mul3A_633 = arith.muli %scan3A_620, %mul3A_632 : i32
        %add3A_634 = vector.broadcast %mul3A_633 : i32 to vector<16xi32>
        %add3A_635 = arith.addi %iota3A, %add3A_634 : vector<16xi32>
        %mul3A_636 = vector.broadcast %squeeze3A : f32 to vector<16xf32>
        %mul3A_637 = arith.mulf %gather3A, %mul3A_636 : vector<16xf32>
        %mul3A_638 = vector.broadcast %squeeze3A_534 : f32 to vector<16xf32>
        %mul3A_639 = arith.mulf %gather3A_631, %mul3A_638 : vector<16xf32>
        %add3A_640 = arith.addf %mul3A_637, %mul3A_639 : vector<16xf32>
        %mul3A_641 = arith.constant 2.000000e-01 : f32
        %mul3A_642 = vector.broadcast %mul3A_641 : f32 to vector<16xf32>
        %mul3A_643 = arith.mulf %mul3A_642, %add3A_640 : vector<16xf32>
        %max3A = arith.maximumf %add3A_640, %mul3A_643 : vector<16xf32>
        %exp3A = math.exp %max3A : vector<16xf32>
        %broadcast_in_dim3A_644 = arith.constant 0 : i32
        %broadcast_in_dim3A_645 = vector.broadcast %broadcast_in_dim3A_644 : i32 to vector<16xi32>
        tpu.vector_store_idx %arg10[%add3A_635, %broadcast_in_dim3A_645], %exp3A : memref<128x16xf32, #tpu.memory_space<vmem>>[vector<16xi32>, vector<16xi32>], vector<16xf32>,
        %broadcast_in_dim3A_646 = arith.constant 8 : i32
        %broadcast_in_dim3A_647 = vector.broadcast %broadcast_in_dim3A_646 : i32 to vector<16xi32>
        %mul3A_648 = arith.mulf %exp3A, %gather3A : vector<16xf32>
        tpu.vector_store_idx %arg10[%add3A_635, %broadcast_in_dim3A_647], %mul3A_648 : memref<128x16xf32, #tpu.memory_space<vmem>>[vector<16xi32>, vector<16xi32>], vector<16xf32>,
        %mul3A_649 = vector.broadcast %squeeze3A_520 : f32 to vector<16xf32>
        %mul3A_650 = arith.mulf %gather3A, %mul3A_649 : vector<16xf32>
        %mul3A_651 = vector.broadcast %squeeze3A_536 : f32 to vector<16xf32>
        %mul3A_652 = arith.mulf %gather3A_631, %mul3A_651 : vector<16xf32>
        %add3A_653 = arith.addf %mul3A_650, %mul3A_652 : vector<16xf32>
        %mul3A_654 = arith.constant 2.000000e-01 : f32
        %mul3A_655 = vector.broadcast %mul3A_654 : f32 to vector<16xf32>
        %mul3A_656 = arith.mulf %mul3A_655, %add3A_653 : vector<16xf32>
        %max3A_657 = arith.maximumf %add3A_653, %mul3A_656 : vector<16xf32>
        %exp3A_658 = math.exp %max3A_657 : vector<16xf32>
        %broadcast_in_dim3A_659 = arith.constant 1 : i32
        %broadcast_in_dim3A_660 = vector.broadcast %broadcast_in_dim3A_659 : i32 to vector<16xi32>
        tpu.vector_store_idx %arg10[%add3A_635, %broadcast_in_dim3A_660], %exp3A_658 : memref<128x16xf32, #tpu.memory_space<vmem>>[vector<16xi32>, vector<16xi32>], vector<16xf32>,
        %broadcast_in_dim3A_661 = arith.constant 9 : i32
        %broadcast_in_dim3A_662 = vector.broadcast %broadcast_in_dim3A_661 : i32 to vector<16xi32>
        %mul3A_663 = arith.mulf %exp3A_658, %gather3A : vector<16xf32>
        tpu.vector_store_idx %arg10[%add3A_635, %broadcast_in_dim3A_662], %mul3A_663 : memref<128x16xf32, #tpu.memory_space<vmem>>[vector<16xi32>, vector<16xi32>], vector<16xf32>,
        %mul3A_664 = vector.broadcast %squeeze3A_522 : f32 to vector<16xf32>
        %mul3A_665 = arith.mulf %gather3A, %mul3A_664 : vector<16xf32>
        %mul3A_666 = vector.broadcast %squeeze3A_538 : f32 to vector<16xf32>
        %mul3A_667 = arith.mulf %gather3A_631, %mul3A_666 : vector<16xf32>
        %add3A_668 = arith.addf %mul3A_665, %mul3A_667 : vector<16xf32>
        %mul3A_669 = arith.constant 2.000000e-01 : f32
        %mul3A_670 = vector.broadcast %mul3A_669 : f32 to vector<16xf32>
        %mul3A_671 = arith.mulf %mul3A_670, %add3A_668 : vector<16xf32>
        %max3A_672 = arith.maximumf %add3A_668, %mul3A_671 : vector<16xf32>
        %exp3A_673 = math.exp %max3A_672 : vector<16xf32>
        %broadcast_in_dim3A_674 = arith.constant 2 : i32
        %broadcast_in_dim3A_675 = vector.broadcast %broadcast_in_dim3A_674 : i32 to vector<16xi32>
        tpu.vector_store_idx %arg10[%add3A_635, %broadcast_in_dim3A_675], %exp3A_673 : memref<128x16xf32, #tpu.memory_space<vmem>>[vector<16xi32>, vector<16xi32>], vector<16xf32>,
        %broadcast_in_dim3A_676 = arith.constant 10 : i32
        %broadcast_in_dim3A_677 = vector.broadcast %broadcast_in_dim3A_676 : i32 to vector<16xi32>
        %mul3A_678 = arith.mulf %exp3A_673, %gather3A : vector<16xf32>
        tpu.vector_store_idx %arg10[%add3A_635, %broadcast_in_dim3A_677], %mul3A_678 : memref<128x16xf32, #tpu.memory_space<vmem>>[vector<16xi32>, vector<16xi32>], vector<16xf32>,
        %mul3A_679 = vector.broadcast %squeeze3A_524 : f32 to vector<16xf32>
        %mul3A_680 = arith.mulf %gather3A, %mul3A_679 : vector<16xf32>
        %mul3A_681 = vector.broadcast %squeeze3A_540 : f32 to vector<16xf32>
        %mul3A_682 = arith.mulf %gather3A_631, %mul3A_681 : vector<16xf32>
        %add3A_683 = arith.addf %mul3A_680, %mul3A_682 : vector<16xf32>
        %mul3A_684 = arith.constant 2.000000e-01 : f32
        %mul3A_685 = vector.broadcast %mul3A_684 : f32 to vector<16xf32>
        %mul3A_686 = arith.mulf %mul3A_685, %add3A_683 : vector<16xf32>
        %max3A_687 = arith.maximumf %add3A_683, %mul3A_686 : vector<16xf32>
        %exp3A_688 = math.exp %max3A_687 : vector<16xf32>
        %broadcast_in_dim3A_689 = arith.constant 3 : i32
        %broadcast_in_dim3A_690 = vector.broadcast %broadcast_in_dim3A_689 : i32 to vector<16xi32>
        tpu.vector_store_idx %arg10[%add3A_635, %broadcast_in_dim3A_690], %exp3A_688 : memref<128x16xf32, #tpu.memory_space<vmem>>[vector<16xi32>, vector<16xi32>], vector<16xf32>,
        %broadcast_in_dim3A_691 = arith.constant 11 : i32
        %broadcast_in_dim3A_692 = vector.broadcast %broadcast_in_dim3A_691 : i32 to vector<16xi32>
        %mul3A_693 = arith.mulf %exp3A_688, %gather3A : vector<16xf32>
        tpu.vector_store_idx %arg10[%add3A_635, %broadcast_in_dim3A_692], %mul3A_693 : memref<128x16xf32, #tpu.memory_space<vmem>>[vector<16xi32>, vector<16xi32>], vector<16xf32>,
        %mul3A_694 = vector.broadcast %squeeze3A_526 : f32 to vector<16xf32>
        %mul3A_695 = arith.mulf %gather3A, %mul3A_694 : vector<16xf32>
        %mul3A_696 = vector.broadcast %squeeze3A_542 : f32 to vector<16xf32>
        %mul3A_697 = arith.mulf %gather3A_631, %mul3A_696 : vector<16xf32>
        %add3A_698 = arith.addf %mul3A_695, %mul3A_697 : vector<16xf32>
        %mul3A_699 = arith.constant 2.000000e-01 : f32
        %mul3A_700 = vector.broadcast %mul3A_699 : f32 to vector<16xf32>
        %mul3A_701 = arith.mulf %mul3A_700, %add3A_698 : vector<16xf32>
        %max3A_702 = arith.maximumf %add3A_698, %mul3A_701 : vector<16xf32>
        %exp3A_703 = math.exp %max3A_702 : vector<16xf32>
        %broadcast_in_dim3A_704 = arith.constant 4 : i32
        %broadcast_in_dim3A_705 = vector.broadcast %broadcast_in_dim3A_704 : i32 to vector<16xi32>
        tpu.vector_store_idx %arg10[%add3A_635, %broadcast_in_dim3A_705], %exp3A_703 : memref<128x16xf32, #tpu.memory_space<vmem>>[vector<16xi32>, vector<16xi32>], vector<16xf32>,
        %broadcast_in_dim3A_706 = arith.constant 12 : i32
        %broadcast_in_dim3A_707 = vector.broadcast %broadcast_in_dim3A_706 : i32 to vector<16xi32>
        %mul3A_708 = arith.mulf %exp3A_703, %gather3A : vector<16xf32>
        tpu.vector_store_idx %arg10[%add3A_635, %broadcast_in_dim3A_707], %mul3A_708 : memref<128x16xf32, #tpu.memory_space<vmem>>[vector<16xi32>, vector<16xi32>], vector<16xf32>,
        %mul3A_709 = vector.broadcast %squeeze3A_528 : f32 to vector<16xf32>
        %mul3A_710 = arith.mulf %gather3A, %mul3A_709 : vector<16xf32>
        %mul3A_711 = vector.broadcast %squeeze3A_544 : f32 to vector<16xf32>
        %mul3A_712 = arith.mulf %gather3A_631, %mul3A_711 : vector<16xf32>
        %add3A_713 = arith.addf %mul3A_710, %mul3A_712 : vector<16xf32>
        %mul3A_714 = arith.constant 2.000000e-01 : f32
        %mul3A_715 = vector.broadcast %mul3A_714 : f32 to vector<16xf32>
        %mul3A_716 = arith.mulf %mul3A_715, %add3A_713 : vector<16xf32>
        %max3A_717 = arith.maximumf %add3A_713, %mul3A_716 : vector<16xf32>
        %exp3A_718 = math.exp %max3A_717 : vector<16xf32>
        %broadcast_in_dim3A_719 = arith.constant 5 : i32
        %broadcast_in_dim3A_720 = vector.broadcast %broadcast_in_dim3A_719 : i32 to vector<16xi32>
        tpu.vector_store_idx %arg10[%add3A_635, %broadcast_in_dim3A_720], %exp3A_718 : memref<128x16xf32, #tpu.memory_space<vmem>>[vector<16xi32>, vector<16xi32>], vector<16xf32>,
        %broadcast_in_dim3A_721 = arith.constant 13 : i32
        %broadcast_in_dim3A_722 = vector.broadcast %broadcast_in_dim3A_721 : i32 to vector<16xi32>
        %mul3A_723 = arith.mulf %exp3A_718, %gather3A : vector<16xf32>
        tpu.vector_store_idx %arg10[%add3A_635, %broadcast_in_dim3A_722], %mul3A_723 : memref<128x16xf32, #tpu.memory_space<vmem>>[vector<16xi32>, vector<16xi32>], vector<16xf32>,
        %mul3A_724 = vector.broadcast %squeeze3A_530 : f32 to vector<16xf32>
        %mul3A_725 = arith.mulf %gather3A, %mul3A_724 : vector<16xf32>
        %mul3A_726 = vector.broadcast %squeeze3A_546 : f32 to vector<16xf32>
        %mul3A_727 = arith.mulf %gather3A_631, %mul3A_726 : vector<16xf32>
        %add3A_728 = arith.addf %mul3A_725, %mul3A_727 : vector<16xf32>
        %mul3A_729 = arith.constant 2.000000e-01 : f32
        %mul3A_730 = vector.broadcast %mul3A_729 : f32 to vector<16xf32>
        %mul3A_731 = arith.mulf %mul3A_730, %add3A_728 : vector<16xf32>
        %max3A_732 = arith.maximumf %add3A_728, %mul3A_731 : vector<16xf32>
        %exp3A_733 = math.exp %max3A_732 : vector<16xf32>
        %broadcast_in_dim3A_734 = arith.constant 6 : i32
        %broadcast_in_dim3A_735 = vector.broadcast %broadcast_in_dim3A_734 : i32 to vector<16xi32>
        tpu.vector_store_idx %arg10[%add3A_635, %broadcast_in_dim3A_735], %exp3A_733 : memref<128x16xf32, #tpu.memory_space<vmem>>[vector<16xi32>, vector<16xi32>], vector<16xf32>,
        %broadcast_in_dim3A_736 = arith.constant 14 : i32
        %broadcast_in_dim3A_737 = vector.broadcast %broadcast_in_dim3A_736 : i32 to vector<16xi32>
        %mul3A_738 = arith.mulf %exp3A_733, %gather3A : vector<16xf32>
        tpu.vector_store_idx %arg10[%add3A_635, %broadcast_in_dim3A_737], %mul3A_738 : memref<128x16xf32, #tpu.memory_space<vmem>>[vector<16xi32>, vector<16xi32>], vector<16xf32>,
        %mul3A_739 = vector.broadcast %squeeze3A_532 : f32 to vector<16xf32>
        %mul3A_740 = arith.mulf %gather3A, %mul3A_739 : vector<16xf32>
        %mul3A_741 = vector.broadcast %squeeze3A_548 : f32 to vector<16xf32>
        %mul3A_742 = arith.mulf %gather3A_631, %mul3A_741 : vector<16xf32>
        %add3A_743 = arith.addf %mul3A_740, %mul3A_742 : vector<16xf32>
        %mul3A_744 = arith.constant 2.000000e-01 : f32
        %mul3A_745 = vector.broadcast %mul3A_744 : f32 to vector<16xf32>
        %mul3A_746 = arith.mulf %mul3A_745, %add3A_743 : vector<16xf32>
        %max3A_747 = arith.maximumf %add3A_743, %mul3A_746 : vector<16xf32>
        %exp3A_748 = math.exp %max3A_747 : vector<16xf32>
        %broadcast_in_dim3A_749 = arith.constant 7 : i32
        %broadcast_in_dim3A_750 = vector.broadcast %broadcast_in_dim3A_749 : i32 to vector<16xi32>
        tpu.vector_store_idx %arg10[%add3A_635, %broadcast_in_dim3A_750], %exp3A_748 : memref<128x16xf32, #tpu.memory_space<vmem>>[vector<16xi32>, vector<16xi32>], vector<16xf32>,
        %broadcast_in_dim3A_751 = arith.constant 15 : i32
        %broadcast_in_dim3A_752 = vector.broadcast %broadcast_in_dim3A_751 : i32 to vector<16xi32>
        %mul3A_753 = arith.mulf %exp3A_748, %gather3A : vector<16xf32>
        tpu.vector_store_idx %arg10[%add3A_635, %broadcast_in_dim3A_752], %mul3A_753 : memref<128x16xf32, #tpu.memory_space<vmem>>[vector<16xi32>, vector<16xi32>], vector<16xf32>,
      }
      %scan3A_619 = arith.constant 8 : i32
      "tpu.region"() ({
        %run_scoped3A = tpu.sem_alloc : memref<!tpu.dma_semaphore, #tpu.memory_space<semaphore_mem>>
        %dma_start3A = arith.constant 0 : i32
        %dma_start3A_620 = tpu.memref_slice %arg9[%scan3A_613, %dma_start3A] : memref<40x128xi32, #tpu.memory_space<vmem>> -> memref<1x128xi32, #tpu.memory_space<vmem>>
        %dma_start3A_621 = tpu.memref_squeeze %dma_start3A_620 : memref<1x128xi32, #tpu.memory_space<vmem>> -> memref<128xi32, #tpu.memory_space<vmem>>
        %dma_start3A_622 = arith.constant 0 : i32
        %dma_start3A_623 = arith.constant 0 : i32
        %dma_start3A_624 = tpu.memref_slice %arg14[%dma_start3A_622, %dma_start3A_623] : memref<51200x16xf32, #tpu.memory_space<vmem_shared>> -> memref<51200x16xf32, #tpu.memory_space<vmem_shared>>
        tpu.enqueue_indirect_dma source(%arg10 : memref<128x16xf32, #tpu.memory_space<vmem>>) target(%dma_start3A_624 : memref<51200x16xf32, #tpu.memory_space<vmem_shared>>) offsets(%dma_start3A_621 : memref<128xi32, #tpu.memory_space<vmem>>) semaphore(%run_scoped3A : memref<!tpu.dma_semaphore, #tpu.memory_space<semaphore_mem>>) {add = true}
        %dma_wait3A = arith.constant 0 : i32
        %dma_wait3A_625 = tpu.memref_slice %arg9[%scan3A_613, %dma_wait3A] : memref<40x128xi32, #tpu.memory_space<vmem>> -> memref<1x128xi32, #tpu.memory_space<vmem>>
        %dma_wait3A_626 = tpu.memref_squeeze %dma_wait3A_625 : memref<1x128xi32, #tpu.memory_space<vmem>> -> memref<128xi32, #tpu.memory_space<vmem>>
        %dma_wait3A_627 = arith.constant 0 : i32
        %dma_wait3A_628 = arith.constant 0 : i32
        %dma_wait3A_629 = tpu.memref_slice %arg14[%dma_wait3A_627, %dma_wait3A_628] : memref<51200x16xf32, #tpu.memory_space<vmem_shared>> -> memref<51200x16xf32, #tpu.memory_space<vmem_shared>>
        tpu.wait_indirect_dma semaphore(%run_scoped3A : memref<!tpu.dma_semaphore, #tpu.memory_space<semaphore_mem>>) src(%arg10 : memref<128x16xf32, #tpu.memory_space<vmem>>) dst(%dma_wait3A_629 : memref<51200x16xf32, #tpu.memory_space<vmem_shared>>)
        tpu.yield
      }) : () -> ()
    }
    %scan3A_578 = arith.constant 40 : i32
    %mul3A_579 = arith.constant 200 : i32
    %mul3A_580 = arith.muli %add3A, %mul3A_579 : i32
    %add3A_581 = arith.constant 120 : i32
    %add3A_582 = arith.addi %mul3A_580, %add3A_581 : i32
    "tpu.region"() ({
      %run_scoped3A = tpu.sem_alloc : memref<!tpu.dma_semaphore, #tpu.memory_space<semaphore_mem>>
      %dma_start3A = arith.constant 0 : i32
      %dma_start3A_613 = tpu.memref_slice %arg3[%add3A_582, %dma_start3A] : memref<6400x128xi32, #tpu.memory_space<hbm>> -> memref<40x128xi32, #tpu.memory_space<hbm>>
      %dma_start3A_614 = arith.constant 0 : i32
      %dma_start3A_615 = tpu.memref_slice %arg3[%add3A_582, %dma_start3A_614] : memref<6400x128xi32, #tpu.memory_space<hbm>> -> memref<40x128xi32, #tpu.memory_space<hbm>>
      tpu.enqueue_dma source(%dma_start3A_615 : memref<40x128xi32, #tpu.memory_space<hbm>>) target(%arg8 : memref<40x128xi32, #tpu.memory_space<vmem>>) target_semaphore(%run_scoped3A : memref<!tpu.dma_semaphore, #tpu.memory_space<semaphore_mem>>)
      %dma_wait3A = arith.constant 0 : i32
      %dma_wait3A_616 = tpu.memref_slice %arg3[%add3A_582, %dma_wait3A] : memref<6400x128xi32, #tpu.memory_space<hbm>> -> memref<40x128xi32, #tpu.memory_space<hbm>>
      %dma_wait3A_617 = arith.constant 0 : i32
      %dma_wait3A_618 = tpu.memref_slice %arg3[%add3A_582, %dma_wait3A_617] : memref<6400x128xi32, #tpu.memory_space<hbm>> -> memref<40x128xi32, #tpu.memory_space<hbm>>
      tpu.wait_dma2 semaphore(%run_scoped3A : memref<!tpu.dma_semaphore, #tpu.memory_space<semaphore_mem>>) src(%dma_wait3A_618 : memref<40x128xi32, #tpu.memory_space<hbm>>) dst(%arg8 : memref<40x128xi32, #tpu.memory_space<vmem>>)
      tpu.yield
    }) : () -> ()
    "tpu.region"() ({
      %run_scoped3A = tpu.sem_alloc : memref<!tpu.dma_semaphore, #tpu.memory_space<semaphore_mem>>
      %dma_start3A = arith.constant 0 : i32
      %dma_start3A_613 = tpu.memref_slice %arg4[%add3A_582, %dma_start3A] : memref<6400x128xi32, #tpu.memory_space<hbm>> -> memref<40x128xi32, #tpu.memory_space<hbm>>
      %dma_start3A_614 = arith.constant 0 : i32
      %dma_start3A_615 = tpu.memref_slice %arg4[%add3A_582, %dma_start3A_614] : memref<6400x128xi32, #tpu.memory_space<hbm>> -> memref<40x128xi32, #tpu.memory_space<hbm>>
      tpu.enqueue_dma source(%dma_start3A_615 : memref<40x128xi32, #tpu.memory_space<hbm>>) target(%arg9 : memref<40x128xi32, #tpu.memory_space<vmem>>) target_semaphore(%run_scoped3A : memref<!tpu.dma_semaphore, #tpu.memory_space<semaphore_mem>>)
      %dma_wait3A = arith.constant 0 : i32
      %dma_wait3A_616 = tpu.memref_slice %arg4[%add3A_582, %dma_wait3A] : memref<6400x128xi32, #tpu.memory_space<hbm>> -> memref<40x128xi32, #tpu.memory_space<hbm>>
      %dma_wait3A_617 = arith.constant 0 : i32
      %dma_wait3A_618 = tpu.memref_slice %arg4[%add3A_582, %dma_wait3A_617] : memref<6400x128xi32, #tpu.memory_space<hbm>> -> memref<40x128xi32, #tpu.memory_space<hbm>>
      tpu.wait_dma2 semaphore(%run_scoped3A : memref<!tpu.dma_semaphore, #tpu.memory_space<semaphore_mem>>) src(%dma_wait3A_618 : memref<40x128xi32, #tpu.memory_space<hbm>>) dst(%arg9 : memref<40x128xi32, #tpu.memory_space<vmem>>)
      tpu.yield
    }) : () -> ()
    %scan3A_583 = arith.constant 0 : i32
    %scan3A_584 = arith.constant 0 : i32
    %scan3A_585 = arith.constant 40 : i32
    %scan3A_586 = arith.addi %scan3A_584, %scan3A_585 : i32
    %scan3A_587 = arith.constant 1 : i32
    scf.for %scan3A_613 = %scan3A_584 to %scan3A_586 step %scan3A_587  : i32 {
      %scan3A_614 = arith.constant 0 : i32
      %scan3A_615 = arith.constant 0 : i32
      %scan3A_616 = arith.constant 8 : i32
      %scan3A_617 = arith.addi %scan3A_615, %scan3A_616 : i32
      %scan3A_618 = arith.constant 1 : i32
      scf.for %scan3A_620 = %scan3A_615 to %scan3A_617 step %scan3A_618  : i32 {
        %mul3A_621 = arith.constant 16 : i32
        %mul3A_622 = arith.muli %scan3A_620, %mul3A_621 : i32
        %get3A_623 = arith.index_cast %scan3A_613 : i32 to index
        %get3A_624 = arith.index_cast %mul3A_622 : i32 to index
        %get3A_625 = tpu.vector_load %arg8[%get3A_623, %get3A_624] {strides = array<i32>} : memref<40x128xi32, #tpu.memory_space<vmem>>, vector<16xi32>,
        %mul3A_626 = arith.constant 16 : i32
        %mul3A_627 = arith.muli %scan3A_620, %mul3A_626 : i32
        %get3A_628 = arith.index_cast %scan3A_613 : i32 to index
        %get3A_629 = arith.index_cast %mul3A_627 : i32 to index
        %get3A_630 = tpu.vector_load %arg9[%get3A_628, %get3A_629] {strides = array<i32>} : memref<40x128xi32, #tpu.memory_space<vmem>>, vector<16xi32>,
        %gather3A = tpu.vector_load_idx %arg7[%get3A_625] : memref<50048xf32, #tpu.memory_space<vmem>>[vector<16xi32>], vector<16xf32>,
        %gather3A_631 = tpu.vector_load_idx %arg7[%get3A_630] : memref<50048xf32, #tpu.memory_space<vmem>>[vector<16xi32>], vector<16xf32>,
        %mul3A_632 = arith.constant 16 : i32
        %mul3A_633 = arith.muli %scan3A_620, %mul3A_632 : i32
        %add3A_634 = vector.broadcast %mul3A_633 : i32 to vector<16xi32>
        %add3A_635 = arith.addi %iota3A, %add3A_634 : vector<16xi32>
        %mul3A_636 = vector.broadcast %squeeze3A : f32 to vector<16xf32>
        %mul3A_637 = arith.mulf %gather3A, %mul3A_636 : vector<16xf32>
        %mul3A_638 = vector.broadcast %squeeze3A_534 : f32 to vector<16xf32>
        %mul3A_639 = arith.mulf %gather3A_631, %mul3A_638 : vector<16xf32>
        %add3A_640 = arith.addf %mul3A_637, %mul3A_639 : vector<16xf32>
        %mul3A_641 = arith.constant 2.000000e-01 : f32
        %mul3A_642 = vector.broadcast %mul3A_641 : f32 to vector<16xf32>
        %mul3A_643 = arith.mulf %mul3A_642, %add3A_640 : vector<16xf32>
        %max3A = arith.maximumf %add3A_640, %mul3A_643 : vector<16xf32>
        %exp3A = math.exp %max3A : vector<16xf32>
        %broadcast_in_dim3A_644 = arith.constant 0 : i32
        %broadcast_in_dim3A_645 = vector.broadcast %broadcast_in_dim3A_644 : i32 to vector<16xi32>
        tpu.vector_store_idx %arg10[%add3A_635, %broadcast_in_dim3A_645], %exp3A : memref<128x16xf32, #tpu.memory_space<vmem>>[vector<16xi32>, vector<16xi32>], vector<16xf32>,
        %broadcast_in_dim3A_646 = arith.constant 8 : i32
        %broadcast_in_dim3A_647 = vector.broadcast %broadcast_in_dim3A_646 : i32 to vector<16xi32>
        %mul3A_648 = arith.mulf %exp3A, %gather3A : vector<16xf32>
        tpu.vector_store_idx %arg10[%add3A_635, %broadcast_in_dim3A_647], %mul3A_648 : memref<128x16xf32, #tpu.memory_space<vmem>>[vector<16xi32>, vector<16xi32>], vector<16xf32>,
        %mul3A_649 = vector.broadcast %squeeze3A_520 : f32 to vector<16xf32>
        %mul3A_650 = arith.mulf %gather3A, %mul3A_649 : vector<16xf32>
        %mul3A_651 = vector.broadcast %squeeze3A_536 : f32 to vector<16xf32>
        %mul3A_652 = arith.mulf %gather3A_631, %mul3A_651 : vector<16xf32>
        %add3A_653 = arith.addf %mul3A_650, %mul3A_652 : vector<16xf32>
        %mul3A_654 = arith.constant 2.000000e-01 : f32
        %mul3A_655 = vector.broadcast %mul3A_654 : f32 to vector<16xf32>
        %mul3A_656 = arith.mulf %mul3A_655, %add3A_653 : vector<16xf32>
        %max3A_657 = arith.maximumf %add3A_653, %mul3A_656 : vector<16xf32>
        %exp3A_658 = math.exp %max3A_657 : vector<16xf32>
        %broadcast_in_dim3A_659 = arith.constant 1 : i32
        %broadcast_in_dim3A_660 = vector.broadcast %broadcast_in_dim3A_659 : i32 to vector<16xi32>
        tpu.vector_store_idx %arg10[%add3A_635, %broadcast_in_dim3A_660], %exp3A_658 : memref<128x16xf32, #tpu.memory_space<vmem>>[vector<16xi32>, vector<16xi32>], vector<16xf32>,
        %broadcast_in_dim3A_661 = arith.constant 9 : i32
        %broadcast_in_dim3A_662 = vector.broadcast %broadcast_in_dim3A_661 : i32 to vector<16xi32>
        %mul3A_663 = arith.mulf %exp3A_658, %gather3A : vector<16xf32>
        tpu.vector_store_idx %arg10[%add3A_635, %broadcast_in_dim3A_662], %mul3A_663 : memref<128x16xf32, #tpu.memory_space<vmem>>[vector<16xi32>, vector<16xi32>], vector<16xf32>,
        %mul3A_664 = vector.broadcast %squeeze3A_522 : f32 to vector<16xf32>
        %mul3A_665 = arith.mulf %gather3A, %mul3A_664 : vector<16xf32>
        %mul3A_666 = vector.broadcast %squeeze3A_538 : f32 to vector<16xf32>
        %mul3A_667 = arith.mulf %gather3A_631, %mul3A_666 : vector<16xf32>
        %add3A_668 = arith.addf %mul3A_665, %mul3A_667 : vector<16xf32>
        %mul3A_669 = arith.constant 2.000000e-01 : f32
        %mul3A_670 = vector.broadcast %mul3A_669 : f32 to vector<16xf32>
        %mul3A_671 = arith.mulf %mul3A_670, %add3A_668 : vector<16xf32>
        %max3A_672 = arith.maximumf %add3A_668, %mul3A_671 : vector<16xf32>
        %exp3A_673 = math.exp %max3A_672 : vector<16xf32>
        %broadcast_in_dim3A_674 = arith.constant 2 : i32
        %broadcast_in_dim3A_675 = vector.broadcast %broadcast_in_dim3A_674 : i32 to vector<16xi32>
        tpu.vector_store_idx %arg10[%add3A_635, %broadcast_in_dim3A_675], %exp3A_673 : memref<128x16xf32, #tpu.memory_space<vmem>>[vector<16xi32>, vector<16xi32>], vector<16xf32>,
        %broadcast_in_dim3A_676 = arith.constant 10 : i32
        %broadcast_in_dim3A_677 = vector.broadcast %broadcast_in_dim3A_676 : i32 to vector<16xi32>
        %mul3A_678 = arith.mulf %exp3A_673, %gather3A : vector<16xf32>
        tpu.vector_store_idx %arg10[%add3A_635, %broadcast_in_dim3A_677], %mul3A_678 : memref<128x16xf32, #tpu.memory_space<vmem>>[vector<16xi32>, vector<16xi32>], vector<16xf32>,
        %mul3A_679 = vector.broadcast %squeeze3A_524 : f32 to vector<16xf32>
        %mul3A_680 = arith.mulf %gather3A, %mul3A_679 : vector<16xf32>
        %mul3A_681 = vector.broadcast %squeeze3A_540 : f32 to vector<16xf32>
        %mul3A_682 = arith.mulf %gather3A_631, %mul3A_681 : vector<16xf32>
        %add3A_683 = arith.addf %mul3A_680, %mul3A_682 : vector<16xf32>
        %mul3A_684 = arith.constant 2.000000e-01 : f32
        %mul3A_685 = vector.broadcast %mul3A_684 : f32 to vector<16xf32>
        %mul3A_686 = arith.mulf %mul3A_685, %add3A_683 : vector<16xf32>
        %max3A_687 = arith.maximumf %add3A_683, %mul3A_686 : vector<16xf32>
        %exp3A_688 = math.exp %max3A_687 : vector<16xf32>
        %broadcast_in_dim3A_689 = arith.constant 3 : i32
        %broadcast_in_dim3A_690 = vector.broadcast %broadcast_in_dim3A_689 : i32 to vector<16xi32>
        tpu.vector_store_idx %arg10[%add3A_635, %broadcast_in_dim3A_690], %exp3A_688 : memref<128x16xf32, #tpu.memory_space<vmem>>[vector<16xi32>, vector<16xi32>], vector<16xf32>,
        %broadcast_in_dim3A_691 = arith.constant 11 : i32
        %broadcast_in_dim3A_692 = vector.broadcast %broadcast_in_dim3A_691 : i32 to vector<16xi32>
        %mul3A_693 = arith.mulf %exp3A_688, %gather3A : vector<16xf32>
        tpu.vector_store_idx %arg10[%add3A_635, %broadcast_in_dim3A_692], %mul3A_693 : memref<128x16xf32, #tpu.memory_space<vmem>>[vector<16xi32>, vector<16xi32>], vector<16xf32>,
        %mul3A_694 = vector.broadcast %squeeze3A_526 : f32 to vector<16xf32>
        %mul3A_695 = arith.mulf %gather3A, %mul3A_694 : vector<16xf32>
        %mul3A_696 = vector.broadcast %squeeze3A_542 : f32 to vector<16xf32>
        %mul3A_697 = arith.mulf %gather3A_631, %mul3A_696 : vector<16xf32>
        %add3A_698 = arith.addf %mul3A_695, %mul3A_697 : vector<16xf32>
        %mul3A_699 = arith.constant 2.000000e-01 : f32
        %mul3A_700 = vector.broadcast %mul3A_699 : f32 to vector<16xf32>
        %mul3A_701 = arith.mulf %mul3A_700, %add3A_698 : vector<16xf32>
        %max3A_702 = arith.maximumf %add3A_698, %mul3A_701 : vector<16xf32>
        %exp3A_703 = math.exp %max3A_702 : vector<16xf32>
        %broadcast_in_dim3A_704 = arith.constant 4 : i32
        %broadcast_in_dim3A_705 = vector.broadcast %broadcast_in_dim3A_704 : i32 to vector<16xi32>
        tpu.vector_store_idx %arg10[%add3A_635, %broadcast_in_dim3A_705], %exp3A_703 : memref<128x16xf32, #tpu.memory_space<vmem>>[vector<16xi32>, vector<16xi32>], vector<16xf32>,
        %broadcast_in_dim3A_706 = arith.constant 12 : i32
        %broadcast_in_dim3A_707 = vector.broadcast %broadcast_in_dim3A_706 : i32 to vector<16xi32>
        %mul3A_708 = arith.mulf %exp3A_703, %gather3A : vector<16xf32>
        tpu.vector_store_idx %arg10[%add3A_635, %broadcast_in_dim3A_707], %mul3A_708 : memref<128x16xf32, #tpu.memory_space<vmem>>[vector<16xi32>, vector<16xi32>], vector<16xf32>,
        %mul3A_709 = vector.broadcast %squeeze3A_528 : f32 to vector<16xf32>
        %mul3A_710 = arith.mulf %gather3A, %mul3A_709 : vector<16xf32>
        %mul3A_711 = vector.broadcast %squeeze3A_544 : f32 to vector<16xf32>
        %mul3A_712 = arith.mulf %gather3A_631, %mul3A_711 : vector<16xf32>
        %add3A_713 = arith.addf %mul3A_710, %mul3A_712 : vector<16xf32>
        %mul3A_714 = arith.constant 2.000000e-01 : f32
        %mul3A_715 = vector.broadcast %mul3A_714 : f32 to vector<16xf32>
        %mul3A_716 = arith.mulf %mul3A_715, %add3A_713 : vector<16xf32>
        %max3A_717 = arith.maximumf %add3A_713, %mul3A_716 : vector<16xf32>
        %exp3A_718 = math.exp %max3A_717 : vector<16xf32>
        %broadcast_in_dim3A_719 = arith.constant 5 : i32
        %broadcast_in_dim3A_720 = vector.broadcast %broadcast_in_dim3A_719 : i32 to vector<16xi32>
        tpu.vector_store_idx %arg10[%add3A_635, %broadcast_in_dim3A_720], %exp3A_718 : memref<128x16xf32, #tpu.memory_space<vmem>>[vector<16xi32>, vector<16xi32>], vector<16xf32>,
        %broadcast_in_dim3A_721 = arith.constant 13 : i32
        %broadcast_in_dim3A_722 = vector.broadcast %broadcast_in_dim3A_721 : i32 to vector<16xi32>
        %mul3A_723 = arith.mulf %exp3A_718, %gather3A : vector<16xf32>
        tpu.vector_store_idx %arg10[%add3A_635, %broadcast_in_dim3A_722], %mul3A_723 : memref<128x16xf32, #tpu.memory_space<vmem>>[vector<16xi32>, vector<16xi32>], vector<16xf32>,
        %mul3A_724 = vector.broadcast %squeeze3A_530 : f32 to vector<16xf32>
        %mul3A_725 = arith.mulf %gather3A, %mul3A_724 : vector<16xf32>
        %mul3A_726 = vector.broadcast %squeeze3A_546 : f32 to vector<16xf32>
        %mul3A_727 = arith.mulf %gather3A_631, %mul3A_726 : vector<16xf32>
        %add3A_728 = arith.addf %mul3A_725, %mul3A_727 : vector<16xf32>
        %mul3A_729 = arith.constant 2.000000e-01 : f32
        %mul3A_730 = vector.broadcast %mul3A_729 : f32 to vector<16xf32>
        %mul3A_731 = arith.mulf %mul3A_730, %add3A_728 : vector<16xf32>
        %max3A_732 = arith.maximumf %add3A_728, %mul3A_731 : vector<16xf32>
        %exp3A_733 = math.exp %max3A_732 : vector<16xf32>
        %broadcast_in_dim3A_734 = arith.constant 6 : i32
        %broadcast_in_dim3A_735 = vector.broadcast %broadcast_in_dim3A_734 : i32 to vector<16xi32>
        tpu.vector_store_idx %arg10[%add3A_635, %broadcast_in_dim3A_735], %exp3A_733 : memref<128x16xf32, #tpu.memory_space<vmem>>[vector<16xi32>, vector<16xi32>], vector<16xf32>,
        %broadcast_in_dim3A_736 = arith.constant 14 : i32
        %broadcast_in_dim3A_737 = vector.broadcast %broadcast_in_dim3A_736 : i32 to vector<16xi32>
        %mul3A_738 = arith.mulf %exp3A_733, %gather3A : vector<16xf32>
        tpu.vector_store_idx %arg10[%add3A_635, %broadcast_in_dim3A_737], %mul3A_738 : memref<128x16xf32, #tpu.memory_space<vmem>>[vector<16xi32>, vector<16xi32>], vector<16xf32>,
        %mul3A_739 = vector.broadcast %squeeze3A_532 : f32 to vector<16xf32>
        %mul3A_740 = arith.mulf %gather3A, %mul3A_739 : vector<16xf32>
        %mul3A_741 = vector.broadcast %squeeze3A_548 : f32 to vector<16xf32>
        %mul3A_742 = arith.mulf %gather3A_631, %mul3A_741 : vector<16xf32>
        %add3A_743 = arith.addf %mul3A_740, %mul3A_742 : vector<16xf32>
        %mul3A_744 = arith.constant 2.000000e-01 : f32
        %mul3A_745 = vector.broadcast %mul3A_744 : f32 to vector<16xf32>
        %mul3A_746 = arith.mulf %mul3A_745, %add3A_743 : vector<16xf32>
        %max3A_747 = arith.maximumf %add3A_743, %mul3A_746 : vector<16xf32>
        %exp3A_748 = math.exp %max3A_747 : vector<16xf32>
        %broadcast_in_dim3A_749 = arith.constant 7 : i32
        %broadcast_in_dim3A_750 = vector.broadcast %broadcast_in_dim3A_749 : i32 to vector<16xi32>
        tpu.vector_store_idx %arg10[%add3A_635, %broadcast_in_dim3A_750], %exp3A_748 : memref<128x16xf32, #tpu.memory_space<vmem>>[vector<16xi32>, vector<16xi32>], vector<16xf32>,
        %broadcast_in_dim3A_751 = arith.constant 15 : i32
        %broadcast_in_dim3A_752 = vector.broadcast %broadcast_in_dim3A_751 : i32 to vector<16xi32>
        %mul3A_753 = arith.mulf %exp3A_748, %gather3A : vector<16xf32>
        tpu.vector_store_idx %arg10[%add3A_635, %broadcast_in_dim3A_752], %mul3A_753 : memref<128x16xf32, #tpu.memory_space<vmem>>[vector<16xi32>, vector<16xi32>], vector<16xf32>,
      }
      %scan3A_619 = arith.constant 8 : i32
      "tpu.region"() ({
        %run_scoped3A = tpu.sem_alloc : memref<!tpu.dma_semaphore, #tpu.memory_space<semaphore_mem>>
        %dma_start3A = arith.constant 0 : i32
        %dma_start3A_620 = tpu.memref_slice %arg9[%scan3A_613, %dma_start3A] : memref<40x128xi32, #tpu.memory_space<vmem>> -> memref<1x128xi32, #tpu.memory_space<vmem>>
        %dma_start3A_621 = tpu.memref_squeeze %dma_start3A_620 : memref<1x128xi32, #tpu.memory_space<vmem>> -> memref<128xi32, #tpu.memory_space<vmem>>
        %dma_start3A_622 = arith.constant 0 : i32
        %dma_start3A_623 = arith.constant 0 : i32
        %dma_start3A_624 = tpu.memref_slice %arg14[%dma_start3A_622, %dma_start3A_623] : memref<51200x16xf32, #tpu.memory_space<vmem_shared>> -> memref<51200x16xf32, #tpu.memory_space<vmem_shared>>
        tpu.enqueue_indirect_dma source(%arg10 : memref<128x16xf32, #tpu.memory_space<vmem>>) target(%dma_start3A_624 : memref<51200x16xf32, #tpu.memory_space<vmem_shared>>) offsets(%dma_start3A_621 : memref<128xi32, #tpu.memory_space<vmem>>) semaphore(%run_scoped3A : memref<!tpu.dma_semaphore, #tpu.memory_space<semaphore_mem>>) {add = true}
        %dma_wait3A = arith.constant 0 : i32
        %dma_wait3A_625 = tpu.memref_slice %arg9[%scan3A_613, %dma_wait3A] : memref<40x128xi32, #tpu.memory_space<vmem>> -> memref<1x128xi32, #tpu.memory_space<vmem>>
        %dma_wait3A_626 = tpu.memref_squeeze %dma_wait3A_625 : memref<1x128xi32, #tpu.memory_space<vmem>> -> memref<128xi32, #tpu.memory_space<vmem>>
        %dma_wait3A_627 = arith.constant 0 : i32
        %dma_wait3A_628 = arith.constant 0 : i32
        %dma_wait3A_629 = tpu.memref_slice %arg14[%dma_wait3A_627, %dma_wait3A_628] : memref<51200x16xf32, #tpu.memory_space<vmem_shared>> -> memref<51200x16xf32, #tpu.memory_space<vmem_shared>>
        tpu.wait_indirect_dma semaphore(%run_scoped3A : memref<!tpu.dma_semaphore, #tpu.memory_space<semaphore_mem>>) src(%arg10 : memref<128x16xf32, #tpu.memory_space<vmem>>) dst(%dma_wait3A_629 : memref<51200x16xf32, #tpu.memory_space<vmem_shared>>)
        tpu.yield
      }) : () -> ()
    }
    %scan3A_588 = arith.constant 40 : i32
    %mul3A_589 = arith.constant 200 : i32
    %mul3A_590 = arith.muli %add3A, %mul3A_589 : i32
    %add3A_591 = arith.constant 160 : i32
    %add3A_592 = arith.addi %mul3A_590, %add3A_591 : i32
    "tpu.region"() ({
      %run_scoped3A = tpu.sem_alloc : memref<!tpu.dma_semaphore, #tpu.memory_space<semaphore_mem>>
      %dma_start3A = arith.constant 0 : i32
      %dma_start3A_613 = tpu.memref_slice %arg3[%add3A_592, %dma_start3A] : memref<6400x128xi32, #tpu.memory_space<hbm>> -> memref<40x128xi32, #tpu.memory_space<hbm>>
      %dma_start3A_614 = arith.constant 0 : i32
      %dma_start3A_615 = tpu.memref_slice %arg3[%add3A_592, %dma_start3A_614] : memref<6400x128xi32, #tpu.memory_space<hbm>> -> memref<40x128xi32, #tpu.memory_space<hbm>>
      tpu.enqueue_dma source(%dma_start3A_615 : memref<40x128xi32, #tpu.memory_space<hbm>>) target(%arg8 : memref<40x128xi32, #tpu.memory_space<vmem>>) target_semaphore(%run_scoped3A : memref<!tpu.dma_semaphore, #tpu.memory_space<semaphore_mem>>)
      %dma_wait3A = arith.constant 0 : i32
      %dma_wait3A_616 = tpu.memref_slice %arg3[%add3A_592, %dma_wait3A] : memref<6400x128xi32, #tpu.memory_space<hbm>> -> memref<40x128xi32, #tpu.memory_space<hbm>>
      %dma_wait3A_617 = arith.constant 0 : i32
      %dma_wait3A_618 = tpu.memref_slice %arg3[%add3A_592, %dma_wait3A_617] : memref<6400x128xi32, #tpu.memory_space<hbm>> -> memref<40x128xi32, #tpu.memory_space<hbm>>
      tpu.wait_dma2 semaphore(%run_scoped3A : memref<!tpu.dma_semaphore, #tpu.memory_space<semaphore_mem>>) src(%dma_wait3A_618 : memref<40x128xi32, #tpu.memory_space<hbm>>) dst(%arg8 : memref<40x128xi32, #tpu.memory_space<vmem>>)
      tpu.yield
    }) : () -> ()
    "tpu.region"() ({
      %run_scoped3A = tpu.sem_alloc : memref<!tpu.dma_semaphore, #tpu.memory_space<semaphore_mem>>
      %dma_start3A = arith.constant 0 : i32
      %dma_start3A_613 = tpu.memref_slice %arg4[%add3A_592, %dma_start3A] : memref<6400x128xi32, #tpu.memory_space<hbm>> -> memref<40x128xi32, #tpu.memory_space<hbm>>
      %dma_start3A_614 = arith.constant 0 : i32
      %dma_start3A_615 = tpu.memref_slice %arg4[%add3A_592, %dma_start3A_614] : memref<6400x128xi32, #tpu.memory_space<hbm>> -> memref<40x128xi32, #tpu.memory_space<hbm>>
      tpu.enqueue_dma source(%dma_start3A_615 : memref<40x128xi32, #tpu.memory_space<hbm>>) target(%arg9 : memref<40x128xi32, #tpu.memory_space<vmem>>) target_semaphore(%run_scoped3A : memref<!tpu.dma_semaphore, #tpu.memory_space<semaphore_mem>>)
      %dma_wait3A = arith.constant 0 : i32
      %dma_wait3A_616 = tpu.memref_slice %arg4[%add3A_592, %dma_wait3A] : memref<6400x128xi32, #tpu.memory_space<hbm>> -> memref<40x128xi32, #tpu.memory_space<hbm>>
      %dma_wait3A_617 = arith.constant 0 : i32
      %dma_wait3A_618 = tpu.memref_slice %arg4[%add3A_592, %dma_wait3A_617] : memref<6400x128xi32, #tpu.memory_space<hbm>> -> memref<40x128xi32, #tpu.memory_space<hbm>>
      tpu.wait_dma2 semaphore(%run_scoped3A : memref<!tpu.dma_semaphore, #tpu.memory_space<semaphore_mem>>) src(%dma_wait3A_618 : memref<40x128xi32, #tpu.memory_space<hbm>>) dst(%arg9 : memref<40x128xi32, #tpu.memory_space<vmem>>)
      tpu.yield
    }) : () -> ()
    %scan3A_593 = arith.constant 0 : i32
    %scan3A_594 = arith.constant 0 : i32
    %scan3A_595 = arith.constant 40 : i32
    %scan3A_596 = arith.addi %scan3A_594, %scan3A_595 : i32
    %scan3A_597 = arith.constant 1 : i32
    scf.for %scan3A_613 = %scan3A_594 to %scan3A_596 step %scan3A_597  : i32 {
      %scan3A_614 = arith.constant 0 : i32
      %scan3A_615 = arith.constant 0 : i32
      %scan3A_616 = arith.constant 8 : i32
      %scan3A_617 = arith.addi %scan3A_615, %scan3A_616 : i32
      %scan3A_618 = arith.constant 1 : i32
      scf.for %scan3A_620 = %scan3A_615 to %scan3A_617 step %scan3A_618  : i32 {
        %mul3A_621 = arith.constant 16 : i32
        %mul3A_622 = arith.muli %scan3A_620, %mul3A_621 : i32
        %get3A_623 = arith.index_cast %scan3A_613 : i32 to index
        %get3A_624 = arith.index_cast %mul3A_622 : i32 to index
        %get3A_625 = tpu.vector_load %arg8[%get3A_623, %get3A_624] {strides = array<i32>} : memref<40x128xi32, #tpu.memory_space<vmem>>, vector<16xi32>,
        %mul3A_626 = arith.constant 16 : i32
        %mul3A_627 = arith.muli %scan3A_620, %mul3A_626 : i32
        %get3A_628 = arith.index_cast %scan3A_613 : i32 to index
        %get3A_629 = arith.index_cast %mul3A_627 : i32 to index
        %get3A_630 = tpu.vector_load %arg9[%get3A_628, %get3A_629] {strides = array<i32>} : memref<40x128xi32, #tpu.memory_space<vmem>>, vector<16xi32>,
        %gather3A = tpu.vector_load_idx %arg7[%get3A_625] : memref<50048xf32, #tpu.memory_space<vmem>>[vector<16xi32>], vector<16xf32>,
        %gather3A_631 = tpu.vector_load_idx %arg7[%get3A_630] : memref<50048xf32, #tpu.memory_space<vmem>>[vector<16xi32>], vector<16xf32>,
        %mul3A_632 = arith.constant 16 : i32
        %mul3A_633 = arith.muli %scan3A_620, %mul3A_632 : i32
        %add3A_634 = vector.broadcast %mul3A_633 : i32 to vector<16xi32>
        %add3A_635 = arith.addi %iota3A, %add3A_634 : vector<16xi32>
        %mul3A_636 = vector.broadcast %squeeze3A : f32 to vector<16xf32>
        %mul3A_637 = arith.mulf %gather3A, %mul3A_636 : vector<16xf32>
        %mul3A_638 = vector.broadcast %squeeze3A_534 : f32 to vector<16xf32>
        %mul3A_639 = arith.mulf %gather3A_631, %mul3A_638 : vector<16xf32>
        %add3A_640 = arith.addf %mul3A_637, %mul3A_639 : vector<16xf32>
        %mul3A_641 = arith.constant 2.000000e-01 : f32
        %mul3A_642 = vector.broadcast %mul3A_641 : f32 to vector<16xf32>
        %mul3A_643 = arith.mulf %mul3A_642, %add3A_640 : vector<16xf32>
        %max3A = arith.maximumf %add3A_640, %mul3A_643 : vector<16xf32>
        %exp3A = math.exp %max3A : vector<16xf32>
        %broadcast_in_dim3A_644 = arith.constant 0 : i32
        %broadcast_in_dim3A_645 = vector.broadcast %broadcast_in_dim3A_644 : i32 to vector<16xi32>
        tpu.vector_store_idx %arg10[%add3A_635, %broadcast_in_dim3A_645], %exp3A : memref<128x16xf32, #tpu.memory_space<vmem>>[vector<16xi32>, vector<16xi32>], vector<16xf32>,
        %broadcast_in_dim3A_646 = arith.constant 8 : i32
        %broadcast_in_dim3A_647 = vector.broadcast %broadcast_in_dim3A_646 : i32 to vector<16xi32>
        %mul3A_648 = arith.mulf %exp3A, %gather3A : vector<16xf32>
        tpu.vector_store_idx %arg10[%add3A_635, %broadcast_in_dim3A_647], %mul3A_648 : memref<128x16xf32, #tpu.memory_space<vmem>>[vector<16xi32>, vector<16xi32>], vector<16xf32>,
        %mul3A_649 = vector.broadcast %squeeze3A_520 : f32 to vector<16xf32>
        %mul3A_650 = arith.mulf %gather3A, %mul3A_649 : vector<16xf32>
        %mul3A_651 = vector.broadcast %squeeze3A_536 : f32 to vector<16xf32>
        %mul3A_652 = arith.mulf %gather3A_631, %mul3A_651 : vector<16xf32>
        %add3A_653 = arith.addf %mul3A_650, %mul3A_652 : vector<16xf32>
        %mul3A_654 = arith.constant 2.000000e-01 : f32
        %mul3A_655 = vector.broadcast %mul3A_654 : f32 to vector<16xf32>
        %mul3A_656 = arith.mulf %mul3A_655, %add3A_653 : vector<16xf32>
        %max3A_657 = arith.maximumf %add3A_653, %mul3A_656 : vector<16xf32>
        %exp3A_658 = math.exp %max3A_657 : vector<16xf32>
        %broadcast_in_dim3A_659 = arith.constant 1 : i32
        %broadcast_in_dim3A_660 = vector.broadcast %broadcast_in_dim3A_659 : i32 to vector<16xi32>
        tpu.vector_store_idx %arg10[%add3A_635, %broadcast_in_dim3A_660], %exp3A_658 : memref<128x16xf32, #tpu.memory_space<vmem>>[vector<16xi32>, vector<16xi32>], vector<16xf32>,
        %broadcast_in_dim3A_661 = arith.constant 9 : i32
        %broadcast_in_dim3A_662 = vector.broadcast %broadcast_in_dim3A_661 : i32 to vector<16xi32>
        %mul3A_663 = arith.mulf %exp3A_658, %gather3A : vector<16xf32>
        tpu.vector_store_idx %arg10[%add3A_635, %broadcast_in_dim3A_662], %mul3A_663 : memref<128x16xf32, #tpu.memory_space<vmem>>[vector<16xi32>, vector<16xi32>], vector<16xf32>,
        %mul3A_664 = vector.broadcast %squeeze3A_522 : f32 to vector<16xf32>
        %mul3A_665 = arith.mulf %gather3A, %mul3A_664 : vector<16xf32>
        %mul3A_666 = vector.broadcast %squeeze3A_538 : f32 to vector<16xf32>
        %mul3A_667 = arith.mulf %gather3A_631, %mul3A_666 : vector<16xf32>
        %add3A_668 = arith.addf %mul3A_665, %mul3A_667 : vector<16xf32>
        %mul3A_669 = arith.constant 2.000000e-01 : f32
        %mul3A_670 = vector.broadcast %mul3A_669 : f32 to vector<16xf32>
        %mul3A_671 = arith.mulf %mul3A_670, %add3A_668 : vector<16xf32>
        %max3A_672 = arith.maximumf %add3A_668, %mul3A_671 : vector<16xf32>
        %exp3A_673 = math.exp %max3A_672 : vector<16xf32>
        %broadcast_in_dim3A_674 = arith.constant 2 : i32
        %broadcast_in_dim3A_675 = vector.broadcast %broadcast_in_dim3A_674 : i32 to vector<16xi32>
        tpu.vector_store_idx %arg10[%add3A_635, %broadcast_in_dim3A_675], %exp3A_673 : memref<128x16xf32, #tpu.memory_space<vmem>>[vector<16xi32>, vector<16xi32>], vector<16xf32>,
        %broadcast_in_dim3A_676 = arith.constant 10 : i32
        %broadcast_in_dim3A_677 = vector.broadcast %broadcast_in_dim3A_676 : i32 to vector<16xi32>
        %mul3A_678 = arith.mulf %exp3A_673, %gather3A : vector<16xf32>
        tpu.vector_store_idx %arg10[%add3A_635, %broadcast_in_dim3A_677], %mul3A_678 : memref<128x16xf32, #tpu.memory_space<vmem>>[vector<16xi32>, vector<16xi32>], vector<16xf32>,
        %mul3A_679 = vector.broadcast %squeeze3A_524 : f32 to vector<16xf32>
        %mul3A_680 = arith.mulf %gather3A, %mul3A_679 : vector<16xf32>
        %mul3A_681 = vector.broadcast %squeeze3A_540 : f32 to vector<16xf32>
        %mul3A_682 = arith.mulf %gather3A_631, %mul3A_681 : vector<16xf32>
        %add3A_683 = arith.addf %mul3A_680, %mul3A_682 : vector<16xf32>
        %mul3A_684 = arith.constant 2.000000e-01 : f32
        %mul3A_685 = vector.broadcast %mul3A_684 : f32 to vector<16xf32>
        %mul3A_686 = arith.mulf %mul3A_685, %add3A_683 : vector<16xf32>
        %max3A_687 = arith.maximumf %add3A_683, %mul3A_686 : vector<16xf32>
        %exp3A_688 = math.exp %max3A_687 : vector<16xf32>
        %broadcast_in_dim3A_689 = arith.constant 3 : i32
        %broadcast_in_dim3A_690 = vector.broadcast %broadcast_in_dim3A_689 : i32 to vector<16xi32>
        tpu.vector_store_idx %arg10[%add3A_635, %broadcast_in_dim3A_690], %exp3A_688 : memref<128x16xf32, #tpu.memory_space<vmem>>[vector<16xi32>, vector<16xi32>], vector<16xf32>,
        %broadcast_in_dim3A_691 = arith.constant 11 : i32
        %broadcast_in_dim3A_692 = vector.broadcast %broadcast_in_dim3A_691 : i32 to vector<16xi32>
        %mul3A_693 = arith.mulf %exp3A_688, %gather3A : vector<16xf32>
        tpu.vector_store_idx %arg10[%add3A_635, %broadcast_in_dim3A_692], %mul3A_693 : memref<128x16xf32, #tpu.memory_space<vmem>>[vector<16xi32>, vector<16xi32>], vector<16xf32>,
        %mul3A_694 = vector.broadcast %squeeze3A_526 : f32 to vector<16xf32>
        %mul3A_695 = arith.mulf %gather3A, %mul3A_694 : vector<16xf32>
        %mul3A_696 = vector.broadcast %squeeze3A_542 : f32 to vector<16xf32>
        %mul3A_697 = arith.mulf %gather3A_631, %mul3A_696 : vector<16xf32>
        %add3A_698 = arith.addf %mul3A_695, %mul3A_697 : vector<16xf32>
        %mul3A_699 = arith.constant 2.000000e-01 : f32
        %mul3A_700 = vector.broadcast %mul3A_699 : f32 to vector<16xf32>
        %mul3A_701 = arith.mulf %mul3A_700, %add3A_698 : vector<16xf32>
        %max3A_702 = arith.maximumf %add3A_698, %mul3A_701 : vector<16xf32>
        %exp3A_703 = math.exp %max3A_702 : vector<16xf32>
        %broadcast_in_dim3A_704 = arith.constant 4 : i32
        %broadcast_in_dim3A_705 = vector.broadcast %broadcast_in_dim3A_704 : i32 to vector<16xi32>
        tpu.vector_store_idx %arg10[%add3A_635, %broadcast_in_dim3A_705], %exp3A_703 : memref<128x16xf32, #tpu.memory_space<vmem>>[vector<16xi32>, vector<16xi32>], vector<16xf32>,
        %broadcast_in_dim3A_706 = arith.constant 12 : i32
        %broadcast_in_dim3A_707 = vector.broadcast %broadcast_in_dim3A_706 : i32 to vector<16xi32>
        %mul3A_708 = arith.mulf %exp3A_703, %gather3A : vector<16xf32>
        tpu.vector_store_idx %arg10[%add3A_635, %broadcast_in_dim3A_707], %mul3A_708 : memref<128x16xf32, #tpu.memory_space<vmem>>[vector<16xi32>, vector<16xi32>], vector<16xf32>,
        %mul3A_709 = vector.broadcast %squeeze3A_528 : f32 to vector<16xf32>
        %mul3A_710 = arith.mulf %gather3A, %mul3A_709 : vector<16xf32>
        %mul3A_711 = vector.broadcast %squeeze3A_544 : f32 to vector<16xf32>
        %mul3A_712 = arith.mulf %gather3A_631, %mul3A_711 : vector<16xf32>
        %add3A_713 = arith.addf %mul3A_710, %mul3A_712 : vector<16xf32>
        %mul3A_714 = arith.constant 2.000000e-01 : f32
        %mul3A_715 = vector.broadcast %mul3A_714 : f32 to vector<16xf32>
        %mul3A_716 = arith.mulf %mul3A_715, %add3A_713 : vector<16xf32>
        %max3A_717 = arith.maximumf %add3A_713, %mul3A_716 : vector<16xf32>
        %exp3A_718 = math.exp %max3A_717 : vector<16xf32>
        %broadcast_in_dim3A_719 = arith.constant 5 : i32
        %broadcast_in_dim3A_720 = vector.broadcast %broadcast_in_dim3A_719 : i32 to vector<16xi32>
        tpu.vector_store_idx %arg10[%add3A_635, %broadcast_in_dim3A_720], %exp3A_718 : memref<128x16xf32, #tpu.memory_space<vmem>>[vector<16xi32>, vector<16xi32>], vector<16xf32>,
        %broadcast_in_dim3A_721 = arith.constant 13 : i32
        %broadcast_in_dim3A_722 = vector.broadcast %broadcast_in_dim3A_721 : i32 to vector<16xi32>
        %mul3A_723 = arith.mulf %exp3A_718, %gather3A : vector<16xf32>
        tpu.vector_store_idx %arg10[%add3A_635, %broadcast_in_dim3A_722], %mul3A_723 : memref<128x16xf32, #tpu.memory_space<vmem>>[vector<16xi32>, vector<16xi32>], vector<16xf32>,
        %mul3A_724 = vector.broadcast %squeeze3A_530 : f32 to vector<16xf32>
        %mul3A_725 = arith.mulf %gather3A, %mul3A_724 : vector<16xf32>
        %mul3A_726 = vector.broadcast %squeeze3A_546 : f32 to vector<16xf32>
        %mul3A_727 = arith.mulf %gather3A_631, %mul3A_726 : vector<16xf32>
        %add3A_728 = arith.addf %mul3A_725, %mul3A_727 : vector<16xf32>
        %mul3A_729 = arith.constant 2.000000e-01 : f32
        %mul3A_730 = vector.broadcast %mul3A_729 : f32 to vector<16xf32>
        %mul3A_731 = arith.mulf %mul3A_730, %add3A_728 : vector<16xf32>
        %max3A_732 = arith.maximumf %add3A_728, %mul3A_731 : vector<16xf32>
        %exp3A_733 = math.exp %max3A_732 : vector<16xf32>
        %broadcast_in_dim3A_734 = arith.constant 6 : i32
        %broadcast_in_dim3A_735 = vector.broadcast %broadcast_in_dim3A_734 : i32 to vector<16xi32>
        tpu.vector_store_idx %arg10[%add3A_635, %broadcast_in_dim3A_735], %exp3A_733 : memref<128x16xf32, #tpu.memory_space<vmem>>[vector<16xi32>, vector<16xi32>], vector<16xf32>,
        %broadcast_in_dim3A_736 = arith.constant 14 : i32
        %broadcast_in_dim3A_737 = vector.broadcast %broadcast_in_dim3A_736 : i32 to vector<16xi32>
        %mul3A_738 = arith.mulf %exp3A_733, %gather3A : vector<16xf32>
        tpu.vector_store_idx %arg10[%add3A_635, %broadcast_in_dim3A_737], %mul3A_738 : memref<128x16xf32, #tpu.memory_space<vmem>>[vector<16xi32>, vector<16xi32>], vector<16xf32>,
        %mul3A_739 = vector.broadcast %squeeze3A_532 : f32 to vector<16xf32>
        %mul3A_740 = arith.mulf %gather3A, %mul3A_739 : vector<16xf32>
        %mul3A_741 = vector.broadcast %squeeze3A_548 : f32 to vector<16xf32>
        %mul3A_742 = arith.mulf %gather3A_631, %mul3A_741 : vector<16xf32>
        %add3A_743 = arith.addf %mul3A_740, %mul3A_742 : vector<16xf32>
        %mul3A_744 = arith.constant 2.000000e-01 : f32
        %mul3A_745 = vector.broadcast %mul3A_744 : f32 to vector<16xf32>
        %mul3A_746 = arith.mulf %mul3A_745, %add3A_743 : vector<16xf32>
        %max3A_747 = arith.maximumf %add3A_743, %mul3A_746 : vector<16xf32>
        %exp3A_748 = math.exp %max3A_747 : vector<16xf32>
        %broadcast_in_dim3A_749 = arith.constant 7 : i32
        %broadcast_in_dim3A_750 = vector.broadcast %broadcast_in_dim3A_749 : i32 to vector<16xi32>
        tpu.vector_store_idx %arg10[%add3A_635, %broadcast_in_dim3A_750], %exp3A_748 : memref<128x16xf32, #tpu.memory_space<vmem>>[vector<16xi32>, vector<16xi32>], vector<16xf32>,
        %broadcast_in_dim3A_751 = arith.constant 15 : i32
        %broadcast_in_dim3A_752 = vector.broadcast %broadcast_in_dim3A_751 : i32 to vector<16xi32>
        %mul3A_753 = arith.mulf %exp3A_748, %gather3A : vector<16xf32>
        tpu.vector_store_idx %arg10[%add3A_635, %broadcast_in_dim3A_752], %mul3A_753 : memref<128x16xf32, #tpu.memory_space<vmem>>[vector<16xi32>, vector<16xi32>], vector<16xf32>,
      }
      %scan3A_619 = arith.constant 8 : i32
      "tpu.region"() ({
        %run_scoped3A = tpu.sem_alloc : memref<!tpu.dma_semaphore, #tpu.memory_space<semaphore_mem>>
        %dma_start3A = arith.constant 0 : i32
        %dma_start3A_620 = tpu.memref_slice %arg9[%scan3A_613, %dma_start3A] : memref<40x128xi32, #tpu.memory_space<vmem>> -> memref<1x128xi32, #tpu.memory_space<vmem>>
        %dma_start3A_621 = tpu.memref_squeeze %dma_start3A_620 : memref<1x128xi32, #tpu.memory_space<vmem>> -> memref<128xi32, #tpu.memory_space<vmem>>
        %dma_start3A_622 = arith.constant 0 : i32
        %dma_start3A_623 = arith.constant 0 : i32
        %dma_start3A_624 = tpu.memref_slice %arg14[%dma_start3A_622, %dma_start3A_623] : memref<51200x16xf32, #tpu.memory_space<vmem_shared>> -> memref<51200x16xf32, #tpu.memory_space<vmem_shared>>
        tpu.enqueue_indirect_dma source(%arg10 : memref<128x16xf32, #tpu.memory_space<vmem>>) target(%dma_start3A_624 : memref<51200x16xf32, #tpu.memory_space<vmem_shared>>) offsets(%dma_start3A_621 : memref<128xi32, #tpu.memory_space<vmem>>) semaphore(%run_scoped3A : memref<!tpu.dma_semaphore, #tpu.memory_space<semaphore_mem>>) {add = true}
        %dma_wait3A = arith.constant 0 : i32
        %dma_wait3A_625 = tpu.memref_slice %arg9[%scan3A_613, %dma_wait3A] : memref<40x128xi32, #tpu.memory_space<vmem>> -> memref<1x128xi32, #tpu.memory_space<vmem>>
        %dma_wait3A_626 = tpu.memref_squeeze %dma_wait3A_625 : memref<1x128xi32, #tpu.memory_space<vmem>> -> memref<128xi32, #tpu.memory_space<vmem>>
        %dma_wait3A_627 = arith.constant 0 : i32
        %dma_wait3A_628 = arith.constant 0 : i32
        %dma_wait3A_629 = tpu.memref_slice %arg14[%dma_wait3A_627, %dma_wait3A_628] : memref<51200x16xf32, #tpu.memory_space<vmem_shared>> -> memref<51200x16xf32, #tpu.memory_space<vmem_shared>>
        tpu.wait_indirect_dma semaphore(%run_scoped3A : memref<!tpu.dma_semaphore, #tpu.memory_space<semaphore_mem>>) src(%arg10 : memref<128x16xf32, #tpu.memory_space<vmem>>) dst(%dma_wait3A_629 : memref<51200x16xf32, #tpu.memory_space<vmem_shared>>)
        tpu.yield
      }) : () -> ()
    }
    %scan3A_598 = arith.constant 40 : i32
    %barrier3A_599 = arith.constant 0 : index
    tpu.barrier barrier_id(%barrier3A_599)
    %mul3A_600 = arith.constant 51200 : i32
    %mul3A_601 = arith.muli %arg0, %mul3A_600 : i32
    %mul3A_602 = arith.constant 3200 : i32
    %mul3A_603 = arith.muli %arg1, %mul3A_602 : i32
    %add3A_604 = arith.addi %mul3A_601, %mul3A_603 : i32
    %mul3A_605 = arith.constant 16 : i32
    %mul3A_606 = arith.muli %add3A_604, %mul3A_605 : i32
    %scan3A_607 = arith.constant 0 : i32
    %scan3A_608 = arith.constant 0 : i32
    %scan3A_609 = arith.constant 25 : i32
    %scan3A_610 = arith.addi %scan3A_608, %scan3A_609 : i32
    %scan3A_611 = arith.constant 1 : i32
    scf.for %scan3A_613 = %scan3A_608 to %scan3A_610 step %scan3A_611  : i32 {
      %mul3A_614 = arith.constant 3200 : i32
      %mul3A_615 = arith.muli %arg1, %mul3A_614 : i32
      %mul3A_616 = arith.constant 128 : i32
      %mul3A_617 = arith.muli %scan3A_613, %mul3A_616 : i32
      %add3A_618 = arith.addi %mul3A_615, %mul3A_617 : i32
      %add3A_619 = arith.constant 0 : i32
      %add3A_620 = arith.addi %add3A_618, %add3A_619 : i32
      %add3A_621 = vector.broadcast %add3A_620 : i32 to vector<16xi32>
      %add3A_622 = arith.addi %add3A_621, %iota3A : vector<16xi32>
      %swap3A_623 = arith.constant 0 : index
      %swap3A_624 = tpu.vector_load %arg13[%swap3A_623] {strides = array<i32>} : memref<128xi32, #tpu.memory_space<vmem>>, vector<16xi32>,
      tpu.vector_store %arg13[%swap3A_623], %add3A_622 {strides = array<i32>} : memref<128xi32, #tpu.memory_space<vmem>>, vector<16xi32>,
      %add3A_625 = arith.constant 16 : i32
      %add3A_626 = arith.addi %add3A_618, %add3A_625 : i32
      %add3A_627 = vector.broadcast %add3A_626 : i32 to vector<16xi32>
      %add3A_628 = arith.addi %add3A_627, %iota3A : vector<16xi32>
      %swap3A_629 = arith.constant 16 : index
      %swap3A_630 = tpu.vector_load %arg13[%swap3A_629] {strides = array<i32>} : memref<128xi32, #tpu.memory_space<vmem>>, vector<16xi32>,
      tpu.vector_store %arg13[%swap3A_629], %add3A_628 {strides = array<i32>} : memref<128xi32, #tpu.memory_space<vmem>>, vector<16xi32>,
      %add3A_631 = arith.constant 32 : i32
      %add3A_632 = arith.addi %add3A_618, %add3A_631 : i32
      %add3A_633 = vector.broadcast %add3A_632 : i32 to vector<16xi32>
      %add3A_634 = arith.addi %add3A_633, %iota3A : vector<16xi32>
      %swap3A_635 = arith.constant 32 : index
      %swap3A_636 = tpu.vector_load %arg13[%swap3A_635] {strides = array<i32>} : memref<128xi32, #tpu.memory_space<vmem>>, vector<16xi32>,
      tpu.vector_store %arg13[%swap3A_635], %add3A_634 {strides = array<i32>} : memref<128xi32, #tpu.memory_space<vmem>>, vector<16xi32>,
      %add3A_637 = arith.constant 48 : i32
      %add3A_638 = arith.addi %add3A_618, %add3A_637 : i32
      %add3A_639 = vector.broadcast %add3A_638 : i32 to vector<16xi32>
      %add3A_640 = arith.addi %add3A_639, %iota3A : vector<16xi32>
      %swap3A_641 = arith.constant 48 : index
      %swap3A_642 = tpu.vector_load %arg13[%swap3A_641] {strides = array<i32>} : memref<128xi32, #tpu.memory_space<vmem>>, vector<16xi32>,
      tpu.vector_store %arg13[%swap3A_641], %add3A_640 {strides = array<i32>} : memref<128xi32, #tpu.memory_space<vmem>>, vector<16xi32>,
      %add3A_643 = arith.constant 64 : i32
      %add3A_644 = arith.addi %add3A_618, %add3A_643 : i32
      %add3A_645 = vector.broadcast %add3A_644 : i32 to vector<16xi32>
      %add3A_646 = arith.addi %add3A_645, %iota3A : vector<16xi32>
      %swap3A_647 = arith.constant 64 : index
      %swap3A_648 = tpu.vector_load %arg13[%swap3A_647] {strides = array<i32>} : memref<128xi32, #tpu.memory_space<vmem>>, vector<16xi32>,
      tpu.vector_store %arg13[%swap3A_647], %add3A_646 {strides = array<i32>} : memref<128xi32, #tpu.memory_space<vmem>>, vector<16xi32>,
      %add3A_649 = arith.constant 80 : i32
      %add3A_650 = arith.addi %add3A_618, %add3A_649 : i32
      %add3A_651 = vector.broadcast %add3A_650 : i32 to vector<16xi32>
      %add3A_652 = arith.addi %add3A_651, %iota3A : vector<16xi32>
      %swap3A_653 = arith.constant 80 : index
      %swap3A_654 = tpu.vector_load %arg13[%swap3A_653] {strides = array<i32>} : memref<128xi32, #tpu.memory_space<vmem>>, vector<16xi32>,
      tpu.vector_store %arg13[%swap3A_653], %add3A_652 {strides = array<i32>} : memref<128xi32, #tpu.memory_space<vmem>>, vector<16xi32>,
      %add3A_655 = arith.constant 96 : i32
      %add3A_656 = arith.addi %add3A_618, %add3A_655 : i32
      %add3A_657 = vector.broadcast %add3A_656 : i32 to vector<16xi32>
      %add3A_658 = arith.addi %add3A_657, %iota3A : vector<16xi32>
      %swap3A_659 = arith.constant 96 : index
      %swap3A_660 = tpu.vector_load %arg13[%swap3A_659] {strides = array<i32>} : memref<128xi32, #tpu.memory_space<vmem>>, vector<16xi32>,
      tpu.vector_store %arg13[%swap3A_659], %add3A_658 {strides = array<i32>} : memref<128xi32, #tpu.memory_space<vmem>>, vector<16xi32>,
      %add3A_661 = arith.constant 112 : i32
      %add3A_662 = arith.addi %add3A_618, %add3A_661 : i32
      %add3A_663 = vector.broadcast %add3A_662 : i32 to vector<16xi32>
      %add3A_664 = arith.addi %add3A_663, %iota3A : vector<16xi32>
      %swap3A_665 = arith.constant 112 : index
      %swap3A_666 = tpu.vector_load %arg13[%swap3A_665] {strides = array<i32>} : memref<128xi32, #tpu.memory_space<vmem>>, vector<16xi32>,
      tpu.vector_store %arg13[%swap3A_665], %add3A_664 {strides = array<i32>} : memref<128xi32, #tpu.memory_space<vmem>>, vector<16xi32>,
      "tpu.region"() ({
        %run_scoped3A = tpu.sem_alloc : memref<!tpu.dma_semaphore, #tpu.memory_space<semaphore_mem>>
        %dma_start3A = arith.constant 0 : i32
        %dma_start3A_678 = arith.constant 0 : i32
        %dma_start3A_679 = tpu.memref_slice %arg14[%dma_start3A, %dma_start3A_678] : memref<51200x16xf32, #tpu.memory_space<vmem_shared>> -> memref<51200x16xf32, #tpu.memory_space<vmem_shared>>
        tpu.enqueue_indirect_dma source(%dma_start3A_679 : memref<51200x16xf32, #tpu.memory_space<vmem_shared>>) target(%arg10 : memref<128x16xf32, #tpu.memory_space<vmem>>) offsets(%arg13 : memref<128xi32, #tpu.memory_space<vmem>>) semaphore(%run_scoped3A : memref<!tpu.dma_semaphore, #tpu.memory_space<semaphore_mem>>)
        %dma_wait3A = arith.constant 0 : i32
        %dma_wait3A_680 = arith.constant 0 : i32
        %dma_wait3A_681 = tpu.memref_slice %arg14[%dma_wait3A, %dma_wait3A_680] : memref<51200x16xf32, #tpu.memory_space<vmem_shared>> -> memref<51200x16xf32, #tpu.memory_space<vmem_shared>>
        tpu.wait_indirect_dma semaphore(%run_scoped3A : memref<!tpu.dma_semaphore, #tpu.memory_space<semaphore_mem>>) src(%dma_wait3A_681 : memref<51200x16xf32, #tpu.memory_space<vmem_shared>>) dst(%arg10 : memref<128x16xf32, #tpu.memory_space<vmem>>)
        tpu.yield
      }) : () -> ()
      %scan3A_667 = arith.constant 0 : i32
      %scan3A_668 = arith.constant 0 : i32
      %scan3A_669 = arith.constant 128 : i32
      %scan3A_670 = arith.addi %scan3A_668, %scan3A_669 : i32
      %scan3A_671 = arith.constant 1 : i32
      scf.for %scan3A_678 = %scan3A_668 to %scan3A_670 step %scan3A_671  : i32 {
        %get3A_679 = arith.index_cast %scan3A_678 : i32 to index
        %get3A_680 = arith.constant 0 : index
        %get3A_681 = tpu.vector_load %arg10[%get3A_679, %get3A_680] {strides = array<i32>} : memref<128x16xf32, #tpu.memory_space<vmem>>, vector<16xf32>,
        %mul3A_682 = arith.constant 16 : i32
        %mul3A_683 = arith.muli %scan3A_678, %mul3A_682 : i32
        %swap3A_684 = arith.index_cast %mul3A_683 : i32 to index
        %swap3A_685 = tpu.vector_load %arg12[%swap3A_684] {strides = array<i32>} : memref<2048xf32, #tpu.memory_space<vmem>>, vector<16xf32>,
        tpu.vector_store %arg12[%swap3A_684], %get3A_681 {strides = array<i32>} : memref<2048xf32, #tpu.memory_space<vmem>>, vector<16xf32>,
      }
      %scan3A_672 = arith.constant 128 : i32
      %mul3A_673 = arith.constant 128 : i32
      %mul3A_674 = arith.muli %scan3A_613, %mul3A_673 : i32
      %mul3A_675 = arith.constant 16 : i32
      %mul3A_676 = arith.muli %mul3A_674, %mul3A_675 : i32
      %add3A_677 = arith.addi %mul3A_606, %mul3A_676 : i32
      "tpu.region"() ({
        %run_scoped3A = tpu.sem_alloc : memref<!tpu.dma_semaphore, #tpu.memory_space<semaphore_mem>>
        %dma_start3A = tpu.memref_slice %arg6[%add3A_677] : memref<1638400xf32, #tpu.memory_space<hbm>> -> memref<2048xf32, #tpu.memory_space<hbm>>
        %dma_start3A_678 = tpu.memref_slice %arg6[%add3A_677] : memref<1638400xf32, #tpu.memory_space<hbm>> -> memref<2048xf32, #tpu.memory_space<hbm>>
        tpu.enqueue_dma source(%arg12 : memref<2048xf32, #tpu.memory_space<vmem>>) target(%dma_start3A_678 : memref<2048xf32, #tpu.memory_space<hbm>>) target_semaphore(%run_scoped3A : memref<!tpu.dma_semaphore, #tpu.memory_space<semaphore_mem>>)
        %dma_wait3A = tpu.memref_slice %arg6[%add3A_677] : memref<1638400xf32, #tpu.memory_space<hbm>> -> memref<2048xf32, #tpu.memory_space<hbm>>
        %dma_wait3A_679 = tpu.memref_slice %arg6[%add3A_677] : memref<1638400xf32, #tpu.memory_space<hbm>> -> memref<2048xf32, #tpu.memory_space<hbm>>
        tpu.wait_dma2 semaphore(%run_scoped3A : memref<!tpu.dma_semaphore, #tpu.memory_space<semaphore_mem>>) src(%arg12 : memref<2048xf32, #tpu.memory_space<vmem>>) dst(%dma_wait3A_679 : memref<2048xf32, #tpu.memory_space<hbm>>)
        tpu.yield
      }) : () -> ()
    }
    %scan3A_612 = arith.constant 25 : i32
    return
  }
}

#map = affine_map<(d0, d1) -> (0)>
#map1 = affine_map<(d0, d1) -> (0, 0)>
module attributes {stable_mosaic.version = 14 : i64} {
  func.func @edge_pass(%arg0: i32, %arg1: i32, %arg2: memref<51200xf32, #tpu.memory_space<hbm>>, %arg3: memref<6400x128xi32, #tpu.memory_space<hbm>>, %arg4: memref<6400x128xi32, #tpu.memory_space<hbm>>, %arg5: memref<16xf32, #tpu.memory_space<hbm>>, %arg6: memref<1638400xf32, #tpu.memory_space<hbm>>, %arg7: memref<50048xf32, #tpu.memory_space<vmem>>, %arg8: memref<40x128xi32, #tpu.memory_space<vmem>>, %arg9: memref<40x128xi32, #tpu.memory_space<vmem>>, %arg10: memref<128x16xf32, #tpu.memory_space<vmem>>, %arg11: memref<16xf32, #tpu.memory_space<vmem>>, %arg12: memref<2048xf32, #tpu.memory_space<vmem>>, %arg13: memref<128xi32, #tpu.memory_space<vmem>>, %arg14: memref<51200x16xf32, #tpu.memory_space<vmem_shared>>) attributes {dimension_semantics = [#tpu.dimension_semantics<core_parallel>, #tpu.dimension_semantics<subcore_parallel>], iteration_bounds = array<i64: 2, 16>, scalar_prefetch = 0 : i64, scratch_operands = 8 : i64, tpu.core_type = #tpu.core_type<sc_vector_subcore>, window_params = [{transform_indices = #map}, {transform_indices = #map1}, {transform_indices = #map1}, {transform_indices = #map}, {transform_indices = #map}]} {
    %mul3A = arith.constant 16 : i32
    %mul3A_0 = arith.muli %arg0, %mul3A : i32
    %add3A = arith.addi %mul3A_0, %arg1 : i32
    "tpu.region"() ({
      %run_scoped3A = tpu.sem_alloc : memref<!tpu.dma_semaphore, #tpu.memory_space<semaphore_mem>>
      %dma_start3A = arith.constant 0 : i32
      %dma_start3A_585 = tpu.memref_slice %arg2[%dma_start3A] : memref<51200xf32, #tpu.memory_space<hbm>> -> memref<50048xf32, #tpu.memory_space<hbm>>
      %dma_start3A_586 = arith.constant 0 : i32
      %dma_start3A_587 = tpu.memref_slice %arg2[%dma_start3A_586] : memref<51200xf32, #tpu.memory_space<hbm>> -> memref<50048xf32, #tpu.memory_space<hbm>>
      tpu.enqueue_dma source(%dma_start3A_587 : memref<50048xf32, #tpu.memory_space<hbm>>) target(%arg7 : memref<50048xf32, #tpu.memory_space<vmem>>) target_semaphore(%run_scoped3A : memref<!tpu.dma_semaphore, #tpu.memory_space<semaphore_mem>>)
      %dma_wait3A = arith.constant 0 : i32
      %dma_wait3A_588 = tpu.memref_slice %arg2[%dma_wait3A] : memref<51200xf32, #tpu.memory_space<hbm>> -> memref<50048xf32, #tpu.memory_space<hbm>>
      %dma_wait3A_589 = arith.constant 0 : i32
      %dma_wait3A_590 = tpu.memref_slice %arg2[%dma_wait3A_589] : memref<51200xf32, #tpu.memory_space<hbm>> -> memref<50048xf32, #tpu.memory_space<hbm>>
      tpu.wait_dma2 semaphore(%run_scoped3A : memref<!tpu.dma_semaphore, #tpu.memory_space<semaphore_mem>>) src(%dma_wait3A_590 : memref<50048xf32, #tpu.memory_space<hbm>>) dst(%arg7 : memref<50048xf32, #tpu.memory_space<vmem>>)
      tpu.yield
    }) : () -> ()
    "tpu.region"() ({
      %run_scoped3A = tpu.sem_alloc : memref<!tpu.dma_semaphore, #tpu.memory_space<semaphore_mem>>
      tpu.enqueue_dma source(%arg5 : memref<16xf32, #tpu.memory_space<hbm>>) target(%arg11 : memref<16xf32, #tpu.memory_space<vmem>>) target_semaphore(%run_scoped3A : memref<!tpu.dma_semaphore, #tpu.memory_space<semaphore_mem>>)
      tpu.wait_dma2 semaphore(%run_scoped3A : memref<!tpu.dma_semaphore, #tpu.memory_space<semaphore_mem>>) src(%arg5 : memref<16xf32, #tpu.memory_space<hbm>>) dst(%arg11 : memref<16xf32, #tpu.memory_space<vmem>>)
      tpu.yield
    }) : () -> ()
    %iota3A = tpu.iota {dimensions = array<i32: 0>} : vector<16xi32>
    %broadcast_in_dim3A = arith.constant 0.000000e+00 : f32
    %broadcast_in_dim3A_1 = vector.broadcast %broadcast_in_dim3A : f32 to vector<16xf32>
    %swap3A = arith.constant 0 : i32
    %swap3A_2 = arith.index_cast %swap3A : i32 to index
    %swap3A_3 = arith.constant 0 : index
    %swap3A_4 = tpu.vector_load %arg10[%swap3A_2, %swap3A_3] {strides = array<i32>} : memref<128x16xf32, #tpu.memory_space<vmem>>, vector<16xf32>,
    tpu.vector_store %arg10[%swap3A_2, %swap3A_3], %broadcast_in_dim3A_1 {strides = array<i32>} : memref<128x16xf32, #tpu.memory_space<vmem>>, vector<16xf32>,
    %swap3A_5 = arith.constant 1 : i32
    %swap3A_6 = arith.index_cast %swap3A_5 : i32 to index
    %swap3A_7 = arith.constant 0 : index
    %swap3A_8 = tpu.vector_load %arg10[%swap3A_6, %swap3A_7] {strides = array<i32>} : memref<128x16xf32, #tpu.memory_space<vmem>>, vector<16xf32>,
    tpu.vector_store %arg10[%swap3A_6, %swap3A_7], %broadcast_in_dim3A_1 {strides = array<i32>} : memref<128x16xf32, #tpu.memory_space<vmem>>, vector<16xf32>,
    %swap3A_9 = arith.constant 2 : i32
    %swap3A_10 = arith.index_cast %swap3A_9 : i32 to index
    %swap3A_11 = arith.constant 0 : index
    %swap3A_12 = tpu.vector_load %arg10[%swap3A_10, %swap3A_11] {strides = array<i32>} : memref<128x16xf32, #tpu.memory_space<vmem>>, vector<16xf32>,
    tpu.vector_store %arg10[%swap3A_10, %swap3A_11], %broadcast_in_dim3A_1 {strides = array<i32>} : memref<128x16xf32, #tpu.memory_space<vmem>>, vector<16xf32>,
    %swap3A_13 = arith.constant 3 : i32
    %swap3A_14 = arith.index_cast %swap3A_13 : i32 to index
    %swap3A_15 = arith.constant 0 : index
    %swap3A_16 = tpu.vector_load %arg10[%swap3A_14, %swap3A_15] {strides = array<i32>} : memref<128x16xf32, #tpu.memory_space<vmem>>, vector<16xf32>,
    tpu.vector_store %arg10[%swap3A_14, %swap3A_15], %broadcast_in_dim3A_1 {strides = array<i32>} : memref<128x16xf32, #tpu.memory_space<vmem>>, vector<16xf32>,
    %swap3A_17 = arith.constant 4 : i32
    %swap3A_18 = arith.index_cast %swap3A_17 : i32 to index
    %swap3A_19 = arith.constant 0 : index
    %swap3A_20 = tpu.vector_load %arg10[%swap3A_18, %swap3A_19] {strides = array<i32>} : memref<128x16xf32, #tpu.memory_space<vmem>>, vector<16xf32>,
    tpu.vector_store %arg10[%swap3A_18, %swap3A_19], %broadcast_in_dim3A_1 {strides = array<i32>} : memref<128x16xf32, #tpu.memory_space<vmem>>, vector<16xf32>,
    %swap3A_21 = arith.constant 5 : i32
    %swap3A_22 = arith.index_cast %swap3A_21 : i32 to index
    %swap3A_23 = arith.constant 0 : index
    %swap3A_24 = tpu.vector_load %arg10[%swap3A_22, %swap3A_23] {strides = array<i32>} : memref<128x16xf32, #tpu.memory_space<vmem>>, vector<16xf32>,
    tpu.vector_store %arg10[%swap3A_22, %swap3A_23], %broadcast_in_dim3A_1 {strides = array<i32>} : memref<128x16xf32, #tpu.memory_space<vmem>>, vector<16xf32>,
    %swap3A_25 = arith.constant 6 : i32
    %swap3A_26 = arith.index_cast %swap3A_25 : i32 to index
    %swap3A_27 = arith.constant 0 : index
    %swap3A_28 = tpu.vector_load %arg10[%swap3A_26, %swap3A_27] {strides = array<i32>} : memref<128x16xf32, #tpu.memory_space<vmem>>, vector<16xf32>,
    tpu.vector_store %arg10[%swap3A_26, %swap3A_27], %broadcast_in_dim3A_1 {strides = array<i32>} : memref<128x16xf32, #tpu.memory_space<vmem>>, vector<16xf32>,
    %swap3A_29 = arith.constant 7 : i32
    %swap3A_30 = arith.index_cast %swap3A_29 : i32 to index
    %swap3A_31 = arith.constant 0 : index
    %swap3A_32 = tpu.vector_load %arg10[%swap3A_30, %swap3A_31] {strides = array<i32>} : memref<128x16xf32, #tpu.memory_space<vmem>>, vector<16xf32>,
    tpu.vector_store %arg10[%swap3A_30, %swap3A_31], %broadcast_in_dim3A_1 {strides = array<i32>} : memref<128x16xf32, #tpu.memory_space<vmem>>, vector<16xf32>,
    %swap3A_33 = arith.constant 8 : i32
    %swap3A_34 = arith.index_cast %swap3A_33 : i32 to index
    %swap3A_35 = arith.constant 0 : index
    %swap3A_36 = tpu.vector_load %arg10[%swap3A_34, %swap3A_35] {strides = array<i32>} : memref<128x16xf32, #tpu.memory_space<vmem>>, vector<16xf32>,
    tpu.vector_store %arg10[%swap3A_34, %swap3A_35], %broadcast_in_dim3A_1 {strides = array<i32>} : memref<128x16xf32, #tpu.memory_space<vmem>>, vector<16xf32>,
    %swap3A_37 = arith.constant 9 : i32
    %swap3A_38 = arith.index_cast %swap3A_37 : i32 to index
    %swap3A_39 = arith.constant 0 : index
    %swap3A_40 = tpu.vector_load %arg10[%swap3A_38, %swap3A_39] {strides = array<i32>} : memref<128x16xf32, #tpu.memory_space<vmem>>, vector<16xf32>,
    tpu.vector_store %arg10[%swap3A_38, %swap3A_39], %broadcast_in_dim3A_1 {strides = array<i32>} : memref<128x16xf32, #tpu.memory_space<vmem>>, vector<16xf32>,
    %swap3A_41 = arith.constant 10 : i32
    %swap3A_42 = arith.index_cast %swap3A_41 : i32 to index
    %swap3A_43 = arith.constant 0 : index
    %swap3A_44 = tpu.vector_load %arg10[%swap3A_42, %swap3A_43] {strides = array<i32>} : memref<128x16xf32, #tpu.memory_space<vmem>>, vector<16xf32>,
    tpu.vector_store %arg10[%swap3A_42, %swap3A_43], %broadcast_in_dim3A_1 {strides = array<i32>} : memref<128x16xf32, #tpu.memory_space<vmem>>, vector<16xf32>,
    %swap3A_45 = arith.constant 11 : i32
    %swap3A_46 = arith.index_cast %swap3A_45 : i32 to index
    %swap3A_47 = arith.constant 0 : index
    %swap3A_48 = tpu.vector_load %arg10[%swap3A_46, %swap3A_47] {strides = array<i32>} : memref<128x16xf32, #tpu.memory_space<vmem>>, vector<16xf32>,
    tpu.vector_store %arg10[%swap3A_46, %swap3A_47], %broadcast_in_dim3A_1 {strides = array<i32>} : memref<128x16xf32, #tpu.memory_space<vmem>>, vector<16xf32>,
    %swap3A_49 = arith.constant 12 : i32
    %swap3A_50 = arith.index_cast %swap3A_49 : i32 to index
    %swap3A_51 = arith.constant 0 : index
    %swap3A_52 = tpu.vector_load %arg10[%swap3A_50, %swap3A_51] {strides = array<i32>} : memref<128x16xf32, #tpu.memory_space<vmem>>, vector<16xf32>,
    tpu.vector_store %arg10[%swap3A_50, %swap3A_51], %broadcast_in_dim3A_1 {strides = array<i32>} : memref<128x16xf32, #tpu.memory_space<vmem>>, vector<16xf32>,
    %swap3A_53 = arith.constant 13 : i32
    %swap3A_54 = arith.index_cast %swap3A_53 : i32 to index
    %swap3A_55 = arith.constant 0 : index
    %swap3A_56 = tpu.vector_load %arg10[%swap3A_54, %swap3A_55] {strides = array<i32>} : memref<128x16xf32, #tpu.memory_space<vmem>>, vector<16xf32>,
    tpu.vector_store %arg10[%swap3A_54, %swap3A_55], %broadcast_in_dim3A_1 {strides = array<i32>} : memref<128x16xf32, #tpu.memory_space<vmem>>, vector<16xf32>,
    %swap3A_57 = arith.constant 14 : i32
    %swap3A_58 = arith.index_cast %swap3A_57 : i32 to index
    %swap3A_59 = arith.constant 0 : index
    %swap3A_60 = tpu.vector_load %arg10[%swap3A_58, %swap3A_59] {strides = array<i32>} : memref<128x16xf32, #tpu.memory_space<vmem>>, vector<16xf32>,
    tpu.vector_store %arg10[%swap3A_58, %swap3A_59], %broadcast_in_dim3A_1 {strides = array<i32>} : memref<128x16xf32, #tpu.memory_space<vmem>>, vector<16xf32>,
    %swap3A_61 = arith.constant 15 : i32
    %swap3A_62 = arith.index_cast %swap3A_61 : i32 to index
    %swap3A_63 = arith.constant 0 : index
    %swap3A_64 = tpu.vector_load %arg10[%swap3A_62, %swap3A_63] {strides = array<i32>} : memref<128x16xf32, #tpu.memory_space<vmem>>, vector<16xf32>,
    tpu.vector_store %arg10[%swap3A_62, %swap3A_63], %broadcast_in_dim3A_1 {strides = array<i32>} : memref<128x16xf32, #tpu.memory_space<vmem>>, vector<16xf32>,
    %swap3A_65 = arith.constant 16 : i32
    %swap3A_66 = arith.index_cast %swap3A_65 : i32 to index
    %swap3A_67 = arith.constant 0 : index
    %swap3A_68 = tpu.vector_load %arg10[%swap3A_66, %swap3A_67] {strides = array<i32>} : memref<128x16xf32, #tpu.memory_space<vmem>>, vector<16xf32>,
    tpu.vector_store %arg10[%swap3A_66, %swap3A_67], %broadcast_in_dim3A_1 {strides = array<i32>} : memref<128x16xf32, #tpu.memory_space<vmem>>, vector<16xf32>,
    %swap3A_69 = arith.constant 17 : i32
    %swap3A_70 = arith.index_cast %swap3A_69 : i32 to index
    %swap3A_71 = arith.constant 0 : index
    %swap3A_72 = tpu.vector_load %arg10[%swap3A_70, %swap3A_71] {strides = array<i32>} : memref<128x16xf32, #tpu.memory_space<vmem>>, vector<16xf32>,
    tpu.vector_store %arg10[%swap3A_70, %swap3A_71], %broadcast_in_dim3A_1 {strides = array<i32>} : memref<128x16xf32, #tpu.memory_space<vmem>>, vector<16xf32>,
    %swap3A_73 = arith.constant 18 : i32
    %swap3A_74 = arith.index_cast %swap3A_73 : i32 to index
    %swap3A_75 = arith.constant 0 : index
    %swap3A_76 = tpu.vector_load %arg10[%swap3A_74, %swap3A_75] {strides = array<i32>} : memref<128x16xf32, #tpu.memory_space<vmem>>, vector<16xf32>,
    tpu.vector_store %arg10[%swap3A_74, %swap3A_75], %broadcast_in_dim3A_1 {strides = array<i32>} : memref<128x16xf32, #tpu.memory_space<vmem>>, vector<16xf32>,
    %swap3A_77 = arith.constant 19 : i32
    %swap3A_78 = arith.index_cast %swap3A_77 : i32 to index
    %swap3A_79 = arith.constant 0 : index
    %swap3A_80 = tpu.vector_load %arg10[%swap3A_78, %swap3A_79] {strides = array<i32>} : memref<128x16xf32, #tpu.memory_space<vmem>>, vector<16xf32>,
    tpu.vector_store %arg10[%swap3A_78, %swap3A_79], %broadcast_in_dim3A_1 {strides = array<i32>} : memref<128x16xf32, #tpu.memory_space<vmem>>, vector<16xf32>,
    %swap3A_81 = arith.constant 20 : i32
    %swap3A_82 = arith.index_cast %swap3A_81 : i32 to index
    %swap3A_83 = arith.constant 0 : index
    %swap3A_84 = tpu.vector_load %arg10[%swap3A_82, %swap3A_83] {strides = array<i32>} : memref<128x16xf32, #tpu.memory_space<vmem>>, vector<16xf32>,
    tpu.vector_store %arg10[%swap3A_82, %swap3A_83], %broadcast_in_dim3A_1 {strides = array<i32>} : memref<128x16xf32, #tpu.memory_space<vmem>>, vector<16xf32>,
    %swap3A_85 = arith.constant 21 : i32
    %swap3A_86 = arith.index_cast %swap3A_85 : i32 to index
    %swap3A_87 = arith.constant 0 : index
    %swap3A_88 = tpu.vector_load %arg10[%swap3A_86, %swap3A_87] {strides = array<i32>} : memref<128x16xf32, #tpu.memory_space<vmem>>, vector<16xf32>,
    tpu.vector_store %arg10[%swap3A_86, %swap3A_87], %broadcast_in_dim3A_1 {strides = array<i32>} : memref<128x16xf32, #tpu.memory_space<vmem>>, vector<16xf32>,
    %swap3A_89 = arith.constant 22 : i32
    %swap3A_90 = arith.index_cast %swap3A_89 : i32 to index
    %swap3A_91 = arith.constant 0 : index
    %swap3A_92 = tpu.vector_load %arg10[%swap3A_90, %swap3A_91] {strides = array<i32>} : memref<128x16xf32, #tpu.memory_space<vmem>>, vector<16xf32>,
    tpu.vector_store %arg10[%swap3A_90, %swap3A_91], %broadcast_in_dim3A_1 {strides = array<i32>} : memref<128x16xf32, #tpu.memory_space<vmem>>, vector<16xf32>,
    %swap3A_93 = arith.constant 23 : i32
    %swap3A_94 = arith.index_cast %swap3A_93 : i32 to index
    %swap3A_95 = arith.constant 0 : index
    %swap3A_96 = tpu.vector_load %arg10[%swap3A_94, %swap3A_95] {strides = array<i32>} : memref<128x16xf32, #tpu.memory_space<vmem>>, vector<16xf32>,
    tpu.vector_store %arg10[%swap3A_94, %swap3A_95], %broadcast_in_dim3A_1 {strides = array<i32>} : memref<128x16xf32, #tpu.memory_space<vmem>>, vector<16xf32>,
    %swap3A_97 = arith.constant 24 : i32
    %swap3A_98 = arith.index_cast %swap3A_97 : i32 to index
    %swap3A_99 = arith.constant 0 : index
    %swap3A_100 = tpu.vector_load %arg10[%swap3A_98, %swap3A_99] {strides = array<i32>} : memref<128x16xf32, #tpu.memory_space<vmem>>, vector<16xf32>,
    tpu.vector_store %arg10[%swap3A_98, %swap3A_99], %broadcast_in_dim3A_1 {strides = array<i32>} : memref<128x16xf32, #tpu.memory_space<vmem>>, vector<16xf32>,
    %swap3A_101 = arith.constant 25 : i32
    %swap3A_102 = arith.index_cast %swap3A_101 : i32 to index
    %swap3A_103 = arith.constant 0 : index
    %swap3A_104 = tpu.vector_load %arg10[%swap3A_102, %swap3A_103] {strides = array<i32>} : memref<128x16xf32, #tpu.memory_space<vmem>>, vector<16xf32>,
    tpu.vector_store %arg10[%swap3A_102, %swap3A_103], %broadcast_in_dim3A_1 {strides = array<i32>} : memref<128x16xf32, #tpu.memory_space<vmem>>, vector<16xf32>,
    %swap3A_105 = arith.constant 26 : i32
    %swap3A_106 = arith.index_cast %swap3A_105 : i32 to index
    %swap3A_107 = arith.constant 0 : index
    %swap3A_108 = tpu.vector_load %arg10[%swap3A_106, %swap3A_107] {strides = array<i32>} : memref<128x16xf32, #tpu.memory_space<vmem>>, vector<16xf32>,
    tpu.vector_store %arg10[%swap3A_106, %swap3A_107], %broadcast_in_dim3A_1 {strides = array<i32>} : memref<128x16xf32, #tpu.memory_space<vmem>>, vector<16xf32>,
    %swap3A_109 = arith.constant 27 : i32
    %swap3A_110 = arith.index_cast %swap3A_109 : i32 to index
    %swap3A_111 = arith.constant 0 : index
    %swap3A_112 = tpu.vector_load %arg10[%swap3A_110, %swap3A_111] {strides = array<i32>} : memref<128x16xf32, #tpu.memory_space<vmem>>, vector<16xf32>,
    tpu.vector_store %arg10[%swap3A_110, %swap3A_111], %broadcast_in_dim3A_1 {strides = array<i32>} : memref<128x16xf32, #tpu.memory_space<vmem>>, vector<16xf32>,
    %swap3A_113 = arith.constant 28 : i32
    %swap3A_114 = arith.index_cast %swap3A_113 : i32 to index
    %swap3A_115 = arith.constant 0 : index
    %swap3A_116 = tpu.vector_load %arg10[%swap3A_114, %swap3A_115] {strides = array<i32>} : memref<128x16xf32, #tpu.memory_space<vmem>>, vector<16xf32>,
    tpu.vector_store %arg10[%swap3A_114, %swap3A_115], %broadcast_in_dim3A_1 {strides = array<i32>} : memref<128x16xf32, #tpu.memory_space<vmem>>, vector<16xf32>,
    %swap3A_117 = arith.constant 29 : i32
    %swap3A_118 = arith.index_cast %swap3A_117 : i32 to index
    %swap3A_119 = arith.constant 0 : index
    %swap3A_120 = tpu.vector_load %arg10[%swap3A_118, %swap3A_119] {strides = array<i32>} : memref<128x16xf32, #tpu.memory_space<vmem>>, vector<16xf32>,
    tpu.vector_store %arg10[%swap3A_118, %swap3A_119], %broadcast_in_dim3A_1 {strides = array<i32>} : memref<128x16xf32, #tpu.memory_space<vmem>>, vector<16xf32>,
    %swap3A_121 = arith.constant 30 : i32
    %swap3A_122 = arith.index_cast %swap3A_121 : i32 to index
    %swap3A_123 = arith.constant 0 : index
    %swap3A_124 = tpu.vector_load %arg10[%swap3A_122, %swap3A_123] {strides = array<i32>} : memref<128x16xf32, #tpu.memory_space<vmem>>, vector<16xf32>,
    tpu.vector_store %arg10[%swap3A_122, %swap3A_123], %broadcast_in_dim3A_1 {strides = array<i32>} : memref<128x16xf32, #tpu.memory_space<vmem>>, vector<16xf32>,
    %swap3A_125 = arith.constant 31 : i32
    %swap3A_126 = arith.index_cast %swap3A_125 : i32 to index
    %swap3A_127 = arith.constant 0 : index
    %swap3A_128 = tpu.vector_load %arg10[%swap3A_126, %swap3A_127] {strides = array<i32>} : memref<128x16xf32, #tpu.memory_space<vmem>>, vector<16xf32>,
    tpu.vector_store %arg10[%swap3A_126, %swap3A_127], %broadcast_in_dim3A_1 {strides = array<i32>} : memref<128x16xf32, #tpu.memory_space<vmem>>, vector<16xf32>,
    %swap3A_129 = arith.constant 32 : i32
    %swap3A_130 = arith.index_cast %swap3A_129 : i32 to index
    %swap3A_131 = arith.constant 0 : index
    %swap3A_132 = tpu.vector_load %arg10[%swap3A_130, %swap3A_131] {strides = array<i32>} : memref<128x16xf32, #tpu.memory_space<vmem>>, vector<16xf32>,
    tpu.vector_store %arg10[%swap3A_130, %swap3A_131], %broadcast_in_dim3A_1 {strides = array<i32>} : memref<128x16xf32, #tpu.memory_space<vmem>>, vector<16xf32>,
    %swap3A_133 = arith.constant 33 : i32
    %swap3A_134 = arith.index_cast %swap3A_133 : i32 to index
    %swap3A_135 = arith.constant 0 : index
    %swap3A_136 = tpu.vector_load %arg10[%swap3A_134, %swap3A_135] {strides = array<i32>} : memref<128x16xf32, #tpu.memory_space<vmem>>, vector<16xf32>,
    tpu.vector_store %arg10[%swap3A_134, %swap3A_135], %broadcast_in_dim3A_1 {strides = array<i32>} : memref<128x16xf32, #tpu.memory_space<vmem>>, vector<16xf32>,
    %swap3A_137 = arith.constant 34 : i32
    %swap3A_138 = arith.index_cast %swap3A_137 : i32 to index
    %swap3A_139 = arith.constant 0 : index
    %swap3A_140 = tpu.vector_load %arg10[%swap3A_138, %swap3A_139] {strides = array<i32>} : memref<128x16xf32, #tpu.memory_space<vmem>>, vector<16xf32>,
    tpu.vector_store %arg10[%swap3A_138, %swap3A_139], %broadcast_in_dim3A_1 {strides = array<i32>} : memref<128x16xf32, #tpu.memory_space<vmem>>, vector<16xf32>,
    %swap3A_141 = arith.constant 35 : i32
    %swap3A_142 = arith.index_cast %swap3A_141 : i32 to index
    %swap3A_143 = arith.constant 0 : index
    %swap3A_144 = tpu.vector_load %arg10[%swap3A_142, %swap3A_143] {strides = array<i32>} : memref<128x16xf32, #tpu.memory_space<vmem>>, vector<16xf32>,
    tpu.vector_store %arg10[%swap3A_142, %swap3A_143], %broadcast_in_dim3A_1 {strides = array<i32>} : memref<128x16xf32, #tpu.memory_space<vmem>>, vector<16xf32>,
    %swap3A_145 = arith.constant 36 : i32
    %swap3A_146 = arith.index_cast %swap3A_145 : i32 to index
    %swap3A_147 = arith.constant 0 : index
    %swap3A_148 = tpu.vector_load %arg10[%swap3A_146, %swap3A_147] {strides = array<i32>} : memref<128x16xf32, #tpu.memory_space<vmem>>, vector<16xf32>,
    tpu.vector_store %arg10[%swap3A_146, %swap3A_147], %broadcast_in_dim3A_1 {strides = array<i32>} : memref<128x16xf32, #tpu.memory_space<vmem>>, vector<16xf32>,
    %swap3A_149 = arith.constant 37 : i32
    %swap3A_150 = arith.index_cast %swap3A_149 : i32 to index
    %swap3A_151 = arith.constant 0 : index
    %swap3A_152 = tpu.vector_load %arg10[%swap3A_150, %swap3A_151] {strides = array<i32>} : memref<128x16xf32, #tpu.memory_space<vmem>>, vector<16xf32>,
    tpu.vector_store %arg10[%swap3A_150, %swap3A_151], %broadcast_in_dim3A_1 {strides = array<i32>} : memref<128x16xf32, #tpu.memory_space<vmem>>, vector<16xf32>,
    %swap3A_153 = arith.constant 38 : i32
    %swap3A_154 = arith.index_cast %swap3A_153 : i32 to index
    %swap3A_155 = arith.constant 0 : index
    %swap3A_156 = tpu.vector_load %arg10[%swap3A_154, %swap3A_155] {strides = array<i32>} : memref<128x16xf32, #tpu.memory_space<vmem>>, vector<16xf32>,
    tpu.vector_store %arg10[%swap3A_154, %swap3A_155], %broadcast_in_dim3A_1 {strides = array<i32>} : memref<128x16xf32, #tpu.memory_space<vmem>>, vector<16xf32>,
    %swap3A_157 = arith.constant 39 : i32
    %swap3A_158 = arith.index_cast %swap3A_157 : i32 to index
    %swap3A_159 = arith.constant 0 : index
    %swap3A_160 = tpu.vector_load %arg10[%swap3A_158, %swap3A_159] {strides = array<i32>} : memref<128x16xf32, #tpu.memory_space<vmem>>, vector<16xf32>,
    tpu.vector_store %arg10[%swap3A_158, %swap3A_159], %broadcast_in_dim3A_1 {strides = array<i32>} : memref<128x16xf32, #tpu.memory_space<vmem>>, vector<16xf32>,
    %swap3A_161 = arith.constant 40 : i32
    %swap3A_162 = arith.index_cast %swap3A_161 : i32 to index
    %swap3A_163 = arith.constant 0 : index
    %swap3A_164 = tpu.vector_load %arg10[%swap3A_162, %swap3A_163] {strides = array<i32>} : memref<128x16xf32, #tpu.memory_space<vmem>>, vector<16xf32>,
    tpu.vector_store %arg10[%swap3A_162, %swap3A_163], %broadcast_in_dim3A_1 {strides = array<i32>} : memref<128x16xf32, #tpu.memory_space<vmem>>, vector<16xf32>,
    %swap3A_165 = arith.constant 41 : i32
    %swap3A_166 = arith.index_cast %swap3A_165 : i32 to index
    %swap3A_167 = arith.constant 0 : index
    %swap3A_168 = tpu.vector_load %arg10[%swap3A_166, %swap3A_167] {strides = array<i32>} : memref<128x16xf32, #tpu.memory_space<vmem>>, vector<16xf32>,
    tpu.vector_store %arg10[%swap3A_166, %swap3A_167], %broadcast_in_dim3A_1 {strides = array<i32>} : memref<128x16xf32, #tpu.memory_space<vmem>>, vector<16xf32>,
    %swap3A_169 = arith.constant 42 : i32
    %swap3A_170 = arith.index_cast %swap3A_169 : i32 to index
    %swap3A_171 = arith.constant 0 : index
    %swap3A_172 = tpu.vector_load %arg10[%swap3A_170, %swap3A_171] {strides = array<i32>} : memref<128x16xf32, #tpu.memory_space<vmem>>, vector<16xf32>,
    tpu.vector_store %arg10[%swap3A_170, %swap3A_171], %broadcast_in_dim3A_1 {strides = array<i32>} : memref<128x16xf32, #tpu.memory_space<vmem>>, vector<16xf32>,
    %swap3A_173 = arith.constant 43 : i32
    %swap3A_174 = arith.index_cast %swap3A_173 : i32 to index
    %swap3A_175 = arith.constant 0 : index
    %swap3A_176 = tpu.vector_load %arg10[%swap3A_174, %swap3A_175] {strides = array<i32>} : memref<128x16xf32, #tpu.memory_space<vmem>>, vector<16xf32>,
    tpu.vector_store %arg10[%swap3A_174, %swap3A_175], %broadcast_in_dim3A_1 {strides = array<i32>} : memref<128x16xf32, #tpu.memory_space<vmem>>, vector<16xf32>,
    %swap3A_177 = arith.constant 44 : i32
    %swap3A_178 = arith.index_cast %swap3A_177 : i32 to index
    %swap3A_179 = arith.constant 0 : index
    %swap3A_180 = tpu.vector_load %arg10[%swap3A_178, %swap3A_179] {strides = array<i32>} : memref<128x16xf32, #tpu.memory_space<vmem>>, vector<16xf32>,
    tpu.vector_store %arg10[%swap3A_178, %swap3A_179], %broadcast_in_dim3A_1 {strides = array<i32>} : memref<128x16xf32, #tpu.memory_space<vmem>>, vector<16xf32>,
    %swap3A_181 = arith.constant 45 : i32
    %swap3A_182 = arith.index_cast %swap3A_181 : i32 to index
    %swap3A_183 = arith.constant 0 : index
    %swap3A_184 = tpu.vector_load %arg10[%swap3A_182, %swap3A_183] {strides = array<i32>} : memref<128x16xf32, #tpu.memory_space<vmem>>, vector<16xf32>,
    tpu.vector_store %arg10[%swap3A_182, %swap3A_183], %broadcast_in_dim3A_1 {strides = array<i32>} : memref<128x16xf32, #tpu.memory_space<vmem>>, vector<16xf32>,
    %swap3A_185 = arith.constant 46 : i32
    %swap3A_186 = arith.index_cast %swap3A_185 : i32 to index
    %swap3A_187 = arith.constant 0 : index
    %swap3A_188 = tpu.vector_load %arg10[%swap3A_186, %swap3A_187] {strides = array<i32>} : memref<128x16xf32, #tpu.memory_space<vmem>>, vector<16xf32>,
    tpu.vector_store %arg10[%swap3A_186, %swap3A_187], %broadcast_in_dim3A_1 {strides = array<i32>} : memref<128x16xf32, #tpu.memory_space<vmem>>, vector<16xf32>,
    %swap3A_189 = arith.constant 47 : i32
    %swap3A_190 = arith.index_cast %swap3A_189 : i32 to index
    %swap3A_191 = arith.constant 0 : index
    %swap3A_192 = tpu.vector_load %arg10[%swap3A_190, %swap3A_191] {strides = array<i32>} : memref<128x16xf32, #tpu.memory_space<vmem>>, vector<16xf32>,
    tpu.vector_store %arg10[%swap3A_190, %swap3A_191], %broadcast_in_dim3A_1 {strides = array<i32>} : memref<128x16xf32, #tpu.memory_space<vmem>>, vector<16xf32>,
    %swap3A_193 = arith.constant 48 : i32
    %swap3A_194 = arith.index_cast %swap3A_193 : i32 to index
    %swap3A_195 = arith.constant 0 : index
    %swap3A_196 = tpu.vector_load %arg10[%swap3A_194, %swap3A_195] {strides = array<i32>} : memref<128x16xf32, #tpu.memory_space<vmem>>, vector<16xf32>,
    tpu.vector_store %arg10[%swap3A_194, %swap3A_195], %broadcast_in_dim3A_1 {strides = array<i32>} : memref<128x16xf32, #tpu.memory_space<vmem>>, vector<16xf32>,
    %swap3A_197 = arith.constant 49 : i32
    %swap3A_198 = arith.index_cast %swap3A_197 : i32 to index
    %swap3A_199 = arith.constant 0 : index
    %swap3A_200 = tpu.vector_load %arg10[%swap3A_198, %swap3A_199] {strides = array<i32>} : memref<128x16xf32, #tpu.memory_space<vmem>>, vector<16xf32>,
    tpu.vector_store %arg10[%swap3A_198, %swap3A_199], %broadcast_in_dim3A_1 {strides = array<i32>} : memref<128x16xf32, #tpu.memory_space<vmem>>, vector<16xf32>,
    %swap3A_201 = arith.constant 50 : i32
    %swap3A_202 = arith.index_cast %swap3A_201 : i32 to index
    %swap3A_203 = arith.constant 0 : index
    %swap3A_204 = tpu.vector_load %arg10[%swap3A_202, %swap3A_203] {strides = array<i32>} : memref<128x16xf32, #tpu.memory_space<vmem>>, vector<16xf32>,
    tpu.vector_store %arg10[%swap3A_202, %swap3A_203], %broadcast_in_dim3A_1 {strides = array<i32>} : memref<128x16xf32, #tpu.memory_space<vmem>>, vector<16xf32>,
    %swap3A_205 = arith.constant 51 : i32
    %swap3A_206 = arith.index_cast %swap3A_205 : i32 to index
    %swap3A_207 = arith.constant 0 : index
    %swap3A_208 = tpu.vector_load %arg10[%swap3A_206, %swap3A_207] {strides = array<i32>} : memref<128x16xf32, #tpu.memory_space<vmem>>, vector<16xf32>,
    tpu.vector_store %arg10[%swap3A_206, %swap3A_207], %broadcast_in_dim3A_1 {strides = array<i32>} : memref<128x16xf32, #tpu.memory_space<vmem>>, vector<16xf32>,
    %swap3A_209 = arith.constant 52 : i32
    %swap3A_210 = arith.index_cast %swap3A_209 : i32 to index
    %swap3A_211 = arith.constant 0 : index
    %swap3A_212 = tpu.vector_load %arg10[%swap3A_210, %swap3A_211] {strides = array<i32>} : memref<128x16xf32, #tpu.memory_space<vmem>>, vector<16xf32>,
    tpu.vector_store %arg10[%swap3A_210, %swap3A_211], %broadcast_in_dim3A_1 {strides = array<i32>} : memref<128x16xf32, #tpu.memory_space<vmem>>, vector<16xf32>,
    %swap3A_213 = arith.constant 53 : i32
    %swap3A_214 = arith.index_cast %swap3A_213 : i32 to index
    %swap3A_215 = arith.constant 0 : index
    %swap3A_216 = tpu.vector_load %arg10[%swap3A_214, %swap3A_215] {strides = array<i32>} : memref<128x16xf32, #tpu.memory_space<vmem>>, vector<16xf32>,
    tpu.vector_store %arg10[%swap3A_214, %swap3A_215], %broadcast_in_dim3A_1 {strides = array<i32>} : memref<128x16xf32, #tpu.memory_space<vmem>>, vector<16xf32>,
    %swap3A_217 = arith.constant 54 : i32
    %swap3A_218 = arith.index_cast %swap3A_217 : i32 to index
    %swap3A_219 = arith.constant 0 : index
    %swap3A_220 = tpu.vector_load %arg10[%swap3A_218, %swap3A_219] {strides = array<i32>} : memref<128x16xf32, #tpu.memory_space<vmem>>, vector<16xf32>,
    tpu.vector_store %arg10[%swap3A_218, %swap3A_219], %broadcast_in_dim3A_1 {strides = array<i32>} : memref<128x16xf32, #tpu.memory_space<vmem>>, vector<16xf32>,
    %swap3A_221 = arith.constant 55 : i32
    %swap3A_222 = arith.index_cast %swap3A_221 : i32 to index
    %swap3A_223 = arith.constant 0 : index
    %swap3A_224 = tpu.vector_load %arg10[%swap3A_222, %swap3A_223] {strides = array<i32>} : memref<128x16xf32, #tpu.memory_space<vmem>>, vector<16xf32>,
    tpu.vector_store %arg10[%swap3A_222, %swap3A_223], %broadcast_in_dim3A_1 {strides = array<i32>} : memref<128x16xf32, #tpu.memory_space<vmem>>, vector<16xf32>,
    %swap3A_225 = arith.constant 56 : i32
    %swap3A_226 = arith.index_cast %swap3A_225 : i32 to index
    %swap3A_227 = arith.constant 0 : index
    %swap3A_228 = tpu.vector_load %arg10[%swap3A_226, %swap3A_227] {strides = array<i32>} : memref<128x16xf32, #tpu.memory_space<vmem>>, vector<16xf32>,
    tpu.vector_store %arg10[%swap3A_226, %swap3A_227], %broadcast_in_dim3A_1 {strides = array<i32>} : memref<128x16xf32, #tpu.memory_space<vmem>>, vector<16xf32>,
    %swap3A_229 = arith.constant 57 : i32
    %swap3A_230 = arith.index_cast %swap3A_229 : i32 to index
    %swap3A_231 = arith.constant 0 : index
    %swap3A_232 = tpu.vector_load %arg10[%swap3A_230, %swap3A_231] {strides = array<i32>} : memref<128x16xf32, #tpu.memory_space<vmem>>, vector<16xf32>,
    tpu.vector_store %arg10[%swap3A_230, %swap3A_231], %broadcast_in_dim3A_1 {strides = array<i32>} : memref<128x16xf32, #tpu.memory_space<vmem>>, vector<16xf32>,
    %swap3A_233 = arith.constant 58 : i32
    %swap3A_234 = arith.index_cast %swap3A_233 : i32 to index
    %swap3A_235 = arith.constant 0 : index
    %swap3A_236 = tpu.vector_load %arg10[%swap3A_234, %swap3A_235] {strides = array<i32>} : memref<128x16xf32, #tpu.memory_space<vmem>>, vector<16xf32>,
    tpu.vector_store %arg10[%swap3A_234, %swap3A_235], %broadcast_in_dim3A_1 {strides = array<i32>} : memref<128x16xf32, #tpu.memory_space<vmem>>, vector<16xf32>,
    %swap3A_237 = arith.constant 59 : i32
    %swap3A_238 = arith.index_cast %swap3A_237 : i32 to index
    %swap3A_239 = arith.constant 0 : index
    %swap3A_240 = tpu.vector_load %arg10[%swap3A_238, %swap3A_239] {strides = array<i32>} : memref<128x16xf32, #tpu.memory_space<vmem>>, vector<16xf32>,
    tpu.vector_store %arg10[%swap3A_238, %swap3A_239], %broadcast_in_dim3A_1 {strides = array<i32>} : memref<128x16xf32, #tpu.memory_space<vmem>>, vector<16xf32>,
    %swap3A_241 = arith.constant 60 : i32
    %swap3A_242 = arith.index_cast %swap3A_241 : i32 to index
    %swap3A_243 = arith.constant 0 : index
    %swap3A_244 = tpu.vector_load %arg10[%swap3A_242, %swap3A_243] {strides = array<i32>} : memref<128x16xf32, #tpu.memory_space<vmem>>, vector<16xf32>,
    tpu.vector_store %arg10[%swap3A_242, %swap3A_243], %broadcast_in_dim3A_1 {strides = array<i32>} : memref<128x16xf32, #tpu.memory_space<vmem>>, vector<16xf32>,
    %swap3A_245 = arith.constant 61 : i32
    %swap3A_246 = arith.index_cast %swap3A_245 : i32 to index
    %swap3A_247 = arith.constant 0 : index
    %swap3A_248 = tpu.vector_load %arg10[%swap3A_246, %swap3A_247] {strides = array<i32>} : memref<128x16xf32, #tpu.memory_space<vmem>>, vector<16xf32>,
    tpu.vector_store %arg10[%swap3A_246, %swap3A_247], %broadcast_in_dim3A_1 {strides = array<i32>} : memref<128x16xf32, #tpu.memory_space<vmem>>, vector<16xf32>,
    %swap3A_249 = arith.constant 62 : i32
    %swap3A_250 = arith.index_cast %swap3A_249 : i32 to index
    %swap3A_251 = arith.constant 0 : index
    %swap3A_252 = tpu.vector_load %arg10[%swap3A_250, %swap3A_251] {strides = array<i32>} : memref<128x16xf32, #tpu.memory_space<vmem>>, vector<16xf32>,
    tpu.vector_store %arg10[%swap3A_250, %swap3A_251], %broadcast_in_dim3A_1 {strides = array<i32>} : memref<128x16xf32, #tpu.memory_space<vmem>>, vector<16xf32>,
    %swap3A_253 = arith.constant 63 : i32
    %swap3A_254 = arith.index_cast %swap3A_253 : i32 to index
    %swap3A_255 = arith.constant 0 : index
    %swap3A_256 = tpu.vector_load %arg10[%swap3A_254, %swap3A_255] {strides = array<i32>} : memref<128x16xf32, #tpu.memory_space<vmem>>, vector<16xf32>,
    tpu.vector_store %arg10[%swap3A_254, %swap3A_255], %broadcast_in_dim3A_1 {strides = array<i32>} : memref<128x16xf32, #tpu.memory_space<vmem>>, vector<16xf32>,
    %swap3A_257 = arith.constant 64 : i32
    %swap3A_258 = arith.index_cast %swap3A_257 : i32 to index
    %swap3A_259 = arith.constant 0 : index
    %swap3A_260 = tpu.vector_load %arg10[%swap3A_258, %swap3A_259] {strides = array<i32>} : memref<128x16xf32, #tpu.memory_space<vmem>>, vector<16xf32>,
    tpu.vector_store %arg10[%swap3A_258, %swap3A_259], %broadcast_in_dim3A_1 {strides = array<i32>} : memref<128x16xf32, #tpu.memory_space<vmem>>, vector<16xf32>,
    %swap3A_261 = arith.constant 65 : i32
    %swap3A_262 = arith.index_cast %swap3A_261 : i32 to index
    %swap3A_263 = arith.constant 0 : index
    %swap3A_264 = tpu.vector_load %arg10[%swap3A_262, %swap3A_263] {strides = array<i32>} : memref<128x16xf32, #tpu.memory_space<vmem>>, vector<16xf32>,
    tpu.vector_store %arg10[%swap3A_262, %swap3A_263], %broadcast_in_dim3A_1 {strides = array<i32>} : memref<128x16xf32, #tpu.memory_space<vmem>>, vector<16xf32>,
    %swap3A_265 = arith.constant 66 : i32
    %swap3A_266 = arith.index_cast %swap3A_265 : i32 to index
    %swap3A_267 = arith.constant 0 : index
    %swap3A_268 = tpu.vector_load %arg10[%swap3A_266, %swap3A_267] {strides = array<i32>} : memref<128x16xf32, #tpu.memory_space<vmem>>, vector<16xf32>,
    tpu.vector_store %arg10[%swap3A_266, %swap3A_267], %broadcast_in_dim3A_1 {strides = array<i32>} : memref<128x16xf32, #tpu.memory_space<vmem>>, vector<16xf32>,
    %swap3A_269 = arith.constant 67 : i32
    %swap3A_270 = arith.index_cast %swap3A_269 : i32 to index
    %swap3A_271 = arith.constant 0 : index
    %swap3A_272 = tpu.vector_load %arg10[%swap3A_270, %swap3A_271] {strides = array<i32>} : memref<128x16xf32, #tpu.memory_space<vmem>>, vector<16xf32>,
    tpu.vector_store %arg10[%swap3A_270, %swap3A_271], %broadcast_in_dim3A_1 {strides = array<i32>} : memref<128x16xf32, #tpu.memory_space<vmem>>, vector<16xf32>,
    %swap3A_273 = arith.constant 68 : i32
    %swap3A_274 = arith.index_cast %swap3A_273 : i32 to index
    %swap3A_275 = arith.constant 0 : index
    %swap3A_276 = tpu.vector_load %arg10[%swap3A_274, %swap3A_275] {strides = array<i32>} : memref<128x16xf32, #tpu.memory_space<vmem>>, vector<16xf32>,
    tpu.vector_store %arg10[%swap3A_274, %swap3A_275], %broadcast_in_dim3A_1 {strides = array<i32>} : memref<128x16xf32, #tpu.memory_space<vmem>>, vector<16xf32>,
    %swap3A_277 = arith.constant 69 : i32
    %swap3A_278 = arith.index_cast %swap3A_277 : i32 to index
    %swap3A_279 = arith.constant 0 : index
    %swap3A_280 = tpu.vector_load %arg10[%swap3A_278, %swap3A_279] {strides = array<i32>} : memref<128x16xf32, #tpu.memory_space<vmem>>, vector<16xf32>,
    tpu.vector_store %arg10[%swap3A_278, %swap3A_279], %broadcast_in_dim3A_1 {strides = array<i32>} : memref<128x16xf32, #tpu.memory_space<vmem>>, vector<16xf32>,
    %swap3A_281 = arith.constant 70 : i32
    %swap3A_282 = arith.index_cast %swap3A_281 : i32 to index
    %swap3A_283 = arith.constant 0 : index
    %swap3A_284 = tpu.vector_load %arg10[%swap3A_282, %swap3A_283] {strides = array<i32>} : memref<128x16xf32, #tpu.memory_space<vmem>>, vector<16xf32>,
    tpu.vector_store %arg10[%swap3A_282, %swap3A_283], %broadcast_in_dim3A_1 {strides = array<i32>} : memref<128x16xf32, #tpu.memory_space<vmem>>, vector<16xf32>,
    %swap3A_285 = arith.constant 71 : i32
    %swap3A_286 = arith.index_cast %swap3A_285 : i32 to index
    %swap3A_287 = arith.constant 0 : index
    %swap3A_288 = tpu.vector_load %arg10[%swap3A_286, %swap3A_287] {strides = array<i32>} : memref<128x16xf32, #tpu.memory_space<vmem>>, vector<16xf32>,
    tpu.vector_store %arg10[%swap3A_286, %swap3A_287], %broadcast_in_dim3A_1 {strides = array<i32>} : memref<128x16xf32, #tpu.memory_space<vmem>>, vector<16xf32>,
    %swap3A_289 = arith.constant 72 : i32
    %swap3A_290 = arith.index_cast %swap3A_289 : i32 to index
    %swap3A_291 = arith.constant 0 : index
    %swap3A_292 = tpu.vector_load %arg10[%swap3A_290, %swap3A_291] {strides = array<i32>} : memref<128x16xf32, #tpu.memory_space<vmem>>, vector<16xf32>,
    tpu.vector_store %arg10[%swap3A_290, %swap3A_291], %broadcast_in_dim3A_1 {strides = array<i32>} : memref<128x16xf32, #tpu.memory_space<vmem>>, vector<16xf32>,
    %swap3A_293 = arith.constant 73 : i32
    %swap3A_294 = arith.index_cast %swap3A_293 : i32 to index
    %swap3A_295 = arith.constant 0 : index
    %swap3A_296 = tpu.vector_load %arg10[%swap3A_294, %swap3A_295] {strides = array<i32>} : memref<128x16xf32, #tpu.memory_space<vmem>>, vector<16xf32>,
    tpu.vector_store %arg10[%swap3A_294, %swap3A_295], %broadcast_in_dim3A_1 {strides = array<i32>} : memref<128x16xf32, #tpu.memory_space<vmem>>, vector<16xf32>,
    %swap3A_297 = arith.constant 74 : i32
    %swap3A_298 = arith.index_cast %swap3A_297 : i32 to index
    %swap3A_299 = arith.constant 0 : index
    %swap3A_300 = tpu.vector_load %arg10[%swap3A_298, %swap3A_299] {strides = array<i32>} : memref<128x16xf32, #tpu.memory_space<vmem>>, vector<16xf32>,
    tpu.vector_store %arg10[%swap3A_298, %swap3A_299], %broadcast_in_dim3A_1 {strides = array<i32>} : memref<128x16xf32, #tpu.memory_space<vmem>>, vector<16xf32>,
    %swap3A_301 = arith.constant 75 : i32
    %swap3A_302 = arith.index_cast %swap3A_301 : i32 to index
    %swap3A_303 = arith.constant 0 : index
    %swap3A_304 = tpu.vector_load %arg10[%swap3A_302, %swap3A_303] {strides = array<i32>} : memref<128x16xf32, #tpu.memory_space<vmem>>, vector<16xf32>,
    tpu.vector_store %arg10[%swap3A_302, %swap3A_303], %broadcast_in_dim3A_1 {strides = array<i32>} : memref<128x16xf32, #tpu.memory_space<vmem>>, vector<16xf32>,
    %swap3A_305 = arith.constant 76 : i32
    %swap3A_306 = arith.index_cast %swap3A_305 : i32 to index
    %swap3A_307 = arith.constant 0 : index
    %swap3A_308 = tpu.vector_load %arg10[%swap3A_306, %swap3A_307] {strides = array<i32>} : memref<128x16xf32, #tpu.memory_space<vmem>>, vector<16xf32>,
    tpu.vector_store %arg10[%swap3A_306, %swap3A_307], %broadcast_in_dim3A_1 {strides = array<i32>} : memref<128x16xf32, #tpu.memory_space<vmem>>, vector<16xf32>,
    %swap3A_309 = arith.constant 77 : i32
    %swap3A_310 = arith.index_cast %swap3A_309 : i32 to index
    %swap3A_311 = arith.constant 0 : index
    %swap3A_312 = tpu.vector_load %arg10[%swap3A_310, %swap3A_311] {strides = array<i32>} : memref<128x16xf32, #tpu.memory_space<vmem>>, vector<16xf32>,
    tpu.vector_store %arg10[%swap3A_310, %swap3A_311], %broadcast_in_dim3A_1 {strides = array<i32>} : memref<128x16xf32, #tpu.memory_space<vmem>>, vector<16xf32>,
    %swap3A_313 = arith.constant 78 : i32
    %swap3A_314 = arith.index_cast %swap3A_313 : i32 to index
    %swap3A_315 = arith.constant 0 : index
    %swap3A_316 = tpu.vector_load %arg10[%swap3A_314, %swap3A_315] {strides = array<i32>} : memref<128x16xf32, #tpu.memory_space<vmem>>, vector<16xf32>,
    tpu.vector_store %arg10[%swap3A_314, %swap3A_315], %broadcast_in_dim3A_1 {strides = array<i32>} : memref<128x16xf32, #tpu.memory_space<vmem>>, vector<16xf32>,
    %swap3A_317 = arith.constant 79 : i32
    %swap3A_318 = arith.index_cast %swap3A_317 : i32 to index
    %swap3A_319 = arith.constant 0 : index
    %swap3A_320 = tpu.vector_load %arg10[%swap3A_318, %swap3A_319] {strides = array<i32>} : memref<128x16xf32, #tpu.memory_space<vmem>>, vector<16xf32>,
    tpu.vector_store %arg10[%swap3A_318, %swap3A_319], %broadcast_in_dim3A_1 {strides = array<i32>} : memref<128x16xf32, #tpu.memory_space<vmem>>, vector<16xf32>,
    %swap3A_321 = arith.constant 80 : i32
    %swap3A_322 = arith.index_cast %swap3A_321 : i32 to index
    %swap3A_323 = arith.constant 0 : index
    %swap3A_324 = tpu.vector_load %arg10[%swap3A_322, %swap3A_323] {strides = array<i32>} : memref<128x16xf32, #tpu.memory_space<vmem>>, vector<16xf32>,
    tpu.vector_store %arg10[%swap3A_322, %swap3A_323], %broadcast_in_dim3A_1 {strides = array<i32>} : memref<128x16xf32, #tpu.memory_space<vmem>>, vector<16xf32>,
    %swap3A_325 = arith.constant 81 : i32
    %swap3A_326 = arith.index_cast %swap3A_325 : i32 to index
    %swap3A_327 = arith.constant 0 : index
    %swap3A_328 = tpu.vector_load %arg10[%swap3A_326, %swap3A_327] {strides = array<i32>} : memref<128x16xf32, #tpu.memory_space<vmem>>, vector<16xf32>,
    tpu.vector_store %arg10[%swap3A_326, %swap3A_327], %broadcast_in_dim3A_1 {strides = array<i32>} : memref<128x16xf32, #tpu.memory_space<vmem>>, vector<16xf32>,
    %swap3A_329 = arith.constant 82 : i32
    %swap3A_330 = arith.index_cast %swap3A_329 : i32 to index
    %swap3A_331 = arith.constant 0 : index
    %swap3A_332 = tpu.vector_load %arg10[%swap3A_330, %swap3A_331] {strides = array<i32>} : memref<128x16xf32, #tpu.memory_space<vmem>>, vector<16xf32>,
    tpu.vector_store %arg10[%swap3A_330, %swap3A_331], %broadcast_in_dim3A_1 {strides = array<i32>} : memref<128x16xf32, #tpu.memory_space<vmem>>, vector<16xf32>,
    %swap3A_333 = arith.constant 83 : i32
    %swap3A_334 = arith.index_cast %swap3A_333 : i32 to index
    %swap3A_335 = arith.constant 0 : index
    %swap3A_336 = tpu.vector_load %arg10[%swap3A_334, %swap3A_335] {strides = array<i32>} : memref<128x16xf32, #tpu.memory_space<vmem>>, vector<16xf32>,
    tpu.vector_store %arg10[%swap3A_334, %swap3A_335], %broadcast_in_dim3A_1 {strides = array<i32>} : memref<128x16xf32, #tpu.memory_space<vmem>>, vector<16xf32>,
    %swap3A_337 = arith.constant 84 : i32
    %swap3A_338 = arith.index_cast %swap3A_337 : i32 to index
    %swap3A_339 = arith.constant 0 : index
    %swap3A_340 = tpu.vector_load %arg10[%swap3A_338, %swap3A_339] {strides = array<i32>} : memref<128x16xf32, #tpu.memory_space<vmem>>, vector<16xf32>,
    tpu.vector_store %arg10[%swap3A_338, %swap3A_339], %broadcast_in_dim3A_1 {strides = array<i32>} : memref<128x16xf32, #tpu.memory_space<vmem>>, vector<16xf32>,
    %swap3A_341 = arith.constant 85 : i32
    %swap3A_342 = arith.index_cast %swap3A_341 : i32 to index
    %swap3A_343 = arith.constant 0 : index
    %swap3A_344 = tpu.vector_load %arg10[%swap3A_342, %swap3A_343] {strides = array<i32>} : memref<128x16xf32, #tpu.memory_space<vmem>>, vector<16xf32>,
    tpu.vector_store %arg10[%swap3A_342, %swap3A_343], %broadcast_in_dim3A_1 {strides = array<i32>} : memref<128x16xf32, #tpu.memory_space<vmem>>, vector<16xf32>,
    %swap3A_345 = arith.constant 86 : i32
    %swap3A_346 = arith.index_cast %swap3A_345 : i32 to index
    %swap3A_347 = arith.constant 0 : index
    %swap3A_348 = tpu.vector_load %arg10[%swap3A_346, %swap3A_347] {strides = array<i32>} : memref<128x16xf32, #tpu.memory_space<vmem>>, vector<16xf32>,
    tpu.vector_store %arg10[%swap3A_346, %swap3A_347], %broadcast_in_dim3A_1 {strides = array<i32>} : memref<128x16xf32, #tpu.memory_space<vmem>>, vector<16xf32>,
    %swap3A_349 = arith.constant 87 : i32
    %swap3A_350 = arith.index_cast %swap3A_349 : i32 to index
    %swap3A_351 = arith.constant 0 : index
    %swap3A_352 = tpu.vector_load %arg10[%swap3A_350, %swap3A_351] {strides = array<i32>} : memref<128x16xf32, #tpu.memory_space<vmem>>, vector<16xf32>,
    tpu.vector_store %arg10[%swap3A_350, %swap3A_351], %broadcast_in_dim3A_1 {strides = array<i32>} : memref<128x16xf32, #tpu.memory_space<vmem>>, vector<16xf32>,
    %swap3A_353 = arith.constant 88 : i32
    %swap3A_354 = arith.index_cast %swap3A_353 : i32 to index
    %swap3A_355 = arith.constant 0 : index
    %swap3A_356 = tpu.vector_load %arg10[%swap3A_354, %swap3A_355] {strides = array<i32>} : memref<128x16xf32, #tpu.memory_space<vmem>>, vector<16xf32>,
    tpu.vector_store %arg10[%swap3A_354, %swap3A_355], %broadcast_in_dim3A_1 {strides = array<i32>} : memref<128x16xf32, #tpu.memory_space<vmem>>, vector<16xf32>,
    %swap3A_357 = arith.constant 89 : i32
    %swap3A_358 = arith.index_cast %swap3A_357 : i32 to index
    %swap3A_359 = arith.constant 0 : index
    %swap3A_360 = tpu.vector_load %arg10[%swap3A_358, %swap3A_359] {strides = array<i32>} : memref<128x16xf32, #tpu.memory_space<vmem>>, vector<16xf32>,
    tpu.vector_store %arg10[%swap3A_358, %swap3A_359], %broadcast_in_dim3A_1 {strides = array<i32>} : memref<128x16xf32, #tpu.memory_space<vmem>>, vector<16xf32>,
    %swap3A_361 = arith.constant 90 : i32
    %swap3A_362 = arith.index_cast %swap3A_361 : i32 to index
    %swap3A_363 = arith.constant 0 : index
    %swap3A_364 = tpu.vector_load %arg10[%swap3A_362, %swap3A_363] {strides = array<i32>} : memref<128x16xf32, #tpu.memory_space<vmem>>, vector<16xf32>,
    tpu.vector_store %arg10[%swap3A_362, %swap3A_363], %broadcast_in_dim3A_1 {strides = array<i32>} : memref<128x16xf32, #tpu.memory_space<vmem>>, vector<16xf32>,
    %swap3A_365 = arith.constant 91 : i32
    %swap3A_366 = arith.index_cast %swap3A_365 : i32 to index
    %swap3A_367 = arith.constant 0 : index
    %swap3A_368 = tpu.vector_load %arg10[%swap3A_366, %swap3A_367] {strides = array<i32>} : memref<128x16xf32, #tpu.memory_space<vmem>>, vector<16xf32>,
    tpu.vector_store %arg10[%swap3A_366, %swap3A_367], %broadcast_in_dim3A_1 {strides = array<i32>} : memref<128x16xf32, #tpu.memory_space<vmem>>, vector<16xf32>,
    %swap3A_369 = arith.constant 92 : i32
    %swap3A_370 = arith.index_cast %swap3A_369 : i32 to index
    %swap3A_371 = arith.constant 0 : index
    %swap3A_372 = tpu.vector_load %arg10[%swap3A_370, %swap3A_371] {strides = array<i32>} : memref<128x16xf32, #tpu.memory_space<vmem>>, vector<16xf32>,
    tpu.vector_store %arg10[%swap3A_370, %swap3A_371], %broadcast_in_dim3A_1 {strides = array<i32>} : memref<128x16xf32, #tpu.memory_space<vmem>>, vector<16xf32>,
    %swap3A_373 = arith.constant 93 : i32
    %swap3A_374 = arith.index_cast %swap3A_373 : i32 to index
    %swap3A_375 = arith.constant 0 : index
    %swap3A_376 = tpu.vector_load %arg10[%swap3A_374, %swap3A_375] {strides = array<i32>} : memref<128x16xf32, #tpu.memory_space<vmem>>, vector<16xf32>,
    tpu.vector_store %arg10[%swap3A_374, %swap3A_375], %broadcast_in_dim3A_1 {strides = array<i32>} : memref<128x16xf32, #tpu.memory_space<vmem>>, vector<16xf32>,
    %swap3A_377 = arith.constant 94 : i32
    %swap3A_378 = arith.index_cast %swap3A_377 : i32 to index
    %swap3A_379 = arith.constant 0 : index
    %swap3A_380 = tpu.vector_load %arg10[%swap3A_378, %swap3A_379] {strides = array<i32>} : memref<128x16xf32, #tpu.memory_space<vmem>>, vector<16xf32>,
    tpu.vector_store %arg10[%swap3A_378, %swap3A_379], %broadcast_in_dim3A_1 {strides = array<i32>} : memref<128x16xf32, #tpu.memory_space<vmem>>, vector<16xf32>,
    %swap3A_381 = arith.constant 95 : i32
    %swap3A_382 = arith.index_cast %swap3A_381 : i32 to index
    %swap3A_383 = arith.constant 0 : index
    %swap3A_384 = tpu.vector_load %arg10[%swap3A_382, %swap3A_383] {strides = array<i32>} : memref<128x16xf32, #tpu.memory_space<vmem>>, vector<16xf32>,
    tpu.vector_store %arg10[%swap3A_382, %swap3A_383], %broadcast_in_dim3A_1 {strides = array<i32>} : memref<128x16xf32, #tpu.memory_space<vmem>>, vector<16xf32>,
    %swap3A_385 = arith.constant 96 : i32
    %swap3A_386 = arith.index_cast %swap3A_385 : i32 to index
    %swap3A_387 = arith.constant 0 : index
    %swap3A_388 = tpu.vector_load %arg10[%swap3A_386, %swap3A_387] {strides = array<i32>} : memref<128x16xf32, #tpu.memory_space<vmem>>, vector<16xf32>,
    tpu.vector_store %arg10[%swap3A_386, %swap3A_387], %broadcast_in_dim3A_1 {strides = array<i32>} : memref<128x16xf32, #tpu.memory_space<vmem>>, vector<16xf32>,
    %swap3A_389 = arith.constant 97 : i32
    %swap3A_390 = arith.index_cast %swap3A_389 : i32 to index
    %swap3A_391 = arith.constant 0 : index
    %swap3A_392 = tpu.vector_load %arg10[%swap3A_390, %swap3A_391] {strides = array<i32>} : memref<128x16xf32, #tpu.memory_space<vmem>>, vector<16xf32>,
    tpu.vector_store %arg10[%swap3A_390, %swap3A_391], %broadcast_in_dim3A_1 {strides = array<i32>} : memref<128x16xf32, #tpu.memory_space<vmem>>, vector<16xf32>,
    %swap3A_393 = arith.constant 98 : i32
    %swap3A_394 = arith.index_cast %swap3A_393 : i32 to index
    %swap3A_395 = arith.constant 0 : index
    %swap3A_396 = tpu.vector_load %arg10[%swap3A_394, %swap3A_395] {strides = array<i32>} : memref<128x16xf32, #tpu.memory_space<vmem>>, vector<16xf32>,
    tpu.vector_store %arg10[%swap3A_394, %swap3A_395], %broadcast_in_dim3A_1 {strides = array<i32>} : memref<128x16xf32, #tpu.memory_space<vmem>>, vector<16xf32>,
    %swap3A_397 = arith.constant 99 : i32
    %swap3A_398 = arith.index_cast %swap3A_397 : i32 to index
    %swap3A_399 = arith.constant 0 : index
    %swap3A_400 = tpu.vector_load %arg10[%swap3A_398, %swap3A_399] {strides = array<i32>} : memref<128x16xf32, #tpu.memory_space<vmem>>, vector<16xf32>,
    tpu.vector_store %arg10[%swap3A_398, %swap3A_399], %broadcast_in_dim3A_1 {strides = array<i32>} : memref<128x16xf32, #tpu.memory_space<vmem>>, vector<16xf32>,
    %swap3A_401 = arith.constant 100 : i32
    %swap3A_402 = arith.index_cast %swap3A_401 : i32 to index
    %swap3A_403 = arith.constant 0 : index
    %swap3A_404 = tpu.vector_load %arg10[%swap3A_402, %swap3A_403] {strides = array<i32>} : memref<128x16xf32, #tpu.memory_space<vmem>>, vector<16xf32>,
    tpu.vector_store %arg10[%swap3A_402, %swap3A_403], %broadcast_in_dim3A_1 {strides = array<i32>} : memref<128x16xf32, #tpu.memory_space<vmem>>, vector<16xf32>,
    %swap3A_405 = arith.constant 101 : i32
    %swap3A_406 = arith.index_cast %swap3A_405 : i32 to index
    %swap3A_407 = arith.constant 0 : index
    %swap3A_408 = tpu.vector_load %arg10[%swap3A_406, %swap3A_407] {strides = array<i32>} : memref<128x16xf32, #tpu.memory_space<vmem>>, vector<16xf32>,
    tpu.vector_store %arg10[%swap3A_406, %swap3A_407], %broadcast_in_dim3A_1 {strides = array<i32>} : memref<128x16xf32, #tpu.memory_space<vmem>>, vector<16xf32>,
    %swap3A_409 = arith.constant 102 : i32
    %swap3A_410 = arith.index_cast %swap3A_409 : i32 to index
    %swap3A_411 = arith.constant 0 : index
    %swap3A_412 = tpu.vector_load %arg10[%swap3A_410, %swap3A_411] {strides = array<i32>} : memref<128x16xf32, #tpu.memory_space<vmem>>, vector<16xf32>,
    tpu.vector_store %arg10[%swap3A_410, %swap3A_411], %broadcast_in_dim3A_1 {strides = array<i32>} : memref<128x16xf32, #tpu.memory_space<vmem>>, vector<16xf32>,
    %swap3A_413 = arith.constant 103 : i32
    %swap3A_414 = arith.index_cast %swap3A_413 : i32 to index
    %swap3A_415 = arith.constant 0 : index
    %swap3A_416 = tpu.vector_load %arg10[%swap3A_414, %swap3A_415] {strides = array<i32>} : memref<128x16xf32, #tpu.memory_space<vmem>>, vector<16xf32>,
    tpu.vector_store %arg10[%swap3A_414, %swap3A_415], %broadcast_in_dim3A_1 {strides = array<i32>} : memref<128x16xf32, #tpu.memory_space<vmem>>, vector<16xf32>,
    %swap3A_417 = arith.constant 104 : i32
    %swap3A_418 = arith.index_cast %swap3A_417 : i32 to index
    %swap3A_419 = arith.constant 0 : index
    %swap3A_420 = tpu.vector_load %arg10[%swap3A_418, %swap3A_419] {strides = array<i32>} : memref<128x16xf32, #tpu.memory_space<vmem>>, vector<16xf32>,
    tpu.vector_store %arg10[%swap3A_418, %swap3A_419], %broadcast_in_dim3A_1 {strides = array<i32>} : memref<128x16xf32, #tpu.memory_space<vmem>>, vector<16xf32>,
    %swap3A_421 = arith.constant 105 : i32
    %swap3A_422 = arith.index_cast %swap3A_421 : i32 to index
    %swap3A_423 = arith.constant 0 : index
    %swap3A_424 = tpu.vector_load %arg10[%swap3A_422, %swap3A_423] {strides = array<i32>} : memref<128x16xf32, #tpu.memory_space<vmem>>, vector<16xf32>,
    tpu.vector_store %arg10[%swap3A_422, %swap3A_423], %broadcast_in_dim3A_1 {strides = array<i32>} : memref<128x16xf32, #tpu.memory_space<vmem>>, vector<16xf32>,
    %swap3A_425 = arith.constant 106 : i32
    %swap3A_426 = arith.index_cast %swap3A_425 : i32 to index
    %swap3A_427 = arith.constant 0 : index
    %swap3A_428 = tpu.vector_load %arg10[%swap3A_426, %swap3A_427] {strides = array<i32>} : memref<128x16xf32, #tpu.memory_space<vmem>>, vector<16xf32>,
    tpu.vector_store %arg10[%swap3A_426, %swap3A_427], %broadcast_in_dim3A_1 {strides = array<i32>} : memref<128x16xf32, #tpu.memory_space<vmem>>, vector<16xf32>,
    %swap3A_429 = arith.constant 107 : i32
    %swap3A_430 = arith.index_cast %swap3A_429 : i32 to index
    %swap3A_431 = arith.constant 0 : index
    %swap3A_432 = tpu.vector_load %arg10[%swap3A_430, %swap3A_431] {strides = array<i32>} : memref<128x16xf32, #tpu.memory_space<vmem>>, vector<16xf32>,
    tpu.vector_store %arg10[%swap3A_430, %swap3A_431], %broadcast_in_dim3A_1 {strides = array<i32>} : memref<128x16xf32, #tpu.memory_space<vmem>>, vector<16xf32>,
    %swap3A_433 = arith.constant 108 : i32
    %swap3A_434 = arith.index_cast %swap3A_433 : i32 to index
    %swap3A_435 = arith.constant 0 : index
    %swap3A_436 = tpu.vector_load %arg10[%swap3A_434, %swap3A_435] {strides = array<i32>} : memref<128x16xf32, #tpu.memory_space<vmem>>, vector<16xf32>,
    tpu.vector_store %arg10[%swap3A_434, %swap3A_435], %broadcast_in_dim3A_1 {strides = array<i32>} : memref<128x16xf32, #tpu.memory_space<vmem>>, vector<16xf32>,
    %swap3A_437 = arith.constant 109 : i32
    %swap3A_438 = arith.index_cast %swap3A_437 : i32 to index
    %swap3A_439 = arith.constant 0 : index
    %swap3A_440 = tpu.vector_load %arg10[%swap3A_438, %swap3A_439] {strides = array<i32>} : memref<128x16xf32, #tpu.memory_space<vmem>>, vector<16xf32>,
    tpu.vector_store %arg10[%swap3A_438, %swap3A_439], %broadcast_in_dim3A_1 {strides = array<i32>} : memref<128x16xf32, #tpu.memory_space<vmem>>, vector<16xf32>,
    %swap3A_441 = arith.constant 110 : i32
    %swap3A_442 = arith.index_cast %swap3A_441 : i32 to index
    %swap3A_443 = arith.constant 0 : index
    %swap3A_444 = tpu.vector_load %arg10[%swap3A_442, %swap3A_443] {strides = array<i32>} : memref<128x16xf32, #tpu.memory_space<vmem>>, vector<16xf32>,
    tpu.vector_store %arg10[%swap3A_442, %swap3A_443], %broadcast_in_dim3A_1 {strides = array<i32>} : memref<128x16xf32, #tpu.memory_space<vmem>>, vector<16xf32>,
    %swap3A_445 = arith.constant 111 : i32
    %swap3A_446 = arith.index_cast %swap3A_445 : i32 to index
    %swap3A_447 = arith.constant 0 : index
    %swap3A_448 = tpu.vector_load %arg10[%swap3A_446, %swap3A_447] {strides = array<i32>} : memref<128x16xf32, #tpu.memory_space<vmem>>, vector<16xf32>,
    tpu.vector_store %arg10[%swap3A_446, %swap3A_447], %broadcast_in_dim3A_1 {strides = array<i32>} : memref<128x16xf32, #tpu.memory_space<vmem>>, vector<16xf32>,
    %swap3A_449 = arith.constant 112 : i32
    %swap3A_450 = arith.index_cast %swap3A_449 : i32 to index
    %swap3A_451 = arith.constant 0 : index
    %swap3A_452 = tpu.vector_load %arg10[%swap3A_450, %swap3A_451] {strides = array<i32>} : memref<128x16xf32, #tpu.memory_space<vmem>>, vector<16xf32>,
    tpu.vector_store %arg10[%swap3A_450, %swap3A_451], %broadcast_in_dim3A_1 {strides = array<i32>} : memref<128x16xf32, #tpu.memory_space<vmem>>, vector<16xf32>,
    %swap3A_453 = arith.constant 113 : i32
    %swap3A_454 = arith.index_cast %swap3A_453 : i32 to index
    %swap3A_455 = arith.constant 0 : index
    %swap3A_456 = tpu.vector_load %arg10[%swap3A_454, %swap3A_455] {strides = array<i32>} : memref<128x16xf32, #tpu.memory_space<vmem>>, vector<16xf32>,
    tpu.vector_store %arg10[%swap3A_454, %swap3A_455], %broadcast_in_dim3A_1 {strides = array<i32>} : memref<128x16xf32, #tpu.memory_space<vmem>>, vector<16xf32>,
    %swap3A_457 = arith.constant 114 : i32
    %swap3A_458 = arith.index_cast %swap3A_457 : i32 to index
    %swap3A_459 = arith.constant 0 : index
    %swap3A_460 = tpu.vector_load %arg10[%swap3A_458, %swap3A_459] {strides = array<i32>} : memref<128x16xf32, #tpu.memory_space<vmem>>, vector<16xf32>,
    tpu.vector_store %arg10[%swap3A_458, %swap3A_459], %broadcast_in_dim3A_1 {strides = array<i32>} : memref<128x16xf32, #tpu.memory_space<vmem>>, vector<16xf32>,
    %swap3A_461 = arith.constant 115 : i32
    %swap3A_462 = arith.index_cast %swap3A_461 : i32 to index
    %swap3A_463 = arith.constant 0 : index
    %swap3A_464 = tpu.vector_load %arg10[%swap3A_462, %swap3A_463] {strides = array<i32>} : memref<128x16xf32, #tpu.memory_space<vmem>>, vector<16xf32>,
    tpu.vector_store %arg10[%swap3A_462, %swap3A_463], %broadcast_in_dim3A_1 {strides = array<i32>} : memref<128x16xf32, #tpu.memory_space<vmem>>, vector<16xf32>,
    %swap3A_465 = arith.constant 116 : i32
    %swap3A_466 = arith.index_cast %swap3A_465 : i32 to index
    %swap3A_467 = arith.constant 0 : index
    %swap3A_468 = tpu.vector_load %arg10[%swap3A_466, %swap3A_467] {strides = array<i32>} : memref<128x16xf32, #tpu.memory_space<vmem>>, vector<16xf32>,
    tpu.vector_store %arg10[%swap3A_466, %swap3A_467], %broadcast_in_dim3A_1 {strides = array<i32>} : memref<128x16xf32, #tpu.memory_space<vmem>>, vector<16xf32>,
    %swap3A_469 = arith.constant 117 : i32
    %swap3A_470 = arith.index_cast %swap3A_469 : i32 to index
    %swap3A_471 = arith.constant 0 : index
    %swap3A_472 = tpu.vector_load %arg10[%swap3A_470, %swap3A_471] {strides = array<i32>} : memref<128x16xf32, #tpu.memory_space<vmem>>, vector<16xf32>,
    tpu.vector_store %arg10[%swap3A_470, %swap3A_471], %broadcast_in_dim3A_1 {strides = array<i32>} : memref<128x16xf32, #tpu.memory_space<vmem>>, vector<16xf32>,
    %swap3A_473 = arith.constant 118 : i32
    %swap3A_474 = arith.index_cast %swap3A_473 : i32 to index
    %swap3A_475 = arith.constant 0 : index
    %swap3A_476 = tpu.vector_load %arg10[%swap3A_474, %swap3A_475] {strides = array<i32>} : memref<128x16xf32, #tpu.memory_space<vmem>>, vector<16xf32>,
    tpu.vector_store %arg10[%swap3A_474, %swap3A_475], %broadcast_in_dim3A_1 {strides = array<i32>} : memref<128x16xf32, #tpu.memory_space<vmem>>, vector<16xf32>,
    %swap3A_477 = arith.constant 119 : i32
    %swap3A_478 = arith.index_cast %swap3A_477 : i32 to index
    %swap3A_479 = arith.constant 0 : index
    %swap3A_480 = tpu.vector_load %arg10[%swap3A_478, %swap3A_479] {strides = array<i32>} : memref<128x16xf32, #tpu.memory_space<vmem>>, vector<16xf32>,
    tpu.vector_store %arg10[%swap3A_478, %swap3A_479], %broadcast_in_dim3A_1 {strides = array<i32>} : memref<128x16xf32, #tpu.memory_space<vmem>>, vector<16xf32>,
    %swap3A_481 = arith.constant 120 : i32
    %swap3A_482 = arith.index_cast %swap3A_481 : i32 to index
    %swap3A_483 = arith.constant 0 : index
    %swap3A_484 = tpu.vector_load %arg10[%swap3A_482, %swap3A_483] {strides = array<i32>} : memref<128x16xf32, #tpu.memory_space<vmem>>, vector<16xf32>,
    tpu.vector_store %arg10[%swap3A_482, %swap3A_483], %broadcast_in_dim3A_1 {strides = array<i32>} : memref<128x16xf32, #tpu.memory_space<vmem>>, vector<16xf32>,
    %swap3A_485 = arith.constant 121 : i32
    %swap3A_486 = arith.index_cast %swap3A_485 : i32 to index
    %swap3A_487 = arith.constant 0 : index
    %swap3A_488 = tpu.vector_load %arg10[%swap3A_486, %swap3A_487] {strides = array<i32>} : memref<128x16xf32, #tpu.memory_space<vmem>>, vector<16xf32>,
    tpu.vector_store %arg10[%swap3A_486, %swap3A_487], %broadcast_in_dim3A_1 {strides = array<i32>} : memref<128x16xf32, #tpu.memory_space<vmem>>, vector<16xf32>,
    %swap3A_489 = arith.constant 122 : i32
    %swap3A_490 = arith.index_cast %swap3A_489 : i32 to index
    %swap3A_491 = arith.constant 0 : index
    %swap3A_492 = tpu.vector_load %arg10[%swap3A_490, %swap3A_491] {strides = array<i32>} : memref<128x16xf32, #tpu.memory_space<vmem>>, vector<16xf32>,
    tpu.vector_store %arg10[%swap3A_490, %swap3A_491], %broadcast_in_dim3A_1 {strides = array<i32>} : memref<128x16xf32, #tpu.memory_space<vmem>>, vector<16xf32>,
    %swap3A_493 = arith.constant 123 : i32
    %swap3A_494 = arith.index_cast %swap3A_493 : i32 to index
    %swap3A_495 = arith.constant 0 : index
    %swap3A_496 = tpu.vector_load %arg10[%swap3A_494, %swap3A_495] {strides = array<i32>} : memref<128x16xf32, #tpu.memory_space<vmem>>, vector<16xf32>,
    tpu.vector_store %arg10[%swap3A_494, %swap3A_495], %broadcast_in_dim3A_1 {strides = array<i32>} : memref<128x16xf32, #tpu.memory_space<vmem>>, vector<16xf32>,
    %swap3A_497 = arith.constant 124 : i32
    %swap3A_498 = arith.index_cast %swap3A_497 : i32 to index
    %swap3A_499 = arith.constant 0 : index
    %swap3A_500 = tpu.vector_load %arg10[%swap3A_498, %swap3A_499] {strides = array<i32>} : memref<128x16xf32, #tpu.memory_space<vmem>>, vector<16xf32>,
    tpu.vector_store %arg10[%swap3A_498, %swap3A_499], %broadcast_in_dim3A_1 {strides = array<i32>} : memref<128x16xf32, #tpu.memory_space<vmem>>, vector<16xf32>,
    %swap3A_501 = arith.constant 125 : i32
    %swap3A_502 = arith.index_cast %swap3A_501 : i32 to index
    %swap3A_503 = arith.constant 0 : index
    %swap3A_504 = tpu.vector_load %arg10[%swap3A_502, %swap3A_503] {strides = array<i32>} : memref<128x16xf32, #tpu.memory_space<vmem>>, vector<16xf32>,
    tpu.vector_store %arg10[%swap3A_502, %swap3A_503], %broadcast_in_dim3A_1 {strides = array<i32>} : memref<128x16xf32, #tpu.memory_space<vmem>>, vector<16xf32>,
    %swap3A_505 = arith.constant 126 : i32
    %swap3A_506 = arith.index_cast %swap3A_505 : i32 to index
    %swap3A_507 = arith.constant 0 : index
    %swap3A_508 = tpu.vector_load %arg10[%swap3A_506, %swap3A_507] {strides = array<i32>} : memref<128x16xf32, #tpu.memory_space<vmem>>, vector<16xf32>,
    tpu.vector_store %arg10[%swap3A_506, %swap3A_507], %broadcast_in_dim3A_1 {strides = array<i32>} : memref<128x16xf32, #tpu.memory_space<vmem>>, vector<16xf32>,
    %swap3A_509 = arith.constant 127 : i32
    %swap3A_510 = arith.index_cast %swap3A_509 : i32 to index
    %swap3A_511 = arith.constant 0 : index
    %swap3A_512 = tpu.vector_load %arg10[%swap3A_510, %swap3A_511] {strides = array<i32>} : memref<128x16xf32, #tpu.memory_space<vmem>>, vector<16xf32>,
    tpu.vector_store %arg10[%swap3A_510, %swap3A_511], %broadcast_in_dim3A_1 {strides = array<i32>} : memref<128x16xf32, #tpu.memory_space<vmem>>, vector<16xf32>,
    %scan3A = arith.constant 0 : i32
    %scan3A_513 = arith.constant 0 : i32
    %scan3A_514 = arith.constant 25 : i32
    %scan3A_515 = arith.addi %scan3A_513, %scan3A_514 : i32
    %scan3A_516 = arith.constant 1 : i32
    scf.for %scan3A_585 = %scan3A_513 to %scan3A_515 step %scan3A_516  : i32 {
      %mul3A_586 = arith.constant 3200 : i32
      %mul3A_587 = arith.muli %arg1, %mul3A_586 : i32
      %mul3A_588 = arith.constant 128 : i32
      %mul3A_589 = arith.muli %scan3A_585, %mul3A_588 : i32
      %add3A_590 = arith.addi %mul3A_587, %mul3A_589 : i32
      %add3A_591 = arith.constant 0 : i32
      %add3A_592 = arith.addi %add3A_590, %add3A_591 : i32
      %add3A_593 = vector.broadcast %add3A_592 : i32 to vector<16xi32>
      %add3A_594 = arith.addi %add3A_593, %iota3A : vector<16xi32>
      %swap3A_595 = arith.constant 0 : index
      %swap3A_596 = tpu.vector_load %arg13[%swap3A_595] {strides = array<i32>} : memref<128xi32, #tpu.memory_space<vmem>>, vector<16xi32>,
      tpu.vector_store %arg13[%swap3A_595], %add3A_594 {strides = array<i32>} : memref<128xi32, #tpu.memory_space<vmem>>, vector<16xi32>,
      %add3A_597 = arith.constant 16 : i32
      %add3A_598 = arith.addi %add3A_590, %add3A_597 : i32
      %add3A_599 = vector.broadcast %add3A_598 : i32 to vector<16xi32>
      %add3A_600 = arith.addi %add3A_599, %iota3A : vector<16xi32>
      %swap3A_601 = arith.constant 16 : index
      %swap3A_602 = tpu.vector_load %arg13[%swap3A_601] {strides = array<i32>} : memref<128xi32, #tpu.memory_space<vmem>>, vector<16xi32>,
      tpu.vector_store %arg13[%swap3A_601], %add3A_600 {strides = array<i32>} : memref<128xi32, #tpu.memory_space<vmem>>, vector<16xi32>,
      %add3A_603 = arith.constant 32 : i32
      %add3A_604 = arith.addi %add3A_590, %add3A_603 : i32
      %add3A_605 = vector.broadcast %add3A_604 : i32 to vector<16xi32>
      %add3A_606 = arith.addi %add3A_605, %iota3A : vector<16xi32>
      %swap3A_607 = arith.constant 32 : index
      %swap3A_608 = tpu.vector_load %arg13[%swap3A_607] {strides = array<i32>} : memref<128xi32, #tpu.memory_space<vmem>>, vector<16xi32>,
      tpu.vector_store %arg13[%swap3A_607], %add3A_606 {strides = array<i32>} : memref<128xi32, #tpu.memory_space<vmem>>, vector<16xi32>,
      %add3A_609 = arith.constant 48 : i32
      %add3A_610 = arith.addi %add3A_590, %add3A_609 : i32
      %add3A_611 = vector.broadcast %add3A_610 : i32 to vector<16xi32>
      %add3A_612 = arith.addi %add3A_611, %iota3A : vector<16xi32>
      %swap3A_613 = arith.constant 48 : index
      %swap3A_614 = tpu.vector_load %arg13[%swap3A_613] {strides = array<i32>} : memref<128xi32, #tpu.memory_space<vmem>>, vector<16xi32>,
      tpu.vector_store %arg13[%swap3A_613], %add3A_612 {strides = array<i32>} : memref<128xi32, #tpu.memory_space<vmem>>, vector<16xi32>,
      %add3A_615 = arith.constant 64 : i32
      %add3A_616 = arith.addi %add3A_590, %add3A_615 : i32
      %add3A_617 = vector.broadcast %add3A_616 : i32 to vector<16xi32>
      %add3A_618 = arith.addi %add3A_617, %iota3A : vector<16xi32>
      %swap3A_619 = arith.constant 64 : index
      %swap3A_620 = tpu.vector_load %arg13[%swap3A_619] {strides = array<i32>} : memref<128xi32, #tpu.memory_space<vmem>>, vector<16xi32>,
      tpu.vector_store %arg13[%swap3A_619], %add3A_618 {strides = array<i32>} : memref<128xi32, #tpu.memory_space<vmem>>, vector<16xi32>,
      %add3A_621 = arith.constant 80 : i32
      %add3A_622 = arith.addi %add3A_590, %add3A_621 : i32
      %add3A_623 = vector.broadcast %add3A_622 : i32 to vector<16xi32>
      %add3A_624 = arith.addi %add3A_623, %iota3A : vector<16xi32>
      %swap3A_625 = arith.constant 80 : index
      %swap3A_626 = tpu.vector_load %arg13[%swap3A_625] {strides = array<i32>} : memref<128xi32, #tpu.memory_space<vmem>>, vector<16xi32>,
      tpu.vector_store %arg13[%swap3A_625], %add3A_624 {strides = array<i32>} : memref<128xi32, #tpu.memory_space<vmem>>, vector<16xi32>,
      %add3A_627 = arith.constant 96 : i32
      %add3A_628 = arith.addi %add3A_590, %add3A_627 : i32
      %add3A_629 = vector.broadcast %add3A_628 : i32 to vector<16xi32>
      %add3A_630 = arith.addi %add3A_629, %iota3A : vector<16xi32>
      %swap3A_631 = arith.constant 96 : index
      %swap3A_632 = tpu.vector_load %arg13[%swap3A_631] {strides = array<i32>} : memref<128xi32, #tpu.memory_space<vmem>>, vector<16xi32>,
      tpu.vector_store %arg13[%swap3A_631], %add3A_630 {strides = array<i32>} : memref<128xi32, #tpu.memory_space<vmem>>, vector<16xi32>,
      %add3A_633 = arith.constant 112 : i32
      %add3A_634 = arith.addi %add3A_590, %add3A_633 : i32
      %add3A_635 = vector.broadcast %add3A_634 : i32 to vector<16xi32>
      %add3A_636 = arith.addi %add3A_635, %iota3A : vector<16xi32>
      %swap3A_637 = arith.constant 112 : index
      %swap3A_638 = tpu.vector_load %arg13[%swap3A_637] {strides = array<i32>} : memref<128xi32, #tpu.memory_space<vmem>>, vector<16xi32>,
      tpu.vector_store %arg13[%swap3A_637], %add3A_636 {strides = array<i32>} : memref<128xi32, #tpu.memory_space<vmem>>, vector<16xi32>,
      "tpu.region"() ({
        %run_scoped3A = tpu.sem_alloc : memref<!tpu.dma_semaphore, #tpu.memory_space<semaphore_mem>>
        %dma_start3A = arith.constant 0 : i32
        %dma_start3A_639 = arith.constant 0 : i32
        %dma_start3A_640 = tpu.memref_slice %arg14[%dma_start3A, %dma_start3A_639] : memref<51200x16xf32, #tpu.memory_space<vmem_shared>> -> memref<51200x16xf32, #tpu.memory_space<vmem_shared>>
        tpu.enqueue_indirect_dma source(%arg10 : memref<128x16xf32, #tpu.memory_space<vmem>>) target(%dma_start3A_640 : memref<51200x16xf32, #tpu.memory_space<vmem_shared>>) offsets(%arg13 : memref<128xi32, #tpu.memory_space<vmem>>) semaphore(%run_scoped3A : memref<!tpu.dma_semaphore, #tpu.memory_space<semaphore_mem>>)
        %dma_wait3A = arith.constant 0 : i32
        %dma_wait3A_641 = arith.constant 0 : i32
        %dma_wait3A_642 = tpu.memref_slice %arg14[%dma_wait3A, %dma_wait3A_641] : memref<51200x16xf32, #tpu.memory_space<vmem_shared>> -> memref<51200x16xf32, #tpu.memory_space<vmem_shared>>
        tpu.wait_indirect_dma semaphore(%run_scoped3A : memref<!tpu.dma_semaphore, #tpu.memory_space<semaphore_mem>>) src(%arg10 : memref<128x16xf32, #tpu.memory_space<vmem>>) dst(%dma_wait3A_642 : memref<51200x16xf32, #tpu.memory_space<vmem_shared>>)
        tpu.yield
      }) : () -> ()
    }
    %scan3A_517 = arith.constant 25 : i32
    %get3A = arith.constant 0 : index
    %get3A_518 = tpu.vector_load %arg11[%get3A] {strides = array<i32>} : memref<16xf32, #tpu.memory_space<vmem>>, vector<16xf32>,
    %slice3A = vector.extract_strided_slice %get3A_518 {offsets = [0], sizes = [1], strides = [1]} : vector<16xf32> to vector<1xf32>
    %squeeze3A = vector.extract %slice3A[0] : f32 from vector<1xf32>
    %slice3A_519 = vector.extract_strided_slice %get3A_518 {offsets = [8], sizes = [1], strides = [1]} : vector<16xf32> to vector<1xf32>
    %squeeze3A_520 = vector.extract %slice3A_519[0] : f32 from vector<1xf32>
    %barrier3A = arith.constant 0 : index
    tpu.barrier barrier_id(%barrier3A)
    %mul3A_521 = arith.constant 200 : i32
    %mul3A_522 = arith.muli %add3A, %mul3A_521 : i32
    %add3A_523 = arith.constant 0 : i32
    %add3A_524 = arith.addi %mul3A_522, %add3A_523 : i32
    "tpu.region"() ({
      %run_scoped3A = tpu.sem_alloc : memref<!tpu.dma_semaphore, #tpu.memory_space<semaphore_mem>>
      %dma_start3A = arith.constant 0 : i32
      %dma_start3A_585 = tpu.memref_slice %arg3[%add3A_524, %dma_start3A] : memref<6400x128xi32, #tpu.memory_space<hbm>> -> memref<40x128xi32, #tpu.memory_space<hbm>>
      %dma_start3A_586 = arith.constant 0 : i32
      %dma_start3A_587 = tpu.memref_slice %arg3[%add3A_524, %dma_start3A_586] : memref<6400x128xi32, #tpu.memory_space<hbm>> -> memref<40x128xi32, #tpu.memory_space<hbm>>
      tpu.enqueue_dma source(%dma_start3A_587 : memref<40x128xi32, #tpu.memory_space<hbm>>) target(%arg8 : memref<40x128xi32, #tpu.memory_space<vmem>>) target_semaphore(%run_scoped3A : memref<!tpu.dma_semaphore, #tpu.memory_space<semaphore_mem>>)
      %dma_wait3A = arith.constant 0 : i32
      %dma_wait3A_588 = tpu.memref_slice %arg3[%add3A_524, %dma_wait3A] : memref<6400x128xi32, #tpu.memory_space<hbm>> -> memref<40x128xi32, #tpu.memory_space<hbm>>
      %dma_wait3A_589 = arith.constant 0 : i32
      %dma_wait3A_590 = tpu.memref_slice %arg3[%add3A_524, %dma_wait3A_589] : memref<6400x128xi32, #tpu.memory_space<hbm>> -> memref<40x128xi32, #tpu.memory_space<hbm>>
      tpu.wait_dma2 semaphore(%run_scoped3A : memref<!tpu.dma_semaphore, #tpu.memory_space<semaphore_mem>>) src(%dma_wait3A_590 : memref<40x128xi32, #tpu.memory_space<hbm>>) dst(%arg8 : memref<40x128xi32, #tpu.memory_space<vmem>>)
      tpu.yield
    }) : () -> ()
    "tpu.region"() ({
      %run_scoped3A = tpu.sem_alloc : memref<!tpu.dma_semaphore, #tpu.memory_space<semaphore_mem>>
      %dma_start3A = arith.constant 0 : i32
      %dma_start3A_585 = tpu.memref_slice %arg4[%add3A_524, %dma_start3A] : memref<6400x128xi32, #tpu.memory_space<hbm>> -> memref<40x128xi32, #tpu.memory_space<hbm>>
      %dma_start3A_586 = arith.constant 0 : i32
      %dma_start3A_587 = tpu.memref_slice %arg4[%add3A_524, %dma_start3A_586] : memref<6400x128xi32, #tpu.memory_space<hbm>> -> memref<40x128xi32, #tpu.memory_space<hbm>>
      tpu.enqueue_dma source(%dma_start3A_587 : memref<40x128xi32, #tpu.memory_space<hbm>>) target(%arg9 : memref<40x128xi32, #tpu.memory_space<vmem>>) target_semaphore(%run_scoped3A : memref<!tpu.dma_semaphore, #tpu.memory_space<semaphore_mem>>)
      %dma_wait3A = arith.constant 0 : i32
      %dma_wait3A_588 = tpu.memref_slice %arg4[%add3A_524, %dma_wait3A] : memref<6400x128xi32, #tpu.memory_space<hbm>> -> memref<40x128xi32, #tpu.memory_space<hbm>>
      %dma_wait3A_589 = arith.constant 0 : i32
      %dma_wait3A_590 = tpu.memref_slice %arg4[%add3A_524, %dma_wait3A_589] : memref<6400x128xi32, #tpu.memory_space<hbm>> -> memref<40x128xi32, #tpu.memory_space<hbm>>
      tpu.wait_dma2 semaphore(%run_scoped3A : memref<!tpu.dma_semaphore, #tpu.memory_space<semaphore_mem>>) src(%dma_wait3A_590 : memref<40x128xi32, #tpu.memory_space<hbm>>) dst(%arg9 : memref<40x128xi32, #tpu.memory_space<vmem>>)
      tpu.yield
    }) : () -> ()
    %scan3A_525 = arith.constant 0 : i32
    %scan3A_526 = arith.constant 0 : i32
    %scan3A_527 = arith.constant 40 : i32
    %scan3A_528 = arith.addi %scan3A_526, %scan3A_527 : i32
    %scan3A_529 = arith.constant 1 : i32
    scf.for %scan3A_585 = %scan3A_526 to %scan3A_528 step %scan3A_529  : i32 {
      %scan3A_586 = arith.constant 0 : i32
      %scan3A_587 = arith.constant 0 : i32
      %scan3A_588 = arith.constant 8 : i32
      %scan3A_589 = arith.addi %scan3A_587, %scan3A_588 : i32
      %scan3A_590 = arith.constant 1 : i32
      scf.for %scan3A_592 = %scan3A_587 to %scan3A_589 step %scan3A_590  : i32 {
        %mul3A_593 = arith.constant 16 : i32
        %mul3A_594 = arith.muli %scan3A_592, %mul3A_593 : i32
        %get3A_595 = arith.index_cast %scan3A_585 : i32 to index
        %get3A_596 = arith.index_cast %mul3A_594 : i32 to index
        %get3A_597 = tpu.vector_load %arg8[%get3A_595, %get3A_596] {strides = array<i32>} : memref<40x128xi32, #tpu.memory_space<vmem>>, vector<16xi32>,
        %mul3A_598 = arith.constant 16 : i32
        %mul3A_599 = arith.muli %scan3A_592, %mul3A_598 : i32
        %get3A_600 = arith.index_cast %scan3A_585 : i32 to index
        %get3A_601 = arith.index_cast %mul3A_599 : i32 to index
        %get3A_602 = tpu.vector_load %arg9[%get3A_600, %get3A_601] {strides = array<i32>} : memref<40x128xi32, #tpu.memory_space<vmem>>, vector<16xi32>,
        %gather3A = tpu.vector_load_idx %arg7[%get3A_597] : memref<50048xf32, #tpu.memory_space<vmem>>[vector<16xi32>], vector<16xf32>,
        %gather3A_603 = tpu.vector_load_idx %arg7[%get3A_602] : memref<50048xf32, #tpu.memory_space<vmem>>[vector<16xi32>], vector<16xf32>,
        %mul3A_604 = arith.constant 16 : i32
        %mul3A_605 = arith.muli %scan3A_592, %mul3A_604 : i32
        %add3A_606 = vector.broadcast %mul3A_605 : i32 to vector<16xi32>
        %add3A_607 = arith.addi %iota3A, %add3A_606 : vector<16xi32>
        %mul3A_608 = vector.broadcast %squeeze3A : f32 to vector<16xf32>
        %mul3A_609 = arith.mulf %gather3A, %mul3A_608 : vector<16xf32>
        %mul3A_610 = vector.broadcast %squeeze3A_520 : f32 to vector<16xf32>
        %mul3A_611 = arith.mulf %gather3A_603, %mul3A_610 : vector<16xf32>
        %add3A_612 = arith.addf %mul3A_609, %mul3A_611 : vector<16xf32>
        %mul3A_613 = arith.constant 2.000000e-01 : f32
        %mul3A_614 = vector.broadcast %mul3A_613 : f32 to vector<16xf32>
        %mul3A_615 = arith.mulf %mul3A_614, %add3A_612 : vector<16xf32>
        %max3A = arith.maximumf %add3A_612, %mul3A_615 : vector<16xf32>
        %exp3A = math.exp %max3A : vector<16xf32>
        %broadcast_in_dim3A_616 = arith.constant 0 : i32
        %broadcast_in_dim3A_617 = vector.broadcast %broadcast_in_dim3A_616 : i32 to vector<16xi32>
        tpu.vector_store_idx %arg10[%add3A_607, %broadcast_in_dim3A_617], %exp3A : memref<128x16xf32, #tpu.memory_space<vmem>>[vector<16xi32>, vector<16xi32>], vector<16xf32>,
        %broadcast_in_dim3A_618 = arith.constant 8 : i32
        %broadcast_in_dim3A_619 = vector.broadcast %broadcast_in_dim3A_618 : i32 to vector<16xi32>
        %mul3A_620 = arith.mulf %exp3A, %gather3A : vector<16xf32>
        tpu.vector_store_idx %arg10[%add3A_607, %broadcast_in_dim3A_619], %mul3A_620 : memref<128x16xf32, #tpu.memory_space<vmem>>[vector<16xi32>, vector<16xi32>], vector<16xf32>,
      }
      %scan3A_591 = arith.constant 8 : i32
      "tpu.region"() ({
        %run_scoped3A = tpu.sem_alloc : memref<!tpu.dma_semaphore, #tpu.memory_space<semaphore_mem>>
        %dma_start3A = arith.constant 0 : i32
        %dma_start3A_592 = tpu.memref_slice %arg9[%scan3A_585, %dma_start3A] : memref<40x128xi32, #tpu.memory_space<vmem>> -> memref<1x128xi32, #tpu.memory_space<vmem>>
        %dma_start3A_593 = tpu.memref_squeeze %dma_start3A_592 : memref<1x128xi32, #tpu.memory_space<vmem>> -> memref<128xi32, #tpu.memory_space<vmem>>
        %dma_start3A_594 = arith.constant 0 : i32
        %dma_start3A_595 = arith.constant 0 : i32
        %dma_start3A_596 = tpu.memref_slice %arg14[%dma_start3A_594, %dma_start3A_595] : memref<51200x16xf32, #tpu.memory_space<vmem_shared>> -> memref<51200x16xf32, #tpu.memory_space<vmem_shared>>
        tpu.enqueue_indirect_dma source(%arg10 : memref<128x16xf32, #tpu.memory_space<vmem>>) target(%dma_start3A_596 : memref<51200x16xf32, #tpu.memory_space<vmem_shared>>) offsets(%dma_start3A_593 : memref<128xi32, #tpu.memory_space<vmem>>) semaphore(%run_scoped3A : memref<!tpu.dma_semaphore, #tpu.memory_space<semaphore_mem>>) {add = true}
        %dma_wait3A = arith.constant 0 : i32
        %dma_wait3A_597 = tpu.memref_slice %arg9[%scan3A_585, %dma_wait3A] : memref<40x128xi32, #tpu.memory_space<vmem>> -> memref<1x128xi32, #tpu.memory_space<vmem>>
        %dma_wait3A_598 = tpu.memref_squeeze %dma_wait3A_597 : memref<1x128xi32, #tpu.memory_space<vmem>> -> memref<128xi32, #tpu.memory_space<vmem>>
        %dma_wait3A_599 = arith.constant 0 : i32
        %dma_wait3A_600 = arith.constant 0 : i32
        %dma_wait3A_601 = tpu.memref_slice %arg14[%dma_wait3A_599, %dma_wait3A_600] : memref<51200x16xf32, #tpu.memory_space<vmem_shared>> -> memref<51200x16xf32, #tpu.memory_space<vmem_shared>>
        tpu.wait_indirect_dma semaphore(%run_scoped3A : memref<!tpu.dma_semaphore, #tpu.memory_space<semaphore_mem>>) src(%arg10 : memref<128x16xf32, #tpu.memory_space<vmem>>) dst(%dma_wait3A_601 : memref<51200x16xf32, #tpu.memory_space<vmem_shared>>)
        tpu.yield
      }) : () -> ()
    }
    %scan3A_530 = arith.constant 40 : i32
    %mul3A_531 = arith.constant 200 : i32
    %mul3A_532 = arith.muli %add3A, %mul3A_531 : i32
    %add3A_533 = arith.constant 40 : i32
    %add3A_534 = arith.addi %mul3A_532, %add3A_533 : i32
    "tpu.region"() ({
      %run_scoped3A = tpu.sem_alloc : memref<!tpu.dma_semaphore, #tpu.memory_space<semaphore_mem>>
      %dma_start3A = arith.constant 0 : i32
      %dma_start3A_585 = tpu.memref_slice %arg3[%add3A_534, %dma_start3A] : memref<6400x128xi32, #tpu.memory_space<hbm>> -> memref<40x128xi32, #tpu.memory_space<hbm>>
      %dma_start3A_586 = arith.constant 0 : i32
      %dma_start3A_587 = tpu.memref_slice %arg3[%add3A_534, %dma_start3A_586] : memref<6400x128xi32, #tpu.memory_space<hbm>> -> memref<40x128xi32, #tpu.memory_space<hbm>>
      tpu.enqueue_dma source(%dma_start3A_587 : memref<40x128xi32, #tpu.memory_space<hbm>>) target(%arg8 : memref<40x128xi32, #tpu.memory_space<vmem>>) target_semaphore(%run_scoped3A : memref<!tpu.dma_semaphore, #tpu.memory_space<semaphore_mem>>)
      %dma_wait3A = arith.constant 0 : i32
      %dma_wait3A_588 = tpu.memref_slice %arg3[%add3A_534, %dma_wait3A] : memref<6400x128xi32, #tpu.memory_space<hbm>> -> memref<40x128xi32, #tpu.memory_space<hbm>>
      %dma_wait3A_589 = arith.constant 0 : i32
      %dma_wait3A_590 = tpu.memref_slice %arg3[%add3A_534, %dma_wait3A_589] : memref<6400x128xi32, #tpu.memory_space<hbm>> -> memref<40x128xi32, #tpu.memory_space<hbm>>
      tpu.wait_dma2 semaphore(%run_scoped3A : memref<!tpu.dma_semaphore, #tpu.memory_space<semaphore_mem>>) src(%dma_wait3A_590 : memref<40x128xi32, #tpu.memory_space<hbm>>) dst(%arg8 : memref<40x128xi32, #tpu.memory_space<vmem>>)
      tpu.yield
    }) : () -> ()
    "tpu.region"() ({
      %run_scoped3A = tpu.sem_alloc : memref<!tpu.dma_semaphore, #tpu.memory_space<semaphore_mem>>
      %dma_start3A = arith.constant 0 : i32
      %dma_start3A_585 = tpu.memref_slice %arg4[%add3A_534, %dma_start3A] : memref<6400x128xi32, #tpu.memory_space<hbm>> -> memref<40x128xi32, #tpu.memory_space<hbm>>
      %dma_start3A_586 = arith.constant 0 : i32
      %dma_start3A_587 = tpu.memref_slice %arg4[%add3A_534, %dma_start3A_586] : memref<6400x128xi32, #tpu.memory_space<hbm>> -> memref<40x128xi32, #tpu.memory_space<hbm>>
      tpu.enqueue_dma source(%dma_start3A_587 : memref<40x128xi32, #tpu.memory_space<hbm>>) target(%arg9 : memref<40x128xi32, #tpu.memory_space<vmem>>) target_semaphore(%run_scoped3A : memref<!tpu.dma_semaphore, #tpu.memory_space<semaphore_mem>>)
      %dma_wait3A = arith.constant 0 : i32
      %dma_wait3A_588 = tpu.memref_slice %arg4[%add3A_534, %dma_wait3A] : memref<6400x128xi32, #tpu.memory_space<hbm>> -> memref<40x128xi32, #tpu.memory_space<hbm>>
      %dma_wait3A_589 = arith.constant 0 : i32
      %dma_wait3A_590 = tpu.memref_slice %arg4[%add3A_534, %dma_wait3A_589] : memref<6400x128xi32, #tpu.memory_space<hbm>> -> memref<40x128xi32, #tpu.memory_space<hbm>>
      tpu.wait_dma2 semaphore(%run_scoped3A : memref<!tpu.dma_semaphore, #tpu.memory_space<semaphore_mem>>) src(%dma_wait3A_590 : memref<40x128xi32, #tpu.memory_space<hbm>>) dst(%arg9 : memref<40x128xi32, #tpu.memory_space<vmem>>)
      tpu.yield
    }) : () -> ()
    %scan3A_535 = arith.constant 0 : i32
    %scan3A_536 = arith.constant 0 : i32
    %scan3A_537 = arith.constant 40 : i32
    %scan3A_538 = arith.addi %scan3A_536, %scan3A_537 : i32
    %scan3A_539 = arith.constant 1 : i32
    scf.for %scan3A_585 = %scan3A_536 to %scan3A_538 step %scan3A_539  : i32 {
      %scan3A_586 = arith.constant 0 : i32
      %scan3A_587 = arith.constant 0 : i32
      %scan3A_588 = arith.constant 8 : i32
      %scan3A_589 = arith.addi %scan3A_587, %scan3A_588 : i32
      %scan3A_590 = arith.constant 1 : i32
      scf.for %scan3A_592 = %scan3A_587 to %scan3A_589 step %scan3A_590  : i32 {
        %mul3A_593 = arith.constant 16 : i32
        %mul3A_594 = arith.muli %scan3A_592, %mul3A_593 : i32
        %get3A_595 = arith.index_cast %scan3A_585 : i32 to index
        %get3A_596 = arith.index_cast %mul3A_594 : i32 to index
        %get3A_597 = tpu.vector_load %arg8[%get3A_595, %get3A_596] {strides = array<i32>} : memref<40x128xi32, #tpu.memory_space<vmem>>, vector<16xi32>,
        %mul3A_598 = arith.constant 16 : i32
        %mul3A_599 = arith.muli %scan3A_592, %mul3A_598 : i32
        %get3A_600 = arith.index_cast %scan3A_585 : i32 to index
        %get3A_601 = arith.index_cast %mul3A_599 : i32 to index
        %get3A_602 = tpu.vector_load %arg9[%get3A_600, %get3A_601] {strides = array<i32>} : memref<40x128xi32, #tpu.memory_space<vmem>>, vector<16xi32>,
        %gather3A = tpu.vector_load_idx %arg7[%get3A_597] : memref<50048xf32, #tpu.memory_space<vmem>>[vector<16xi32>], vector<16xf32>,
        %gather3A_603 = tpu.vector_load_idx %arg7[%get3A_602] : memref<50048xf32, #tpu.memory_space<vmem>>[vector<16xi32>], vector<16xf32>,
        %mul3A_604 = arith.constant 16 : i32
        %mul3A_605 = arith.muli %scan3A_592, %mul3A_604 : i32
        %add3A_606 = vector.broadcast %mul3A_605 : i32 to vector<16xi32>
        %add3A_607 = arith.addi %iota3A, %add3A_606 : vector<16xi32>
        %mul3A_608 = vector.broadcast %squeeze3A : f32 to vector<16xf32>
        %mul3A_609 = arith.mulf %gather3A, %mul3A_608 : vector<16xf32>
        %mul3A_610 = vector.broadcast %squeeze3A_520 : f32 to vector<16xf32>
        %mul3A_611 = arith.mulf %gather3A_603, %mul3A_610 : vector<16xf32>
        %add3A_612 = arith.addf %mul3A_609, %mul3A_611 : vector<16xf32>
        %mul3A_613 = arith.constant 2.000000e-01 : f32
        %mul3A_614 = vector.broadcast %mul3A_613 : f32 to vector<16xf32>
        %mul3A_615 = arith.mulf %mul3A_614, %add3A_612 : vector<16xf32>
        %max3A = arith.maximumf %add3A_612, %mul3A_615 : vector<16xf32>
        %exp3A = math.exp %max3A : vector<16xf32>
        %broadcast_in_dim3A_616 = arith.constant 0 : i32
        %broadcast_in_dim3A_617 = vector.broadcast %broadcast_in_dim3A_616 : i32 to vector<16xi32>
        tpu.vector_store_idx %arg10[%add3A_607, %broadcast_in_dim3A_617], %exp3A : memref<128x16xf32, #tpu.memory_space<vmem>>[vector<16xi32>, vector<16xi32>], vector<16xf32>,
        %broadcast_in_dim3A_618 = arith.constant 8 : i32
        %broadcast_in_dim3A_619 = vector.broadcast %broadcast_in_dim3A_618 : i32 to vector<16xi32>
        %mul3A_620 = arith.mulf %exp3A, %gather3A : vector<16xf32>
        tpu.vector_store_idx %arg10[%add3A_607, %broadcast_in_dim3A_619], %mul3A_620 : memref<128x16xf32, #tpu.memory_space<vmem>>[vector<16xi32>, vector<16xi32>], vector<16xf32>,
      }
      %scan3A_591 = arith.constant 8 : i32
      "tpu.region"() ({
        %run_scoped3A = tpu.sem_alloc : memref<!tpu.dma_semaphore, #tpu.memory_space<semaphore_mem>>
        %dma_start3A = arith.constant 0 : i32
        %dma_start3A_592 = tpu.memref_slice %arg9[%scan3A_585, %dma_start3A] : memref<40x128xi32, #tpu.memory_space<vmem>> -> memref<1x128xi32, #tpu.memory_space<vmem>>
        %dma_start3A_593 = tpu.memref_squeeze %dma_start3A_592 : memref<1x128xi32, #tpu.memory_space<vmem>> -> memref<128xi32, #tpu.memory_space<vmem>>
        %dma_start3A_594 = arith.constant 0 : i32
        %dma_start3A_595 = arith.constant 0 : i32
        %dma_start3A_596 = tpu.memref_slice %arg14[%dma_start3A_594, %dma_start3A_595] : memref<51200x16xf32, #tpu.memory_space<vmem_shared>> -> memref<51200x16xf32, #tpu.memory_space<vmem_shared>>
        tpu.enqueue_indirect_dma source(%arg10 : memref<128x16xf32, #tpu.memory_space<vmem>>) target(%dma_start3A_596 : memref<51200x16xf32, #tpu.memory_space<vmem_shared>>) offsets(%dma_start3A_593 : memref<128xi32, #tpu.memory_space<vmem>>) semaphore(%run_scoped3A : memref<!tpu.dma_semaphore, #tpu.memory_space<semaphore_mem>>) {add = true}
        %dma_wait3A = arith.constant 0 : i32
        %dma_wait3A_597 = tpu.memref_slice %arg9[%scan3A_585, %dma_wait3A] : memref<40x128xi32, #tpu.memory_space<vmem>> -> memref<1x128xi32, #tpu.memory_space<vmem>>
        %dma_wait3A_598 = tpu.memref_squeeze %dma_wait3A_597 : memref<1x128xi32, #tpu.memory_space<vmem>> -> memref<128xi32, #tpu.memory_space<vmem>>
        %dma_wait3A_599 = arith.constant 0 : i32
        %dma_wait3A_600 = arith.constant 0 : i32
        %dma_wait3A_601 = tpu.memref_slice %arg14[%dma_wait3A_599, %dma_wait3A_600] : memref<51200x16xf32, #tpu.memory_space<vmem_shared>> -> memref<51200x16xf32, #tpu.memory_space<vmem_shared>>
        tpu.wait_indirect_dma semaphore(%run_scoped3A : memref<!tpu.dma_semaphore, #tpu.memory_space<semaphore_mem>>) src(%arg10 : memref<128x16xf32, #tpu.memory_space<vmem>>) dst(%dma_wait3A_601 : memref<51200x16xf32, #tpu.memory_space<vmem_shared>>)
        tpu.yield
      }) : () -> ()
    }
    %scan3A_540 = arith.constant 40 : i32
    %mul3A_541 = arith.constant 200 : i32
    %mul3A_542 = arith.muli %add3A, %mul3A_541 : i32
    %add3A_543 = arith.constant 80 : i32
    %add3A_544 = arith.addi %mul3A_542, %add3A_543 : i32
    "tpu.region"() ({
      %run_scoped3A = tpu.sem_alloc : memref<!tpu.dma_semaphore, #tpu.memory_space<semaphore_mem>>
      %dma_start3A = arith.constant 0 : i32
      %dma_start3A_585 = tpu.memref_slice %arg3[%add3A_544, %dma_start3A] : memref<6400x128xi32, #tpu.memory_space<hbm>> -> memref<40x128xi32, #tpu.memory_space<hbm>>
      %dma_start3A_586 = arith.constant 0 : i32
      %dma_start3A_587 = tpu.memref_slice %arg3[%add3A_544, %dma_start3A_586] : memref<6400x128xi32, #tpu.memory_space<hbm>> -> memref<40x128xi32, #tpu.memory_space<hbm>>
      tpu.enqueue_dma source(%dma_start3A_587 : memref<40x128xi32, #tpu.memory_space<hbm>>) target(%arg8 : memref<40x128xi32, #tpu.memory_space<vmem>>) target_semaphore(%run_scoped3A : memref<!tpu.dma_semaphore, #tpu.memory_space<semaphore_mem>>)
      %dma_wait3A = arith.constant 0 : i32
      %dma_wait3A_588 = tpu.memref_slice %arg3[%add3A_544, %dma_wait3A] : memref<6400x128xi32, #tpu.memory_space<hbm>> -> memref<40x128xi32, #tpu.memory_space<hbm>>
      %dma_wait3A_589 = arith.constant 0 : i32
      %dma_wait3A_590 = tpu.memref_slice %arg3[%add3A_544, %dma_wait3A_589] : memref<6400x128xi32, #tpu.memory_space<hbm>> -> memref<40x128xi32, #tpu.memory_space<hbm>>
      tpu.wait_dma2 semaphore(%run_scoped3A : memref<!tpu.dma_semaphore, #tpu.memory_space<semaphore_mem>>) src(%dma_wait3A_590 : memref<40x128xi32, #tpu.memory_space<hbm>>) dst(%arg8 : memref<40x128xi32, #tpu.memory_space<vmem>>)
      tpu.yield
    }) : () -> ()
    "tpu.region"() ({
      %run_scoped3A = tpu.sem_alloc : memref<!tpu.dma_semaphore, #tpu.memory_space<semaphore_mem>>
      %dma_start3A = arith.constant 0 : i32
      %dma_start3A_585 = tpu.memref_slice %arg4[%add3A_544, %dma_start3A] : memref<6400x128xi32, #tpu.memory_space<hbm>> -> memref<40x128xi32, #tpu.memory_space<hbm>>
      %dma_start3A_586 = arith.constant 0 : i32
      %dma_start3A_587 = tpu.memref_slice %arg4[%add3A_544, %dma_start3A_586] : memref<6400x128xi32, #tpu.memory_space<hbm>> -> memref<40x128xi32, #tpu.memory_space<hbm>>
      tpu.enqueue_dma source(%dma_start3A_587 : memref<40x128xi32, #tpu.memory_space<hbm>>) target(%arg9 : memref<40x128xi32, #tpu.memory_space<vmem>>) target_semaphore(%run_scoped3A : memref<!tpu.dma_semaphore, #tpu.memory_space<semaphore_mem>>)
      %dma_wait3A = arith.constant 0 : i32
      %dma_wait3A_588 = tpu.memref_slice %arg4[%add3A_544, %dma_wait3A] : memref<6400x128xi32, #tpu.memory_space<hbm>> -> memref<40x128xi32, #tpu.memory_space<hbm>>
      %dma_wait3A_589 = arith.constant 0 : i32
      %dma_wait3A_590 = tpu.memref_slice %arg4[%add3A_544, %dma_wait3A_589] : memref<6400x128xi32, #tpu.memory_space<hbm>> -> memref<40x128xi32, #tpu.memory_space<hbm>>
      tpu.wait_dma2 semaphore(%run_scoped3A : memref<!tpu.dma_semaphore, #tpu.memory_space<semaphore_mem>>) src(%dma_wait3A_590 : memref<40x128xi32, #tpu.memory_space<hbm>>) dst(%arg9 : memref<40x128xi32, #tpu.memory_space<vmem>>)
      tpu.yield
    }) : () -> ()
    %scan3A_545 = arith.constant 0 : i32
    %scan3A_546 = arith.constant 0 : i32
    %scan3A_547 = arith.constant 40 : i32
    %scan3A_548 = arith.addi %scan3A_546, %scan3A_547 : i32
    %scan3A_549 = arith.constant 1 : i32
    scf.for %scan3A_585 = %scan3A_546 to %scan3A_548 step %scan3A_549  : i32 {
      %scan3A_586 = arith.constant 0 : i32
      %scan3A_587 = arith.constant 0 : i32
      %scan3A_588 = arith.constant 8 : i32
      %scan3A_589 = arith.addi %scan3A_587, %scan3A_588 : i32
      %scan3A_590 = arith.constant 1 : i32
      scf.for %scan3A_592 = %scan3A_587 to %scan3A_589 step %scan3A_590  : i32 {
        %mul3A_593 = arith.constant 16 : i32
        %mul3A_594 = arith.muli %scan3A_592, %mul3A_593 : i32
        %get3A_595 = arith.index_cast %scan3A_585 : i32 to index
        %get3A_596 = arith.index_cast %mul3A_594 : i32 to index
        %get3A_597 = tpu.vector_load %arg8[%get3A_595, %get3A_596] {strides = array<i32>} : memref<40x128xi32, #tpu.memory_space<vmem>>, vector<16xi32>,
        %mul3A_598 = arith.constant 16 : i32
        %mul3A_599 = arith.muli %scan3A_592, %mul3A_598 : i32
        %get3A_600 = arith.index_cast %scan3A_585 : i32 to index
        %get3A_601 = arith.index_cast %mul3A_599 : i32 to index
        %get3A_602 = tpu.vector_load %arg9[%get3A_600, %get3A_601] {strides = array<i32>} : memref<40x128xi32, #tpu.memory_space<vmem>>, vector<16xi32>,
        %gather3A = tpu.vector_load_idx %arg7[%get3A_597] : memref<50048xf32, #tpu.memory_space<vmem>>[vector<16xi32>], vector<16xf32>,
        %gather3A_603 = tpu.vector_load_idx %arg7[%get3A_602] : memref<50048xf32, #tpu.memory_space<vmem>>[vector<16xi32>], vector<16xf32>,
        %mul3A_604 = arith.constant 16 : i32
        %mul3A_605 = arith.muli %scan3A_592, %mul3A_604 : i32
        %add3A_606 = vector.broadcast %mul3A_605 : i32 to vector<16xi32>
        %add3A_607 = arith.addi %iota3A, %add3A_606 : vector<16xi32>
        %mul3A_608 = vector.broadcast %squeeze3A : f32 to vector<16xf32>
        %mul3A_609 = arith.mulf %gather3A, %mul3A_608 : vector<16xf32>
        %mul3A_610 = vector.broadcast %squeeze3A_520 : f32 to vector<16xf32>
        %mul3A_611 = arith.mulf %gather3A_603, %mul3A_610 : vector<16xf32>
        %add3A_612 = arith.addf %mul3A_609, %mul3A_611 : vector<16xf32>
        %mul3A_613 = arith.constant 2.000000e-01 : f32
        %mul3A_614 = vector.broadcast %mul3A_613 : f32 to vector<16xf32>
        %mul3A_615 = arith.mulf %mul3A_614, %add3A_612 : vector<16xf32>
        %max3A = arith.maximumf %add3A_612, %mul3A_615 : vector<16xf32>
        %exp3A = math.exp %max3A : vector<16xf32>
        %broadcast_in_dim3A_616 = arith.constant 0 : i32
        %broadcast_in_dim3A_617 = vector.broadcast %broadcast_in_dim3A_616 : i32 to vector<16xi32>
        tpu.vector_store_idx %arg10[%add3A_607, %broadcast_in_dim3A_617], %exp3A : memref<128x16xf32, #tpu.memory_space<vmem>>[vector<16xi32>, vector<16xi32>], vector<16xf32>,
        %broadcast_in_dim3A_618 = arith.constant 8 : i32
        %broadcast_in_dim3A_619 = vector.broadcast %broadcast_in_dim3A_618 : i32 to vector<16xi32>
        %mul3A_620 = arith.mulf %exp3A, %gather3A : vector<16xf32>
        tpu.vector_store_idx %arg10[%add3A_607, %broadcast_in_dim3A_619], %mul3A_620 : memref<128x16xf32, #tpu.memory_space<vmem>>[vector<16xi32>, vector<16xi32>], vector<16xf32>,
      }
      %scan3A_591 = arith.constant 8 : i32
      "tpu.region"() ({
        %run_scoped3A = tpu.sem_alloc : memref<!tpu.dma_semaphore, #tpu.memory_space<semaphore_mem>>
        %dma_start3A = arith.constant 0 : i32
        %dma_start3A_592 = tpu.memref_slice %arg9[%scan3A_585, %dma_start3A] : memref<40x128xi32, #tpu.memory_space<vmem>> -> memref<1x128xi32, #tpu.memory_space<vmem>>
        %dma_start3A_593 = tpu.memref_squeeze %dma_start3A_592 : memref<1x128xi32, #tpu.memory_space<vmem>> -> memref<128xi32, #tpu.memory_space<vmem>>
        %dma_start3A_594 = arith.constant 0 : i32
        %dma_start3A_595 = arith.constant 0 : i32
        %dma_start3A_596 = tpu.memref_slice %arg14[%dma_start3A_594, %dma_start3A_595] : memref<51200x16xf32, #tpu.memory_space<vmem_shared>> -> memref<51200x16xf32, #tpu.memory_space<vmem_shared>>
        tpu.enqueue_indirect_dma source(%arg10 : memref<128x16xf32, #tpu.memory_space<vmem>>) target(%dma_start3A_596 : memref<51200x16xf32, #tpu.memory_space<vmem_shared>>) offsets(%dma_start3A_593 : memref<128xi32, #tpu.memory_space<vmem>>) semaphore(%run_scoped3A : memref<!tpu.dma_semaphore, #tpu.memory_space<semaphore_mem>>) {add = true}
        %dma_wait3A = arith.constant 0 : i32
        %dma_wait3A_597 = tpu.memref_slice %arg9[%scan3A_585, %dma_wait3A] : memref<40x128xi32, #tpu.memory_space<vmem>> -> memref<1x128xi32, #tpu.memory_space<vmem>>
        %dma_wait3A_598 = tpu.memref_squeeze %dma_wait3A_597 : memref<1x128xi32, #tpu.memory_space<vmem>> -> memref<128xi32, #tpu.memory_space<vmem>>
        %dma_wait3A_599 = arith.constant 0 : i32
        %dma_wait3A_600 = arith.constant 0 : i32
        %dma_wait3A_601 = tpu.memref_slice %arg14[%dma_wait3A_599, %dma_wait3A_600] : memref<51200x16xf32, #tpu.memory_space<vmem_shared>> -> memref<51200x16xf32, #tpu.memory_space<vmem_shared>>
        tpu.wait_indirect_dma semaphore(%run_scoped3A : memref<!tpu.dma_semaphore, #tpu.memory_space<semaphore_mem>>) src(%arg10 : memref<128x16xf32, #tpu.memory_space<vmem>>) dst(%dma_wait3A_601 : memref<51200x16xf32, #tpu.memory_space<vmem_shared>>)
        tpu.yield
      }) : () -> ()
    }
    %scan3A_550 = arith.constant 40 : i32
    %mul3A_551 = arith.constant 200 : i32
    %mul3A_552 = arith.muli %add3A, %mul3A_551 : i32
    %add3A_553 = arith.constant 120 : i32
    %add3A_554 = arith.addi %mul3A_552, %add3A_553 : i32
    "tpu.region"() ({
      %run_scoped3A = tpu.sem_alloc : memref<!tpu.dma_semaphore, #tpu.memory_space<semaphore_mem>>
      %dma_start3A = arith.constant 0 : i32
      %dma_start3A_585 = tpu.memref_slice %arg3[%add3A_554, %dma_start3A] : memref<6400x128xi32, #tpu.memory_space<hbm>> -> memref<40x128xi32, #tpu.memory_space<hbm>>
      %dma_start3A_586 = arith.constant 0 : i32
      %dma_start3A_587 = tpu.memref_slice %arg3[%add3A_554, %dma_start3A_586] : memref<6400x128xi32, #tpu.memory_space<hbm>> -> memref<40x128xi32, #tpu.memory_space<hbm>>
      tpu.enqueue_dma source(%dma_start3A_587 : memref<40x128xi32, #tpu.memory_space<hbm>>) target(%arg8 : memref<40x128xi32, #tpu.memory_space<vmem>>) target_semaphore(%run_scoped3A : memref<!tpu.dma_semaphore, #tpu.memory_space<semaphore_mem>>)
      %dma_wait3A = arith.constant 0 : i32
      %dma_wait3A_588 = tpu.memref_slice %arg3[%add3A_554, %dma_wait3A] : memref<6400x128xi32, #tpu.memory_space<hbm>> -> memref<40x128xi32, #tpu.memory_space<hbm>>
      %dma_wait3A_589 = arith.constant 0 : i32
      %dma_wait3A_590 = tpu.memref_slice %arg3[%add3A_554, %dma_wait3A_589] : memref<6400x128xi32, #tpu.memory_space<hbm>> -> memref<40x128xi32, #tpu.memory_space<hbm>>
      tpu.wait_dma2 semaphore(%run_scoped3A : memref<!tpu.dma_semaphore, #tpu.memory_space<semaphore_mem>>) src(%dma_wait3A_590 : memref<40x128xi32, #tpu.memory_space<hbm>>) dst(%arg8 : memref<40x128xi32, #tpu.memory_space<vmem>>)
      tpu.yield
    }) : () -> ()
    "tpu.region"() ({
      %run_scoped3A = tpu.sem_alloc : memref<!tpu.dma_semaphore, #tpu.memory_space<semaphore_mem>>
      %dma_start3A = arith.constant 0 : i32
      %dma_start3A_585 = tpu.memref_slice %arg4[%add3A_554, %dma_start3A] : memref<6400x128xi32, #tpu.memory_space<hbm>> -> memref<40x128xi32, #tpu.memory_space<hbm>>
      %dma_start3A_586 = arith.constant 0 : i32
      %dma_start3A_587 = tpu.memref_slice %arg4[%add3A_554, %dma_start3A_586] : memref<6400x128xi32, #tpu.memory_space<hbm>> -> memref<40x128xi32, #tpu.memory_space<hbm>>
      tpu.enqueue_dma source(%dma_start3A_587 : memref<40x128xi32, #tpu.memory_space<hbm>>) target(%arg9 : memref<40x128xi32, #tpu.memory_space<vmem>>) target_semaphore(%run_scoped3A : memref<!tpu.dma_semaphore, #tpu.memory_space<semaphore_mem>>)
      %dma_wait3A = arith.constant 0 : i32
      %dma_wait3A_588 = tpu.memref_slice %arg4[%add3A_554, %dma_wait3A] : memref<6400x128xi32, #tpu.memory_space<hbm>> -> memref<40x128xi32, #tpu.memory_space<hbm>>
      %dma_wait3A_589 = arith.constant 0 : i32
      %dma_wait3A_590 = tpu.memref_slice %arg4[%add3A_554, %dma_wait3A_589] : memref<6400x128xi32, #tpu.memory_space<hbm>> -> memref<40x128xi32, #tpu.memory_space<hbm>>
      tpu.wait_dma2 semaphore(%run_scoped3A : memref<!tpu.dma_semaphore, #tpu.memory_space<semaphore_mem>>) src(%dma_wait3A_590 : memref<40x128xi32, #tpu.memory_space<hbm>>) dst(%arg9 : memref<40x128xi32, #tpu.memory_space<vmem>>)
      tpu.yield
    }) : () -> ()
    %scan3A_555 = arith.constant 0 : i32
    %scan3A_556 = arith.constant 0 : i32
    %scan3A_557 = arith.constant 40 : i32
    %scan3A_558 = arith.addi %scan3A_556, %scan3A_557 : i32
    %scan3A_559 = arith.constant 1 : i32
    scf.for %scan3A_585 = %scan3A_556 to %scan3A_558 step %scan3A_559  : i32 {
      %scan3A_586 = arith.constant 0 : i32
      %scan3A_587 = arith.constant 0 : i32
      %scan3A_588 = arith.constant 8 : i32
      %scan3A_589 = arith.addi %scan3A_587, %scan3A_588 : i32
      %scan3A_590 = arith.constant 1 : i32
      scf.for %scan3A_592 = %scan3A_587 to %scan3A_589 step %scan3A_590  : i32 {
        %mul3A_593 = arith.constant 16 : i32
        %mul3A_594 = arith.muli %scan3A_592, %mul3A_593 : i32
        %get3A_595 = arith.index_cast %scan3A_585 : i32 to index
        %get3A_596 = arith.index_cast %mul3A_594 : i32 to index
        %get3A_597 = tpu.vector_load %arg8[%get3A_595, %get3A_596] {strides = array<i32>} : memref<40x128xi32, #tpu.memory_space<vmem>>, vector<16xi32>,
        %mul3A_598 = arith.constant 16 : i32
        %mul3A_599 = arith.muli %scan3A_592, %mul3A_598 : i32
        %get3A_600 = arith.index_cast %scan3A_585 : i32 to index
        %get3A_601 = arith.index_cast %mul3A_599 : i32 to index
        %get3A_602 = tpu.vector_load %arg9[%get3A_600, %get3A_601] {strides = array<i32>} : memref<40x128xi32, #tpu.memory_space<vmem>>, vector<16xi32>,
        %gather3A = tpu.vector_load_idx %arg7[%get3A_597] : memref<50048xf32, #tpu.memory_space<vmem>>[vector<16xi32>], vector<16xf32>,
        %gather3A_603 = tpu.vector_load_idx %arg7[%get3A_602] : memref<50048xf32, #tpu.memory_space<vmem>>[vector<16xi32>], vector<16xf32>,
        %mul3A_604 = arith.constant 16 : i32
        %mul3A_605 = arith.muli %scan3A_592, %mul3A_604 : i32
        %add3A_606 = vector.broadcast %mul3A_605 : i32 to vector<16xi32>
        %add3A_607 = arith.addi %iota3A, %add3A_606 : vector<16xi32>
        %mul3A_608 = vector.broadcast %squeeze3A : f32 to vector<16xf32>
        %mul3A_609 = arith.mulf %gather3A, %mul3A_608 : vector<16xf32>
        %mul3A_610 = vector.broadcast %squeeze3A_520 : f32 to vector<16xf32>
        %mul3A_611 = arith.mulf %gather3A_603, %mul3A_610 : vector<16xf32>
        %add3A_612 = arith.addf %mul3A_609, %mul3A_611 : vector<16xf32>
        %mul3A_613 = arith.constant 2.000000e-01 : f32
        %mul3A_614 = vector.broadcast %mul3A_613 : f32 to vector<16xf32>
        %mul3A_615 = arith.mulf %mul3A_614, %add3A_612 : vector<16xf32>
        %max3A = arith.maximumf %add3A_612, %mul3A_615 : vector<16xf32>
        %exp3A = math.exp %max3A : vector<16xf32>
        %broadcast_in_dim3A_616 = arith.constant 0 : i32
        %broadcast_in_dim3A_617 = vector.broadcast %broadcast_in_dim3A_616 : i32 to vector<16xi32>
        tpu.vector_store_idx %arg10[%add3A_607, %broadcast_in_dim3A_617], %exp3A : memref<128x16xf32, #tpu.memory_space<vmem>>[vector<16xi32>, vector<16xi32>], vector<16xf32>,
        %broadcast_in_dim3A_618 = arith.constant 8 : i32
        %broadcast_in_dim3A_619 = vector.broadcast %broadcast_in_dim3A_618 : i32 to vector<16xi32>
        %mul3A_620 = arith.mulf %exp3A, %gather3A : vector<16xf32>
        tpu.vector_store_idx %arg10[%add3A_607, %broadcast_in_dim3A_619], %mul3A_620 : memref<128x16xf32, #tpu.memory_space<vmem>>[vector<16xi32>, vector<16xi32>], vector<16xf32>,
      }
      %scan3A_591 = arith.constant 8 : i32
      "tpu.region"() ({
        %run_scoped3A = tpu.sem_alloc : memref<!tpu.dma_semaphore, #tpu.memory_space<semaphore_mem>>
        %dma_start3A = arith.constant 0 : i32
        %dma_start3A_592 = tpu.memref_slice %arg9[%scan3A_585, %dma_start3A] : memref<40x128xi32, #tpu.memory_space<vmem>> -> memref<1x128xi32, #tpu.memory_space<vmem>>
        %dma_start3A_593 = tpu.memref_squeeze %dma_start3A_592 : memref<1x128xi32, #tpu.memory_space<vmem>> -> memref<128xi32, #tpu.memory_space<vmem>>
        %dma_start3A_594 = arith.constant 0 : i32
        %dma_start3A_595 = arith.constant 0 : i32
        %dma_start3A_596 = tpu.memref_slice %arg14[%dma_start3A_594, %dma_start3A_595] : memref<51200x16xf32, #tpu.memory_space<vmem_shared>> -> memref<51200x16xf32, #tpu.memory_space<vmem_shared>>
        tpu.enqueue_indirect_dma source(%arg10 : memref<128x16xf32, #tpu.memory_space<vmem>>) target(%dma_start3A_596 : memref<51200x16xf32, #tpu.memory_space<vmem_shared>>) offsets(%dma_start3A_593 : memref<128xi32, #tpu.memory_space<vmem>>) semaphore(%run_scoped3A : memref<!tpu.dma_semaphore, #tpu.memory_space<semaphore_mem>>) {add = true}
        %dma_wait3A = arith.constant 0 : i32
        %dma_wait3A_597 = tpu.memref_slice %arg9[%scan3A_585, %dma_wait3A] : memref<40x128xi32, #tpu.memory_space<vmem>> -> memref<1x128xi32, #tpu.memory_space<vmem>>
        %dma_wait3A_598 = tpu.memref_squeeze %dma_wait3A_597 : memref<1x128xi32, #tpu.memory_space<vmem>> -> memref<128xi32, #tpu.memory_space<vmem>>
        %dma_wait3A_599 = arith.constant 0 : i32
        %dma_wait3A_600 = arith.constant 0 : i32
        %dma_wait3A_601 = tpu.memref_slice %arg14[%dma_wait3A_599, %dma_wait3A_600] : memref<51200x16xf32, #tpu.memory_space<vmem_shared>> -> memref<51200x16xf32, #tpu.memory_space<vmem_shared>>
        tpu.wait_indirect_dma semaphore(%run_scoped3A : memref<!tpu.dma_semaphore, #tpu.memory_space<semaphore_mem>>) src(%arg10 : memref<128x16xf32, #tpu.memory_space<vmem>>) dst(%dma_wait3A_601 : memref<51200x16xf32, #tpu.memory_space<vmem_shared>>)
        tpu.yield
      }) : () -> ()
    }
    %scan3A_560 = arith.constant 40 : i32
    %mul3A_561 = arith.constant 200 : i32
    %mul3A_562 = arith.muli %add3A, %mul3A_561 : i32
    %add3A_563 = arith.constant 160 : i32
    %add3A_564 = arith.addi %mul3A_562, %add3A_563 : i32
    "tpu.region"() ({
      %run_scoped3A = tpu.sem_alloc : memref<!tpu.dma_semaphore, #tpu.memory_space<semaphore_mem>>
      %dma_start3A = arith.constant 0 : i32
      %dma_start3A_585 = tpu.memref_slice %arg3[%add3A_564, %dma_start3A] : memref<6400x128xi32, #tpu.memory_space<hbm>> -> memref<40x128xi32, #tpu.memory_space<hbm>>
      %dma_start3A_586 = arith.constant 0 : i32
      %dma_start3A_587 = tpu.memref_slice %arg3[%add3A_564, %dma_start3A_586] : memref<6400x128xi32, #tpu.memory_space<hbm>> -> memref<40x128xi32, #tpu.memory_space<hbm>>
      tpu.enqueue_dma source(%dma_start3A_587 : memref<40x128xi32, #tpu.memory_space<hbm>>) target(%arg8 : memref<40x128xi32, #tpu.memory_space<vmem>>) target_semaphore(%run_scoped3A : memref<!tpu.dma_semaphore, #tpu.memory_space<semaphore_mem>>)
      %dma_wait3A = arith.constant 0 : i32
      %dma_wait3A_588 = tpu.memref_slice %arg3[%add3A_564, %dma_wait3A] : memref<6400x128xi32, #tpu.memory_space<hbm>> -> memref<40x128xi32, #tpu.memory_space<hbm>>
      %dma_wait3A_589 = arith.constant 0 : i32
      %dma_wait3A_590 = tpu.memref_slice %arg3[%add3A_564, %dma_wait3A_589] : memref<6400x128xi32, #tpu.memory_space<hbm>> -> memref<40x128xi32, #tpu.memory_space<hbm>>
      tpu.wait_dma2 semaphore(%run_scoped3A : memref<!tpu.dma_semaphore, #tpu.memory_space<semaphore_mem>>) src(%dma_wait3A_590 : memref<40x128xi32, #tpu.memory_space<hbm>>) dst(%arg8 : memref<40x128xi32, #tpu.memory_space<vmem>>)
      tpu.yield
    }) : () -> ()
    "tpu.region"() ({
      %run_scoped3A = tpu.sem_alloc : memref<!tpu.dma_semaphore, #tpu.memory_space<semaphore_mem>>
      %dma_start3A = arith.constant 0 : i32
      %dma_start3A_585 = tpu.memref_slice %arg4[%add3A_564, %dma_start3A] : memref<6400x128xi32, #tpu.memory_space<hbm>> -> memref<40x128xi32, #tpu.memory_space<hbm>>
      %dma_start3A_586 = arith.constant 0 : i32
      %dma_start3A_587 = tpu.memref_slice %arg4[%add3A_564, %dma_start3A_586] : memref<6400x128xi32, #tpu.memory_space<hbm>> -> memref<40x128xi32, #tpu.memory_space<hbm>>
      tpu.enqueue_dma source(%dma_start3A_587 : memref<40x128xi32, #tpu.memory_space<hbm>>) target(%arg9 : memref<40x128xi32, #tpu.memory_space<vmem>>) target_semaphore(%run_scoped3A : memref<!tpu.dma_semaphore, #tpu.memory_space<semaphore_mem>>)
      %dma_wait3A = arith.constant 0 : i32
      %dma_wait3A_588 = tpu.memref_slice %arg4[%add3A_564, %dma_wait3A] : memref<6400x128xi32, #tpu.memory_space<hbm>> -> memref<40x128xi32, #tpu.memory_space<hbm>>
      %dma_wait3A_589 = arith.constant 0 : i32
      %dma_wait3A_590 = tpu.memref_slice %arg4[%add3A_564, %dma_wait3A_589] : memref<6400x128xi32, #tpu.memory_space<hbm>> -> memref<40x128xi32, #tpu.memory_space<hbm>>
      tpu.wait_dma2 semaphore(%run_scoped3A : memref<!tpu.dma_semaphore, #tpu.memory_space<semaphore_mem>>) src(%dma_wait3A_590 : memref<40x128xi32, #tpu.memory_space<hbm>>) dst(%arg9 : memref<40x128xi32, #tpu.memory_space<vmem>>)
      tpu.yield
    }) : () -> ()
    %scan3A_565 = arith.constant 0 : i32
    %scan3A_566 = arith.constant 0 : i32
    %scan3A_567 = arith.constant 40 : i32
    %scan3A_568 = arith.addi %scan3A_566, %scan3A_567 : i32
    %scan3A_569 = arith.constant 1 : i32
    scf.for %scan3A_585 = %scan3A_566 to %scan3A_568 step %scan3A_569  : i32 {
      %scan3A_586 = arith.constant 0 : i32
      %scan3A_587 = arith.constant 0 : i32
      %scan3A_588 = arith.constant 8 : i32
      %scan3A_589 = arith.addi %scan3A_587, %scan3A_588 : i32
      %scan3A_590 = arith.constant 1 : i32
      scf.for %scan3A_592 = %scan3A_587 to %scan3A_589 step %scan3A_590  : i32 {
        %mul3A_593 = arith.constant 16 : i32
        %mul3A_594 = arith.muli %scan3A_592, %mul3A_593 : i32
        %get3A_595 = arith.index_cast %scan3A_585 : i32 to index
        %get3A_596 = arith.index_cast %mul3A_594 : i32 to index
        %get3A_597 = tpu.vector_load %arg8[%get3A_595, %get3A_596] {strides = array<i32>} : memref<40x128xi32, #tpu.memory_space<vmem>>, vector<16xi32>,
        %mul3A_598 = arith.constant 16 : i32
        %mul3A_599 = arith.muli %scan3A_592, %mul3A_598 : i32
        %get3A_600 = arith.index_cast %scan3A_585 : i32 to index
        %get3A_601 = arith.index_cast %mul3A_599 : i32 to index
        %get3A_602 = tpu.vector_load %arg9[%get3A_600, %get3A_601] {strides = array<i32>} : memref<40x128xi32, #tpu.memory_space<vmem>>, vector<16xi32>,
        %gather3A = tpu.vector_load_idx %arg7[%get3A_597] : memref<50048xf32, #tpu.memory_space<vmem>>[vector<16xi32>], vector<16xf32>,
        %gather3A_603 = tpu.vector_load_idx %arg7[%get3A_602] : memref<50048xf32, #tpu.memory_space<vmem>>[vector<16xi32>], vector<16xf32>,
        %mul3A_604 = arith.constant 16 : i32
        %mul3A_605 = arith.muli %scan3A_592, %mul3A_604 : i32
        %add3A_606 = vector.broadcast %mul3A_605 : i32 to vector<16xi32>
        %add3A_607 = arith.addi %iota3A, %add3A_606 : vector<16xi32>
        %mul3A_608 = vector.broadcast %squeeze3A : f32 to vector<16xf32>
        %mul3A_609 = arith.mulf %gather3A, %mul3A_608 : vector<16xf32>
        %mul3A_610 = vector.broadcast %squeeze3A_520 : f32 to vector<16xf32>
        %mul3A_611 = arith.mulf %gather3A_603, %mul3A_610 : vector<16xf32>
        %add3A_612 = arith.addf %mul3A_609, %mul3A_611 : vector<16xf32>
        %mul3A_613 = arith.constant 2.000000e-01 : f32
        %mul3A_614 = vector.broadcast %mul3A_613 : f32 to vector<16xf32>
        %mul3A_615 = arith.mulf %mul3A_614, %add3A_612 : vector<16xf32>
        %max3A = arith.maximumf %add3A_612, %mul3A_615 : vector<16xf32>
        %exp3A = math.exp %max3A : vector<16xf32>
        %broadcast_in_dim3A_616 = arith.constant 0 : i32
        %broadcast_in_dim3A_617 = vector.broadcast %broadcast_in_dim3A_616 : i32 to vector<16xi32>
        tpu.vector_store_idx %arg10[%add3A_607, %broadcast_in_dim3A_617], %exp3A : memref<128x16xf32, #tpu.memory_space<vmem>>[vector<16xi32>, vector<16xi32>], vector<16xf32>,
        %broadcast_in_dim3A_618 = arith.constant 8 : i32
        %broadcast_in_dim3A_619 = vector.broadcast %broadcast_in_dim3A_618 : i32 to vector<16xi32>
        %mul3A_620 = arith.mulf %exp3A, %gather3A : vector<16xf32>
        tpu.vector_store_idx %arg10[%add3A_607, %broadcast_in_dim3A_619], %mul3A_620 : memref<128x16xf32, #tpu.memory_space<vmem>>[vector<16xi32>, vector<16xi32>], vector<16xf32>,
      }
      %scan3A_591 = arith.constant 8 : i32
      "tpu.region"() ({
        %run_scoped3A = tpu.sem_alloc : memref<!tpu.dma_semaphore, #tpu.memory_space<semaphore_mem>>
        %dma_start3A = arith.constant 0 : i32
        %dma_start3A_592 = tpu.memref_slice %arg9[%scan3A_585, %dma_start3A] : memref<40x128xi32, #tpu.memory_space<vmem>> -> memref<1x128xi32, #tpu.memory_space<vmem>>
        %dma_start3A_593 = tpu.memref_squeeze %dma_start3A_592 : memref<1x128xi32, #tpu.memory_space<vmem>> -> memref<128xi32, #tpu.memory_space<vmem>>
        %dma_start3A_594 = arith.constant 0 : i32
        %dma_start3A_595 = arith.constant 0 : i32
        %dma_start3A_596 = tpu.memref_slice %arg14[%dma_start3A_594, %dma_start3A_595] : memref<51200x16xf32, #tpu.memory_space<vmem_shared>> -> memref<51200x16xf32, #tpu.memory_space<vmem_shared>>
        tpu.enqueue_indirect_dma source(%arg10 : memref<128x16xf32, #tpu.memory_space<vmem>>) target(%dma_start3A_596 : memref<51200x16xf32, #tpu.memory_space<vmem_shared>>) offsets(%dma_start3A_593 : memref<128xi32, #tpu.memory_space<vmem>>) semaphore(%run_scoped3A : memref<!tpu.dma_semaphore, #tpu.memory_space<semaphore_mem>>) {add = true}
        %dma_wait3A = arith.constant 0 : i32
        %dma_wait3A_597 = tpu.memref_slice %arg9[%scan3A_585, %dma_wait3A] : memref<40x128xi32, #tpu.memory_space<vmem>> -> memref<1x128xi32, #tpu.memory_space<vmem>>
        %dma_wait3A_598 = tpu.memref_squeeze %dma_wait3A_597 : memref<1x128xi32, #tpu.memory_space<vmem>> -> memref<128xi32, #tpu.memory_space<vmem>>
        %dma_wait3A_599 = arith.constant 0 : i32
        %dma_wait3A_600 = arith.constant 0 : i32
        %dma_wait3A_601 = tpu.memref_slice %arg14[%dma_wait3A_599, %dma_wait3A_600] : memref<51200x16xf32, #tpu.memory_space<vmem_shared>> -> memref<51200x16xf32, #tpu.memory_space<vmem_shared>>
        tpu.wait_indirect_dma semaphore(%run_scoped3A : memref<!tpu.dma_semaphore, #tpu.memory_space<semaphore_mem>>) src(%arg10 : memref<128x16xf32, #tpu.memory_space<vmem>>) dst(%dma_wait3A_601 : memref<51200x16xf32, #tpu.memory_space<vmem_shared>>)
        tpu.yield
      }) : () -> ()
    }
    %scan3A_570 = arith.constant 40 : i32
    %barrier3A_571 = arith.constant 0 : index
    tpu.barrier barrier_id(%barrier3A_571)
    %mul3A_572 = arith.constant 51200 : i32
    %mul3A_573 = arith.muli %arg0, %mul3A_572 : i32
    %mul3A_574 = arith.constant 3200 : i32
    %mul3A_575 = arith.muli %arg1, %mul3A_574 : i32
    %add3A_576 = arith.addi %mul3A_573, %mul3A_575 : i32
    %mul3A_577 = arith.constant 16 : i32
    %mul3A_578 = arith.muli %add3A_576, %mul3A_577 : i32
    %scan3A_579 = arith.constant 0 : i32
    %scan3A_580 = arith.constant 0 : i32
    %scan3A_581 = arith.constant 25 : i32
    %scan3A_582 = arith.addi %scan3A_580, %scan3A_581 : i32
    %scan3A_583 = arith.constant 1 : i32
    scf.for %scan3A_585 = %scan3A_580 to %scan3A_582 step %scan3A_583  : i32 {
      %mul3A_586 = arith.constant 3200 : i32
      %mul3A_587 = arith.muli %arg1, %mul3A_586 : i32
      %mul3A_588 = arith.constant 128 : i32
      %mul3A_589 = arith.muli %scan3A_585, %mul3A_588 : i32
      %add3A_590 = arith.addi %mul3A_587, %mul3A_589 : i32
      %add3A_591 = arith.constant 0 : i32
      %add3A_592 = arith.addi %add3A_590, %add3A_591 : i32
      %add3A_593 = vector.broadcast %add3A_592 : i32 to vector<16xi32>
      %add3A_594 = arith.addi %add3A_593, %iota3A : vector<16xi32>
      %swap3A_595 = arith.constant 0 : index
      %swap3A_596 = tpu.vector_load %arg13[%swap3A_595] {strides = array<i32>} : memref<128xi32, #tpu.memory_space<vmem>>, vector<16xi32>,
      tpu.vector_store %arg13[%swap3A_595], %add3A_594 {strides = array<i32>} : memref<128xi32, #tpu.memory_space<vmem>>, vector<16xi32>,
      %add3A_597 = arith.constant 16 : i32
      %add3A_598 = arith.addi %add3A_590, %add3A_597 : i32
      %add3A_599 = vector.broadcast %add3A_598 : i32 to vector<16xi32>
      %add3A_600 = arith.addi %add3A_599, %iota3A : vector<16xi32>
      %swap3A_601 = arith.constant 16 : index
      %swap3A_602 = tpu.vector_load %arg13[%swap3A_601] {strides = array<i32>} : memref<128xi32, #tpu.memory_space<vmem>>, vector<16xi32>,
      tpu.vector_store %arg13[%swap3A_601], %add3A_600 {strides = array<i32>} : memref<128xi32, #tpu.memory_space<vmem>>, vector<16xi32>,
      %add3A_603 = arith.constant 32 : i32
      %add3A_604 = arith.addi %add3A_590, %add3A_603 : i32
      %add3A_605 = vector.broadcast %add3A_604 : i32 to vector<16xi32>
      %add3A_606 = arith.addi %add3A_605, %iota3A : vector<16xi32>
      %swap3A_607 = arith.constant 32 : index
      %swap3A_608 = tpu.vector_load %arg13[%swap3A_607] {strides = array<i32>} : memref<128xi32, #tpu.memory_space<vmem>>, vector<16xi32>,
      tpu.vector_store %arg13[%swap3A_607], %add3A_606 {strides = array<i32>} : memref<128xi32, #tpu.memory_space<vmem>>, vector<16xi32>,
      %add3A_609 = arith.constant 48 : i32
      %add3A_610 = arith.addi %add3A_590, %add3A_609 : i32
      %add3A_611 = vector.broadcast %add3A_610 : i32 to vector<16xi32>
      %add3A_612 = arith.addi %add3A_611, %iota3A : vector<16xi32>
      %swap3A_613 = arith.constant 48 : index
      %swap3A_614 = tpu.vector_load %arg13[%swap3A_613] {strides = array<i32>} : memref<128xi32, #tpu.memory_space<vmem>>, vector<16xi32>,
      tpu.vector_store %arg13[%swap3A_613], %add3A_612 {strides = array<i32>} : memref<128xi32, #tpu.memory_space<vmem>>, vector<16xi32>,
      %add3A_615 = arith.constant 64 : i32
      %add3A_616 = arith.addi %add3A_590, %add3A_615 : i32
      %add3A_617 = vector.broadcast %add3A_616 : i32 to vector<16xi32>
      %add3A_618 = arith.addi %add3A_617, %iota3A : vector<16xi32>
      %swap3A_619 = arith.constant 64 : index
      %swap3A_620 = tpu.vector_load %arg13[%swap3A_619] {strides = array<i32>} : memref<128xi32, #tpu.memory_space<vmem>>, vector<16xi32>,
      tpu.vector_store %arg13[%swap3A_619], %add3A_618 {strides = array<i32>} : memref<128xi32, #tpu.memory_space<vmem>>, vector<16xi32>,
      %add3A_621 = arith.constant 80 : i32
      %add3A_622 = arith.addi %add3A_590, %add3A_621 : i32
      %add3A_623 = vector.broadcast %add3A_622 : i32 to vector<16xi32>
      %add3A_624 = arith.addi %add3A_623, %iota3A : vector<16xi32>
      %swap3A_625 = arith.constant 80 : index
      %swap3A_626 = tpu.vector_load %arg13[%swap3A_625] {strides = array<i32>} : memref<128xi32, #tpu.memory_space<vmem>>, vector<16xi32>,
      tpu.vector_store %arg13[%swap3A_625], %add3A_624 {strides = array<i32>} : memref<128xi32, #tpu.memory_space<vmem>>, vector<16xi32>,
      %add3A_627 = arith.constant 96 : i32
      %add3A_628 = arith.addi %add3A_590, %add3A_627 : i32
      %add3A_629 = vector.broadcast %add3A_628 : i32 to vector<16xi32>
      %add3A_630 = arith.addi %add3A_629, %iota3A : vector<16xi32>
      %swap3A_631 = arith.constant 96 : index
      %swap3A_632 = tpu.vector_load %arg13[%swap3A_631] {strides = array<i32>} : memref<128xi32, #tpu.memory_space<vmem>>, vector<16xi32>,
      tpu.vector_store %arg13[%swap3A_631], %add3A_630 {strides = array<i32>} : memref<128xi32, #tpu.memory_space<vmem>>, vector<16xi32>,
      %add3A_633 = arith.constant 112 : i32
      %add3A_634 = arith.addi %add3A_590, %add3A_633 : i32
      %add3A_635 = vector.broadcast %add3A_634 : i32 to vector<16xi32>
      %add3A_636 = arith.addi %add3A_635, %iota3A : vector<16xi32>
      %swap3A_637 = arith.constant 112 : index
      %swap3A_638 = tpu.vector_load %arg13[%swap3A_637] {strides = array<i32>} : memref<128xi32, #tpu.memory_space<vmem>>, vector<16xi32>,
      tpu.vector_store %arg13[%swap3A_637], %add3A_636 {strides = array<i32>} : memref<128xi32, #tpu.memory_space<vmem>>, vector<16xi32>,
      "tpu.region"() ({
        %run_scoped3A = tpu.sem_alloc : memref<!tpu.dma_semaphore, #tpu.memory_space<semaphore_mem>>
        %dma_start3A = arith.constant 0 : i32
        %dma_start3A_650 = arith.constant 0 : i32
        %dma_start3A_651 = tpu.memref_slice %arg14[%dma_start3A, %dma_start3A_650] : memref<51200x16xf32, #tpu.memory_space<vmem_shared>> -> memref<51200x16xf32, #tpu.memory_space<vmem_shared>>
        tpu.enqueue_indirect_dma source(%dma_start3A_651 : memref<51200x16xf32, #tpu.memory_space<vmem_shared>>) target(%arg10 : memref<128x16xf32, #tpu.memory_space<vmem>>) offsets(%arg13 : memref<128xi32, #tpu.memory_space<vmem>>) semaphore(%run_scoped3A : memref<!tpu.dma_semaphore, #tpu.memory_space<semaphore_mem>>)
        %dma_wait3A = arith.constant 0 : i32
        %dma_wait3A_652 = arith.constant 0 : i32
        %dma_wait3A_653 = tpu.memref_slice %arg14[%dma_wait3A, %dma_wait3A_652] : memref<51200x16xf32, #tpu.memory_space<vmem_shared>> -> memref<51200x16xf32, #tpu.memory_space<vmem_shared>>
        tpu.wait_indirect_dma semaphore(%run_scoped3A : memref<!tpu.dma_semaphore, #tpu.memory_space<semaphore_mem>>) src(%dma_wait3A_653 : memref<51200x16xf32, #tpu.memory_space<vmem_shared>>) dst(%arg10 : memref<128x16xf32, #tpu.memory_space<vmem>>)
        tpu.yield
      }) : () -> ()
      %scan3A_639 = arith.constant 0 : i32
      %scan3A_640 = arith.constant 0 : i32
      %scan3A_641 = arith.constant 128 : i32
      %scan3A_642 = arith.addi %scan3A_640, %scan3A_641 : i32
      %scan3A_643 = arith.constant 1 : i32
      scf.for %scan3A_650 = %scan3A_640 to %scan3A_642 step %scan3A_643  : i32 {
        %get3A_651 = arith.index_cast %scan3A_650 : i32 to index
        %get3A_652 = arith.constant 0 : index
        %get3A_653 = tpu.vector_load %arg10[%get3A_651, %get3A_652] {strides = array<i32>} : memref<128x16xf32, #tpu.memory_space<vmem>>, vector<16xf32>,
        %mul3A_654 = arith.constant 16 : i32
        %mul3A_655 = arith.muli %scan3A_650, %mul3A_654 : i32
        %swap3A_656 = arith.index_cast %mul3A_655 : i32 to index
        %swap3A_657 = tpu.vector_load %arg12[%swap3A_656] {strides = array<i32>} : memref<2048xf32, #tpu.memory_space<vmem>>, vector<16xf32>,
        tpu.vector_store %arg12[%swap3A_656], %get3A_653 {strides = array<i32>} : memref<2048xf32, #tpu.memory_space<vmem>>, vector<16xf32>,
      }
      %scan3A_644 = arith.constant 128 : i32
      %mul3A_645 = arith.constant 128 : i32
      %mul3A_646 = arith.muli %scan3A_585, %mul3A_645 : i32
      %mul3A_647 = arith.constant 16 : i32
      %mul3A_648 = arith.muli %mul3A_646, %mul3A_647 : i32
      %add3A_649 = arith.addi %mul3A_578, %mul3A_648 : i32
      "tpu.region"() ({
        %run_scoped3A = tpu.sem_alloc : memref<!tpu.dma_semaphore, #tpu.memory_space<semaphore_mem>>
        %dma_start3A = tpu.memref_slice %arg6[%add3A_649] : memref<1638400xf32, #tpu.memory_space<hbm>> -> memref<2048xf32, #tpu.memory_space<hbm>>
        %dma_start3A_650 = tpu.memref_slice %arg6[%add3A_649] : memref<1638400xf32, #tpu.memory_space<hbm>> -> memref<2048xf32, #tpu.memory_space<hbm>>
        tpu.enqueue_dma source(%arg12 : memref<2048xf32, #tpu.memory_space<vmem>>) target(%dma_start3A_650 : memref<2048xf32, #tpu.memory_space<hbm>>) target_semaphore(%run_scoped3A : memref<!tpu.dma_semaphore, #tpu.memory_space<semaphore_mem>>)
        %dma_wait3A = tpu.memref_slice %arg6[%add3A_649] : memref<1638400xf32, #tpu.memory_space<hbm>> -> memref<2048xf32, #tpu.memory_space<hbm>>
        %dma_wait3A_651 = tpu.memref_slice %arg6[%add3A_649] : memref<1638400xf32, #tpu.memory_space<hbm>> -> memref<2048xf32, #tpu.memory_space<hbm>>
        tpu.wait_dma2 semaphore(%run_scoped3A : memref<!tpu.dma_semaphore, #tpu.memory_space<semaphore_mem>>) src(%arg12 : memref<2048xf32, #tpu.memory_space<vmem>>) dst(%dma_wait3A_651 : memref<2048xf32, #tpu.memory_space<hbm>>)
        tpu.yield
      }) : () -> ()
    }
    %scan3A_584 = arith.constant 25 : i32
    return
  }
}

module attributes {stable_mosaic.version = 14 : i64} {
  func.func @_node_stage1_body(%arg0: i32, %arg1: memref<3200x16xf32, #tpu.memory_space<vmem>>, %arg2: memref<3200x16xf32, #tpu.memory_space<vmem>>, %arg3: memref<3200x1xf32, #tpu.memory_space<vmem>>, %arg4: memref<1x8xf32, #tpu.memory_space<vmem>>, %arg5: memref<1x128xf32, #tpu.memory_space<vmem>>, %arg6: memref<1x128xf32, #tpu.memory_space<vmem>>, %arg7: memref<1x128xf32, #tpu.memory_space<vmem>>, %arg8: memref<3200x1xf32, #tpu.memory_space<vmem>>) attributes {dimension_semantics = [#tpu.dimension_semantics<arbitrary>], iteration_bounds = array<i64: 16>, scalar_prefetch = 0 : i64, scratch_operands = 0 : i64, tpu.core_type = #tpu.core_type<tc>, window_params = [{transform_indices = @transform_0, window_bounds = array<i64: 3200, 16>}, {transform_indices = @transform_1, window_bounds = array<i64: 3200, 16>}, {transform_indices = @transform_2, window_bounds = array<i64: 3200, 1>}, {pipeline_mode = #tpu.pipeline_mode<synchronous>, transform_indices = @transform_3, window_bounds = array<i64: 1, 8>}, {pipeline_mode = #tpu.pipeline_mode<synchronous>, transform_indices = @transform_4, window_bounds = array<i64: 1, 128>}, {pipeline_mode = #tpu.pipeline_mode<synchronous>, transform_indices = @transform_5, window_bounds = array<i64: 1, 128>}, {pipeline_mode = #tpu.pipeline_mode<synchronous>, transform_indices = @transform_6, window_bounds = array<i64: 1, 128>}, {transform_indices = @transform_7, window_bounds = array<i64: 3200, 1>}]} {
    %get3A = arith.constant 0 : index
    %get3A_0 = arith.constant 0 : index
    %get3A_1 = vector.load %arg3[%get3A, %get3A_0] : memref<3200x1xf32, #tpu.memory_space<vmem>>, vector<3200x1xf32>
    %get3A_2 = arith.constant 0 : index
    %get3A_3 = arith.constant 0 : index
    %get3A_4 = vector.load %arg4[%get3A_2, %get3A_3] : memref<1x8xf32, #tpu.memory_space<vmem>>, vector<1x8xf32>
    %mul3A = vector.broadcast %get3A_1 : vector<3200x1xf32> to vector<3200x8xf32>
    %mul3A_5 = vector.broadcast %get3A_4 : vector<1x8xf32> to vector<3200x8xf32>
    %mul3A_6 = arith.mulf %mul3A, %mul3A_5 : vector<3200x8xf32>
    %mul3A_7 = arith.constant 2.000000e-01 : f32
    %mul3A_8 = vector.broadcast %mul3A_7 : f32 to vector<3200x8xf32>
    %mul3A_9 = arith.mulf %mul3A_8, %mul3A_6 : vector<3200x8xf32>
    %max3A = arith.maximumf %mul3A_6, %mul3A_9 : vector<3200x8xf32>
    %exp3A = math.exp %max3A : vector<3200x8xf32>
    %get3A_10 = arith.constant 0 : index
    %get3A_11 = arith.constant 0 : index
    %get3A_12 = vector.load %arg1[%get3A_10, %get3A_11] : memref<3200x16xf32, #tpu.memory_space<vmem>>, vector<3200x16xf32>
    %get3A_13 = arith.constant 0 : index
    %get3A_14 = arith.constant 0 : index
    %get3A_15 = vector.load %arg2[%get3A_13, %get3A_14] : memref<3200x16xf32, #tpu.memory_space<vmem>>, vector<3200x16xf32>
    %add3A = arith.addf %get3A_12, %get3A_15 : vector<3200x16xf32>
    %slice3A = vector.extract_strided_slice %add3A {offsets = [0, 0], sizes = [3200, 8], strides = [1, 1]} : vector<3200x16xf32> to vector<3200x8xf32>
    %add3A_16 = arith.addf %slice3A, %exp3A : vector<3200x8xf32>
    %slice3A_17 = vector.extract_strided_slice %add3A {offsets = [0, 8], sizes = [3200, 8], strides = [1, 1]} : vector<3200x16xf32> to vector<3200x8xf32>
    %mul3A_18 = vector.broadcast %get3A_1 : vector<3200x1xf32> to vector<3200x8xf32>
    %mul3A_19 = arith.mulf %exp3A, %mul3A_18 : vector<3200x8xf32>
    %add3A_20 = arith.addf %slice3A_17, %mul3A_19 : vector<3200x8xf32>
    %add3A_21 = arith.constant 1.000000e-16 : f32
    %add3A_22 = vector.broadcast %add3A_21 : f32 to vector<3200x8xf32>
    %add3A_23 = arith.addf %add3A_16, %add3A_22 : vector<3200x8xf32>
    %div3A = arith.divf %add3A_20, %add3A_23 : vector<3200x8xf32>
    %slice3A_24 = vector.extract_strided_slice %div3A {offsets = [0, 0], sizes = [3200, 1], strides = [1, 1]} : vector<3200x8xf32> to vector<3200x1xf32>
    %broadcast_in_dim3A = vector.shape_cast %slice3A_24 : vector<3200x1xf32> to vector<3200x1xf32>
    %broadcast_in_dim3A_25 = vector.broadcast %broadcast_in_dim3A : vector<3200x1xf32> to vector<3200x16xf32>
    %slice3A_26 = vector.extract_strided_slice %div3A {offsets = [0, 1], sizes = [3200, 1], strides = [1, 1]} : vector<3200x8xf32> to vector<3200x1xf32>
    %broadcast_in_dim3A_27 = vector.shape_cast %slice3A_26 : vector<3200x1xf32> to vector<3200x1xf32>
    %broadcast_in_dim3A_28 = vector.broadcast %broadcast_in_dim3A_27 : vector<3200x1xf32> to vector<3200x16xf32>
    %slice3A_29 = vector.extract_strided_slice %div3A {offsets = [0, 2], sizes = [3200, 1], strides = [1, 1]} : vector<3200x8xf32> to vector<3200x1xf32>
    %broadcast_in_dim3A_30 = vector.shape_cast %slice3A_29 : vector<3200x1xf32> to vector<3200x1xf32>
    %broadcast_in_dim3A_31 = vector.broadcast %broadcast_in_dim3A_30 : vector<3200x1xf32> to vector<3200x16xf32>
    %slice3A_32 = vector.extract_strided_slice %div3A {offsets = [0, 3], sizes = [3200, 1], strides = [1, 1]} : vector<3200x8xf32> to vector<3200x1xf32>
    %broadcast_in_dim3A_33 = vector.shape_cast %slice3A_32 : vector<3200x1xf32> to vector<3200x1xf32>
    %broadcast_in_dim3A_34 = vector.broadcast %broadcast_in_dim3A_33 : vector<3200x1xf32> to vector<3200x16xf32>
    %slice3A_35 = vector.extract_strided_slice %div3A {offsets = [0, 4], sizes = [3200, 1], strides = [1, 1]} : vector<3200x8xf32> to vector<3200x1xf32>
    %broadcast_in_dim3A_36 = vector.shape_cast %slice3A_35 : vector<3200x1xf32> to vector<3200x1xf32>
    %broadcast_in_dim3A_37 = vector.broadcast %broadcast_in_dim3A_36 : vector<3200x1xf32> to vector<3200x16xf32>
    %slice3A_38 = vector.extract_strided_slice %div3A {offsets = [0, 5], sizes = [3200, 1], strides = [1, 1]} : vector<3200x8xf32> to vector<3200x1xf32>
    %broadcast_in_dim3A_39 = vector.shape_cast %slice3A_38 : vector<3200x1xf32> to vector<3200x1xf32>
    %broadcast_in_dim3A_40 = vector.broadcast %broadcast_in_dim3A_39 : vector<3200x1xf32> to vector<3200x16xf32>
    %slice3A_41 = vector.extract_strided_slice %div3A {offsets = [0, 6], sizes = [3200, 1], strides = [1, 1]} : vector<3200x8xf32> to vector<3200x1xf32>
    %broadcast_in_dim3A_42 = vector.shape_cast %slice3A_41 : vector<3200x1xf32> to vector<3200x1xf32>
    %broadcast_in_dim3A_43 = vector.broadcast %broadcast_in_dim3A_42 : vector<3200x1xf32> to vector<3200x16xf32>
    %slice3A_44 = vector.extract_strided_slice %div3A {offsets = [0, 7], sizes = [3200, 1], strides = [1, 1]} : vector<3200x8xf32> to vector<3200x1xf32>
    %broadcast_in_dim3A_45 = vector.shape_cast %slice3A_44 : vector<3200x1xf32> to vector<3200x1xf32>
    %broadcast_in_dim3A_46 = vector.broadcast %broadcast_in_dim3A_45 : vector<3200x1xf32> to vector<3200x16xf32>
    %concatenate3A = tpu.concatenate %broadcast_in_dim3A_25, %broadcast_in_dim3A_28, %broadcast_in_dim3A_31, %broadcast_in_dim3A_34, %broadcast_in_dim3A_37, %broadcast_in_dim3A_40, %broadcast_in_dim3A_43, %broadcast_in_dim3A_46 in 1 : vector<3200x16xf32>, vector<3200x16xf32>, vector<3200x16xf32>, vector<3200x16xf32>, vector<3200x16xf32>, vector<3200x16xf32>, vector<3200x16xf32>, vector<3200x16xf32> -> vector<3200x128xf32>
    %get3A_47 = arith.constant 0 : index
    %get3A_48 = arith.constant 0 : index
    %get3A_49 = vector.load %arg5[%get3A_47, %get3A_48] : memref<1x128xf32, #tpu.memory_space<vmem>>, vector<1x128xf32>
    %mul3A_50 = vector.broadcast %get3A_49 : vector<1x128xf32> to vector<3200x128xf32>
    %mul3A_51 = arith.mulf %concatenate3A, %mul3A_50 : vector<3200x128xf32>
    %get3A_52 = arith.constant 0 : index
    %get3A_53 = arith.constant 0 : index
    %get3A_54 = vector.load %arg6[%get3A_52, %get3A_53] : memref<1x128xf32, #tpu.memory_space<vmem>>, vector<1x128xf32>
    %add3A_55 = vector.broadcast %get3A_54 : vector<1x128xf32> to vector<3200x128xf32>
    %add3A_56 = arith.addf %mul3A_51, %add3A_55 : vector<3200x128xf32>
    %gt3A = arith.constant 0.000000e+00 : f32
    %gt3A_57 = vector.broadcast %gt3A : f32 to vector<3200x128xf32>
    %gt3A_58 = arith.cmpf ogt, %add3A_56, %gt3A_57 : vector<3200x128xf32>
    %min3A = arith.constant 0.000000e+00 : f32
    %min3A_59 = vector.broadcast %min3A : f32 to vector<3200x128xf32>
    %min3A_60 = arith.minimumf %add3A_56, %min3A_59 : vector<3200x128xf32>
    %exp3A_61 = math.exp %min3A_60 : vector<3200x128xf32>
    %sub3A = arith.constant 1.000000e+00 : f32
    %sub3A_62 = vector.broadcast %sub3A : f32 to vector<3200x128xf32>
    %sub3A_63 = arith.subf %exp3A_61, %sub3A_62 : vector<3200x128xf32>
    %select_n3A = arith.select %gt3A_58, %add3A_56, %sub3A_63 : vector<3200x128xi1>, vector<3200x128xf32>
    %get3A_64 = arith.constant 0 : index
    %get3A_65 = arith.constant 0 : index
    %get3A_66 = vector.load %arg7[%get3A_64, %get3A_65] : memref<1x128xf32, #tpu.memory_space<vmem>>, vector<1x128xf32>
    %mul3A_67 = vector.broadcast %get3A_66 : vector<1x128xf32> to vector<3200x128xf32>
    %mul3A_68 = arith.mulf %select_n3A, %mul3A_67 : vector<3200x128xf32>
    %reduce_sum3A = arith.constant dense<0.000000e+00> : vector<3200xf32>
    %reduce_sum3A_69 = vector.multi_reduction <add>, %mul3A_68, %reduce_sum3A [1] : vector<3200x128xf32> to vector<3200xf32>
    %broadcast_in_dim3A_70 = vector.shape_cast %reduce_sum3A_69 : vector<3200xf32> to vector<3200x1xf32>
    %swap3A = arith.constant 0 : index
    %swap3A_71 = arith.constant 0 : index
    %swap3A_72 = vector.load %arg8[%swap3A, %swap3A_71] : memref<3200x1xf32, #tpu.memory_space<vmem>>, vector<3200x1xf32>
    tpu.vector_store %arg8[%swap3A, %swap3A_71], %broadcast_in_dim3A_70 {strides = array<i32>} : memref<3200x1xf32, #tpu.memory_space<vmem>>, vector<3200x1xf32>,
    return
  }
  func.func @transform_0(%arg0: i32) -> (i32, i32) {
    %c0_i32 = arith.constant 0 : i32
    %c0_i32_0 = arith.constant 0 : i32
    return %arg0, %c0_i32 : i32, i32
  }
  func.func @transform_1(%arg0: i32) -> (i32, i32) {
    %c0_i32 = arith.constant 0 : i32
    %c0_i32_0 = arith.constant 0 : i32
    return %arg0, %c0_i32 : i32, i32
  }
  func.func @transform_2(%arg0: i32) -> (i32, i32) {
    %c0_i32 = arith.constant 0 : i32
    %c0_i32_0 = arith.constant 0 : i32
    return %arg0, %c0_i32 : i32, i32
  }
  func.func @transform_3(%arg0: i32) -> (i32, i32) {
    %c0_i32 = arith.constant 0 : i32
    %c0_i32_0 = arith.constant 0 : i32
    %c0_i32_1 = arith.constant 0 : i32
    return %c0_i32, %c0_i32_0 : i32, i32
  }
  func.func @transform_4(%arg0: i32) -> (i32, i32) {
    %c0_i32 = arith.constant 0 : i32
    %c0_i32_0 = arith.constant 0 : i32
    %c0_i32_1 = arith.constant 0 : i32
    return %c0_i32, %c0_i32_0 : i32, i32
  }
  func.func @transform_5(%arg0: i32) -> (i32, i32) {
    %c0_i32 = arith.constant 0 : i32
    %c0_i32_0 = arith.constant 0 : i32
    %c0_i32_1 = arith.constant 0 : i32
    return %c0_i32, %c0_i32_0 : i32, i32
  }
  func.func @transform_6(%arg0: i32) -> (i32, i32) {
    %c0_i32 = arith.constant 0 : i32
    %c0_i32_0 = arith.constant 0 : i32
    %c0_i32_1 = arith.constant 0 : i32
    return %c0_i32, %c0_i32_0 : i32, i32
  }
  func.func @transform_7(%arg0: i32) -> (i32, i32) {
    %c0_i32 = arith.constant 0 : i32
    %c0_i32_0 = arith.constant 0 : i32
    return %arg0, %c0_i32 : i32, i32
  }
}

module attributes {stable_mosaic.version = 14 : i64} {
  func.func @_node_stage2_body(%arg0: i32, %arg1: memref<3200x16xf32, #tpu.memory_space<vmem>>, %arg2: memref<3200x16xf32, #tpu.memory_space<vmem>>, %arg3: memref<3200x1xf32, #tpu.memory_space<vmem>>, %arg4: memref<1x2xf32, #tpu.memory_space<vmem>>, %arg5: memref<3200x1xf32, #tpu.memory_space<vmem>>) attributes {dimension_semantics = [#tpu.dimension_semantics<arbitrary>], iteration_bounds = array<i64: 16>, scalar_prefetch = 0 : i64, scratch_operands = 0 : i64, tpu.core_type = #tpu.core_type<tc>, window_params = [{transform_indices = @transform_0, window_bounds = array<i64: 3200, 16>}, {transform_indices = @transform_1, window_bounds = array<i64: 3200, 16>}, {transform_indices = @transform_2, window_bounds = array<i64: 3200, 1>}, {pipeline_mode = #tpu.pipeline_mode<synchronous>, transform_indices = @transform_3, window_bounds = array<i64: 1, 2>}, {transform_indices = @transform_4, window_bounds = array<i64: 3200, 1>}]} {
    %get3A = arith.constant 0 : index
    %get3A_0 = arith.constant 0 : index
    %get3A_1 = vector.load %arg3[%get3A, %get3A_0] : memref<3200x1xf32, #tpu.memory_space<vmem>>, vector<3200x1xf32>
    %get3A_2 = arith.constant 0 : index
    %get3A_3 = arith.constant 0 : index
    %get3A_4 = vector.load %arg4[%get3A_2, %get3A_3] : memref<1x2xf32, #tpu.memory_space<vmem>>, vector<1x1xf32>
    %get3A_5 = vector.extract %get3A_4[0, 0] : f32 from vector<1x1xf32>
    %mul3A = vector.broadcast %get3A_5 : f32 to vector<3200x1xf32>
    %mul3A_6 = arith.mulf %get3A_1, %mul3A : vector<3200x1xf32>
    %mul3A_7 = arith.constant 2.000000e-01 : f32
    %mul3A_8 = vector.broadcast %mul3A_7 : f32 to vector<3200x1xf32>
    %mul3A_9 = arith.mulf %mul3A_8, %mul3A_6 : vector<3200x1xf32>
    %max3A = arith.maximumf %mul3A_6, %mul3A_9 : vector<3200x1xf32>
    %exp3A = math.exp %max3A : vector<3200x1xf32>
    %get3A_10 = arith.constant 0 : index
    %get3A_11 = arith.constant 0 : index
    %get3A_12 = vector.load %arg1[%get3A_10, %get3A_11] : memref<3200x16xf32, #tpu.memory_space<vmem>>, vector<3200x16xf32>
    %get3A_13 = arith.constant 0 : index
    %get3A_14 = arith.constant 0 : index
    %get3A_15 = vector.load %arg2[%get3A_13, %get3A_14] : memref<3200x16xf32, #tpu.memory_space<vmem>>, vector<3200x16xf32>
    %add3A = arith.addf %get3A_12, %get3A_15 : vector<3200x16xf32>
    %slice3A = vector.extract_strided_slice %add3A {offsets = [0, 0], sizes = [3200, 1], strides = [1, 1]} : vector<3200x16xf32> to vector<3200x1xf32>
    %add3A_16 = arith.addf %slice3A, %exp3A : vector<3200x1xf32>
    %slice3A_17 = vector.extract_strided_slice %add3A {offsets = [0, 8], sizes = [3200, 1], strides = [1, 1]} : vector<3200x16xf32> to vector<3200x1xf32>
    %mul3A_18 = arith.mulf %exp3A, %get3A_1 : vector<3200x1xf32>
    %add3A_19 = arith.addf %slice3A_17, %mul3A_18 : vector<3200x1xf32>
    %add3A_20 = arith.constant 1.000000e-16 : f32
    %add3A_21 = vector.broadcast %add3A_20 : f32 to vector<3200x1xf32>
    %add3A_22 = arith.addf %add3A_16, %add3A_21 : vector<3200x1xf32>
    %div3A = arith.divf %add3A_19, %add3A_22 : vector<3200x1xf32>
    %get3A_23 = arith.constant 0 : index
    %get3A_24 = arith.constant 1 : index
    %get3A_25 = vector.load %arg4[%get3A_23, %get3A_24] : memref<1x2xf32, #tpu.memory_space<vmem>>, vector<1x1xf32>
    %get3A_26 = vector.extract %get3A_25[0, 0] : f32 from vector<1x1xf32>
    %add3A_27 = vector.broadcast %get3A_26 : f32 to vector<3200x1xf32>
    %add3A_28 = arith.addf %div3A, %add3A_27 : vector<3200x1xf32>
    %swap3A = arith.constant 0 : index
    %swap3A_29 = arith.constant 0 : index
    %swap3A_30 = vector.load %arg5[%swap3A, %swap3A_29] : memref<3200x1xf32, #tpu.memory_space<vmem>>, vector<3200x1xf32>
    tpu.vector_store %arg5[%swap3A, %swap3A_29], %add3A_28 {strides = array<i32>} : memref<3200x1xf32, #tpu.memory_space<vmem>>, vector<3200x1xf32>,
    return
  }
  func.func @transform_0(%arg0: i32) -> (i32, i32) {
    %c0_i32 = arith.constant 0 : i32
    %c0_i32_0 = arith.constant 0 : i32
    return %arg0, %c0_i32 : i32, i32
  }
  func.func @transform_1(%arg0: i32) -> (i32, i32) {
    %c0_i32 = arith.constant 0 : i32
    %c0_i32_0 = arith.constant 0 : i32
    return %arg0, %c0_i32 : i32, i32
  }
  func.func @transform_2(%arg0: i32) -> (i32, i32) {
    %c0_i32 = arith.constant 0 : i32
    %c0_i32_0 = arith.constant 0 : i32
    return %arg0, %c0_i32 : i32, i32
  }
  func.func @transform_3(%arg0: i32) -> (i32, i32) {
    %c0_i32 = arith.constant 0 : i32
    %c0_i32_0 = arith.constant 0 : i32
    %c0_i32_1 = arith.constant 0 : i32
    return %c0_i32, %c0_i32_0 : i32, i32
  }
  func.func @transform_4(%arg0: i32) -> (i32, i32) {
    %c0_i32 = arith.constant 0 : i32
    %c0_i32_0 = arith.constant 0 : i32
    return %arg0, %c0_i32 : i32, i32
  }
}

</mosaic_0001>

<sc_bundles>
// kernel: kernel.6.cloned.1.call-start
scs
__scs_entry_jumppad:
0x0: {  	(pc) =	sbr.rel $0x88, $3  }
0x1: {  	(tag) =	ssettag $0x0;
	lr =	simm.s32 $0x1  }
0x2: {  	[smem:$0x3F97] =	sst lr;
	_ =	strace $0xD0000000  }
0x3: {  	_ = 	snop  }
0x4: {  	_ = 	snop  }
0x5: {  	_ = 	snop  }
0x6: {  	_ = 	snop  }
0x7: {  	_ = 	snop  }
__scs_overlays_trampoline_lowered:
0x8: {  	[smem:$0x3FA6] =	sst s0  }
0x9: {  	[smem:$0x3FA7] =	sst s1  }
0xa: {  	[smem:$0x3FA8] =	sst s2  }
0xb: {  	[smem:$0x3FA9] =	sst s3  }
0xc: {  	[smem:$0x3FAA] =	sst s4  }
0xd: {  	[smem:$0x3FAB] =	sst s5  }
0xe: {  	[smem:$0x3FAC] =	sst s6  }
0xf: {  	[smem:$0x3FAD] =	sst s7  }
0x10: {  	[smem:$0x3FAE] =	sst s8  }
0x11: {  	[smem:$0x3FAF] =	sst s9;
	s0 =	simm.s32 @!p0 $0x0  }
0x12: {  	s1 =	sld [smem:$0x3F95];
	s0 =	simm.s32 @p0 $0x1  }
0x13: {  	[smem:$0x3FB0] =	sst s0;
	s0 =	simm.s32 @!p1 $0x0  }
0x14: {  	s2 =	sld [smem:$0x3F94];
	s0 =	simm.s32 @p1 $0x1  }
0x15: {  	[smem:$0x3FB1] =	sst s0;
	s0 =	simm.s32 @!p2 $0x0  }
0x16: {  	s3 =	sld [smem:$0x3FDB];
	s0 =	simm.s32 @p2 $0x1  }
0x17: {  	s4 =	simm.s32 $0x1BF5;
	[smem:$0x3FB3] =	sst s0  }
0x18: {  	s0 =	sld [smem:$0x3F96];
	_ =	swait.ge [sflag:s4], $0x0  }
0x19: {  	s7 =	sld [smem:$0x3F97]  }
0x1a: {  	s8 =	sadd.s32 $0xFFFFE003, lr  }
0x1b: {  	s9 =	sadd.s32 $0xFFFFFEF7, lr;
	s5 =	simm.s32 $0xFFFFFFFF;
	p2 =	slt.u32 s8, $0xFFFFF086  }
0x1c: {  	p1 =	slt.u32 s9, $0xF7A;
	s5 =	simm.s32 @!p2 $0x0  }
0x1d: {  	s5 =	simm.s32 @p1 $0x1;
	p0 =	seq.s32 s7, s2  }
0x1e: {  	s7 =	smul.u32 @!p0 $0xF7A, s2;
	p2 =	seq.s32 @!p0 s5, $0x0  }
0x1f: {  	s9 =	smul.u32 $0xF7A, s1;
	s8 =	simm.s32 @!p0 $0x1BF5;
	p2 =	por !p2, p0  }
0x20: {  	[sflag:s8] =	ssyncset.s32 @!p0 $0xFFFFF086;
	s6 =	sadd.s32 @!p0 s3, s7;
	s7 =	simm.s32 @!p0 $0x108  }
0x21: {  	s3 =	sadd.s32 s3, s9;
	s6 =	sadd.s32 @!p0 $0x88, s6;
	s7 =	simm.s32 @p2 $0x1082  }
0x22: {  	[simem:s7], [sflag:s8] =	dma.local @!p0 [hbm:s6], $0xF7A  }
0x23: {  	s9 =	sor.u32 $0xD0000000, s2;
	s6 =	simm.s32 $0x108;
	_ =	swait.ge @!p0 [sflag:s8], $0x0  }
0x24: {  	s3 =	sadd.s32 $0x88, s3;
	s6 =	simm.s32 @!p1 $0x1082;
	[sflag:s4] =	ssyncset.s32 $0xFFFFF086  }
0x25: {  	[simem:s6], [sflag:s4] =	dma.local [hbm:s3], $0xF7A  }
0x26: {  	[smem:$0x3F97] =	sst s1;
	(tag) =	ssettag s2;
	_ =	strace s9  }
0x27: {  	s1 =	sld [smem:$0x3FA7]  }
0x28: {  	s2 =	sld [smem:$0x3FA8]  }
0x29: {  	s4 =	sld [smem:$0x3FAA]  }
0x2a: {  	p0 =	seq.s32 s5, $0x0;
	s5 =	sld [smem:$0x3FAB]  }
0x2b: {  	s6 =	sld [smem:$0x3FAC]  }
0x2c: {  	s7 =	sld [smem:$0x3FAD]  }
0x2d: {  	s3 =	simm.s32 $0x108;
	s8 =	sld [smem:$0x3FAE]  }
0x2e: {  	s3 =	simm.s32 @!p0 $0x1082;
	s9 =	sld [smem:$0x3FAF]  }
0x2f: {  	lr =	sadd.s32 s0, s3;
	s0 =	sld [smem:$0x3FA6]  }
0x30: {  	s3 =	sld [smem:$0x3FA9]  }
0x31: {  	[smem:$0x3FB2] =	sst s10  }
0x32: {  	s10 =	sld [smem:$0x3FB0];
	_ =	sdelay $0x3  }
0x33: {  	p0 =	seq.s32 s10, $0x1;
	s10 =	sld [smem:$0x3FB2];
	_ =	sdelay $0x3  }
0x34: {  	[smem:$0x3FB2] =	sst s10  }
0x35: {  	s10 =	sld [smem:$0x3FB1];
	_ =	sdelay $0x3  }
0x36: {  	p1 =	seq.s32 s10, $0x1;
	s10 =	sld [smem:$0x3FB2];
	_ =	sdelay $0x3  }
0x37: {  	[smem:$0x3FB2] =	sst s10  }
0x38: {  	s10 =	sld [smem:$0x3FB3]  }
0x39: {  	_ = 	snop;
	(pc) =	sbr.ind lr, $3  }
0x3a: {  	_ = 	snop  }
0x3b: {  	_ = 	snop  }
0x3c: {  	p2 =	seq.s32 s10, $0x1;
	s10 =	sld [smem:$0x3FB2]  }
0x3d: {  	_ =	shalt  }
0x3e: {  	_ =	shalt  }
0x3f: {  	_ =	shalt  }
0x40: {  	_ =	shalt  }
0x41: {  	_ =	shalt  }
0x42: {  	_ =	shalt  }
0x43: {  	_ =	shalt  }
0x44: {  	_ =	shalt  }
0x45: {  	_ =	shalt  }
0x46: {  	_ =	shalt  }
0x47: {  	_ =	shalt  }
0x48: {  	_ =	shalt  }
0x49: {  	_ =	shalt  }
0x4a: {  	_ =	shalt  }
0x4b: {  	_ =	shalt  }
0x4c: {  	_ =	shalt  }
0x4d: {  	_ =	shalt  }
0x4e: {  	_ =	shalt  }
0x4f: {  	_ =	shalt  }
0x50: {  	_ =	shalt  }
0x51: {  	_ =	shalt  }
0x52: {  	_ =	shalt  }
0x53: {  	_ =	shalt  }
0x54: {  	_ =	shalt  }
0x55: {  	_ =	shalt  }
0x56: {  	_ =	shalt  }
0x57: {  	_ =	shalt  }
0x58: {  	_ =	shalt  }
0x59: {  	_ =	shalt  }
0x5a: {  	_ =	shalt  }
0x5b: {  	_ =	shalt  }
0x5c: {  	_ =	shalt  }
0x5d: {  	_ =	shalt  }
0x5e: {  	_ =	shalt  }
0x5f: {  	_ =	shalt  }
0x60: {  	_ =	shalt  }
0x61: {  	_ =	shalt  }
0x62: {  	_ =	shalt  }
0x63: {  	_ =	shalt  }
0x64: {  	_ =	shalt  }
0x65: {  	_ =	shalt  }
0x66: {  	_ =	shalt  }
0x67: {  	_ =	shalt  }
0x68: {  	_ =	shalt  }
0x69: {  	_ =	shalt  }
0x6a: {  	_ =	shalt  }
0x6b: {  	_ =	shalt  }
0x6c: {  	_ =	shalt  }
0x6d: {  	_ =	shalt  }
0x6e: {  	_ =	shalt  }
0x6f: {  	_ =	shalt  }
0x70: {  	_ =	shalt  }
0x71: {  	_ =	shalt  }
0x72: {  	_ =	shalt  }
0x73: {  	_ =	shalt  }
0x74: {  	_ =	shalt  }
0x75: {  	_ =	shalt  }
0x76: {  	_ =	shalt  }
0x77: {  	_ =	shalt  }
0x78: {  	_ =	shalt  }
0x79: {  	_ =	shalt  }
0x7a: {  	_ =	shalt  }
0x7b: {  	_ =	shalt  }
0x7c: {  	_ =	shalt  }
0x7d: {  	_ =	shalt  }
0x7e: {  	_ =	shalt  }
0x7f: {  	_ =	shalt  }
0x80: {  	_ =	shalt  }
0x81: {  	_ =	shalt  }
0x82: {  	_ =	shalt  }
0x83: {  	_ =	shalt  }
0x84: {  	_ =	shalt  }
0x85: {  	_ =	shalt  }
0x86: {  	_ =	shalt  }
0x87: {  	_ =	shalt  }
.Lfunc_end0:
.L_simem_size_0:
called_computation_lowered:
.L_overlay_start_0:
0x88: {  	s2 =	sld [smem:$0x3FD9]  }
0x89: {  	s3 =	sld [smem:$0x3FFE];
	_ =	sdelay $0x1  }
0x8a: {  	s1 =	srdreg.scid  }
0x8b: {  	s0 =	sand.u32 $0x1, s1  }
0x8c: {  	s17 =	sshll.u32 s0, $0xA;
	s2 =	sadd.s32 s3, s2  }
0x8d: {  	s2 =	sadd.s32 s2, s17  }
0x8e: {  	[smem:$0x3FBE] =	sst s2  }
0x8f: {  	_ = 	snop  }
0x90: {  	s2 =	sld [smem:$0x3FD0];
	(tm) =	ssettm $0x1  }
0x91: {  	s18 =	sld [smem:$0x3FFB];
	_ =	sdelay $0x3  }
0x92: {  	_ =	strace s18  }
0x93: {  	s3 =	sld [smem:$0x3FFC];
	_ =	sdelay $0x3  }
0x94: {  	_ =	strace s3  }
0x95: {  	s3 =	sld [smem:$0x3FFD];
	_ =	sdelay $0x3  }
0x96: {  	_ =	strace s3  }
0x97: {  	_ =	strace $0x8FFFFFFF  }
0x98: {  	s19 =	sld [smem:$0x3FDB];
	_ =	sdelay $0x1  }
0x99: {  	s4 =	simm.s32 $_scs_section_size  }
0x9a: {  	s5 =	simm.s32 $_size__tile_overlayer_lowered;
	s6 =	simm.s32 $_tile_overlayer_lowered  }
0x9b: {  	s22 =	simm.s32 $0x1BFF;
	s21 =	sshll.u32 s6, $0x1;
	s3 =	sadd.s32 s4, s19  }
0x9c: {  	s7 =	simm.s32 $0x0;
	s20 =	sshll.u32 s5, $0x1;
	s5 =	sadd.s32 s21, s3  }
0x9d: {  	[timem:s7], [sflag:s22] =	dma.local [hbm:s5], s20  }
0x9e: {  	_ =	swait.ge [sflag:s22], s20  }
0x9f: {  	s4 =	ssub.s32 $0x0, s20;
	[sflag:s22] =	ssyncset.done $0x0  }
0xa0: {  	[sflag:s22] =	ssyncadd.s32 s4;
	_ =	sdelay $0x1  }
0xa1: {  	s23 =	simm.s32 $0x1B8B  }
0xa2: {  	_ =	swait.ge [sflag:s23], $0x1  }
0xa3: {  	[sflag:s23] =	ssyncset.done $0x0  }
0xa4: {  	s25 =	simm.s32 $0x1B8E;
	s24 =	sld [smem:$0x3FFE];
	[sflag:s23] =	ssyncadd.s32 $0xFFFFFFFF  }
0xa5: {  	s26 =	simm.s32 $execute0_lowered;
	[smem:$0x3FD2] =	sst s25  }
0xa6: {  	s5 =	sshll.u32 s26, $0x1;
	_ =	strace $0x80000046;
	[dreg:$0x1] =	wrdreg $0xFFFFFFFF  }
0xa7: {  	s28 =	simm.s32 $_size_execute0_lowered;
	s3 =	sadd.s32 s3, s5;
	[dreg:$0x0] =	wrdreg $0x0  }
0xa8: {  	s5 =	sshll.u32 s28, $0x1;
	[dreg:$0x2] =	wrdreg s3  }
0xa9: {  	[dreg:$0x3] =	wrdreg s5  }
0xaa: {  	[dreg:$0x4] =	wrdreg $0xC0  }
0xab: {  	_ =	task [dreg:s7], $0x5FFFF  }
0xac: {  	[dreg:$0x1] =	wrdreg $0xFFFFFFFF  }
0xad: {  	[dreg:$0x0] =	wrdreg $0x60  }
0xae: {  	[dreg:$0x2] =	wrdreg s24  }
0xaf: {  	[dreg:$0x3] =	wrdreg s2  }
0xb0: {  	[dreg:$0x4] =	wrdreg $0x134800  }
0xb1: {  	[dreg:$0x5] =	wrdreg $0x9  }
0xb2: {  	_ =	task.clear_ibuf [dreg:s7], $0x6FFFF;
	_ =	strace $0x90000046  }
0xb3: {  	s29 =	simm.s32 $0x9;
	_ =	strace $0x80000048  }
0xb4: {  	_ =	swait.ge [sflag:s29], $0x1  }
0xb5: {  	[sflag:s29] =	ssyncadd.s32 $0xFFFFFFFF  }
0xb6: {  	_ =	strace $0x90000048  }
0xb7: {  	_ =	sfence  }
0xb8: {  	s30 =	sld [smem:$0x0];
	_ =	sdelay $0x2  }
0xb9: {  	s31 =	sshll.u32 s1, $0xD;
	s1 =	sshrl.u32 s1, $0x2  }
0xba: {  	s3 =	sand.u32 $0x4000, s31;
	s1 =	sadd.s32 s1, s30  }
0xbb: {  	s0 =	sor.u32 s3, s0;
	s1 =	sshll.u32 s1, $0x11  }
0xbc: {  	s0 =	sor.u32 s1, s0  }
0xbd: {  	s0 =	sadd.s32 $0x8F2B, s0  }
0xbe: {  	[sflag:s0] =	ssyncadd.remote.s32 $0x1  }
0xbf: {  	_ =	sfence.sel $0xFFFF  }
0xc0: {  	[dreg:$0x0] =	wrdreg $0xFFFFFFFF;
	(pc) =	sbr.abs _section_cstart, $3  }
0xc1: {  	[dreg:$0x1] =	wrdreg $0xFFFFFFFF  }
0xc2: {  	_ =	task.clear_ibuf [dreg:s7], $0x2FFFF;
	_ =	strace $0x9FFFFFFF  }
0xc3: {  	(tm) =	ssettm $0x7FFFFFFF  }
tec
execute0_lowered:
.L_overlay_start_1:
0x0: {  	(tag) =	ssettag $0x1  }
0x1: {  	s0 =	rddreg [dreg:$0x0]  }
0x2: {  	s1 =	rddreg [dreg:$0x1]  }
0x3: {  	s3 =	rddreg [dreg:$0x2]  }
0x4: {  	s4 =	simm.s32 $0x0;
	s2 =	srdreg.scid;
	s9 =	stileid.u32  }
0x5: {  	s19 =	simm.s32 $0x1;
	s20 =	simm.s32 $0x12B80;
	s21 =	simm.s32 $0x80  }
0x6: {  	s22 =	simm.s32 $0x13400;
	s23 =	simm.s32 $0xEB80;
	s24 =	simm.s32 $0x12C00  }
0x7: {  	s25 =	simm.s32 $0x0;
	[smem:$0x7FF] =	sst s4;
	s2 =	sand.u32 $0x1, s2  }
0x8: {  	s5 =	smul.u32 $0xC80, s9;
	s6 =	sadd.s32 $0x32200, s0;
	s8 =	sshll.u32 s2, $0x4  }
0x9: {  	s15 =	sadd.s32 $0x19200, s0;
	s7 =	smul.u32 $0xC800, s2;
	s8 =	sor.u32 s9, s8  }
0xa: {  	s16 =	sadd.s32 $0x200, s0;
	s2 =	ssub.s32 $0x2, s2;
	s9 =	smul.u32 $0x6400, s8  }
0xb: {  	s31 =	sshrl.u32 s2, $0x1;
	s7 =	sadd.s32 s5, s7;
	s8 =	smul.u32 $0xC80, s8  }
0xc: {  	_ =	strace $0x80000047;
	s2 =	ssub.s32 s2, s31;
	s7 =	sshll.u32 s7, $0x1  }
0xd: {  	s0 =	sadd.s32 s7, s0;
	s14 =	sshrl.u32 s9, $0x3;
	s7 =	sadd.s32 s15, s8  }
0xe: {  	s8 =	sadd.s32 s16, s8;
	s10 =	sadd.s32 $0x280, s14;
	s12 =	sadd.s32 $0x500, s14  }
0xf: {  	s17 =	sadd.s32 $0x780, s14;
	s18 =	sadd.s32 $0xA00, s14;
	s9 =	sadd.s32 s15, s10  }
0x10: {  	s10 =	sadd.s32 s16, s10;
	s11 =	sadd.s32 s15, s12;
	s12 =	sadd.s32 s16, s12  }
0x11: {  	v0 =	vlaneseq.u32;
	s13 =	sadd.s32 s15, s17;
	s14 =	sadd.s32 s16, s17;
	s15 =	sadd.s32 s15, s18  }
0x12: {  	v1 =	vimm.f32 $0.0e+00;
	v2 =	vmul.u32 $0x80, v0;
	s16 =	sadd.s32 s16, s18;
	s17 =	sadd.s32 $0x33C00, s0;
	s18 =	smax.u32 s2, $0x1  }
.LBB2_1:
0x13: {  	[tilespmem:s4], [sflag:$0x1] =	stream.linear.gather [hbm4b:s6+s4], $0xC380, $0x38;
	[tilespmem:$0x1FC80] =	vst v63  }
0x14: {  	_ =	swait.ge [sflag:s19], $0xC380  }
0x15: {  	[sflag:s19] =	ssyncset.done $0x0  }
0x16: {  	[sflag:s19] =	ssyncadd.s32 $0xFFFF3C80  }
0x17: {  	[tilespmem:s20], [sflag:$0x1] =	stream.linear.gather [hbm4b:s1+s4], $0x80, $0x38;
	[tilespmem:$0x1FC80] =	vst v63  }
0x18: {  	_ =	swait.ge [sflag:s19], $0x80  }
0x19: {  	[sflag:s19] =	ssyncset.done $0x0  }
0x1a: {  	[sflag:s19] =	ssyncadd.s32 $0xFFFFFF80  }
0x1b: {  	[tilespmem:$0xEB80] =	vst v1  }
0x1c: {  	[tilespmem:$0xEC00] =	vst v1  }
0x1d: {  	[tilespmem:$0xEC80] =	vst v1  }
0x1e: {  	[tilespmem:$0xED00] =	vst v1  }
0x1f: {  	[tilespmem:$0xED80] =	vst v1  }
0x20: {  	[tilespmem:$0xEE00] =	vst v1  }
0x21: {  	[tilespmem:$0xEE80] =	vst v1  }
0x22: {  	[tilespmem:$0xEF00] =	vst v1  }
0x23: {  	[tilespmem:$0xEF80] =	vst v1  }
0x24: {  	[tilespmem:$0xF000] =	vst v1  }
0x25: {  	[tilespmem:$0xF080] =	vst v1  }
0x26: {  	[tilespmem:$0xF100] =	vst v1  }
0x27: {  	[tilespmem:$0xF180] =	vst v1  }
0x28: {  	[tilespmem:$0xF200] =	vst v1  }
0x29: {  	[tilespmem:$0xF280] =	vst v1  }
0x2a: {  	[tilespmem:$0xF300] =	vst v1  }
0x2b: {  	[tilespmem:$0xF380] =	vst v1  }
0x2c: {  	[tilespmem:$0xF400] =	vst v1  }
0x2d: {  	[tilespmem:$0xF480] =	vst v1  }
0x2e: {  	[tilespmem:$0xF500] =	vst v1  }
0x2f: {  	[tilespmem:$0xF580] =	vst v1  }
0x30: {  	[tilespmem:$0xF600] =	vst v1  }
0x31: {  	[tilespmem:$0xF680] =	vst v1  }
0x32: {  	[tilespmem:$0xF700] =	vst v1  }
0x33: {  	[tilespmem:$0xF780] =	vst v1  }
0x34: {  	[tilespmem:$0xF800] =	vst v1  }
0x35: {  	[tilespmem:$0xF880] =	vst v1  }
0x36: {  	[tilespmem:$0xF900] =	vst v1  }
0x37: {  	[tilespmem:$0xF980] =	vst v1  }
0x38: {  	[tilespmem:$0xFA00] =	vst v1  }
0x39: {  	[tilespmem:$0xFA80] =	vst v1  }
0x3a: {  	[tilespmem:$0xFB00] =	vst v1  }
0x3b: {  	[tilespmem:$0xFB80] =	vst v1  }
0x3c: {  	[tilespmem:$0xFC00] =	vst v1  }
0x3d: {  	[tilespmem:$0xFC80] =	vst v1  }
0x3e: {  	[tilespmem:$0xFD00] =	vst v1  }
0x3f: {  	[tilespmem:$0xFD80] =	vst v1  }
0x40: {  	[tilespmem:$0xFE00] =	vst v1  }
0x41: {  	[tilespmem:$0xFE80] =	vst v1  }
0x42: {  	[tilespmem:$0xFF00] =	vst v1  }
0x43: {  	[tilespmem:$0xFF80] =	vst v1  }
0x44: {  	[tilespmem:$0x10000] =	vst v1  }
0x45: {  	[tilespmem:$0x10080] =	vst v1  }
0x46: {  	[tilespmem:$0x10100] =	vst v1  }
0x47: {  	[tilespmem:$0x10180] =	vst v1  }
0x48: {  	[tilespmem:$0x10200] =	vst v1  }
0x49: {  	[tilespmem:$0x10280] =	vst v1  }
0x4a: {  	[tilespmem:$0x10300] =	vst v1  }
0x4b: {  	[tilespmem:$0x10380] =	vst v1  }
0x4c: {  	[tilespmem:$0x10400] =	vst v1  }
0x4d: {  	[tilespmem:$0x10480] =	vst v1  }
0x4e: {  	[tilespmem:$0x10500] =	vst v1  }
0x4f: {  	[tilespmem:$0x10580] =	vst v1  }
0x50: {  	[tilespmem:$0x10600] =	vst v1  }
0x51: {  	[tilespmem:$0x10680] =	vst v1  }
0x52: {  	[tilespmem:$0x10700] =	vst v1  }
0x53: {  	[tilespmem:$0x10780] =	vst v1  }
0x54: {  	[tilespmem:$0x10800] =	vst v1  }
0x55: {  	[tilespmem:$0x10880] =	vst v1  }
0x56: {  	[tilespmem:$0x10900] =	vst v1  }
0x57: {  	[tilespmem:$0x10980] =	vst v1  }
0x58: {  	[tilespmem:$0x10A00] =	vst v1  }
0x59: {  	[tilespmem:$0x10A80] =	vst v1  }
0x5a: {  	[tilespmem:$0x10B00] =	vst v1  }
0x5b: {  	[tilespmem:$0x10B80] =	vst v1  }
0x5c: {  	[tilespmem:$0x10C00] =	vst v1  }
0x5d: {  	[tilespmem:$0x10C80] =	vst v1  }
0x5e: {  	[tilespmem:$0x10D00] =	vst v1  }
0x5f: {  	[tilespmem:$0x10D80] =	vst v1  }
0x60: {  	[tilespmem:$0x10E00] =	vst v1  }
0x61: {  	[tilespmem:$0x10E80] =	vst v1  }
0x62: {  	[tilespmem:$0x10F00] =	vst v1  }
0x63: {  	[tilespmem:$0x10F80] =	vst v1  }
0x64: {  	[tilespmem:$0x11000] =	vst v1  }
0x65: {  	[tilespmem:$0x11080] =	vst v1  }
0x66: {  	[tilespmem:$0x11100] =	vst v1  }
0x67: {  	[tilespmem:$0x11180] =	vst v1  }
0x68: {  	[tilespmem:$0x11200] =	vst v1  }
0x69: {  	[tilespmem:$0x11280] =	vst v1  }
0x6a: {  	[tilespmem:$0x11300] =	vst v1  }
0x6b: {  	[tilespmem:$0x11380] =	vst v1  }
0x6c: {  	[tilespmem:$0x11400] =	vst v1  }
0x6d: {  	[tilespmem:$0x11480] =	vst v1  }
0x6e: {  	[tilespmem:$0x11500] =	vst v1  }
0x6f: {  	[tilespmem:$0x11580] =	vst v1  }
0x70: {  	[tilespmem:$0x11600] =	vst v1  }
0x71: {  	[tilespmem:$0x11680] =	vst v1  }
0x72: {  	[tilespmem:$0x11700] =	vst v1  }
0x73: {  	[tilespmem:$0x11780] =	vst v1  }
0x74: {  	[tilespmem:$0x11800] =	vst v1  }
0x75: {  	[tilespmem:$0x11880] =	vst v1  }
0x76: {  	[tilespmem:$0x11900] =	vst v1  }
0x77: {  	[tilespmem:$0x11980] =	vst v1  }
0x78: {  	[tilespmem:$0x11A00] =	vst v1  }
0x79: {  	[tilespmem:$0x11A80] =	vst v1  }
0x7a: {  	[tilespmem:$0x11B00] =	vst v1  }
0x7b: {  	[tilespmem:$0x11B80] =	vst v1  }
0x7c: {  	[tilespmem:$0x11C00] =	vst v1  }
0x7d: {  	[tilespmem:$0x11C80] =	vst v1  }
0x7e: {  	[tilespmem:$0x11D00] =	vst v1  }
0x7f: {  	[tilespmem:$0x11D80] =	vst v1  }
0x80: {  	[tilespmem:$0x11E00] =	vst v1  }
0x81: {  	[tilespmem:$0x11E80] =	vst v1  }
0x82: {  	[tilespmem:$0x11F00] =	vst v1  }
0x83: {  	[tilespmem:$0x11F80] =	vst v1  }
0x84: {  	[tilespmem:$0x12000] =	vst v1  }
0x85: {  	[tilespmem:$0x12080] =	vst v1  }
0x86: {  	[tilespmem:$0x12100] =	vst v1  }
0x87: {  	[tilespmem:$0x12180] =	vst v1  }
0x88: {  	[tilespmem:$0x12200] =	vst v1  }
0x89: {  	[tilespmem:$0x12280] =	vst v1  }
0x8a: {  	[tilespmem:$0x12300] =	vst v1  }
0x8b: {  	[tilespmem:$0x12380] =	vst v1  }
0x8c: {  	[tilespmem:$0x12400] =	vst v1  }
0x8d: {  	[tilespmem:$0x12480] =	vst v1  }
0x8e: {  	[tilespmem:$0x12500] =	vst v1  }
0x8f: {  	[tilespmem:$0x12580] =	vst v1  }
0x90: {  	[tilespmem:$0x12600] =	vst v1  }
0x91: {  	[tilespmem:$0x12680] =	vst v1  }
0x92: {  	[tilespmem:$0x12700] =	vst v1  }
0x93: {  	[tilespmem:$0x12780] =	vst v1  }
0x94: {  	[tilespmem:$0x12800] =	vst v1  }
0x95: {  	[tilespmem:$0x12880] =	vst v1  }
0x96: {  	[tilespmem:$0x12900] =	vst v1  }
0x97: {  	[tilespmem:$0x12980] =	vst v1  }
0x98: {  	[tilespmem:$0x12A00] =	vst v1  }
0x99: {  	s0 =	sadd.s32 $0x0, s5;
	[tilespmem:$0x12A80] =	vst v1  }
0x9a: {  	v3 =	vor.u32 s0, v0;
	s26 =	sadd.s32 $0x60, s0;
	[tilespmem:$0x12B00] =	vst v1  }
0x9b: {  	s30 =	sadd.s32 $0x30, s0;
	v4 =	vor.u32 s26, v0;
	[tilespmem:$0x13400] =	vst v3  }
0x9c: {  	s2 =	sadd.s32 $0x70, s0;
	v5 =	vor.u32 s30, v0;
	[tilespmem:$0x13460] =	vst v4  }
0x9d: {  	s29 =	sadd.s32 $0x40, s0;
	v3 =	vor.u32 s2, v0;
	[tilespmem:$0x13430] =	vst v5  }
0x9e: {  	s28 =	sadd.s32 $0x50, s0;
	v4 =	vor.u32 s29, v0;
	[tilespmem:$0x13470] =	vst v3  }
0x9f: {  	s31 =	sadd.s32 $0x20, s0;
	v3 =	vor.u32 s28, v0;
	[tilespmem:$0x13440] =	vst v4  }
0xa0: {  	s2 =	sadd.s32 $0x10, s0;
	s0 =	simm.s32 $0x80;
	[tilespmem:$0x13450] =	vst v3;
	v3 =	vor.u32 s31, v0  }
.LBB2_2:
0xa1: {  	p0 =	sne.s32 s0, $0xC00;
	v4 =	vor.u32 s2, v0;
	[tilespmem:$0x13420] =	vst v3  }
0xa2: {  	[tilespmem:$0x13410] =	vst v4;
	[spmem:s3] =	stream.indirect.scatter [tilespmem:s23], [sflag:$0x1], $0x10, s22, s21, $0xb8  }
0xa3: {  	_ =	swait.ge [sflag:s19], $0x800  }
0xa4: {  	s2 =	sadd.s32 s0, s5;
	[sflag:s19] =	ssyncset.done $0x0  }
0xa5: {  	v3 =	vor.u32 s2, v0;
	s26 =	sadd.s32 $0x70, s2;
	[sflag:s19] =	ssyncadd.s32 $0xFFFFF800  }
0xa6: {  	s28 =	sadd.s32 $0x60, s2;
	[tilespmem:$0x13400] =	vst v3;
	v3 =	vor.u32 s26, v0  }
.Ltmp0:
0xa7: {  	v4 =	vor.u32 s28, v0;
	s26 =	sadd.s32 $0x50, s2;
	[tilespmem:$0x13470] =	vst v3;
	(pc) =	sbr.rel @p0 .LBB2_2-.Ltmp0, $4  }
0xa8: {  	s28 =	sadd.s32 $0x40, s2;
	v3 =	vor.u32 s26, v0;
	[tilespmem:$0x13460] =	vst v4  }
0xa9: {  	s26 =	sadd.s32 $0x30, s2;
	v4 =	vor.u32 s28, v0;
	[tilespmem:$0x13450] =	vst v3  }
0xaa: {  	s28 =	sadd.s32 $0x20, s2;
	v5 =	vor.u32 s26, v0;
	[tilespmem:$0x13440] =	vst v4  }
0xab: {  	s0 =	sadd.s32 $0x80, s0;
	s2 =	sadd.s32 $0x10, s2;
	v3 =	vor.u32 s28, v0;
	[tilespmem:$0x13430] =	vst v5  }
0xac: {  	v4 =	vor.u32 s2, v0;
	[tilespmem:$0x13420] =	vst v3  }
0xad: {  	[tilespmem:$0x13410] =	vst v4  }
0xae: {  	[spmem:s3] =	stream.indirect.scatter [tilespmem:s23], [sflag:$0x1], $0x10, s22, s21, $0xb8;
	[tilespmem:$0x1FC80] =	vst v63  }
0xaf: {  	_ =	swait.ge [sflag:s19], $0x800  }
0xb0: {  	[sflag:s19] =	ssyncset.done $0x0  }
0xb1: {  	[sflag:s19] =	ssyncadd.s32 $0xFFFFF800  }
0xb2: {  	v18 =	vld [tilespmem:$0x12B80];
	_ =	sdelay $0x3  }
0xb3: {  	s26 =	simm.s32 $0x0;
	s2 =	simm.s32 $0xC380;
	[bflag:$0x0] =	sbarrier.arrive $0xFFFF  }
0xb4: {  	[tilespmem:s2], [sflag:$0x1] =	stream.linear.gather [hbm4b:s7+s26], $0x1400, $0x38;
	v3 =	vbroadcast v18, $0x0;
	v4 =	vbroadcast v18, $0x8;
	[tilespmem:$0x1FC80] =	vst v63  }
0xb5: {  	_ =	swait.ge [sflag:s19], $0x1400;
	v5 =	vbroadcast v18, $0x1;
	v6 =	vbroadcast v18, $0x9  }
0xb6: {  	[sflag:s19] =	ssyncset.done $0x0;
	v7 =	vbroadcast v18, $0x2;
	v8 =	vbroadcast v18, $0xA  }
0xb7: {  	s29 =	simm.s32 $0xD780;
	[sflag:s19] =	ssyncadd.s32 $0xFFFFEC00;
	v9 =	vbroadcast v18, $0x3;
	v10 =	vbroadcast v18, $0xB  }
0xb8: {  	[tilespmem:s29], [sflag:$0x1] =	stream.linear.gather [hbm4b:s8+s26], $0x1400, $0x38;
	v11 =	vbroadcast v18, $0x4;
	v12 =	vbroadcast v18, $0xC;
	[tilespmem:$0x1FC80] =	vst v63  }
0xb9: {  	v13 =	vbroadcast v18, $0x5;
	v14 =	vbroadcast v18, $0xD;
	_ =	swait.ge [sflag:s19], $0x1400  }
0xba: {  	v15 =	vbroadcast v18, $0x6;
	v16 =	vbroadcast v18, $0xE;
	[sflag:s19] =	ssyncset.done $0x0  }
0xbb: {  	v17 =	vbroadcast v18, $0x7;
	v18 =	vbroadcast v18, $0xF;
	[sflag:s19] =	ssyncadd.s32 $0xFFFFEC00  }
.LBB2_4:
0xbc: {  	v19 =	vld [tilespmem:s29+$0x0]  }
0xbd: {  	v21 =	vld [tilespmem:s2+$0x0];
	_ =	sdelay $0x6  }
0xbe: {  	v20 =	vld.idx.msk [tilespmem:v19+s4+$0x0], $0xffff  }
0xbf: {  	v19 =	vld.idx.msk [tilespmem:v21+s4+$0x0], $0xffff;
	_ =	sdelay $0x4  }
0xc0: {  	v22 =	vmul.f32 v20, v12;
	v23 =	vmul.f32 v19, v3  }
0xc1: {  	v24 =	vmul.f32 v20, v4;
	v25 =	vmul.f32 v19, v5  }
0xc2: {  	v26 =	vmul.f32 v20, v6;
	v27 =	vmul.f32 v20, v8  }
0xc3: {  	v28 =	vmul.f32 v20, v10;
	v24 =	vadd.f32 v24, v23;
	v23 =	vmul.f32 v19, v7  }
0xc4: {  	v30 =	vmul.f32 v19, v11;
	v25 =	vadd.f32 v26, v25;
	v26 =	vmul.f32 v19, v9  }
0xc5: {  	v21 =	vmul.f32 v20, v14;
	v29 =	vmul.f32 $2.000000030e-01, v24;
	v27 =	vadd.f32 v27, v23  }
0xc6: {  	v62 =	vadd.f32 v22, v30;
	v31 =	vmul.f32 $2.000000030e-01, v25;
	v26 =	vadd.f32 v28, v26  }
0xc7: {  	v23 =	vmul.f32 v19, v13;
	v24 =	vmax.f32 v24, v29;
	v61 =	vmul.f32 $2.000000030e-01, v27  }
0xc8: {  	v63 =	vmul.f32 $2.000000030e-01, v26;
	v22 =	vmul.f32 $1.442695020e+00, v24;
	v24 =	vmax.f32 v25, v31  }
0xc9: {  	v31 =	vmul.f32 $1.442695020e+00, v24;
	v24 =	vmax.f32 v27, v61;
	v27 =	vmul.f32 $2.000000030e-01, v62  }
0xca: {  	s30 =	simm.s32 $0x10;
	v25 =	vmul.f32 $1.442695020e+00, v24;
	v24 =	vmax.f32 v26, v63;
	(erf) = vpow2.f32 v22  }
0xcb: {  	s31 =	smov.u32 s29;
	s28 =	smov.u32 s2;
	s0 =	simm.s32 $0x0;
	v22 =	vmul.f32 $1.442695020e+00, v24;
	v24 =	vmax.f32 v62, v27;
	(erf) = vpow2.f32 v31  }
.LBB2_5:
0xcc: {  	p0 =	sne.s32 s30, $0x70;
	v21 =	vadd.f32 v21, v23;
	v23 =	vmul.f32 v19, v15;
	v26 =	vmul.f32 v20, v16;
	s31 =	sadd.s32 $0x10, s31;
	s28 =	sadd.s32 $0x10, s28  }
0xcd: {  	v27 =	vmov s0;
	v28 =	vmul.f32 v19, v17;
	v20 =	vmul.f32 v20, v18;
	s0 =	smov.u32 s30;
	s30 =	sadd.s32 $0x10, s30  }
0xce: {  	v27 =	vshll.u32 v27, $0x7;
	v29 =	vmul.f32 $2.000000030e-01, v21;
	(erf) = vpow2.f32 v25  }
0xcf: {  	v25 =	vor.u32 v2, v27;
	v23 =	vadd.f32 v26, v23;
	v20 =	vadd.f32 v20, v28  }
0xd0: {  	v24 =	vmul.f32 $1.442695020e+00, v24;
	v26 =	vor.u32 $0x8, v25;
	(erf) = vpow2.f32 v22  }
0xd1: {  	v22 =	vor.u32 $0x2, v25;
	v21 =	vmax.f32 v21, v29;
	v30 =	vmul.f32 $2.000000030e-01, v23  }
0xd2: {  	v28 =	vor.u32 $0x1, v25;
	v31 =	vmul.f32 $2.000000030e-01, v20;
	(erf) = vpow2.f32 v24  }
0xd3: {  	v21 =	vmul.f32 $1.442695020e+00, v21;
	v24 =	vor.u32 $0x9, v25;
	v23 =	vmax.f32 v23, v30;
	v27 =	vpop (erf)  }
0xd4: {  	v20 =	vmax.f32 v20, v31;
	v23 =	vmul.f32 $1.442695020e+00, v23;
	v30 =	vmul.f32 v27, v19;
	v29 =	vpop (erf)  }
0xd5: {  	v20 =	vmul.f32 $1.442695020e+00, v20;
	[tilespmem:v25+s23+$0x0] =	vst.idx.msk $0xffff, v27;
	v27 =	vor.u32 $0xA, v25;
	(erf) = vpow2.f32 v21  }
0xd6: {  	v21 =	vmul.f32 v29, v19;
	[tilespmem:v26+s23+$0x0] =	vst.idx.msk $0xffff, v30;
	v26 =	vor.u32 $0x3, v25;
	(erf) = vpow2.f32 v23  }
0xd7: {  	v23 =	vor.u32 $0xB, v25;
	[tilespmem:v28+s23+$0x0] =	vst.idx.msk $0xffff, v29;
	v28 =	vpop (erf)  }
0xd8: {  	[tilespmem:v24+s23+$0x0] =	vst.idx.msk $0xffff, v21;
	v21 =	vmul.f32 v28, v19;
	v24 =	vor.u32 $0x4, v25;
	(erf) = vpow2.f32 v20  }
0xd9: {  	v20 =	vor.u32 $0xC, v25;
	[tilespmem:v22+s23+$0x0] =	vst.idx.msk $0xffff, v28;
	v22 =	vpop (erf)  }
0xda: {  	[tilespmem:v27+s23+$0x0] =	vst.idx.msk $0xffff, v21;
	v21 =	vmul.f32 v22, v19;
	v27 =	vor.u32 $0x5, v25  }
0xdb: {  	[tilespmem:v26+s23+$0x0] =	vst.idx.msk $0xffff, v22;
	v22 =	vpop (erf)  }
0xdc: {  	[tilespmem:v23+s23+$0x0] =	vst.idx.msk $0xffff, v21;
	v29 =	vmul.f32 v22, v19;
	v23 =	vor.u32 $0xD, v25  }
0xdd: {  	[tilespmem:v24+s23+$0x0] =	vst.idx.msk $0xffff, v22;
	v22 =	vor.u32 $0x6, v25  }
0xde: {  	[tilespmem:v20+s23+$0x0] =	vst.idx.msk $0xffff, v29;
	v20 =	vor.u32 $0xE, v25;
	v21 =	vpop (erf)  }
0xdf: {  	v24 =	vor.u32 $0x7, v25;
	[tilespmem:v27+s23+$0x0] =	vst.idx.msk $0xffff, v21;
	v28 =	vmul.f32 v21, v19;
	v26 =	vpop (erf)  }
0xe0: {  	v25 =	vor.u32 $0xF, v25;
	v27 =	vmul.f32 v26, v19  }
0xe1: {  	[tilespmem:v23+s23+$0x0] =	vst.idx.msk $0xffff, v28;
	v21 =	vpop (erf)  }
0xe2: {  	[tilespmem:v22+s23+$0x0] =	vst.idx.msk $0xffff, v26;
	v19 =	vmul.f32 v21, v19  }
0xe3: {  	[tilespmem:v20+s23+$0x0] =	vst.idx.msk $0xffff, v27  }
0xe4: {  	[tilespmem:v24+s23+$0x0] =	vst.idx.msk $0xffff, v21  }
0xe5: {  	[tilespmem:v25+s23+$0x0] =	vst.idx.msk $0xffff, v19  }
0xe6: {  	v19 =	vld [tilespmem:s31+$0x0]  }
0xe7: {  	v21 =	vld [tilespmem:s28+$0x0];
	_ =	sdelay $0x6  }
0xe8: {  	v20 =	vld.idx.msk [tilespmem:v19+s4+$0x0], $0xffff  }
0xe9: {  	v19 =	vld.idx.msk [tilespmem:v21+s4+$0x0], $0xffff;
	_ =	sdelay $0x4  }
0xea: {  	v22 =	vmul.f32 v20, v12;
	v21 =	vmul.f32 v20, v14  }
0xeb: {  	v24 =	vmul.f32 v20, v4;
	v23 =	vmul.f32 v19, v3  }
0xec: {  	v26 =	vmul.f32 v20, v6;
	v25 =	vmul.f32 v19, v5  }
0xed: {  	v27 =	vmul.f32 v20, v8;
	v24 =	vadd.f32 v24, v23;
	v23 =	vmul.f32 v19, v7  }
0xee: {  	v28 =	vmul.f32 v20, v10;
	v25 =	vadd.f32 v26, v25;
	v26 =	vmul.f32 v19, v9  }
0xef: {  	v30 =	vmul.f32 v19, v11;
	v29 =	vmul.f32 $2.000000030e-01, v24;
	v27 =	vadd.f32 v27, v23  }
0xf0: {  	v31 =	vmul.f32 $2.000000030e-01, v25;
	v26 =	vadd.f32 v28, v26;
	v23 =	vmul.f32 v19, v13  }
.Ltmp1:
0xf1: {  	v24 =	vmax.f32 v24, v29;
	v28 =	vmul.f32 $2.000000030e-01, v27;
	v29 =	vadd.f32 v22, v30;
	(pc) =	sbr.rel @p0 .LBB2_5-.Ltmp1, $4  }
0xf2: {  	v30 =	vmul.f32 $2.000000030e-01, v26;
	v22 =	vmul.f32 $1.442695020e+00, v24;
	v24 =	vmax.f32 v25, v31  }
0xf3: {  	v31 =	vmul.f32 $1.442695020e+00, v24;
	v24 =	vmax.f32 v27, v28;
	v27 =	vmul.f32 $2.000000030e-01, v29  }
0xf4: {  	v25 =	vmul.f32 $1.442695020e+00, v24;
	v24 =	vmax.f32 v26, v30;
	(erf) = vpow2.f32 v22  }
0xf5: {  	v22 =	vmul.f32 $1.442695020e+00, v24;
	v24 =	vmax.f32 v29, v27;
	(erf) = vpow2.f32 v31  }
0xf6: {  	v36 =	vmul.f32 v19, v15;
	v26 =	vmul.f32 v20, v16  }
0xf7: {  	v21 =	vadd.f32 v21, v23;
	v28 =	vmul.f32 v19, v17;
	v20 =	vmul.f32 v20, v18  }
0xf8: {  	v27 =	vmov s0;
	(erf) = vpow2.f32 v25;
	v24 =	vmul.f32 $1.442695020e+00, v24  }
0xf9: {  	v27 =	vshll.u32 v27, $0x7;
	(erf) = vpow2.f32 v22;
	v29 =	vmul.f32 $2.000000030e-01, v21  }
0xfa: {  	v37 =	vor.u32 v2, v27;
	v23 =	vadd.f32 v26, v36;
	v20 =	vadd.f32 v20, v28  }
0xfb: {  	(erf) = vpow2.f32 v24;
	v38 =	vor.u32 $0x8, v37;
	v21 =	vmax.f32 v21, v29  }
0xfc: {  	v41 =	vor.u32 $0x1, v37;
	v40 =	vmul.f32 $2.000000030e-01, v23;
	v21 =	vmul.f32 $1.442695020e+00, v21  }
0xfd: {  	v39 =	vor.u32 $0x2, v37;
	v30 =	vor.u32 $0x9, v37;
	v28 =	vmul.f32 $2.000000030e-01, v20;
	v42 =	vpop (erf)  }
0xfe: {  	v23 =	vmax.f32 v23, v40;
	(erf) = vpow2.f32 v21;
	v43 =	vmul.f32 v42, v19  }
0xff: {  	v45 =	vor.u32 $0xA, v37;
	v23 =	vmul.f32 $1.442695020e+00, v23;
	v44 =	vpop (erf);
	[tilespmem:v37+s23+$0x0] =	vst.idx.msk $0xffff, v42  }
0x100: {  	v47 =	vor.u32 $0x3, v37;
	v20 =	vmax.f32 v20, v28;
	v46 =	vmul.f32 v44, v19;
	[tilespmem:v38+s23+$0x0] =	vst.idx.msk $0xffff, v43  }
0x101: {  	v48 =	vor.u32 $0xB, v37;
	v20 =	vmul.f32 $1.442695020e+00, v20;
	(erf) = vpow2.f32 v23;
	v49 =	vpop (erf);
	[tilespmem:v41+s23+$0x0] =	vst.idx.msk $0xffff, v44  }
0x102: {  	v51 =	vor.u32 $0x4, v37;
	v50 =	vmul.f32 v49, v19;
	[tilespmem:v30+s23+$0x0] =	vst.idx.msk $0xffff, v46  }
0x103: {  	(erf) = vpow2.f32 v20;
	v20 =	vor.u32 $0xC, v37;
	v52 =	vpop (erf);
	[tilespmem:v39+s23+$0x0] =	vst.idx.msk $0xffff, v49  }
0x104: {  	v53 =	vmul.f32 v52, v19;
	[tilespmem:v45+s23+$0x0] =	vst.idx.msk $0xffff, v50  }
0x105: {  	v54 =	vor.u32 $0x5, v37;
	v55 =	vpop (erf);
	[tilespmem:v47+s23+$0x0] =	vst.idx.msk $0xffff, v52  }
0x106: {  	v56 =	vor.u32 $0xD, v37;
	v57 =	vmul.f32 v55, v19;
	[tilespmem:v48+s23+$0x0] =	vst.idx.msk $0xffff, v53  }
0x107: {  	v58 =	vor.u32 $0x6, v37;
	v60 =	vpop (erf);
	[tilespmem:v51+s23+$0x0] =	vst.idx.msk $0xffff, v55  }
0x108: {  	v59 =	vor.u32 $0xE, v37;
	[tilespmem:v20+s23+$0x0] =	vst.idx.msk $0xffff, v57;
	v20 =	vmul.f32 v60, v19  }
0x109: {  	v61 =	vor.u32 $0x7, v37  }
0x10a: {  	v25 =	vor.u32 $0xF, v37;
	v62 =	vpop (erf);
	[tilespmem:v54+s23+$0x0] =	vst.idx.msk $0xffff, v60  }
0x10b: {  	v63 =	vmul.f32 v62, v19;
	[tilespmem:v56+s23+$0x0] =	vst.idx.msk $0xffff, v20  }
0x10c: {  	[tilespmem:v58+s23+$0x0] =	vst.idx.msk $0xffff, v62;
	v20 =	vpop (erf)  }
0x10d: {  	s31 =	sshll.u32 s26, $0x7;
	s26 =	sadd.s32 $0x1, s26;
	[tilespmem:v59+s23+$0x0] =	vst.idx.msk $0xffff, v63;
	v19 =	vmul.f32 v20, v19  }
0x10e: {  	s0 =	sand.u32 $0x3FFFFF80, s31;
	p0 =	sne.s32 s26, $0x28;
	[tilespmem:v61+s23+$0x0] =	vst.idx.msk $0xffff, v20  }
.Ltmp2:
0x10f: {  	s0 =	sadd.s32 $0xD780, s0;
	[tilespmem:v25+s23+$0x0] =	vst.idx.msk $0xffff, v19;
	(pc) =	sbr.rel @p0 .LBB2_4-.Ltmp2, $4  }
0x110: {  	[spmem:s3] =	stream.indirect.scatter.add.f32 [tilespmem:s23], [sflag:$0x1], $0x10, s0, s21, $0xb8;
	[tilespmem:$0x1FC80] =	vst v63  }
0x111: {  	_ =	swait.ge [sflag:s19], $0x800  }
0x112: {  	[sflag:s19] =	ssyncset.done $0x0  }
0x113: {  	s29 =	sadd.s32 $0x80, s29;
	s2 =	sadd.s32 $0x80, s2;
	[sflag:s19] =	ssyncadd.s32 $0xFFFFF800  }
0x114: {  	s26 =	simm.s32 $0x0;
	s28 =	simm.s32 $0xC380  }
0x115: {  	[tilespmem:s28], [sflag:$0x1] =	stream.linear.gather [hbm4b:s9+s26], $0x1400, $0x38;
	[tilespmem:$0x1FC80] =	vst v63  }
0x116: {  	_ =	swait.ge [sflag:s19], $0x1400  }
0x117: {  	[sflag:s19] =	ssyncset.done $0x0  }
0x118: {  	s29 =	simm.s32 $0xD780;
	[sflag:s19] =	ssyncadd.s32 $0xFFFFEC00  }
0x119: {  	[tilespmem:s29], [sflag:$0x1] =	stream.linear.gather [hbm4b:s10+s26], $0x1400, $0x38;
	[tilespmem:$0x1FC80] =	vst v63  }
0x11a: {  	_ =	swait.ge [sflag:s19], $0x1400  }
0x11b: {  	[sflag:s19] =	ssyncset.done $0x0  }
0x11c: {  	[sflag:s19] =	ssyncadd.s32 $0xFFFFEC00  }
.LBB2_8:
0x11d: {  	v19 =	vld [tilespmem:s29+$0x0]  }
0x11e: {  	v21 =	vld [tilespmem:s28+$0x0];
	_ =	sdelay $0x6  }
0x11f: {  	v20 =	vld.idx.msk [tilespmem:v19+s4+$0x0], $0xffff  }
0x120: {  	v19 =	vld.idx.msk [tilespmem:v21+s4+$0x0], $0xffff;
	_ =	sdelay $0x4  }
0x121: {  	v22 =	vmul.f32 v20, v12;
	v23 =	vmul.f32 v19, v3  }
0x122: {  	v24 =	vmul.f32 v20, v4;
	v25 =	vmul.f32 v19, v5  }
0x123: {  	v26 =	vmul.f32 v20, v6;
	v27 =	vmul.f32 v20, v8  }
0x124: {  	v28 =	vmul.f32 v20, v10;
	v24 =	vadd.f32 v24, v23;
	v23 =	vmul.f32 v19, v7  }
0x125: {  	v30 =	vmul.f32 v19, v11;
	v25 =	vadd.f32 v26, v25;
	v26 =	vmul.f32 v19, v9  }
0x126: {  	v21 =	vmul.f32 v20, v14;
	v29 =	vmul.f32 $2.000000030e-01, v24;
	v27 =	vadd.f32 v27, v23  }
0x127: {  	v62 =	vadd.f32 v22, v30;
	v31 =	vmul.f32 $2.000000030e-01, v25;
	v26 =	vadd.f32 v28, v26  }
0x128: {  	v23 =	vmul.f32 v19, v13;
	v24 =	vmax.f32 v24, v29;
	v61 =	vmul.f32 $2.000000030e-01, v27  }
0x129: {  	v63 =	vmul.f32 $2.000000030e-01, v26;
	v22 =	vmul.f32 $1.442695020e+00, v24;
	v24 =	vmax.f32 v25, v31  }
0x12a: {  	v31 =	vmul.f32 $1.442695020e+00, v24;
	v24 =	vmax.f32 v27, v61;
	v27 =	vmul.f32 $2.000000030e-01, v62  }
0x12b: {  	s30 =	simm.s32 $0x10;
	v25 =	vmul.f32 $1.442695020e+00, v24;
	v24 =	vmax.f32 v26, v63;
	(erf) = vpow2.f32 v22  }
0x12c: {  	s31 =	smov.u32 s29;
	s2 =	smov.u32 s28;
	s0 =	simm.s32 $0x0;
	v22 =	vmul.f32 $1.442695020e+00, v24;
	v24 =	vmax.f32 v62, v27;
	(erf) = vpow2.f32 v31  }
.LBB2_9:
0x12d: {  	p0 =	sne.s32 s30, $0x70;
	v21 =	vadd.f32 v21, v23;
	v23 =	vmul.f32 v19, v15;
	v26 =	vmul.f32 v20, v16;
	s31 =	sadd.s32 $0x10, s31;
	s2 =	sadd.s32 $0x10, s2  }
0x12e: {  	v27 =	vmov s0;
	v28 =	vmul.f32 v19, v17;
	v20 =	vmul.f32 v20, v18;
	s0 =	smov.u32 s30;
	s30 =	sadd.s32 $0x10, s30  }
0x12f: {  	v27 =	vshll.u32 v27, $0x7;
	v29 =	vmul.f32 $2.000000030e-01, v21;
	(erf) = vpow2.f32 v25  }
0x130: {  	v25 =	vor.u32 v2, v27;
	v23 =	vadd.f32 v26, v23;
	v20 =	vadd.f32 v20, v28  }
0x131: {  	v24 =	vmul.f32 $1.442695020e+00, v24;
	v26 =	vor.u32 $0x8, v25;
	(erf) = vpow2.f32 v22  }
0x132: {  	v22 =	vor.u32 $0x2, v25;
	v21 =	vmax.f32 v21, v29;
	v30 =	vmul.f32 $2.000000030e-01, v23  }
0x133: {  	v28 =	vor.u32 $0x1, v25;
	v31 =	vmul.f32 $2.000000030e-01, v20;
	(erf) = vpow2.f32 v24  }
0x134: {  	v21 =	vmul.f32 $1.442695020e+00, v21;
	v24 =	vor.u32 $0x9, v25;
	v23 =	vmax.f32 v23, v30;
	v27 =	vpop (erf)  }
0x135: {  	v20 =	vmax.f32 v20, v31;
	v23 =	vmul.f32 $1.442695020e+00, v23;
	v30 =	vmul.f32 v27, v19;
	v29 =	vpop (erf)  }
0x136: {  	v20 =	vmul.f32 $1.442695020e+00, v20;
	[tilespmem:v25+s23+$0x0] =	vst.idx.msk $0xffff, v27;
	v27 =	vor.u32 $0xA, v25;
	(erf) = vpow2.f32 v21  }
0x137: {  	v21 =	vmul.f32 v29, v19;
	[tilespmem:v26+s23+$0x0] =	vst.idx.msk $0xffff, v30;
	v26 =	vor.u32 $0x3, v25;
	(erf) = vpow2.f32 v23  }
0x138: {  	v23 =	vor.u32 $0xB, v25;
	[tilespmem:v28+s23+$0x0] =	vst.idx.msk $0xffff, v29;
	v28 =	vpop (erf)  }
0x139: {  	[tilespmem:v24+s23+$0x0] =	vst.idx.msk $0xffff, v21;
	v21 =	vmul.f32 v28, v19;
	v24 =	vor.u32 $0x4, v25;
	(erf) = vpow2.f32 v20  }
0x13a: {  	v20 =	vor.u32 $0xC, v25;
	[tilespmem:v22+s23+$0x0] =	vst.idx.msk $0xffff, v28;
	v22 =	vpop (erf)  }
0x13b: {  	[tilespmem:v27+s23+$0x0] =	vst.idx.msk $0xffff, v21;
	v21 =	vmul.f32 v22, v19;
	v27 =	vor.u32 $0x5, v25  }
0x13c: {  	[tilespmem:v26+s23+$0x0] =	vst.idx.msk $0xffff, v22;
	v22 =	vpop (erf)  }
0x13d: {  	[tilespmem:v23+s23+$0x0] =	vst.idx.msk $0xffff, v21;
	v29 =	vmul.f32 v22, v19;
	v23 =	vor.u32 $0xD, v25  }
0x13e: {  	[tilespmem:v24+s23+$0x0] =	vst.idx.msk $0xffff, v22;
	v22 =	vor.u32 $0x6, v25  }
0x13f: {  	[tilespmem:v20+s23+$0x0] =	vst.idx.msk $0xffff, v29;
	v20 =	vor.u32 $0xE, v25;
	v21 =	vpop (erf)  }
0x140: {  	v24 =	vor.u32 $0x7, v25;
	[tilespmem:v27+s23+$0x0] =	vst.idx.msk $0xffff, v21;
	v28 =	vmul.f32 v21, v19;
	v26 =	vpop (erf)  }
0x141: {  	v25 =	vor.u32 $0xF, v25;
	v27 =	vmul.f32 v26, v19  }
0x142: {  	[tilespmem:v23+s23+$0x0] =	vst.idx.msk $0xffff, v28;
	v21 =	vpop (erf)  }
0x143: {  	[tilespmem:v22+s23+$0x0] =	vst.idx.msk $0xffff, v26;
	v19 =	vmul.f32 v21, v19  }
0x144: {  	[tilespmem:v20+s23+$0x0] =	vst.idx.msk $0xffff, v27  }
0x145: {  	[tilespmem:v24+s23+$0x0] =	vst.idx.msk $0xffff, v21  }
0x146: {  	[tilespmem:v25+s23+$0x0] =	vst.idx.msk $0xffff, v19  }
0x147: {  	v19 =	vld [tilespmem:s31+$0x0]  }
0x148: {  	v21 =	vld [tilespmem:s2+$0x0];
	_ =	sdelay $0x6  }
0x149: {  	v20 =	vld.idx.msk [tilespmem:v19+s4+$0x0], $0xffff  }
0x14a: {  	v19 =	vld.idx.msk [tilespmem:v21+s4+$0x0], $0xffff;
	_ =	sdelay $0x4  }
0x14b: {  	v22 =	vmul.f32 v20, v12;
	v21 =	vmul.f32 v20, v14  }
0x14c: {  	v24 =	vmul.f32 v20, v4;
	v23 =	vmul.f32 v19, v3  }
0x14d: {  	v26 =	vmul.f32 v20, v6;
	v25 =	vmul.f32 v19, v5  }
0x14e: {  	v27 =	vmul.f32 v20, v8;
	v24 =	vadd.f32 v24, v23;
	v23 =	vmul.f32 v19, v7  }
0x14f: {  	v28 =	vmul.f32 v20, v10;
	v25 =	vadd.f32 v26, v25;
	v26 =	vmul.f32 v19, v9  }
0x150: {  	v30 =	vmul.f32 v19, v11;
	v29 =	vmul.f32 $2.000000030e-01, v24;
	v27 =	vadd.f32 v27, v23  }
0x151: {  	v31 =	vmul.f32 $2.000000030e-01, v25;
	v26 =	vadd.f32 v28, v26;
	v23 =	vmul.f32 v19, v13  }
.Ltmp3:
0x152: {  	v24 =	vmax.f32 v24, v29;
	v28 =	vmul.f32 $2.000000030e-01, v27;
	v29 =	vadd.f32 v22, v30;
	(pc) =	sbr.rel @p0 .LBB2_9-.Ltmp3, $4  }
0x153: {  	v30 =	vmul.f32 $2.000000030e-01, v26;
	v22 =	vmul.f32 $1.442695020e+00, v24;
	v24 =	vmax.f32 v25, v31  }
0x154: {  	v31 =	vmul.f32 $1.442695020e+00, v24;
	v24 =	vmax.f32 v27, v28;
	v27 =	vmul.f32 $2.000000030e-01, v29  }
0x155: {  	v25 =	vmul.f32 $1.442695020e+00, v24;
	v24 =	vmax.f32 v26, v30;
	(erf) = vpow2.f32 v22  }
0x156: {  	v22 =	vmul.f32 $1.442695020e+00, v24;
	v24 =	vmax.f32 v29, v27;
	(erf) = vpow2.f32 v31  }
0x157: {  	v36 =	vmul.f32 v19, v15;
	v26 =	vmul.f32 v20, v16  }
0x158: {  	v21 =	vadd.f32 v21, v23;
	v28 =	vmul.f32 v19, v17;
	v20 =	vmul.f32 v20, v18  }
0x159: {  	v27 =	vmov s0;
	(erf) = vpow2.f32 v25;
	v24 =	vmul.f32 $1.442695020e+00, v24  }
0x15a: {  	v27 =	vshll.u32 v27, $0x7;
	(erf) = vpow2.f32 v22;
	v29 =	vmul.f32 $2.000000030e-01, v21  }
0x15b: {  	v37 =	vor.u32 v2, v27;
	v23 =	vadd.f32 v26, v36;
	v20 =	vadd.f32 v20, v28  }
0x15c: {  	(erf) = vpow2.f32 v24;
	v38 =	vor.u32 $0x8, v37;
	v21 =	vmax.f32 v21, v29  }
0x15d: {  	v41 =	vor.u32 $0x1, v37;
	v40 =	vmul.f32 $2.000000030e-01, v23;
	v21 =	vmul.f32 $1.442695020e+00, v21  }
0x15e: {  	v39 =	vor.u32 $0x2, v37;
	v30 =	vor.u32 $0x9, v37;
	v28 =	vmul.f32 $2.000000030e-01, v20;
	v42 =	vpop (erf)  }
0x15f: {  	v23 =	vmax.f32 v23, v40;
	(erf) = vpow2.f32 v21;
	v43 =	vmul.f32 v42, v19  }
0x160: {  	v45 =	vor.u32 $0xA, v37;
	v23 =	vmul.f32 $1.442695020e+00, v23;
	v44 =	vpop (erf);
	[tilespmem:v37+s23+$0x0] =	vst.idx.msk $0xffff, v42  }
0x161: {  	v47 =	vor.u32 $0x3, v37;
	v20 =	vmax.f32 v20, v28;
	v46 =	vmul.f32 v44, v19;
	[tilespmem:v38+s23+$0x0] =	vst.idx.msk $0xffff, v43  }
0x162: {  	v48 =	vor.u32 $0xB, v37;
	v20 =	vmul.f32 $1.442695020e+00, v20;
	(erf) = vpow2.f32 v23;
	v49 =	vpop (erf);
	[tilespmem:v41+s23+$0x0] =	vst.idx.msk $0xffff, v44  }
0x163: {  	v51 =	vor.u32 $0x4, v37;
	v50 =	vmul.f32 v49, v19;
	[tilespmem:v30+s23+$0x0] =	vst.idx.msk $0xffff, v46  }
0x164: {  	(erf) = vpow2.f32 v20;
	v20 =	vor.u32 $0xC, v37;
	v52 =	vpop (erf);
	[tilespmem:v39+s23+$0x0] =	vst.idx.msk $0xffff, v49  }
0x165: {  	v53 =	vmul.f32 v52, v19;
	[tilespmem:v45+s23+$0x0] =	vst.idx.msk $0xffff, v50  }
0x166: {  	v54 =	vor.u32 $0x5, v37;
	v55 =	vpop (erf);
	[tilespmem:v47+s23+$0x0] =	vst.idx.msk $0xffff, v52  }
0x167: {  	v56 =	vor.u32 $0xD, v37;
	v57 =	vmul.f32 v55, v19;
	[tilespmem:v48+s23+$0x0] =	vst.idx.msk $0xffff, v53  }
0x168: {  	v58 =	vor.u32 $0x6, v37;
	v60 =	vpop (erf);
	[tilespmem:v51+s23+$0x0] =	vst.idx.msk $0xffff, v55  }
0x169: {  	v59 =	vor.u32 $0xE, v37;
	[tilespmem:v20+s23+$0x0] =	vst.idx.msk $0xffff, v57;
	v20 =	vmul.f32 v60, v19  }
0x16a: {  	v61 =	vor.u32 $0x7, v37  }
0x16b: {  	v25 =	vor.u32 $0xF, v37;
	v62 =	vpop (erf);
	[tilespmem:v54+s23+$0x0] =	vst.idx.msk $0xffff, v60  }
0x16c: {  	v63 =	vmul.f32 v62, v19;
	[tilespmem:v56+s23+$0x0] =	vst.idx.msk $0xffff, v20  }
0x16d: {  	[tilespmem:v58+s23+$0x0] =	vst.idx.msk $0xffff, v62;
	v20 =	vpop (erf)  }
0x16e: {  	s31 =	sshll.u32 s26, $0x7;
	s26 =	sadd.s32 $0x1, s26;
	[tilespmem:v59+s23+$0x0] =	vst.idx.msk $0xffff, v63;
	v19 =	vmul.f32 v20, v19  }
0x16f: {  	s0 =	sand.u32 $0x3FFFFF80, s31;
	p0 =	sne.s32 s26, $0x28;
	[tilespmem:v61+s23+$0x0] =	vst.idx.msk $0xffff, v20  }
.Ltmp4:
0x170: {  	s0 =	sadd.s32 $0xD780, s0;
	[tilespmem:v25+s23+$0x0] =	vst.idx.msk $0xffff, v19;
	(pc) =	sbr.rel @p0 .LBB2_8-.Ltmp4, $4  }
0x171: {  	[spmem:s3] =	stream.indirect.scatter.add.f32 [tilespmem:s23], [sflag:$0x1], $0x10, s0, s21, $0xb8;
	[tilespmem:$0x1FC80] =	vst v63  }
0x172: {  	_ =	swait.ge [sflag:s19], $0x800  }
0x173: {  	[sflag:s19] =	ssyncset.done $0x0  }
0x174: {  	s29 =	sadd.s32 $0x80, s29;
	s28 =	sadd.s32 $0x80, s28;
	[sflag:s19] =	ssyncadd.s32 $0xFFFFF800  }
0x175: {  	s26 =	simm.s32 $0x0;
	s28 =	simm.s32 $0xC380  }
0x176: {  	[tilespmem:s28], [sflag:$0x1] =	stream.linear.gather [hbm4b:s11+s26], $0x1400, $0x38;
	[tilespmem:$0x1FC80] =	vst v63  }
0x177: {  	_ =	swait.ge [sflag:s19], $0x1400  }
0x178: {  	[sflag:s19] =	ssyncset.done $0x0  }
0x179: {  	s29 =	simm.s32 $0xD780;
	[sflag:s19] =	ssyncadd.s32 $0xFFFFEC00  }
0x17a: {  	[tilespmem:s29], [sflag:$0x1] =	stream.linear.gather [hbm4b:s12+s26], $0x1400, $0x38;
	[tilespmem:$0x1FC80] =	vst v63  }
0x17b: {  	_ =	swait.ge [sflag:s19], $0x1400  }
0x17c: {  	[sflag:s19] =	ssyncset.done $0x0  }
0x17d: {  	[sflag:s19] =	ssyncadd.s32 $0xFFFFEC00  }
.LBB2_12:
0x17e: {  	v19 =	vld [tilespmem:s29+$0x0]  }
0x17f: {  	v21 =	vld [tilespmem:s28+$0x0];
	_ =	sdelay $0x6  }
0x180: {  	v20 =	vld.idx.msk [tilespmem:v19+s4+$0x0], $0xffff  }
0x181: {  	v19 =	vld.idx.msk [tilespmem:v21+s4+$0x0], $0xffff;
	_ =	sdelay $0x4  }
0x182: {  	v22 =	vmul.f32 v20, v12;
	v23 =	vmul.f32 v19, v3  }
0x183: {  	v24 =	vmul.f32 v20, v4;
	v25 =	vmul.f32 v19, v5  }
0x184: {  	v26 =	vmul.f32 v20, v6;
	v27 =	vmul.f32 v20, v8  }
0x185: {  	v28 =	vmul.f32 v20, v10;
	v24 =	vadd.f32 v24, v23;
	v23 =	vmul.f32 v19, v7  }
0x186: {  	v30 =	vmul.f32 v19, v11;
	v25 =	vadd.f32 v26, v25;
	v26 =	vmul.f32 v19, v9  }
0x187: {  	v21 =	vmul.f32 v20, v14;
	v29 =	vmul.f32 $2.000000030e-01, v24;
	v27 =	vadd.f32 v27, v23  }
0x188: {  	v62 =	vadd.f32 v22, v30;
	v31 =	vmul.f32 $2.000000030e-01, v25;
	v26 =	vadd.f32 v28, v26  }
0x189: {  	v23 =	vmul.f32 v19, v13;
	v24 =	vmax.f32 v24, v29;
	v61 =	vmul.f32 $2.000000030e-01, v27  }
0x18a: {  	v63 =	vmul.f32 $2.000000030e-01, v26;
	v22 =	vmul.f32 $1.442695020e+00, v24;
	v24 =	vmax.f32 v25, v31  }
0x18b: {  	v31 =	vmul.f32 $1.442695020e+00, v24;
	v24 =	vmax.f32 v27, v61;
	v27 =	vmul.f32 $2.000000030e-01, v62  }
0x18c: {  	s30 =	simm.s32 $0x10;
	v25 =	vmul.f32 $1.442695020e+00, v24;
	v24 =	vmax.f32 v26, v63;
	(erf) = vpow2.f32 v22  }
0x18d: {  	s31 =	smov.u32 s29;
	s2 =	smov.u32 s28;
	s0 =	simm.s32 $0x0;
	v22 =	vmul.f32 $1.442695020e+00, v24;
	v24 =	vmax.f32 v62, v27;
	(erf) = vpow2.f32 v31  }
.LBB2_13:
0x18e: {  	p0 =	sne.s32 s30, $0x70;
	v21 =	vadd.f32 v21, v23;
	v23 =	vmul.f32 v19, v15;
	v26 =	vmul.f32 v20, v16;
	s31 =	sadd.s32 $0x10, s31;
	s2 =	sadd.s32 $0x10, s2  }
0x18f: {  	v27 =	vmov s0;
	v28 =	vmul.f32 v19, v17;
	v20 =	vmul.f32 v20, v18;
	s0 =	smov.u32 s30;
	s30 =	sadd.s32 $0x10, s30  }
0x190: {  	v27 =	vshll.u32 v27, $0x7;
	v29 =	vmul.f32 $2.000000030e-01, v21;
	(erf) = vpow2.f32 v25  }
0x191: {  	v25 =	vor.u32 v2, v27;
	v23 =	vadd.f32 v26, v23;
	v20 =	vadd.f32 v20, v28  }
0x192: {  	v24 =	vmul.f32 $1.442695020e+00, v24;
	v26 =	vor.u32 $0x8, v25;
	(erf) = vpow2.f32 v22  }
0x193: {  	v22 =	vor.u32 $0x2, v25;
	v21 =	vmax.f32 v21, v29;
	v30 =	vmul.f32 $2.000000030e-01, v23  }
0x194: {  	v28 =	vor.u32 $0x1, v25;
	v31 =	vmul.f32 $2.000000030e-01, v20;
	(erf) = vpow2.f32 v24  }
0x195: {  	v21 =	vmul.f32 $1.442695020e+00, v21;
	v24 =	vor.u32 $0x9, v25;
	v23 =	vmax.f32 v23, v30;
	v27 =	vpop (erf)  }
0x196: {  	v20 =	vmax.f32 v20, v31;
	v23 =	vmul.f32 $1.442695020e+00, v23;
	v30 =	vmul.f32 v27, v19;
	v29 =	vpop (erf)  }
0x197: {  	v20 =	vmul.f32 $1.442695020e+00, v20;
	[tilespmem:v25+s23+$0x0] =	vst.idx.msk $0xffff, v27;
	v27 =	vor.u32 $0xA, v25;
	(erf) = vpow2.f32 v21  }
0x198: {  	v21 =	vmul.f32 v29, v19;
	[tilespmem:v26+s23+$0x0] =	vst.idx.msk $0xffff, v30;
	v26 =	vor.u32 $0x3, v25;
	(erf) = vpow2.f32 v23  }
0x199: {  	v23 =	vor.u32 $0xB, v25;
	[tilespmem:v28+s23+$0x0] =	vst.idx.msk $0xffff, v29;
	v28 =	vpop (erf)  }
0x19a: {  	[tilespmem:v24+s23+$0x0] =	vst.idx.msk $0xffff, v21;
	v21 =	vmul.f32 v28, v19;
	v24 =	vor.u32 $0x4, v25;
	(erf) = vpow2.f32 v20  }
0x19b: {  	v20 =	vor.u32 $0xC, v25;
	[tilespmem:v22+s23+$0x0] =	vst.idx.msk $0xffff, v28;
	v22 =	vpop (erf)  }
0x19c: {  	[tilespmem:v27+s23+$0x0] =	vst.idx.msk $0xffff, v21;
	v21 =	vmul.f32 v22, v19;
	v27 =	vor.u32 $0x5, v25  }
0x19d: {  	[tilespmem:v26+s23+$0x0] =	vst.idx.msk $0xffff, v22;
	v22 =	vpop (erf)  }
0x19e: {  	[tilespmem:v23+s23+$0x0] =	vst.idx.msk $0xffff, v21;
	v29 =	vmul.f32 v22, v19;
	v23 =	vor.u32 $0xD, v25  }
0x19f: {  	[tilespmem:v24+s23+$0x0] =	vst.idx.msk $0xffff, v22;
	v22 =	vor.u32 $0x6, v25  }
0x1a0: {  	[tilespmem:v20+s23+$0x0] =	vst.idx.msk $0xffff, v29;
	v20 =	vor.u32 $0xE, v25;
	v21 =	vpop (erf)  }
0x1a1: {  	v24 =	vor.u32 $0x7, v25;
	[tilespmem:v27+s23+$0x0] =	vst.idx.msk $0xffff, v21;
	v28 =	vmul.f32 v21, v19;
	v26 =	vpop (erf)  }
0x1a2: {  	v25 =	vor.u32 $0xF, v25;
	v27 =	vmul.f32 v26, v19  }
0x1a3: {  	[tilespmem:v23+s23+$0x0] =	vst.idx.msk $0xffff, v28;
	v21 =	vpop (erf)  }
0x1a4: {  	[tilespmem:v22+s23+$0x0] =	vst.idx.msk $0xffff, v26;
	v19 =	vmul.f32 v21, v19  }
0x1a5: {  	[tilespmem:v20+s23+$0x0] =	vst.idx.msk $0xffff, v27  }
0x1a6: {  	[tilespmem:v24+s23+$0x0] =	vst.idx.msk $0xffff, v21  }
0x1a7: {  	[tilespmem:v25+s23+$0x0] =	vst.idx.msk $0xffff, v19  }
0x1a8: {  	v19 =	vld [tilespmem:s31+$0x0]  }
0x1a9: {  	v21 =	vld [tilespmem:s2+$0x0];
	_ =	sdelay $0x6  }
0x1aa: {  	v20 =	vld.idx.msk [tilespmem:v19+s4+$0x0], $0xffff  }
0x1ab: {  	v19 =	vld.idx.msk [tilespmem:v21+s4+$0x0], $0xffff;
	_ =	sdelay $0x4  }
0x1ac: {  	v22 =	vmul.f32 v20, v12;
	v21 =	vmul.f32 v20, v14  }
0x1ad: {  	v24 =	vmul.f32 v20, v4;
	v23 =	vmul.f32 v19, v3  }
0x1ae: {  	v26 =	vmul.f32 v20, v6;
	v25 =	vmul.f32 v19, v5  }
0x1af: {  	v27 =	vmul.f32 v20, v8;
	v24 =	vadd.f32 v24, v23;
	v23 =	vmul.f32 v19, v7  }
0x1b0: {  	v28 =	vmul.f32 v20, v10;
	v25 =	vadd.f32 v26, v25;
	v26 =	vmul.f32 v19, v9  }
0x1b1: {  	v30 =	vmul.f32 v19, v11;
	v29 =	vmul.f32 $2.000000030e-01, v24;
	v27 =	vadd.f32 v27, v23  }
0x1b2: {  	v31 =	vmul.f32 $2.000000030e-01, v25;
	v26 =	vadd.f32 v28, v26;
	v23 =	vmul.f32 v19, v13  }
.Ltmp5:
0x1b3: {  	v24 =	vmax.f32 v24, v29;
	v28 =	vmul.f32 $2.000000030e-01, v27;
	v29 =	vadd.f32 v22, v30;
	(pc) =	sbr.rel @p0 .LBB2_13-.Ltmp5, $4  }
0x1b4: {  	v30 =	vmul.f32 $2.000000030e-01, v26;
	v22 =	vmul.f32 $1.442695020e+00, v24;
	v24 =	vmax.f32 v25, v31  }
0x1b5: {  	v31 =	vmul.f32 $1.442695020e+00, v24;
	v24 =	vmax.f32 v27, v28;
	v27 =	vmul.f32 $2.000000030e-01, v29  }
0x1b6: {  	v25 =	vmul.f32 $1.442695020e+00, v24;
	v24 =	vmax.f32 v26, v30;
	(erf) = vpow2.f32 v22  }
0x1b7: {  	v22 =	vmul.f32 $1.442695020e+00, v24;
	v24 =	vmax.f32 v29, v27;
	(erf) = vpow2.f32 v31  }
0x1b8: {  	v36 =	vmul.f32 v19, v15;
	v26 =	vmul.f32 v20, v16  }
0x1b9: {  	v21 =	vadd.f32 v21, v23;
	v28 =	vmul.f32 v19, v17;
	v20 =	vmul.f32 v20, v18  }
0x1ba: {  	v27 =	vmov s0;
	(erf) = vpow2.f32 v25;
	v24 =	vmul.f32 $1.442695020e+00, v24  }
0x1bb: {  	v27 =	vshll.u32 v27, $0x7;
	(erf) = vpow2.f32 v22;
	v29 =	vmul.f32 $2.000000030e-01, v21  }
0x1bc: {  	v37 =	vor.u32 v2, v27;
	v23 =	vadd.f32 v26, v36;
	v20 =	vadd.f32 v20, v28  }
0x1bd: {  	(erf) = vpow2.f32 v24;
	v38 =	vor.u32 $0x8, v37;
	v21 =	vmax.f32 v21, v29  }
0x1be: {  	v41 =	vor.u32 $0x1, v37;
	v40 =	vmul.f32 $2.000000030e-01, v23;
	v21 =	vmul.f32 $1.442695020e+00, v21  }
0x1bf: {  	v39 =	vor.u32 $0x2, v37;
	v30 =	vor.u32 $0x9, v37;
	v28 =	vmul.f32 $2.000000030e-01, v20;
	v42 =	vpop (erf)  }
0x1c0: {  	v23 =	vmax.f32 v23, v40;
	(erf) = vpow2.f32 v21;
	v43 =	vmul.f32 v42, v19  }
0x1c1: {  	v45 =	vor.u32 $0xA, v37;
	v23 =	vmul.f32 $1.442695020e+00, v23;
	v44 =	vpop (erf);
	[tilespmem:v37+s23+$0x0] =	vst.idx.msk $0xffff, v42  }
0x1c2: {  	v47 =	vor.u32 $0x3, v37;
	v20 =	vmax.f32 v20, v28;
	v46 =	vmul.f32 v44, v19;
	[tilespmem:v38+s23+$0x0] =	vst.idx.msk $0xffff, v43  }
0x1c3: {  	v48 =	vor.u32 $0xB, v37;
	v20 =	vmul.f32 $1.442695020e+00, v20;
	(erf) = vpow2.f32 v23;
	v49 =	vpop (erf);
	[tilespmem:v41+s23+$0x0] =	vst.idx.msk $0xffff, v44  }
0x1c4: {  	v51 =	vor.u32 $0x4, v37;
	v50 =	vmul.f32 v49, v19;
	[tilespmem:v30+s23+$0x0] =	vst.idx.msk $0xffff, v46  }
0x1c5: {  	(erf) = vpow2.f32 v20;
	v20 =	vor.u32 $0xC, v37;
	v52 =	vpop (erf);
	[tilespmem:v39+s23+$0x0] =	vst.idx.msk $0xffff, v49  }
0x1c6: {  	v53 =	vmul.f32 v52, v19;
	[tilespmem:v45+s23+$0x0] =	vst.idx.msk $0xffff, v50  }
0x1c7: {  	v54 =	vor.u32 $0x5, v37;
	v55 =	vpop (erf);
	[tilespmem:v47+s23+$0x0] =	vst.idx.msk $0xffff, v52  }
0x1c8: {  	v56 =	vor.u32 $0xD, v37;
	v57 =	vmul.f32 v55, v19;
	[tilespmem:v48+s23+$0x0] =	vst.idx.msk $0xffff, v53  }
0x1c9: {  	v58 =	vor.u32 $0x6, v37;
	v60 =	vpop (erf);
	[tilespmem:v51+s23+$0x0] =	vst.idx.msk $0xffff, v55  }
0x1ca: {  	v59 =	vor.u32 $0xE, v37;
	[tilespmem:v20+s23+$0x0] =	vst.idx.msk $0xffff, v57;
	v20 =	vmul.f32 v60, v19  }
0x1cb: {  	v61 =	vor.u32 $0x7, v37  }
0x1cc: {  	v25 =	vor.u32 $0xF, v37;
	v62 =	vpop (erf);
	[tilespmem:v54+s23+$0x0] =	vst.idx.msk $0xffff, v60  }
0x1cd: {  	v63 =	vmul.f32 v62, v19;
	[tilespmem:v56+s23+$0x0] =	vst.idx.msk $0xffff, v20  }
0x1ce: {  	[tilespmem:v58+s23+$0x0] =	vst.idx.msk $0xffff, v62;
	v20 =	vpop (erf)  }
0x1cf: {  	s31 =	sshll.u32 s26, $0x7;
	s26 =	sadd.s32 $0x1, s26;
	[tilespmem:v59+s23+$0x0] =	vst.idx.msk $0xffff, v63;
	v19 =	vmul.f32 v20, v19  }
0x1d0: {  	s0 =	sand.u32 $0x3FFFFF80, s31;
	p0 =	sne.s32 s26, $0x28;
	[tilespmem:v61+s23+$0x0] =	vst.idx.msk $0xffff, v20  }
.Ltmp6:
0x1d1: {  	s0 =	sadd.s32 $0xD780, s0;
	[tilespmem:v25+s23+$0x0] =	vst.idx.msk $0xffff, v19;
	(pc) =	sbr.rel @p0 .LBB2_12-.Ltmp6, $4  }
0x1d2: {  	[spmem:s3] =	stream.indirect.scatter.add.f32 [tilespmem:s23], [sflag:$0x1], $0x10, s0, s21, $0xb8;
	[tilespmem:$0x1FC80] =	vst v63  }
0x1d3: {  	_ =	swait.ge [sflag:s19], $0x800  }
0x1d4: {  	[sflag:s19] =	ssyncset.done $0x0  }
0x1d5: {  	s29 =	sadd.s32 $0x80, s29;
	s28 =	sadd.s32 $0x80, s28;
	[sflag:s19] =	ssyncadd.s32 $0xFFFFF800  }
0x1d6: {  	s26 =	simm.s32 $0x0;
	s28 =	simm.s32 $0xC380  }
0x1d7: {  	[tilespmem:s28], [sflag:$0x1] =	stream.linear.gather [hbm4b:s13+s26], $0x1400, $0x38;
	[tilespmem:$0x1FC80] =	vst v63  }
0x1d8: {  	_ =	swait.ge [sflag:s19], $0x1400  }
0x1d9: {  	[sflag:s19] =	ssyncset.done $0x0  }
0x1da: {  	s29 =	simm.s32 $0xD780;
	[sflag:s19] =	ssyncadd.s32 $0xFFFFEC00  }
0x1db: {  	[tilespmem:s29], [sflag:$0x1] =	stream.linear.gather [hbm4b:s14+s26], $0x1400, $0x38;
	[tilespmem:$0x1FC80] =	vst v63  }
0x1dc: {  	_ =	swait.ge [sflag:s19], $0x1400  }
0x1dd: {  	[sflag:s19] =	ssyncset.done $0x0  }
0x1de: {  	[sflag:s19] =	ssyncadd.s32 $0xFFFFEC00  }
.LBB2_16:
0x1df: {  	v19 =	vld [tilespmem:s29+$0x0]  }
0x1e0: {  	v21 =	vld [tilespmem:s28+$0x0];
	_ =	sdelay $0x6  }
0x1e1: {  	v20 =	vld.idx.msk [tilespmem:v19+s4+$0x0], $0xffff  }
0x1e2: {  	v19 =	vld.idx.msk [tilespmem:v21+s4+$0x0], $0xffff;
	_ =	sdelay $0x4  }
0x1e3: {  	v22 =	vmul.f32 v20, v12;
	v23 =	vmul.f32 v19, v3  }
0x1e4: {  	v24 =	vmul.f32 v20, v4;
	v25 =	vmul.f32 v19, v5  }
0x1e5: {  	v26 =	vmul.f32 v20, v6;
	v27 =	vmul.f32 v20, v8  }
0x1e6: {  	v28 =	vmul.f32 v20, v10;
	v24 =	vadd.f32 v24, v23;
	v23 =	vmul.f32 v19, v7  }
0x1e7: {  	v30 =	vmul.f32 v19, v11;
	v25 =	vadd.f32 v26, v25;
	v26 =	vmul.f32 v19, v9  }
0x1e8: {  	v21 =	vmul.f32 v20, v14;
	v29 =	vmul.f32 $2.000000030e-01, v24;
	v27 =	vadd.f32 v27, v23  }
0x1e9: {  	v62 =	vadd.f32 v22, v30;
	v31 =	vmul.f32 $2.000000030e-01, v25;
	v26 =	vadd.f32 v28, v26  }
0x1ea: {  	v23 =	vmul.f32 v19, v13;
	v24 =	vmax.f32 v24, v29;
	v61 =	vmul.f32 $2.000000030e-01, v27  }
0x1eb: {  	v63 =	vmul.f32 $2.000000030e-01, v26;
	v22 =	vmul.f32 $1.442695020e+00, v24;
	v24 =	vmax.f32 v25, v31  }
0x1ec: {  	v31 =	vmul.f32 $1.442695020e+00, v24;
	v24 =	vmax.f32 v27, v61;
	v27 =	vmul.f32 $2.000000030e-01, v62  }
0x1ed: {  	s30 =	simm.s32 $0x10;
	v25 =	vmul.f32 $1.442695020e+00, v24;
	v24 =	vmax.f32 v26, v63;
	(erf) = vpow2.f32 v22  }
0x1ee: {  	s31 =	smov.u32 s29;
	s2 =	smov.u32 s28;
	s0 =	simm.s32 $0x0;
	v22 =	vmul.f32 $1.442695020e+00, v24;
	v24 =	vmax.f32 v62, v27;
	(erf) = vpow2.f32 v31  }
.LBB2_17:
0x1ef: {  	p0 =	sne.s32 s30, $0x70;
	v21 =	vadd.f32 v21, v23;
	v23 =	vmul.f32 v19, v15;
	v26 =	vmul.f32 v20, v16;
	s31 =	sadd.s32 $0x10, s31;
	s2 =	sadd.s32 $0x10, s2  }
0x1f0: {  	v27 =	vmov s0;
	v28 =	vmul.f32 v19, v17;
	v20 =	vmul.f32 v20, v18;
	s0 =	smov.u32 s30;
	s30 =	sadd.s32 $0x10, s30  }
0x1f1: {  	v27 =	vshll.u32 v27, $0x7;
	v29 =	vmul.f32 $2.000000030e-01, v21;
	(erf) = vpow2.f32 v25  }
0x1f2: {  	v25 =	vor.u32 v2, v27;
	v23 =	vadd.f32 v26, v23;
	v20 =	vadd.f32 v20, v28  }
0x1f3: {  	v24 =	vmul.f32 $1.442695020e+00, v24;
	v26 =	vor.u32 $0x8, v25;
	(erf) = vpow2.f32 v22  }
0x1f4: {  	v22 =	vor.u32 $0x2, v25;
	v21 =	vmax.f32 v21, v29;
	v30 =	vmul.f32 $2.000000030e-01, v23  }
0x1f5: {  	v28 =	vor.u32 $0x1, v25;
	v31 =	vmul.f32 $2.000000030e-01, v20;
	(erf) = vpow2.f32 v24  }
0x1f6: {  	v21 =	vmul.f32 $1.442695020e+00, v21;
	v24 =	vor.u32 $0x9, v25;
	v23 =	vmax.f32 v23, v30;
	v27 =	vpop (erf)  }
0x1f7: {  	v20 =	vmax.f32 v20, v31;
	v23 =	vmul.f32 $1.442695020e+00, v23;
	v30 =	vmul.f32 v27, v19;
	v29 =	vpop (erf)  }
0x1f8: {  	v20 =	vmul.f32 $1.442695020e+00, v20;
	[tilespmem:v25+s23+$0x0] =	vst.idx.msk $0xffff, v27;
	v27 =	vor.u32 $0xA, v25;
	(erf) = vpow2.f32 v21  }
0x1f9: {  	v21 =	vmul.f32 v29, v19;
	[tilespmem:v26+s23+$0x0] =	vst.idx.msk $0xffff, v30;
	v26 =	vor.u32 $0x3, v25;
	(erf) = vpow2.f32 v23  }
0x1fa: {  	v23 =	vor.u32 $0xB, v25;
	[tilespmem:v28+s23+$0x0] =	vst.idx.msk $0xffff, v29;
	v28 =	vpop (erf)  }
0x1fb: {  	[tilespmem:v24+s23+$0x0] =	vst.idx.msk $0xffff, v21;
	v21 =	vmul.f32 v28, v19;
	v24 =	vor.u32 $0x4, v25;
	(erf) = vpow2.f32 v20  }
0x1fc: {  	v20 =	vor.u32 $0xC, v25;
	[tilespmem:v22+s23+$0x0] =	vst.idx.msk $0xffff, v28;
	v22 =	vpop (erf)  }
0x1fd: {  	[tilespmem:v27+s23+$0x0] =	vst.idx.msk $0xffff, v21;
	v21 =	vmul.f32 v22, v19;
	v27 =	vor.u32 $0x5, v25  }
0x1fe: {  	[tilespmem:v26+s23+$0x0] =	vst.idx.msk $0xffff, v22;
	v22 =	vpop (erf)  }
0x1ff: {  	[tilespmem:v23+s23+$0x0] =	vst.idx.msk $0xffff, v21;
	v29 =	vmul.f32 v22, v19;
	v23 =	vor.u32 $0xD, v25  }
0x200: {  	[tilespmem:v24+s23+$0x0] =	vst.idx.msk $0xffff, v22;
	v22 =	vor.u32 $0x6, v25  }
0x201: {  	[tilespmem:v20+s23+$0x0] =	vst.idx.msk $0xffff, v29;
	v20 =	vor.u32 $0xE, v25;
	v21 =	vpop (erf)  }
0x202: {  	v24 =	vor.u32 $0x7, v25;
	[tilespmem:v27+s23+$0x0] =	vst.idx.msk $0xffff, v21;
	v28 =	vmul.f32 v21, v19;
	v26 =	vpop (erf)  }
0x203: {  	v25 =	vor.u32 $0xF, v25;
	v27 =	vmul.f32 v26, v19  }
0x204: {  	[tilespmem:v23+s23+$0x0] =	vst.idx.msk $0xffff, v28;
	v21 =	vpop (erf)  }
0x205: {  	[tilespmem:v22+s23+$0x0] =	vst.idx.msk $0xffff, v26;
	v19 =	vmul.f32 v21, v19  }
0x206: {  	[tilespmem:v20+s23+$0x0] =	vst.idx.msk $0xffff, v27  }
0x207: {  	[tilespmem:v24+s23+$0x0] =	vst.idx.msk $0xffff, v21  }
0x208: {  	[tilespmem:v25+s23+$0x0] =	vst.idx.msk $0xffff, v19  }
0x209: {  	v19 =	vld [tilespmem:s31+$0x0]  }
0x20a: {  	v21 =	vld [tilespmem:s2+$0x0];
	_ =	sdelay $0x6  }
0x20b: {  	v20 =	vld.idx.msk [tilespmem:v19+s4+$0x0], $0xffff  }
0x20c: {  	v19 =	vld.idx.msk [tilespmem:v21+s4+$0x0], $0xffff;
	_ =	sdelay $0x4  }
0x20d: {  	v22 =	vmul.f32 v20, v12;
	v21 =	vmul.f32 v20, v14  }
0x20e: {  	v24 =	vmul.f32 v20, v4;
	v23 =	vmul.f32 v19, v3  }
0x20f: {  	v26 =	vmul.f32 v20, v6;
	v25 =	vmul.f32 v19, v5  }
0x210: {  	v27 =	vmul.f32 v20, v8;
	v24 =	vadd.f32 v24, v23;
	v23 =	vmul.f32 v19, v7  }
0x211: {  	v28 =	vmul.f32 v20, v10;
	v25 =	vadd.f32 v26, v25;
	v26 =	vmul.f32 v19, v9  }
0x212: {  	v30 =	vmul.f32 v19, v11;
	v29 =	vmul.f32 $2.000000030e-01, v24;
	v27 =	vadd.f32 v27, v23  }
0x213: {  	v31 =	vmul.f32 $2.000000030e-01, v25;
	v26 =	vadd.f32 v28, v26;
	v23 =	vmul.f32 v19, v13  }
.Ltmp7:
0x214: {  	v24 =	vmax.f32 v24, v29;
	v28 =	vmul.f32 $2.000000030e-01, v27;
	v29 =	vadd.f32 v22, v30;
	(pc) =	sbr.rel @p0 .LBB2_17-.Ltmp7, $4  }
0x215: {  	v30 =	vmul.f32 $2.000000030e-01, v26;
	v22 =	vmul.f32 $1.442695020e+00, v24;
	v24 =	vmax.f32 v25, v31  }
0x216: {  	v31 =	vmul.f32 $1.442695020e+00, v24;
	v24 =	vmax.f32 v27, v28;
	v27 =	vmul.f32 $2.000000030e-01, v29  }
0x217: {  	v25 =	vmul.f32 $1.442695020e+00, v24;
	v24 =	vmax.f32 v26, v30;
	(erf) = vpow2.f32 v22  }
0x218: {  	v22 =	vmul.f32 $1.442695020e+00, v24;
	v24 =	vmax.f32 v29, v27;
	(erf) = vpow2.f32 v31  }
0x219: {  	v36 =	vmul.f32 v19, v15;
	v26 =	vmul.f32 v20, v16  }
0x21a: {  	v21 =	vadd.f32 v21, v23;
	v28 =	vmul.f32 v19, v17;
	v20 =	vmul.f32 v20, v18  }
0x21b: {  	v27 =	vmov s0;
	(erf) = vpow2.f32 v25;
	v24 =	vmul.f32 $1.442695020e+00, v24  }
0x21c: {  	v27 =	vshll.u32 v27, $0x7;
	(erf) = vpow2.f32 v22;
	v29 =	vmul.f32 $2.000000030e-01, v21  }
0x21d: {  	v37 =	vor.u32 v2, v27;
	v23 =	vadd.f32 v26, v36;
	v20 =	vadd.f32 v20, v28  }
0x21e: {  	(erf) = vpow2.f32 v24;
	v38 =	vor.u32 $0x8, v37;
	v21 =	vmax.f32 v21, v29  }
0x21f: {  	v41 =	vor.u32 $0x1, v37;
	v40 =	vmul.f32 $2.000000030e-01, v23;
	v21 =	vmul.f32 $1.442695020e+00, v21  }
0x220: {  	v39 =	vor.u32 $0x2, v37;
	v30 =	vor.u32 $0x9, v37;
	v28 =	vmul.f32 $2.000000030e-01, v20;
	v42 =	vpop (erf)  }
0x221: {  	v23 =	vmax.f32 v23, v40;
	(erf) = vpow2.f32 v21;
	v43 =	vmul.f32 v42, v19  }
0x222: {  	v45 =	vor.u32 $0xA, v37;
	v23 =	vmul.f32 $1.442695020e+00, v23;
	v44 =	vpop (erf);
	[tilespmem:v37+s23+$0x0] =	vst.idx.msk $0xffff, v42  }
0x223: {  	v47 =	vor.u32 $0x3, v37;
	v20 =	vmax.f32 v20, v28;
	v46 =	vmul.f32 v44, v19;
	[tilespmem:v38+s23+$0x0] =	vst.idx.msk $0xffff, v43  }
0x224: {  	v48 =	vor.u32 $0xB, v37;
	v20 =	vmul.f32 $1.442695020e+00, v20;
	(erf) = vpow2.f32 v23;
	v49 =	vpop (erf);
	[tilespmem:v41+s23+$0x0] =	vst.idx.msk $0xffff, v44  }
0x225: {  	v51 =	vor.u32 $0x4, v37;
	v50 =	vmul.f32 v49, v19;
	[tilespmem:v30+s23+$0x0] =	vst.idx.msk $0xffff, v46  }
0x226: {  	(erf) = vpow2.f32 v20;
	v20 =	vor.u32 $0xC, v37;
	v52 =	vpop (erf);
	[tilespmem:v39+s23+$0x0] =	vst.idx.msk $0xffff, v49  }
0x227: {  	v53 =	vmul.f32 v52, v19;
	[tilespmem:v45+s23+$0x0] =	vst.idx.msk $0xffff, v50  }
0x228: {  	v54 =	vor.u32 $0x5, v37;
	v55 =	vpop (erf);
	[tilespmem:v47+s23+$0x0] =	vst.idx.msk $0xffff, v52  }
0x229: {  	v56 =	vor.u32 $0xD, v37;
	v57 =	vmul.f32 v55, v19;
	[tilespmem:v48+s23+$0x0] =	vst.idx.msk $0xffff, v53  }
0x22a: {  	v58 =	vor.u32 $0x6, v37;
	v60 =	vpop (erf);
	[tilespmem:v51+s23+$0x0] =	vst.idx.msk $0xffff, v55  }
0x22b: {  	v59 =	vor.u32 $0xE, v37;
	[tilespmem:v20+s23+$0x0] =	vst.idx.msk $0xffff, v57;
	v20 =	vmul.f32 v60, v19  }
0x22c: {  	v61 =	vor.u32 $0x7, v37  }
0x22d: {  	v25 =	vor.u32 $0xF, v37;
	v62 =	vpop (erf);
	[tilespmem:v54+s23+$0x0] =	vst.idx.msk $0xffff, v60  }
0x22e: {  	v63 =	vmul.f32 v62, v19;
	[tilespmem:v56+s23+$0x0] =	vst.idx.msk $0xffff, v20  }
0x22f: {  	[tilespmem:v58+s23+$0x0] =	vst.idx.msk $0xffff, v62;
	v20 =	vpop (erf)  }
0x230: {  	s31 =	sshll.u32 s26, $0x7;
	s26 =	sadd.s32 $0x1, s26;
	[tilespmem:v59+s23+$0x0] =	vst.idx.msk $0xffff, v63;
	v19 =	vmul.f32 v20, v19  }
0x231: {  	s0 =	sand.u32 $0x3FFFFF80, s31;
	p0 =	sne.s32 s26, $0x28;
	[tilespmem:v61+s23+$0x0] =	vst.idx.msk $0xffff, v20  }
.Ltmp8:
0x232: {  	s0 =	sadd.s32 $0xD780, s0;
	[tilespmem:v25+s23+$0x0] =	vst.idx.msk $0xffff, v19;
	(pc) =	sbr.rel @p0 .LBB2_16-.Ltmp8, $4  }
0x233: {  	[spmem:s3] =	stream.indirect.scatter.add.f32 [tilespmem:s23], [sflag:$0x1], $0x10, s0, s21, $0xb8;
	[tilespmem:$0x1FC80] =	vst v63  }
0x234: {  	_ =	swait.ge [sflag:s19], $0x800  }
0x235: {  	[sflag:s19] =	ssyncset.done $0x0  }
0x236: {  	s29 =	sadd.s32 $0x80, s29;
	s28 =	sadd.s32 $0x80, s28;
	[sflag:s19] =	ssyncadd.s32 $0xFFFFF800  }
0x237: {  	s26 =	simm.s32 $0x0;
	s28 =	simm.s32 $0xC380  }
0x238: {  	[tilespmem:s28], [sflag:$0x1] =	stream.linear.gather [hbm4b:s15+s26], $0x1400, $0x38;
	[tilespmem:$0x1FC80] =	vst v63  }
0x239: {  	_ =	swait.ge [sflag:s19], $0x1400  }
0x23a: {  	[sflag:s19] =	ssyncset.done $0x0  }
0x23b: {  	s29 =	simm.s32 $0xD780;
	[sflag:s19] =	ssyncadd.s32 $0xFFFFEC00  }
0x23c: {  	[tilespmem:s29], [sflag:$0x1] =	stream.linear.gather [hbm4b:s16+s26], $0x1400, $0x38;
	[tilespmem:$0x1FC80] =	vst v63  }
0x23d: {  	_ =	swait.ge [sflag:s19], $0x1400  }
0x23e: {  	[sflag:s19] =	ssyncset.done $0x0  }
0x23f: {  	[sflag:s19] =	ssyncadd.s32 $0xFFFFEC00  }
.LBB2_20:
0x240: {  	v19 =	vld [tilespmem:s29+$0x0]  }
0x241: {  	v21 =	vld [tilespmem:s28+$0x0];
	_ =	sdelay $0x6  }
0x242: {  	v20 =	vld.idx.msk [tilespmem:v19+s4+$0x0], $0xffff  }
0x243: {  	v19 =	vld.idx.msk [tilespmem:v21+s4+$0x0], $0xffff;
	_ =	sdelay $0x4  }
0x244: {  	v22 =	vmul.f32 v20, v12;
	v23 =	vmul.f32 v19, v3  }
0x245: {  	v24 =	vmul.f32 v20, v4;
	v25 =	vmul.f32 v19, v5  }
0x246: {  	v26 =	vmul.f32 v20, v6;
	v27 =	vmul.f32 v20, v8  }
0x247: {  	v28 =	vmul.f32 v20, v10;
	v24 =	vadd.f32 v24, v23;
	v23 =	vmul.f32 v19, v7  }
0x248: {  	v30 =	vmul.f32 v19, v11;
	v25 =	vadd.f32 v26, v25;
	v26 =	vmul.f32 v19, v9  }
0x249: {  	v21 =	vmul.f32 v20, v14;
	v29 =	vmul.f32 $2.000000030e-01, v24;
	v27 =	vadd.f32 v27, v23  }
0x24a: {  	v62 =	vadd.f32 v22, v30;
	v31 =	vmul.f32 $2.000000030e-01, v25;
	v26 =	vadd.f32 v28, v26  }
0x24b: {  	v23 =	vmul.f32 v19, v13;
	v24 =	vmax.f32 v24, v29;
	v61 =	vmul.f32 $2.000000030e-01, v27  }
0x24c: {  	v63 =	vmul.f32 $2.000000030e-01, v26;
	v22 =	vmul.f32 $1.442695020e+00, v24;
	v24 =	vmax.f32 v25, v31  }
0x24d: {  	v31 =	vmul.f32 $1.442695020e+00, v24;
	v24 =	vmax.f32 v27, v61;
	v27 =	vmul.f32 $2.000000030e-01, v62  }
0x24e: {  	s30 =	simm.s32 $0x10;
	v25 =	vmul.f32 $1.442695020e+00, v24;
	v24 =	vmax.f32 v26, v63;
	(erf) = vpow2.f32 v22  }
0x24f: {  	s31 =	smov.u32 s29;
	s2 =	smov.u32 s28;
	s0 =	simm.s32 $0x0;
	v22 =	vmul.f32 $1.442695020e+00, v24;
	v24 =	vmax.f32 v62, v27;
	(erf) = vpow2.f32 v31  }
.LBB2_21:
0x250: {  	p0 =	sne.s32 s30, $0x70;
	v21 =	vadd.f32 v21, v23;
	v23 =	vmul.f32 v19, v15;
	v26 =	vmul.f32 v20, v16;
	s31 =	sadd.s32 $0x10, s31;
	s2 =	sadd.s32 $0x10, s2  }
0x251: {  	v27 =	vmov s0;
	v28 =	vmul.f32 v19, v17;
	v20 =	vmul.f32 v20, v18;
	s0 =	smov.u32 s30;
	s30 =	sadd.s32 $0x10, s30  }
0x252: {  	v27 =	vshll.u32 v27, $0x7;
	v29 =	vmul.f32 $2.000000030e-01, v21;
	(erf) = vpow2.f32 v25  }
0x253: {  	v25 =	vor.u32 v2, v27;
	v23 =	vadd.f32 v26, v23;
	v20 =	vadd.f32 v20, v28  }
0x254: {  	v24 =	vmul.f32 $1.442695020e+00, v24;
	v26 =	vor.u32 $0x8, v25;
	(erf) = vpow2.f32 v22  }
0x255: {  	v22 =	vor.u32 $0x2, v25;
	v21 =	vmax.f32 v21, v29;
	v30 =	vmul.f32 $2.000000030e-01, v23  }
0x256: {  	v28 =	vor.u32 $0x1, v25;
	v31 =	vmul.f32 $2.000000030e-01, v20;
	(erf) = vpow2.f32 v24  }
0x257: {  	v21 =	vmul.f32 $1.442695020e+00, v21;
	v24 =	vor.u32 $0x9, v25;
	v23 =	vmax.f32 v23, v30;
	v27 =	vpop (erf)  }
0x258: {  	v20 =	vmax.f32 v20, v31;
	v23 =	vmul.f32 $1.442695020e+00, v23;
	v30 =	vmul.f32 v27, v19;
	v29 =	vpop (erf)  }
0x259: {  	v20 =	vmul.f32 $1.442695020e+00, v20;
	[tilespmem:v25+s23+$0x0] =	vst.idx.msk $0xffff, v27;
	v27 =	vor.u32 $0xA, v25;
	(erf) = vpow2.f32 v21  }
0x25a: {  	v21 =	vmul.f32 v29, v19;
	[tilespmem:v26+s23+$0x0] =	vst.idx.msk $0xffff, v30;
	v26 =	vor.u32 $0x3, v25;
	(erf) = vpow2.f32 v23  }
0x25b: {  	v23 =	vor.u32 $0xB, v25;
	[tilespmem:v28+s23+$0x0] =	vst.idx.msk $0xffff, v29;
	v28 =	vpop (erf)  }
0x25c: {  	[tilespmem:v24+s23+$0x0] =	vst.idx.msk $0xffff, v21;
	v21 =	vmul.f32 v28, v19;
	v24 =	vor.u32 $0x4, v25;
	(erf) = vpow2.f32 v20  }
0x25d: {  	v20 =	vor.u32 $0xC, v25;
	[tilespmem:v22+s23+$0x0] =	vst.idx.msk $0xffff, v28;
	v22 =	vpop (erf)  }
0x25e: {  	[tilespmem:v27+s23+$0x0] =	vst.idx.msk $0xffff, v21;
	v21 =	vmul.f32 v22, v19;
	v27 =	vor.u32 $0x5, v25  }
0x25f: {  	[tilespmem:v26+s23+$0x0] =	vst.idx.msk $0xffff, v22;
	v22 =	vpop (erf)  }
0x260: {  	[tilespmem:v23+s23+$0x0] =	vst.idx.msk $0xffff, v21;
	v29 =	vmul.f32 v22, v19;
	v23 =	vor.u32 $0xD, v25  }
0x261: {  	[tilespmem:v24+s23+$0x0] =	vst.idx.msk $0xffff, v22;
	v22 =	vor.u32 $0x6, v25  }
0x262: {  	[tilespmem:v20+s23+$0x0] =	vst.idx.msk $0xffff, v29;
	v20 =	vor.u32 $0xE, v25;
	v21 =	vpop (erf)  }
0x263: {  	v24 =	vor.u32 $0x7, v25;
	[tilespmem:v27+s23+$0x0] =	vst.idx.msk $0xffff, v21;
	v28 =	vmul.f32 v21, v19;
	v26 =	vpop (erf)  }
0x264: {  	v25 =	vor.u32 $0xF, v25;
	v27 =	vmul.f32 v26, v19  }
0x265: {  	[tilespmem:v23+s23+$0x0] =	vst.idx.msk $0xffff, v28;
	v21 =	vpop (erf)  }
0x266: {  	[tilespmem:v22+s23+$0x0] =	vst.idx.msk $0xffff, v26;
	v19 =	vmul.f32 v21, v19  }
0x267: {  	[tilespmem:v20+s23+$0x0] =	vst.idx.msk $0xffff, v27  }
0x268: {  	[tilespmem:v24+s23+$0x0] =	vst.idx.msk $0xffff, v21  }
0x269: {  	[tilespmem:v25+s23+$0x0] =	vst.idx.msk $0xffff, v19  }
0x26a: {  	v19 =	vld [tilespmem:s31+$0x0]  }
0x26b: {  	v21 =	vld [tilespmem:s2+$0x0];
	_ =	sdelay $0x6  }
0x26c: {  	v20 =	vld.idx.msk [tilespmem:v19+s4+$0x0], $0xffff  }
0x26d: {  	v19 =	vld.idx.msk [tilespmem:v21+s4+$0x0], $0xffff;
	_ =	sdelay $0x4  }
0x26e: {  	v22 =	vmul.f32 v20, v12;
	v21 =	vmul.f32 v20, v14  }
0x26f: {  	v24 =	vmul.f32 v20, v4;
	v23 =	vmul.f32 v19, v3  }
0x270: {  	v26 =	vmul.f32 v20, v6;
	v25 =	vmul.f32 v19, v5  }
0x271: {  	v27 =	vmul.f32 v20, v8;
	v24 =	vadd.f32 v24, v23;
	v23 =	vmul.f32 v19, v7  }
0x272: {  	v28 =	vmul.f32 v20, v10;
	v25 =	vadd.f32 v26, v25;
	v26 =	vmul.f32 v19, v9  }
0x273: {  	v30 =	vmul.f32 v19, v11;
	v29 =	vmul.f32 $2.000000030e-01, v24;
	v27 =	vadd.f32 v27, v23  }
0x274: {  	v31 =	vmul.f32 $2.000000030e-01, v25;
	v26 =	vadd.f32 v28, v26;
	v23 =	vmul.f32 v19, v13  }
.Ltmp9:
0x275: {  	v24 =	vmax.f32 v24, v29;
	v28 =	vmul.f32 $2.000000030e-01, v27;
	v29 =	vadd.f32 v22, v30;
	(pc) =	sbr.rel @p0 .LBB2_21-.Ltmp9, $4  }
0x276: {  	v30 =	vmul.f32 $2.000000030e-01, v26;
	v22 =	vmul.f32 $1.442695020e+00, v24;
	v24 =	vmax.f32 v25, v31  }
0x277: {  	v31 =	vmul.f32 $1.442695020e+00, v24;
	v24 =	vmax.f32 v27, v28;
	v27 =	vmul.f32 $2.000000030e-01, v29  }
0x278: {  	v25 =	vmul.f32 $1.442695020e+00, v24;
	v24 =	vmax.f32 v26, v30;
	(erf) = vpow2.f32 v22  }
0x279: {  	v22 =	vmul.f32 $1.442695020e+00, v24;
	v24 =	vmax.f32 v29, v27;
	(erf) = vpow2.f32 v31  }
0x27a: {  	v36 =	vmul.f32 v19, v15;
	v26 =	vmul.f32 v20, v16  }
0x27b: {  	v21 =	vadd.f32 v21, v23;
	v28 =	vmul.f32 v19, v17;
	v20 =	vmul.f32 v20, v18  }
0x27c: {  	v27 =	vmov s0;
	(erf) = vpow2.f32 v25;
	v24 =	vmul.f32 $1.442695020e+00, v24  }
0x27d: {  	v27 =	vshll.u32 v27, $0x7;
	(erf) = vpow2.f32 v22;
	v29 =	vmul.f32 $2.000000030e-01, v21  }
0x27e: {  	v37 =	vor.u32 v2, v27;
	v23 =	vadd.f32 v26, v36;
	v20 =	vadd.f32 v20, v28  }
0x27f: {  	(erf) = vpow2.f32 v24;
	v38 =	vor.u32 $0x8, v37;
	v21 =	vmax.f32 v21, v29  }
0x280: {  	v41 =	vor.u32 $0x1, v37;
	v40 =	vmul.f32 $2.000000030e-01, v23;
	v21 =	vmul.f32 $1.442695020e+00, v21  }
0x281: {  	v39 =	vor.u32 $0x2, v37;
	v30 =	vor.u32 $0x9, v37;
	v28 =	vmul.f32 $2.000000030e-01, v20;
	v42 =	vpop (erf)  }
0x282: {  	v23 =	vmax.f32 v23, v40;
	(erf) = vpow2.f32 v21;
	v43 =	vmul.f32 v42, v19  }
0x283: {  	v45 =	vor.u32 $0xA, v37;
	v23 =	vmul.f32 $1.442695020e+00, v23;
	v44 =	vpop (erf);
	[tilespmem:v37+s23+$0x0] =	vst.idx.msk $0xffff, v42  }
0x284: {  	v47 =	vor.u32 $0x3, v37;
	v20 =	vmax.f32 v20, v28;
	v46 =	vmul.f32 v44, v19;
	[tilespmem:v38+s23+$0x0] =	vst.idx.msk $0xffff, v43  }
0x285: {  	v48 =	vor.u32 $0xB, v37;
	v20 =	vmul.f32 $1.442695020e+00, v20;
	(erf) = vpow2.f32 v23;
	v49 =	vpop (erf);
	[tilespmem:v41+s23+$0x0] =	vst.idx.msk $0xffff, v44  }
0x286: {  	v51 =	vor.u32 $0x4, v37;
	v50 =	vmul.f32 v49, v19;
	[tilespmem:v30+s23+$0x0] =	vst.idx.msk $0xffff, v46  }
0x287: {  	(erf) = vpow2.f32 v20;
	v20 =	vor.u32 $0xC, v37;
	v52 =	vpop (erf);
	[tilespmem:v39+s23+$0x0] =	vst.idx.msk $0xffff, v49  }
0x288: {  	v53 =	vmul.f32 v52, v19;
	[tilespmem:v45+s23+$0x0] =	vst.idx.msk $0xffff, v50  }
0x289: {  	v54 =	vor.u32 $0x5, v37;
	v55 =	vpop (erf);
	[tilespmem:v47+s23+$0x0] =	vst.idx.msk $0xffff, v52  }
0x28a: {  	v56 =	vor.u32 $0xD, v37;
	v57 =	vmul.f32 v55, v19;
	[tilespmem:v48+s23+$0x0] =	vst.idx.msk $0xffff, v53  }
0x28b: {  	v58 =	vor.u32 $0x6, v37;
	v60 =	vpop (erf);
	[tilespmem:v51+s23+$0x0] =	vst.idx.msk $0xffff, v55  }
0x28c: {  	v59 =	vor.u32 $0xE, v37;
	[tilespmem:v20+s23+$0x0] =	vst.idx.msk $0xffff, v57;
	v20 =	vmul.f32 v60, v19  }
0x28d: {  	v61 =	vor.u32 $0x7, v37  }
0x28e: {  	v25 =	vor.u32 $0xF, v37;
	v62 =	vpop (erf);
	[tilespmem:v54+s23+$0x0] =	vst.idx.msk $0xffff, v60  }
0x28f: {  	v63 =	vmul.f32 v62, v19;
	[tilespmem:v56+s23+$0x0] =	vst.idx.msk $0xffff, v20  }
0x290: {  	[tilespmem:v58+s23+$0x0] =	vst.idx.msk $0xffff, v62;
	v20 =	vpop (erf)  }
0x291: {  	s31 =	sshll.u32 s26, $0x7;
	s26 =	sadd.s32 $0x1, s26;
	[tilespmem:v59+s23+$0x0] =	vst.idx.msk $0xffff, v63;
	v19 =	vmul.f32 v20, v19  }
0x292: {  	s0 =	sand.u32 $0x3FFFFF80, s31;
	p0 =	sne.s32 s26, $0x28;
	[tilespmem:v61+s23+$0x0] =	vst.idx.msk $0xffff, v20  }
.Ltmp10:
0x293: {  	s0 =	sadd.s32 $0xD780, s0;
	[tilespmem:v25+s23+$0x0] =	vst.idx.msk $0xffff, v19;
	(pc) =	sbr.rel @p0 .LBB2_20-.Ltmp10, $4  }
0x294: {  	[spmem:s3] =	stream.indirect.scatter.add.f32 [tilespmem:s23], [sflag:$0x1], $0x10, s0, s21, $0xb8;
	[tilespmem:$0x1FC80] =	vst v63  }
0x295: {  	_ =	swait.ge [sflag:s19], $0x800  }
0x296: {  	[sflag:s19] =	ssyncset.done $0x0  }
0x297: {  	s29 =	sadd.s32 $0x80, s29;
	s28 =	sadd.s32 $0x80, s28;
	[sflag:s19] =	ssyncadd.s32 $0xFFFFF800  }
0x298: {  	[bflag:$0x0] =	sbarrier.arrive $0xFFFF;
	s0 =	simm.s32 $0x0  }
.LBB2_24:
0x299: {  	s2 =	sshll.u32 s0, $0x7  }
0x29a: {  	s2 =	sadd.s32 s5, s2  }
0x29b: {  	v3 =	vor.u32 s2, v0;
	s26 =	sor.u32 $0x10, s2  }
0x29c: {  	s30 =	sor.u32 $0x20, s2;
	[tilespmem:$0x13400] =	vst v3;
	v3 =	vor.u32 s26, v0  }
0x29d: {  	s31 =	sor.u32 $0x30, s2;
	[tilespmem:$0x13410] =	vst v3;
	v3 =	vor.u32 s30, v0  }
0x29e: {  	s29 =	sor.u32 $0x40, s2;
	[tilespmem:$0x13420] =	vst v3;
	v3 =	vor.u32 s31, v0  }
0x29f: {  	s30 =	sor.u32 $0x50, s2;
	[tilespmem:$0x13430] =	vst v3;
	v3 =	vor.u32 s29, v0  }
0x2a0: {  	s31 =	sor.u32 $0x60, s2;
	[tilespmem:$0x13440] =	vst v3;
	v3 =	vor.u32 s30, v0  }
0x2a1: {  	s2 =	sor.u32 $0x70, s2;
	[tilespmem:$0x13450] =	vst v3;
	v3 =	vor.u32 s31, v0  }
0x2a2: {  	[tilespmem:$0x13460] =	vst v3;
	v3 =	vor.u32 s2, v0  }
0x2a3: {  	s2 =	simm.s32 $0xEB80;
	[tilespmem:$0x13470] =	vst v3  }
0x2a4: {  	[tilespmem:s2], [sflag:$0x1] =	stream.indirect.gather [spmem:s3], $0x10, s22, s21, $0xb8;
	[tilespmem:$0x1FC80] =	vst v63  }
0x2a5: {  	_ =	swait.ge [sflag:s19], $0x800  }
0x2a6: {  	[sflag:s19] =	ssyncset.done $0x0  }
0x2a7: {  	[sflag:s19] =	ssyncadd.s32 $0xFFFFF800  }
0x2a8: {  	v3 =	vld [tilespmem:s2+$0x0];
	_ =	sdelay $0x2  }
0x2a9: {  	s28 =	simm.s32 $0x0;
	s26 =	simm.s32 $0x40  }
.LBB2_25:
0x2aa: {  	p0 =	sne.s32 s26, $0x1FC0  }
0x2ab: {  	[tilespmem:s28+$0x12C00] =	vst v3;
	s2 =	sadd.s32 $0x80, s2;
	s28 =	smov.u32 s26;
	s26 =	sadd.s32 $0x40, s26  }
.Ltmp11:
0x2ac: {  	v3 =	vld [tilespmem:s2+$0x0];
	(pc) =	sbr.rel @p0 .LBB2_25-.Ltmp11, $2  }
0x2ad: {  	_ =	sdelay $0x2  }
0x2ae: {  	s28 =	sshra.s32 s28, $0x2  }
0x2af: {  	s2 =	sshll.u32 s0, $0x8;
	s0 =	sadd.s32 $0x1, s0  }
0x2b0: {  	p0 =	sne.s32 s0, $0x19  }
.Ltmp12:
0x2b1: {  	[tilespmem:s28+$0x12C00] =	vst v3;
	s2 =	sadd.s32 s2, s17;
	(pc) =	sbr.rel @p0 .LBB2_24-.Ltmp12, $4  }
0x2b2: {  	[hbm4b:s2+s4] =	stream.linear.scatter [tilespmem:s24], [sflag:$0x1], $0x800, $0x38;
	[tilespmem:$0x1FC80] =	vst v63  }
0x2b3: {  	_ =	swait.ge [sflag:s19], $0x800  }
0x2b4: {  	[sflag:s19] =	ssyncset.done $0x0  }
0x2b5: {  	[sflag:s19] =	ssyncadd.s32 $0xFFFFF800  }
0x2b6: {  	s25 =	sadd.s32 $0x1, s25  }
0x2b7: {  	p0 =	sne.s32 s25, s18  }
.Ltmp13:
0x2b8: {  	_ = 	snop;
	(pc) =	sbr.rel @p0 .LBB2_1-.Ltmp13, $1  }
0x2b9: {  	_ =	sdelay $0x3  }
0x2ba: {  	_ =	sfence.sel $0x180000  }
0x2bb: {  	[bflag:$0x0] =	sbarrier.arrive $0xFFFF  }
0x2bc: {  	_ =	strace $0x90000047  }
0x2bd: {  	s0 =	stileid.u32;
	[bflag:$0x2] =	sbarrier.arrive $0xFFFF  }
0x2be: {  	p0 =	sne.s32 s0, $0x0;
	s0 =	rddreg [dreg:$0x3]  }
0x2bf: {  	s0 =	sadd.s32 @!p0 $0x100000, s0  }
0x2c0: {  	[sflag:s0] =	ssyncadd.tile.s32 @!p0 $0x1;
	_ =	shalt  }
.Lfunc_end2:
_tile_overlayer_lowered:
.L_overlay_start_2:
0x2c1: {  	(tag) =	ssettag $0x2  }
0x2c2: {  	s0 =	rddreg [dreg:$0x0];
	s2 =	stileid.u32  }
0x2c3: {  	s1 =	rddreg [dreg:$0x1];
	p0 =	sne.s32 s2, $0x0  }
0x2c4: {  	s3 =	rddreg [dreg:$0x2];
	[bflag:$0x3] =	sbarrier.arrive $0xFFFF;
	s2 =	simm.s32 @!p0 $0x1C01  }
0x2c5: {  	[timem:s3], [sflag:s2] =	dma.local @!p0 [hbm:s0], s1  }
0x2c6: {  	s0 =	simm.s32 @!p0 $0x1  }
0x2c7: {  	_ =	swait.ge @!p0 [sflag:s0], s1  }
0x2c8: {  	s1 =	ssub.s32 @!p0 $0x0, s1;
	[sflag:s0] =	ssyncset.done @!p0 $0x0  }
0x2c9: {  	[sflag:s0] =	ssyncadd.s32 @!p0 s1  }
0x2ca: {  	[bflag:$0x3] =	sbarrier.arrive $0xFFFF  }
0x2cb: {  	_ =	shalt  }

// kernel: kernel.9.cloned.1.call-start
scs
__scs_entry_jumppad:
0x0: {  	(pc) =	sbr.rel $0x88, $3  }
0x1: {  	(tag) =	ssettag $0x0;
	lr =	simm.s32 $0x1  }
0x2: {  	[smem:$0x3F97] =	sst lr;
	_ =	strace $0xD0000000  }
0x3: {  	_ = 	snop  }
0x4: {  	_ = 	snop  }
0x5: {  	_ = 	snop  }
0x6: {  	_ = 	snop  }
0x7: {  	_ = 	snop  }
__scs_overlays_trampoline_lowered:
0x8: {  	[smem:$0x3FA6] =	sst s0  }
0x9: {  	[smem:$0x3FA7] =	sst s1  }
0xa: {  	[smem:$0x3FA8] =	sst s2  }
0xb: {  	[smem:$0x3FA9] =	sst s3  }
0xc: {  	[smem:$0x3FAA] =	sst s4  }
0xd: {  	[smem:$0x3FAB] =	sst s5  }
0xe: {  	[smem:$0x3FAC] =	sst s6  }
0xf: {  	[smem:$0x3FAD] =	sst s7  }
0x10: {  	[smem:$0x3FAE] =	sst s8  }
0x11: {  	[smem:$0x3FAF] =	sst s9;
	s0 =	simm.s32 @!p0 $0x0  }
0x12: {  	s1 =	sld [smem:$0x3F95];
	s0 =	simm.s32 @p0 $0x1  }
0x13: {  	[smem:$0x3FB0] =	sst s0;
	s0 =	simm.s32 @!p1 $0x0  }
0x14: {  	s2 =	sld [smem:$0x3F94];
	s0 =	simm.s32 @p1 $0x1  }
0x15: {  	[smem:$0x3FB1] =	sst s0;
	s0 =	simm.s32 @!p2 $0x0  }
0x16: {  	s3 =	sld [smem:$0x3FDB];
	s0 =	simm.s32 @p2 $0x1  }
0x17: {  	s4 =	simm.s32 $0x1BF5;
	[smem:$0x3FB3] =	sst s0  }
0x18: {  	s0 =	sld [smem:$0x3F96];
	_ =	swait.ge [sflag:s4], $0x0  }
0x19: {  	s7 =	sld [smem:$0x3F97]  }
0x1a: {  	s8 =	sadd.s32 $0xFFFFE003, lr  }
0x1b: {  	s9 =	sadd.s32 $0xFFFFFEF7, lr;
	s5 =	simm.s32 $0xFFFFFFFF;
	p2 =	slt.u32 s8, $0xFFFFF086  }
0x1c: {  	p1 =	slt.u32 s9, $0xF7A;
	s5 =	simm.s32 @!p2 $0x0  }
0x1d: {  	s5 =	simm.s32 @p1 $0x1;
	p0 =	seq.s32 s7, s2  }
0x1e: {  	s7 =	smul.u32 @!p0 $0xF7A, s2;
	p2 =	seq.s32 @!p0 s5, $0x0  }
0x1f: {  	s9 =	smul.u32 $0xF7A, s1;
	s8 =	simm.s32 @!p0 $0x1BF5;
	p2 =	por !p2, p0  }
0x20: {  	[sflag:s8] =	ssyncset.s32 @!p0 $0xFFFFF086;
	s6 =	sadd.s32 @!p0 s3, s7;
	s7 =	simm.s32 @!p0 $0x108  }
0x21: {  	s3 =	sadd.s32 s3, s9;
	s6 =	sadd.s32 @!p0 $0x88, s6;
	s7 =	simm.s32 @p2 $0x1082  }
0x22: {  	[simem:s7], [sflag:s8] =	dma.local @!p0 [hbm:s6], $0xF7A  }
0x23: {  	s9 =	sor.u32 $0xD0000000, s2;
	s6 =	simm.s32 $0x108;
	_ =	swait.ge @!p0 [sflag:s8], $0x0  }
0x24: {  	s3 =	sadd.s32 $0x88, s3;
	s6 =	simm.s32 @!p1 $0x1082;
	[sflag:s4] =	ssyncset.s32 $0xFFFFF086  }
0x25: {  	[simem:s6], [sflag:s4] =	dma.local [hbm:s3], $0xF7A  }
0x26: {  	[smem:$0x3F97] =	sst s1;
	(tag) =	ssettag s2;
	_ =	strace s9  }
0x27: {  	s1 =	sld [smem:$0x3FA7]  }
0x28: {  	s2 =	sld [smem:$0x3FA8]  }
0x29: {  	s4 =	sld [smem:$0x3FAA]  }
0x2a: {  	p0 =	seq.s32 s5, $0x0;
	s5 =	sld [smem:$0x3FAB]  }
0x2b: {  	s6 =	sld [smem:$0x3FAC]  }
0x2c: {  	s7 =	sld [smem:$0x3FAD]  }
0x2d: {  	s3 =	simm.s32 $0x108;
	s8 =	sld [smem:$0x3FAE]  }
0x2e: {  	s3 =	simm.s32 @!p0 $0x1082;
	s9 =	sld [smem:$0x3FAF]  }
0x2f: {  	lr =	sadd.s32 s0, s3;
	s0 =	sld [smem:$0x3FA6]  }
0x30: {  	s3 =	sld [smem:$0x3FA9]  }
0x31: {  	[smem:$0x3FB2] =	sst s10  }
0x32: {  	s10 =	sld [smem:$0x3FB0];
	_ =	sdelay $0x3  }
0x33: {  	p0 =	seq.s32 s10, $0x1;
	s10 =	sld [smem:$0x3FB2];
	_ =	sdelay $0x3  }
0x34: {  	[smem:$0x3FB2] =	sst s10  }
0x35: {  	s10 =	sld [smem:$0x3FB1];
	_ =	sdelay $0x3  }
0x36: {  	p1 =	seq.s32 s10, $0x1;
	s10 =	sld [smem:$0x3FB2];
	_ =	sdelay $0x3  }
0x37: {  	[smem:$0x3FB2] =	sst s10  }
0x38: {  	s10 =	sld [smem:$0x3FB3]  }
0x39: {  	_ = 	snop;
	(pc) =	sbr.ind lr, $3  }
0x3a: {  	_ = 	snop  }
0x3b: {  	_ = 	snop  }
0x3c: {  	p2 =	seq.s32 s10, $0x1;
	s10 =	sld [smem:$0x3FB2]  }
0x3d: {  	_ =	shalt  }
0x3e: {  	_ =	shalt  }
0x3f: {  	_ =	shalt  }
0x40: {  	_ =	shalt  }
0x41: {  	_ =	shalt  }
0x42: {  	_ =	shalt  }
0x43: {  	_ =	shalt  }
0x44: {  	_ =	shalt  }
0x45: {  	_ =	shalt  }
0x46: {  	_ =	shalt  }
0x47: {  	_ =	shalt  }
0x48: {  	_ =	shalt  }
0x49: {  	_ =	shalt  }
0x4a: {  	_ =	shalt  }
0x4b: {  	_ =	shalt  }
0x4c: {  	_ =	shalt  }
0x4d: {  	_ =	shalt  }
0x4e: {  	_ =	shalt  }
0x4f: {  	_ =	shalt  }
0x50: {  	_ =	shalt  }
0x51: {  	_ =	shalt  }
0x52: {  	_ =	shalt  }
0x53: {  	_ =	shalt  }
0x54: {  	_ =	shalt  }
0x55: {  	_ =	shalt  }
0x56: {  	_ =	shalt  }
0x57: {  	_ =	shalt  }
0x58: {  	_ =	shalt  }
0x59: {  	_ =	shalt  }
0x5a: {  	_ =	shalt  }
0x5b: {  	_ =	shalt  }
0x5c: {  	_ =	shalt  }
0x5d: {  	_ =	shalt  }
0x5e: {  	_ =	shalt  }
0x5f: {  	_ =	shalt  }
0x60: {  	_ =	shalt  }
0x61: {  	_ =	shalt  }
0x62: {  	_ =	shalt  }
0x63: {  	_ =	shalt  }
0x64: {  	_ =	shalt  }
0x65: {  	_ =	shalt  }
0x66: {  	_ =	shalt  }
0x67: {  	_ =	shalt  }
0x68: {  	_ =	shalt  }
0x69: {  	_ =	shalt  }
0x6a: {  	_ =	shalt  }
0x6b: {  	_ =	shalt  }
0x6c: {  	_ =	shalt  }
0x6d: {  	_ =	shalt  }
0x6e: {  	_ =	shalt  }
0x6f: {  	_ =	shalt  }
0x70: {  	_ =	shalt  }
0x71: {  	_ =	shalt  }
0x72: {  	_ =	shalt  }
0x73: {  	_ =	shalt  }
0x74: {  	_ =	shalt  }
0x75: {  	_ =	shalt  }
0x76: {  	_ =	shalt  }
0x77: {  	_ =	shalt  }
0x78: {  	_ =	shalt  }
0x79: {  	_ =	shalt  }
0x7a: {  	_ =	shalt  }
0x7b: {  	_ =	shalt  }
0x7c: {  	_ =	shalt  }
0x7d: {  	_ =	shalt  }
0x7e: {  	_ =	shalt  }
0x7f: {  	_ =	shalt  }
0x80: {  	_ =	shalt  }
0x81: {  	_ =	shalt  }
0x82: {  	_ =	shalt  }
0x83: {  	_ =	shalt  }
0x84: {  	_ =	shalt  }
0x85: {  	_ =	shalt  }
0x86: {  	_ =	shalt  }
0x87: {  	_ =	shalt  }
.Lfunc_end0:
.L_simem_size_0:
called_computation.1_lowered:
.L_overlay_start_0:
0x88: {  	s2 =	sld [smem:$0x3FD9]  }
0x89: {  	s3 =	sld [smem:$0x3FFE];
	_ =	sdelay $0x1  }
0x8a: {  	s1 =	srdreg.scid  }
0x8b: {  	s0 =	sand.u32 $0x1, s1  }
0x8c: {  	s16 =	sshll.u32 s0, $0xA;
	s2 =	sadd.s32 s3, s2  }
0x8d: {  	s2 =	sadd.s32 s2, s16  }
0x8e: {  	[smem:$0x3FBE] =	sst s2  }
0x8f: {  	_ = 	snop  }
0x90: {  	(tm) =	ssettm $0x1  }
0x91: {  	s17 =	sld [smem:$0x3FFB];
	_ =	sdelay $0x3  }
0x92: {  	_ =	strace s17  }
0x93: {  	s2 =	sld [smem:$0x3FFC];
	_ =	sdelay $0x3  }
0x94: {  	_ =	strace s2  }
0x95: {  	s2 =	sld [smem:$0x3FFD];
	_ =	sdelay $0x3  }
0x96: {  	_ =	strace s2  }
0x97: {  	_ =	strace $0x8FFFFFFF  }
0x98: {  	s18 =	sld [smem:$0x3FDB];
	_ =	sdelay $0x1  }
0x99: {  	s19 =	simm.s32 $_scs_section_size  }
0x9a: {  	s4 =	simm.s32 $_size__tile_overlayer_lowered;
	s5 =	simm.s32 $_tile_overlayer_lowered  }
0x9b: {  	s22 =	simm.s32 $0x1BFF;
	s21 =	sshll.u32 s5, $0x1;
	s2 =	sadd.s32 s19, s18  }
0x9c: {  	s6 =	simm.s32 $0x0;
	s20 =	sshll.u32 s4, $0x1;
	s4 =	sadd.s32 s21, s2  }
0x9d: {  	[timem:s6], [sflag:s22] =	dma.local [hbm:s4], s20  }
0x9e: {  	_ =	swait.ge [sflag:s22], s20  }
0x9f: {  	s3 =	ssub.s32 $0x0, s20;
	[sflag:s22] =	ssyncset.done $0x0  }
0xa0: {  	[sflag:s22] =	ssyncadd.s32 s3;
	_ =	sdelay $0x1  }
0xa1: {  	s23 =	simm.s32 $0x1B8B  }
0xa2: {  	_ =	swait.ge [sflag:s23], $0x1  }
0xa3: {  	[sflag:s23] =	ssyncset.done $0x0  }
0xa4: {  	s25 =	simm.s32 $0x1B8E;
	s24 =	sld [smem:$0x3FFE];
	[sflag:s23] =	ssyncadd.s32 $0xFFFFFFFF  }
0xa5: {  	s26 =	simm.s32 $execute0_lowered;
	[smem:$0x3FD2] =	sst s25  }
0xa6: {  	s4 =	sshll.u32 s26, $0x1;
	_ =	strace $0x80000049;
	[dreg:$0x1] =	wrdreg $0xFFFFFFFF  }
0xa7: {  	s28 =	simm.s32 $_size_execute0_lowered;
	s2 =	sadd.s32 s2, s4;
	[dreg:$0x0] =	wrdreg $0x0  }
0xa8: {  	s4 =	sshll.u32 s28, $0x1;
	[dreg:$0x2] =	wrdreg s2  }
0xa9: {  	[dreg:$0x3] =	wrdreg s4  }
0xaa: {  	[dreg:$0x4] =	wrdreg $0xC0  }
0xab: {  	_ =	task [dreg:s6], $0x5FFFF  }
0xac: {  	[dreg:$0x1] =	wrdreg $0xFFFFFFFF  }
0xad: {  	[dreg:$0x0] =	wrdreg $0x60  }
0xae: {  	[dreg:$0x2] =	wrdreg s24  }
0xaf: {  	[dreg:$0x3] =	wrdreg $0x134800  }
0xb0: {  	[dreg:$0x4] =	wrdreg $0x9  }
0xb1: {  	_ =	task.clear_ibuf [dreg:s6], $0x5FFFF;
	_ =	strace $0x90000049  }
0xb2: {  	s29 =	simm.s32 $0x9;
	_ =	strace $0x8000004B  }
0xb3: {  	_ =	swait.ge [sflag:s29], $0x1  }
0xb4: {  	[sflag:s29] =	ssyncadd.s32 $0xFFFFFFFF  }
0xb5: {  	_ =	strace $0x9000004B  }
0xb6: {  	_ =	sfence  }
0xb7: {  	s30 =	sld [smem:$0x0];
	_ =	sdelay $0x2  }
0xb8: {  	s31 =	sshll.u32 s1, $0xD;
	s1 =	sshrl.u32 s1, $0x2  }
0xb9: {  	s3 =	sand.u32 $0x4000, s31;
	s1 =	sadd.s32 s1, s30  }
0xba: {  	s0 =	sor.u32 s3, s0;
	s1 =	sshll.u32 s1, $0x11  }
0xbb: {  	s0 =	sor.u32 s1, s0  }
0xbc: {  	s0 =	sadd.s32 $0x8F2B, s0  }
0xbd: {  	[sflag:s0] =	ssyncadd.remote.s32 $0x1  }
0xbe: {  	_ =	sfence.sel $0xFFFF  }
0xbf: {  	[dreg:$0x0] =	wrdreg $0xFFFFFFFF;
	(pc) =	sbr.abs _section_cstart, $3  }
0xc0: {  	[dreg:$0x1] =	wrdreg $0xFFFFFFFF  }
0xc1: {  	_ =	task.clear_ibuf [dreg:s6], $0x2FFFF;
	_ =	strace $0x9FFFFFFF  }
0xc2: {  	(tm) =	ssettm $0x7FFFFFFF  }
0xc3: {  	_ =	shalt  }
tec
execute0_lowered:
.L_overlay_start_1:
0x0: {  	(tag) =	ssettag $0x1  }
0x1: {  	s0 =	rddreg [dreg:$0x0]  }
0x2: {  	s1 =	rddreg [dreg:$0x1];
	s3 =	simm.s32 $0x0  }
0x3: {  	s2 =	srdreg.scid;
	s8 =	stileid.u32;
	s19 =	simm.s32 $0x1  }
0x4: {  	s20 =	simm.s32 $0x12B80;
	s21 =	simm.s32 $0x80;
	s22 =	simm.s32 $0x13400  }
0x5: {  	s23 =	simm.s32 $0xEB80;
	s24 =	simm.s32 $0x12C00;
	s25 =	simm.s32 $0x0  }
0x6: {  	[smem:$0x7FF] =	sst s3;
	s2 =	sand.u32 $0x1, s2;
	s4 =	smul.u32 $0xC80, s8  }
0x7: {  	s5 =	sadd.s32 $0x12E000, s0;
	s15 =	sadd.s32 $0x19200, s0;
	s6 =	sshll.u32 s2, $0x4  }
0x8: {  	s16 =	sadd.s32 $0x200, s0;
	s7 =	smul.u32 $0xC800, s2;
	s8 =	sor.u32 s8, s6  }
0x9: {  	_ =	strace $0x8000004A;
	s2 =	ssub.s32 $0x2, s2;
	s9 =	smul.u32 $0x6400, s8  }
0xa: {  	s31 =	sshrl.u32 s2, $0x1;
	s7 =	sadd.s32 s4, s7;
	s8 =	smul.u32 $0xC80, s8  }
0xb: {  	s6 =	sadd.s32 $0x12DE00, s0;
	s2 =	ssub.s32 s2, s31;
	s7 =	sshll.u32 s7, $0x1  }
0xc: {  	s0 =	sadd.s32 s7, s0;
	s14 =	sshrl.u32 s9, $0x3;
	s7 =	sadd.s32 s15, s8  }
0xd: {  	s8 =	sadd.s32 s16, s8;
	s10 =	sadd.s32 $0x280, s14;
	s12 =	sadd.s32 $0x500, s14  }
0xe: {  	s17 =	sadd.s32 $0x780, s14;
	s18 =	sadd.s32 $0xA00, s14;
	s9 =	sadd.s32 s15, s10  }
0xf: {  	s10 =	sadd.s32 s16, s10;
	s11 =	sadd.s32 s15, s12;
	s12 =	sadd.s32 s16, s12  }
0x10: {  	v0 =	vlaneseq.u32;
	s13 =	sadd.s32 s15, s17;
	s14 =	sadd.s32 s16, s17;
	s15 =	sadd.s32 s15, s18  }
0x11: {  	v1 =	vimm.f32 $0.0e+00;
	v2 =	vmul.u32 $0x80, v0;
	s16 =	sadd.s32 s16, s18;
	s17 =	sadd.s32 $0x12FA00, s0;
	s18 =	smax.u32 s2, $0x1  }
.LBB2_1:
0x12: {  	[tilespmem:s3], [sflag:$0x1] =	stream.linear.gather [hbm4b:s5+s3], $0xC380, $0x38;
	[tilespmem:$0x1FC80] =	vst v63  }
0x13: {  	_ =	swait.ge [sflag:s19], $0xC380  }
0x14: {  	[sflag:s19] =	ssyncset.done $0x0  }
0x15: {  	[sflag:s19] =	ssyncadd.s32 $0xFFFF3C80  }
0x16: {  	[tilespmem:s20], [sflag:$0x1] =	stream.linear.gather [hbm4b:s6+s3], $0x80, $0x38;
	[tilespmem:$0x1FC80] =	vst v63  }
0x17: {  	_ =	swait.ge [sflag:s19], $0x80  }
0x18: {  	[sflag:s19] =	ssyncset.done $0x0  }
0x19: {  	[sflag:s19] =	ssyncadd.s32 $0xFFFFFF80  }
0x1a: {  	[tilespmem:$0xEB80] =	vst v1  }
0x1b: {  	[tilespmem:$0xEC00] =	vst v1  }
0x1c: {  	[tilespmem:$0xEC80] =	vst v1  }
0x1d: {  	[tilespmem:$0xED00] =	vst v1  }
0x1e: {  	[tilespmem:$0xED80] =	vst v1  }
0x1f: {  	[tilespmem:$0xEE00] =	vst v1  }
0x20: {  	[tilespmem:$0xEE80] =	vst v1  }
0x21: {  	[tilespmem:$0xEF00] =	vst v1  }
0x22: {  	[tilespmem:$0xEF80] =	vst v1  }
0x23: {  	[tilespmem:$0xF000] =	vst v1  }
0x24: {  	[tilespmem:$0xF080] =	vst v1  }
0x25: {  	[tilespmem:$0xF100] =	vst v1  }
0x26: {  	[tilespmem:$0xF180] =	vst v1  }
0x27: {  	[tilespmem:$0xF200] =	vst v1  }
0x28: {  	[tilespmem:$0xF280] =	vst v1  }
0x29: {  	[tilespmem:$0xF300] =	vst v1  }
0x2a: {  	[tilespmem:$0xF380] =	vst v1  }
0x2b: {  	[tilespmem:$0xF400] =	vst v1  }
0x2c: {  	[tilespmem:$0xF480] =	vst v1  }
0x2d: {  	[tilespmem:$0xF500] =	vst v1  }
0x2e: {  	[tilespmem:$0xF580] =	vst v1  }
0x2f: {  	[tilespmem:$0xF600] =	vst v1  }
0x30: {  	[tilespmem:$0xF680] =	vst v1  }
0x31: {  	[tilespmem:$0xF700] =	vst v1  }
0x32: {  	[tilespmem:$0xF780] =	vst v1  }
0x33: {  	[tilespmem:$0xF800] =	vst v1  }
0x34: {  	[tilespmem:$0xF880] =	vst v1  }
0x35: {  	[tilespmem:$0xF900] =	vst v1  }
0x36: {  	[tilespmem:$0xF980] =	vst v1  }
0x37: {  	[tilespmem:$0xFA00] =	vst v1  }
0x38: {  	[tilespmem:$0xFA80] =	vst v1  }
0x39: {  	[tilespmem:$0xFB00] =	vst v1  }
0x3a: {  	[tilespmem:$0xFB80] =	vst v1  }
0x3b: {  	[tilespmem:$0xFC00] =	vst v1  }
0x3c: {  	[tilespmem:$0xFC80] =	vst v1  }
0x3d: {  	[tilespmem:$0xFD00] =	vst v1  }
0x3e: {  	[tilespmem:$0xFD80] =	vst v1  }
0x3f: {  	[tilespmem:$0xFE00] =	vst v1  }
0x40: {  	[tilespmem:$0xFE80] =	vst v1  }
0x41: {  	[tilespmem:$0xFF00] =	vst v1  }
0x42: {  	[tilespmem:$0xFF80] =	vst v1  }
0x43: {  	[tilespmem:$0x10000] =	vst v1  }
0x44: {  	[tilespmem:$0x10080] =	vst v1  }
0x45: {  	[tilespmem:$0x10100] =	vst v1  }
0x46: {  	[tilespmem:$0x10180] =	vst v1  }
0x47: {  	[tilespmem:$0x10200] =	vst v1  }
0x48: {  	[tilespmem:$0x10280] =	vst v1  }
0x49: {  	[tilespmem:$0x10300] =	vst v1  }
0x4a: {  	[tilespmem:$0x10380] =	vst v1  }
0x4b: {  	[tilespmem:$0x10400] =	vst v1  }
0x4c: {  	[tilespmem:$0x10480] =	vst v1  }
0x4d: {  	[tilespmem:$0x10500] =	vst v1  }
0x4e: {  	[tilespmem:$0x10580] =	vst v1  }
0x4f: {  	[tilespmem:$0x10600] =	vst v1  }
0x50: {  	[tilespmem:$0x10680] =	vst v1  }
0x51: {  	[tilespmem:$0x10700] =	vst v1  }
0x52: {  	[tilespmem:$0x10780] =	vst v1  }
0x53: {  	[tilespmem:$0x10800] =	vst v1  }
0x54: {  	[tilespmem:$0x10880] =	vst v1  }
0x55: {  	[tilespmem:$0x10900] =	vst v1  }
0x56: {  	[tilespmem:$0x10980] =	vst v1  }
0x57: {  	[tilespmem:$0x10A00] =	vst v1  }
0x58: {  	[tilespmem:$0x10A80] =	vst v1  }
0x59: {  	[tilespmem:$0x10B00] =	vst v1  }
0x5a: {  	[tilespmem:$0x10B80] =	vst v1  }
0x5b: {  	[tilespmem:$0x10C00] =	vst v1  }
0x5c: {  	[tilespmem:$0x10C80] =	vst v1  }
0x5d: {  	[tilespmem:$0x10D00] =	vst v1  }
0x5e: {  	[tilespmem:$0x10D80] =	vst v1  }
0x5f: {  	[tilespmem:$0x10E00] =	vst v1  }
0x60: {  	[tilespmem:$0x10E80] =	vst v1  }
0x61: {  	[tilespmem:$0x10F00] =	vst v1  }
0x62: {  	[tilespmem:$0x10F80] =	vst v1  }
0x63: {  	[tilespmem:$0x11000] =	vst v1  }
0x64: {  	[tilespmem:$0x11080] =	vst v1  }
0x65: {  	[tilespmem:$0x11100] =	vst v1  }
0x66: {  	[tilespmem:$0x11180] =	vst v1  }
0x67: {  	[tilespmem:$0x11200] =	vst v1  }
0x68: {  	[tilespmem:$0x11280] =	vst v1  }
0x69: {  	[tilespmem:$0x11300] =	vst v1  }
0x6a: {  	[tilespmem:$0x11380] =	vst v1  }
0x6b: {  	[tilespmem:$0x11400] =	vst v1  }
0x6c: {  	[tilespmem:$0x11480] =	vst v1  }
0x6d: {  	[tilespmem:$0x11500] =	vst v1  }
0x6e: {  	[tilespmem:$0x11580] =	vst v1  }
0x6f: {  	[tilespmem:$0x11600] =	vst v1  }
0x70: {  	[tilespmem:$0x11680] =	vst v1  }
0x71: {  	[tilespmem:$0x11700] =	vst v1  }
0x72: {  	[tilespmem:$0x11780] =	vst v1  }
0x73: {  	[tilespmem:$0x11800] =	vst v1  }
0x74: {  	[tilespmem:$0x11880] =	vst v1  }
0x75: {  	[tilespmem:$0x11900] =	vst v1  }
0x76: {  	[tilespmem:$0x11980] =	vst v1  }
0x77: {  	[tilespmem:$0x11A00] =	vst v1  }
0x78: {  	[tilespmem:$0x11A80] =	vst v1  }
0x79: {  	[tilespmem:$0x11B00] =	vst v1  }
0x7a: {  	[tilespmem:$0x11B80] =	vst v1  }
0x7b: {  	[tilespmem:$0x11C00] =	vst v1  }
0x7c: {  	[tilespmem:$0x11C80] =	vst v1  }
0x7d: {  	[tilespmem:$0x11D00] =	vst v1  }
0x7e: {  	[tilespmem:$0x11D80] =	vst v1  }
0x7f: {  	[tilespmem:$0x11E00] =	vst v1  }
0x80: {  	[tilespmem:$0x11E80] =	vst v1  }
0x81: {  	[tilespmem:$0x11F00] =	vst v1  }
0x82: {  	[tilespmem:$0x11F80] =	vst v1  }
0x83: {  	[tilespmem:$0x12000] =	vst v1  }
0x84: {  	[tilespmem:$0x12080] =	vst v1  }
0x85: {  	[tilespmem:$0x12100] =	vst v1  }
0x86: {  	[tilespmem:$0x12180] =	vst v1  }
0x87: {  	[tilespmem:$0x12200] =	vst v1  }
0x88: {  	[tilespmem:$0x12280] =	vst v1  }
0x89: {  	[tilespmem:$0x12300] =	vst v1  }
0x8a: {  	[tilespmem:$0x12380] =	vst v1  }
0x8b: {  	[tilespmem:$0x12400] =	vst v1  }
0x8c: {  	[tilespmem:$0x12480] =	vst v1  }
0x8d: {  	[tilespmem:$0x12500] =	vst v1  }
0x8e: {  	[tilespmem:$0x12580] =	vst v1  }
0x8f: {  	[tilespmem:$0x12600] =	vst v1  }
0x90: {  	[tilespmem:$0x12680] =	vst v1  }
0x91: {  	[tilespmem:$0x12700] =	vst v1  }
0x92: {  	[tilespmem:$0x12780] =	vst v1  }
0x93: {  	[tilespmem:$0x12800] =	vst v1  }
0x94: {  	[tilespmem:$0x12880] =	vst v1  }
0x95: {  	[tilespmem:$0x12900] =	vst v1  }
0x96: {  	[tilespmem:$0x12980] =	vst v1  }
0x97: {  	[tilespmem:$0x12A00] =	vst v1  }
0x98: {  	s0 =	sadd.s32 $0x0, s4;
	[tilespmem:$0x12A80] =	vst v1  }
0x99: {  	v3 =	vor.u32 s0, v0;
	s26 =	sadd.s32 $0x60, s0;
	[tilespmem:$0x12B00] =	vst v1  }
0x9a: {  	s30 =	sadd.s32 $0x30, s0;
	v4 =	vor.u32 s26, v0;
	[tilespmem:$0x13400] =	vst v3  }
0x9b: {  	s2 =	sadd.s32 $0x70, s0;
	v5 =	vor.u32 s30, v0;
	[tilespmem:$0x13460] =	vst v4  }
0x9c: {  	s29 =	sadd.s32 $0x40, s0;
	v3 =	vor.u32 s2, v0;
	[tilespmem:$0x13430] =	vst v5  }
0x9d: {  	s28 =	sadd.s32 $0x50, s0;
	v4 =	vor.u32 s29, v0;
	[tilespmem:$0x13470] =	vst v3  }
0x9e: {  	s31 =	sadd.s32 $0x20, s0;
	v3 =	vor.u32 s28, v0;
	[tilespmem:$0x13440] =	vst v4  }
0x9f: {  	s2 =	sadd.s32 $0x10, s0;
	s0 =	simm.s32 $0x80;
	[tilespmem:$0x13450] =	vst v3;
	v3 =	vor.u32 s31, v0  }
.LBB2_2:
0xa0: {  	p0 =	sne.s32 s0, $0xC00;
	v4 =	vor.u32 s2, v0;
	[tilespmem:$0x13420] =	vst v3  }
0xa1: {  	[tilespmem:$0x13410] =	vst v4;
	[spmem:s1] =	stream.indirect.scatter [tilespmem:s23], [sflag:$0x1], $0x10, s22, s21, $0xb8  }
0xa2: {  	_ =	swait.ge [sflag:s19], $0x800  }
0xa3: {  	s2 =	sadd.s32 s0, s4;
	[sflag:s19] =	ssyncset.done $0x0  }
0xa4: {  	v3 =	vor.u32 s2, v0;
	s26 =	sadd.s32 $0x70, s2;
	[sflag:s19] =	ssyncadd.s32 $0xFFFFF800  }
0xa5: {  	s28 =	sadd.s32 $0x60, s2;
	[tilespmem:$0x13400] =	vst v3;
	v3 =	vor.u32 s26, v0  }
.Ltmp0:
0xa6: {  	v4 =	vor.u32 s28, v0;
	s26 =	sadd.s32 $0x50, s2;
	[tilespmem:$0x13470] =	vst v3;
	(pc) =	sbr.rel @p0 .LBB2_2-.Ltmp0, $4  }
0xa7: {  	s28 =	sadd.s32 $0x40, s2;
	v3 =	vor.u32 s26, v0;
	[tilespmem:$0x13460] =	vst v4  }
0xa8: {  	s26 =	sadd.s32 $0x30, s2;
	v4 =	vor.u32 s28, v0;
	[tilespmem:$0x13450] =	vst v3  }
0xa9: {  	s28 =	sadd.s32 $0x20, s2;
	v5 =	vor.u32 s26, v0;
	[tilespmem:$0x13440] =	vst v4  }
0xaa: {  	s0 =	sadd.s32 $0x80, s0;
	s2 =	sadd.s32 $0x10, s2;
	v3 =	vor.u32 s28, v0;
	[tilespmem:$0x13430] =	vst v5  }
0xab: {  	v4 =	vor.u32 s2, v0;
	[tilespmem:$0x13420] =	vst v3  }
0xac: {  	[tilespmem:$0x13410] =	vst v4  }
0xad: {  	[spmem:s1] =	stream.indirect.scatter [tilespmem:s23], [sflag:$0x1], $0x10, s22, s21, $0xb8;
	[tilespmem:$0x1FC80] =	vst v63  }
0xae: {  	_ =	swait.ge [sflag:s19], $0x800  }
0xaf: {  	[sflag:s19] =	ssyncset.done $0x0  }
0xb0: {  	[sflag:s19] =	ssyncadd.s32 $0xFFFFF800  }
0xb1: {  	s26 =	simm.s32 $0x0;
	s2 =	simm.s32 $0xC380;
	v4 =	vld [tilespmem:$0x12B80];
	[bflag:$0x0] =	sbarrier.arrive $0xFFFF  }
0xb2: {  	[tilespmem:s2], [sflag:$0x1] =	stream.linear.gather [hbm4b:s7+s26], $0x1400, $0x38;
	[tilespmem:$0x1FC80] =	vst v63  }
0xb3: {  	_ =	swait.ge [sflag:s19], $0x1400  }
0xb4: {  	[sflag:s19] =	ssyncset.done $0x0  }
0xb5: {  	s0 =	simm.s32 $0xD780;
	[sflag:s19] =	ssyncadd.s32 $0xFFFFEC00  }
0xb6: {  	[tilespmem:s0], [sflag:$0x1] =	stream.linear.gather [hbm4b:s8+s26], $0x1400, $0x38;
	[tilespmem:$0x1FC80] =	vst v63  }
0xb7: {  	_ =	swait.ge [sflag:s19], $0x1400  }
0xb8: {  	[sflag:s19] =	ssyncset.done $0x0  }
0xb9: {  	v3 =	vbroadcast v4, $0x0;
	v4 =	vbroadcast v4, $0x8;
	[sflag:s19] =	ssyncadd.s32 $0xFFFFEC00  }
.LBB2_4:
0xba: {  	v5 =	vld [tilespmem:s0+$0x0];
	s31 =	simm.s32 $0x10  }
0xbb: {  	v6 =	vld [tilespmem:s2+$0x0];
	s30 =	simm.s32 $0x0;
	s29 =	smov.u32 s0;
	s28 =	smov.u32 s2  }
.LBB2_5:
0xbc: {  	p0 =	sne.s32 s31, $0x70;
	_ =	sdelay $0x5  }
0xbd: {  	v5 =	vld.idx.msk [tilespmem:v5+s3+$0x0], $0xffff  }
0xbe: {  	v6 =	vld.idx.msk [tilespmem:v6+s3+$0x0], $0xffff;
	_ =	sdelay $0x5  }
0xbf: {  	v5 =	vmul.f32 v5, v4;
	v7 =	vmul.f32 v6, v3;
	_ =	sdelay $0x1  }
0xc0: {  	v5 =	vadd.f32 v5, v7;
	_ =	sdelay $0x1  }
0xc1: {  	v7 =	vmul.f32 $2.000000030e-01, v5;
	_ =	sdelay $0x1  }
0xc2: {  	v5 =	vmax.f32 v5, v7  }
0xc3: {  	v5 =	vmul.f32 $1.442695020e+00, v5;
	_ =	sdelay $0x1  }
0xc4: {  	(erf) = vpow2.f32 v5;
	_ =	sdelay $0x3  }
0xc5: {  	v5 =	vmov s30;
	s30 =	smov.u32 s31  }
0xc6: {  	v5 =	vshll.u32 v5, $0x7  }
0xc7: {  	v5 =	vor.u32 v2, v5  }
0xc8: {  	v7 =	vor.u32 $0x8, v5;
	_ =	sdelay $0x1  }
0xc9: {  	v8 =	vpop (erf)  }
.Ltmp1:
0xca: {  	v6 =	vmul.f32 v8, v6;
	(pc) =	sbr.rel @p0 .LBB2_5-.Ltmp1, $4  }
0xcb: {  	[tilespmem:v5+s23+$0x0] =	vst.idx.msk $0xffff, v8  }
0xcc: {  	s29 =	sadd.s32 $0x10, s29;
	[tilespmem:v7+s23+$0x0] =	vst.idx.msk $0xffff, v6  }
0xcd: {  	s28 =	sadd.s32 $0x10, s28;
	v5 =	vld [tilespmem:s29+$0x0]  }
0xce: {  	s31 =	sadd.s32 $0x10, s31;
	v6 =	vld [tilespmem:s28+$0x0]  }
0xcf: {  	_ =	sdelay $0x6  }
0xd0: {  	v5 =	vld.idx.msk [tilespmem:v5+s3+$0x0], $0xffff  }
0xd1: {  	v6 =	vld.idx.msk [tilespmem:v6+s3+$0x0], $0xffff;
	_ =	sdelay $0x4  }
0xd2: {  	v5 =	vmul.f32 v5, v4;
	v7 =	vmul.f32 v6, v3;
	_ =	sdelay $0x1  }
0xd3: {  	v5 =	vadd.f32 v5, v7;
	_ =	sdelay $0x1  }
0xd4: {  	v7 =	vmul.f32 $2.000000030e-01, v5;
	_ =	sdelay $0x1  }
0xd5: {  	v5 =	vmax.f32 v5, v7  }
0xd6: {  	v5 =	vmul.f32 $1.442695020e+00, v5;
	_ =	sdelay $0x1  }
0xd7: {  	(erf) = vpow2.f32 v5;
	_ =	sdelay $0x3  }
0xd8: {  	v5 =	vmov s30  }
0xd9: {  	v5 =	vshll.u32 v5, $0x7  }
0xda: {  	v5 =	vor.u32 v2, v5  }
0xdb: {  	v7 =	vor.u32 $0x8, v5;
	_ =	sdelay $0x1  }
0xdc: {  	v8 =	vpop (erf)  }
0xdd: {  	s28 =	sshll.u32 s26, $0x7;
	s26 =	sadd.s32 $0x1, s26;
	v6 =	vmul.f32 v8, v6  }
0xde: {  	s28 =	sand.u32 $0x3FFFFF80, s28;
	p0 =	sne.s32 s26, $0x28;
	[tilespmem:v5+s23+$0x0] =	vst.idx.msk $0xffff, v8  }
.Ltmp2:
0xdf: {  	s28 =	sadd.s32 $0xD780, s28;
	[tilespmem:v7+s23+$0x0] =	vst.idx.msk $0xffff, v6;
	(pc) =	sbr.rel @p0 .LBB2_4-.Ltmp2, $4  }
0xe0: {  	[spmem:s1] =	stream.indirect.scatter.add.f32 [tilespmem:s23], [sflag:$0x1], $0x10, s28, s21, $0xb8;
	[tilespmem:$0x1FC80] =	vst v63  }
0xe1: {  	_ =	swait.ge [sflag:s19], $0x800  }
0xe2: {  	[sflag:s19] =	ssyncset.done $0x0  }
0xe3: {  	s0 =	sadd.s32 $0x80, s0;
	s2 =	sadd.s32 $0x80, s2;
	[sflag:s19] =	ssyncadd.s32 $0xFFFFF800  }
0xe4: {  	s26 =	simm.s32 $0x0;
	s28 =	simm.s32 $0xC380  }
0xe5: {  	[tilespmem:s28], [sflag:$0x1] =	stream.linear.gather [hbm4b:s9+s26], $0x1400, $0x38;
	[tilespmem:$0x1FC80] =	vst v63  }
0xe6: {  	_ =	swait.ge [sflag:s19], $0x1400  }
0xe7: {  	[sflag:s19] =	ssyncset.done $0x0  }
0xe8: {  	s29 =	simm.s32 $0xD780;
	[sflag:s19] =	ssyncadd.s32 $0xFFFFEC00  }
0xe9: {  	[tilespmem:s29], [sflag:$0x1] =	stream.linear.gather [hbm4b:s10+s26], $0x1400, $0x38;
	[tilespmem:$0x1FC80] =	vst v63  }
0xea: {  	_ =	swait.ge [sflag:s19], $0x1400  }
0xeb: {  	[sflag:s19] =	ssyncset.done $0x0  }
0xec: {  	[sflag:s19] =	ssyncadd.s32 $0xFFFFEC00  }
.LBB2_8:
0xed: {  	v5 =	vld [tilespmem:s29+$0x0];
	s31 =	simm.s32 $0x10  }
0xee: {  	v6 =	vld [tilespmem:s28+$0x0];
	s30 =	simm.s32 $0x0;
	s0 =	smov.u32 s29;
	s2 =	smov.u32 s28  }
.LBB2_9:
0xef: {  	p0 =	sne.s32 s31, $0x70;
	_ =	sdelay $0x5  }
0xf0: {  	v5 =	vld.idx.msk [tilespmem:v5+s3+$0x0], $0xffff  }
0xf1: {  	v6 =	vld.idx.msk [tilespmem:v6+s3+$0x0], $0xffff;
	_ =	sdelay $0x5  }
0xf2: {  	v5 =	vmul.f32 v5, v4;
	v7 =	vmul.f32 v6, v3;
	_ =	sdelay $0x1  }
0xf3: {  	v5 =	vadd.f32 v5, v7;
	_ =	sdelay $0x1  }
0xf4: {  	v7 =	vmul.f32 $2.000000030e-01, v5;
	_ =	sdelay $0x1  }
0xf5: {  	v5 =	vmax.f32 v5, v7  }
0xf6: {  	v5 =	vmul.f32 $1.442695020e+00, v5;
	_ =	sdelay $0x1  }
0xf7: {  	(erf) = vpow2.f32 v5;
	_ =	sdelay $0x3  }
0xf8: {  	v5 =	vmov s30;
	s30 =	smov.u32 s31  }
0xf9: {  	v5 =	vshll.u32 v5, $0x7  }
0xfa: {  	v5 =	vor.u32 v2, v5  }
0xfb: {  	v7 =	vor.u32 $0x8, v5;
	_ =	sdelay $0x1  }
0xfc: {  	v8 =	vpop (erf)  }
.Ltmp3:
0xfd: {  	v6 =	vmul.f32 v8, v6;
	(pc) =	sbr.rel @p0 .LBB2_9-.Ltmp3, $4  }
0xfe: {  	[tilespmem:v5+s23+$0x0] =	vst.idx.msk $0xffff, v8  }
0xff: {  	s0 =	sadd.s32 $0x10, s0;
	[tilespmem:v7+s23+$0x0] =	vst.idx.msk $0xffff, v6  }
0x100: {  	s2 =	sadd.s32 $0x10, s2;
	v5 =	vld [tilespmem:s0+$0x0]  }
0x101: {  	s31 =	sadd.s32 $0x10, s31;
	v6 =	vld [tilespmem:s2+$0x0]  }
0x102: {  	_ =	sdelay $0x6  }
0x103: {  	v5 =	vld.idx.msk [tilespmem:v5+s3+$0x0], $0xffff  }
0x104: {  	v6 =	vld.idx.msk [tilespmem:v6+s3+$0x0], $0xffff;
	_ =	sdelay $0x4  }
0x105: {  	v5 =	vmul.f32 v5, v4;
	v7 =	vmul.f32 v6, v3;
	_ =	sdelay $0x1  }
0x106: {  	v5 =	vadd.f32 v5, v7;
	_ =	sdelay $0x1  }
0x107: {  	v7 =	vmul.f32 $2.000000030e-01, v5;
	_ =	sdelay $0x1  }
0x108: {  	v5 =	vmax.f32 v5, v7  }
0x109: {  	v5 =	vmul.f32 $1.442695020e+00, v5;
	_ =	sdelay $0x1  }
0x10a: {  	(erf) = vpow2.f32 v5;
	_ =	sdelay $0x3  }
0x10b: {  	v5 =	vmov s30  }
0x10c: {  	v5 =	vshll.u32 v5, $0x7  }
0x10d: {  	v5 =	vor.u32 v2, v5  }
0x10e: {  	v7 =	vor.u32 $0x8, v5;
	_ =	sdelay $0x1  }
0x10f: {  	v8 =	vpop (erf)  }
0x110: {  	s0 =	sshll.u32 s26, $0x7;
	s26 =	sadd.s32 $0x1, s26;
	v6 =	vmul.f32 v8, v6  }
0x111: {  	s0 =	sand.u32 $0x3FFFFF80, s0;
	p0 =	sne.s32 s26, $0x28;
	[tilespmem:v5+s23+$0x0] =	vst.idx.msk $0xffff, v8  }
.Ltmp4:
0x112: {  	s0 =	sadd.s32 $0xD780, s0;
	[tilespmem:v7+s23+$0x0] =	vst.idx.msk $0xffff, v6;
	(pc) =	sbr.rel @p0 .LBB2_8-.Ltmp4, $4  }
0x113: {  	[spmem:s1] =	stream.indirect.scatter.add.f32 [tilespmem:s23], [sflag:$0x1], $0x10, s0, s21, $0xb8;
	[tilespmem:$0x1FC80] =	vst v63  }
0x114: {  	_ =	swait.ge [sflag:s19], $0x800  }
0x115: {  	[sflag:s19] =	ssyncset.done $0x0  }
0x116: {  	s29 =	sadd.s32 $0x80, s29;
	s28 =	sadd.s32 $0x80, s28;
	[sflag:s19] =	ssyncadd.s32 $0xFFFFF800  }
0x117: {  	s26 =	simm.s32 $0x0;
	s28 =	simm.s32 $0xC380  }
0x118: {  	[tilespmem:s28], [sflag:$0x1] =	stream.linear.gather [hbm4b:s11+s26], $0x1400, $0x38;
	[tilespmem:$0x1FC80] =	vst v63  }
0x119: {  	_ =	swait.ge [sflag:s19], $0x1400  }
0x11a: {  	[sflag:s19] =	ssyncset.done $0x0  }
0x11b: {  	s29 =	simm.s32 $0xD780;
	[sflag:s19] =	ssyncadd.s32 $0xFFFFEC00  }
0x11c: {  	[tilespmem:s29], [sflag:$0x1] =	stream.linear.gather [hbm4b:s12+s26], $0x1400, $0x38;
	[tilespmem:$0x1FC80] =	vst v63  }
0x11d: {  	_ =	swait.ge [sflag:s19], $0x1400  }
0x11e: {  	[sflag:s19] =	ssyncset.done $0x0  }
0x11f: {  	[sflag:s19] =	ssyncadd.s32 $0xFFFFEC00  }
.LBB2_12:
0x120: {  	v5 =	vld [tilespmem:s29+$0x0];
	s31 =	simm.s32 $0x10  }
0x121: {  	v6 =	vld [tilespmem:s28+$0x0];
	s30 =	simm.s32 $0x0;
	s0 =	smov.u32 s29;
	s2 =	smov.u32 s28  }
.LBB2_13:
0x122: {  	p0 =	sne.s32 s31, $0x70;
	_ =	sdelay $0x5  }
0x123: {  	v5 =	vld.idx.msk [tilespmem:v5+s3+$0x0], $0xffff  }
0x124: {  	v6 =	vld.idx.msk [tilespmem:v6+s3+$0x0], $0xffff;
	_ =	sdelay $0x5  }
0x125: {  	v5 =	vmul.f32 v5, v4;
	v7 =	vmul.f32 v6, v3;
	_ =	sdelay $0x1  }
0x126: {  	v5 =	vadd.f32 v5, v7;
	_ =	sdelay $0x1  }
0x127: {  	v7 =	vmul.f32 $2.000000030e-01, v5;
	_ =	sdelay $0x1  }
0x128: {  	v5 =	vmax.f32 v5, v7  }
0x129: {  	v5 =	vmul.f32 $1.442695020e+00, v5;
	_ =	sdelay $0x1  }
0x12a: {  	(erf) = vpow2.f32 v5;
	_ =	sdelay $0x3  }
0x12b: {  	v5 =	vmov s30;
	s30 =	smov.u32 s31  }
0x12c: {  	v5 =	vshll.u32 v5, $0x7  }
0x12d: {  	v5 =	vor.u32 v2, v5  }
0x12e: {  	v7 =	vor.u32 $0x8, v5;
	_ =	sdelay $0x1  }
0x12f: {  	v8 =	vpop (erf)  }
.Ltmp5:
0x130: {  	v6 =	vmul.f32 v8, v6;
	(pc) =	sbr.rel @p0 .LBB2_13-.Ltmp5, $4  }
0x131: {  	[tilespmem:v5+s23+$0x0] =	vst.idx.msk $0xffff, v8  }
0x132: {  	s0 =	sadd.s32 $0x10, s0;
	[tilespmem:v7+s23+$0x0] =	vst.idx.msk $0xffff, v6  }
0x133: {  	s2 =	sadd.s32 $0x10, s2;
	v5 =	vld [tilespmem:s0+$0x0]  }
0x134: {  	s31 =	sadd.s32 $0x10, s31;
	v6 =	vld [tilespmem:s2+$0x0]  }
0x135: {  	_ =	sdelay $0x6  }
0x136: {  	v5 =	vld.idx.msk [tilespmem:v5+s3+$0x0], $0xffff  }
0x137: {  	v6 =	vld.idx.msk [tilespmem:v6+s3+$0x0], $0xffff;
	_ =	sdelay $0x4  }
0x138: {  	v5 =	vmul.f32 v5, v4;
	v7 =	vmul.f32 v6, v3;
	_ =	sdelay $0x1  }
0x139: {  	v5 =	vadd.f32 v5, v7;
	_ =	sdelay $0x1  }
0x13a: {  	v7 =	vmul.f32 $2.000000030e-01, v5;
	_ =	sdelay $0x1  }
0x13b: {  	v5 =	vmax.f32 v5, v7  }
0x13c: {  	v5 =	vmul.f32 $1.442695020e+00, v5;
	_ =	sdelay $0x1  }
0x13d: {  	(erf) = vpow2.f32 v5;
	_ =	sdelay $0x3  }
0x13e: {  	v5 =	vmov s30  }
0x13f: {  	v5 =	vshll.u32 v5, $0x7  }
0x140: {  	v5 =	vor.u32 v2, v5  }
0x141: {  	v7 =	vor.u32 $0x8, v5;
	_ =	sdelay $0x1  }
0x142: {  	v8 =	vpop (erf)  }
0x143: {  	s0 =	sshll.u32 s26, $0x7;
	s26 =	sadd.s32 $0x1, s26;
	v6 =	vmul.f32 v8, v6  }
0x144: {  	s0 =	sand.u32 $0x3FFFFF80, s0;
	p0 =	sne.s32 s26, $0x28;
	[tilespmem:v5+s23+$0x0] =	vst.idx.msk $0xffff, v8  }
.Ltmp6:
0x145: {  	s0 =	sadd.s32 $0xD780, s0;
	[tilespmem:v7+s23+$0x0] =	vst.idx.msk $0xffff, v6;
	(pc) =	sbr.rel @p0 .LBB2_12-.Ltmp6, $4  }
0x146: {  	[spmem:s1] =	stream.indirect.scatter.add.f32 [tilespmem:s23], [sflag:$0x1], $0x10, s0, s21, $0xb8;
	[tilespmem:$0x1FC80] =	vst v63  }
0x147: {  	_ =	swait.ge [sflag:s19], $0x800  }
0x148: {  	[sflag:s19] =	ssyncset.done $0x0  }
0x149: {  	s29 =	sadd.s32 $0x80, s29;
	s28 =	sadd.s32 $0x80, s28;
	[sflag:s19] =	ssyncadd.s32 $0xFFFFF800  }
0x14a: {  	s26 =	simm.s32 $0x0;
	s28 =	simm.s32 $0xC380  }
0x14b: {  	[tilespmem:s28], [sflag:$0x1] =	stream.linear.gather [hbm4b:s13+s26], $0x1400, $0x38;
	[tilespmem:$0x1FC80] =	vst v63  }
0x14c: {  	_ =	swait.ge [sflag:s19], $0x1400  }
0x14d: {  	[sflag:s19] =	ssyncset.done $0x0  }
0x14e: {  	s29 =	simm.s32 $0xD780;
	[sflag:s19] =	ssyncadd.s32 $0xFFFFEC00  }
0x14f: {  	[tilespmem:s29], [sflag:$0x1] =	stream.linear.gather [hbm4b:s14+s26], $0x1400, $0x38;
	[tilespmem:$0x1FC80] =	vst v63  }
0x150: {  	_ =	swait.ge [sflag:s19], $0x1400  }
0x151: {  	[sflag:s19] =	ssyncset.done $0x0  }
0x152: {  	[sflag:s19] =	ssyncadd.s32 $0xFFFFEC00  }
.LBB2_16:
0x153: {  	v5 =	vld [tilespmem:s29+$0x0];
	s31 =	simm.s32 $0x10  }
0x154: {  	v6 =	vld [tilespmem:s28+$0x0];
	s30 =	simm.s32 $0x0;
	s0 =	smov.u32 s29;
	s2 =	smov.u32 s28  }
.LBB2_17:
0x155: {  	p0 =	sne.s32 s31, $0x70;
	_ =	sdelay $0x5  }
0x156: {  	v5 =	vld.idx.msk [tilespmem:v5+s3+$0x0], $0xffff  }
0x157: {  	v6 =	vld.idx.msk [tilespmem:v6+s3+$0x0], $0xffff;
	_ =	sdelay $0x5  }
0x158: {  	v5 =	vmul.f32 v5, v4;
	v7 =	vmul.f32 v6, v3;
	_ =	sdelay $0x1  }
0x159: {  	v5 =	vadd.f32 v5, v7;
	_ =	sdelay $0x1  }
0x15a: {  	v7 =	vmul.f32 $2.000000030e-01, v5;
	_ =	sdelay $0x1  }
0x15b: {  	v5 =	vmax.f32 v5, v7  }
0x15c: {  	v5 =	vmul.f32 $1.442695020e+00, v5;
	_ =	sdelay $0x1  }
0x15d: {  	(erf) = vpow2.f32 v5;
	_ =	sdelay $0x3  }
0x15e: {  	v5 =	vmov s30;
	s30 =	smov.u32 s31  }
0x15f: {  	v5 =	vshll.u32 v5, $0x7  }
0x160: {  	v5 =	vor.u32 v2, v5  }
0x161: {  	v7 =	vor.u32 $0x8, v5;
	_ =	sdelay $0x1  }
0x162: {  	v8 =	vpop (erf)  }
.Ltmp7:
0x163: {  	v6 =	vmul.f32 v8, v6;
	(pc) =	sbr.rel @p0 .LBB2_17-.Ltmp7, $4  }
0x164: {  	[tilespmem:v5+s23+$0x0] =	vst.idx.msk $0xffff, v8  }
0x165: {  	s0 =	sadd.s32 $0x10, s0;
	[tilespmem:v7+s23+$0x0] =	vst.idx.msk $0xffff, v6  }
0x166: {  	s2 =	sadd.s32 $0x10, s2;
	v5 =	vld [tilespmem:s0+$0x0]  }
0x167: {  	s31 =	sadd.s32 $0x10, s31;
	v6 =	vld [tilespmem:s2+$0x0]  }
0x168: {  	_ =	sdelay $0x6  }
0x169: {  	v5 =	vld.idx.msk [tilespmem:v5+s3+$0x0], $0xffff  }
0x16a: {  	v6 =	vld.idx.msk [tilespmem:v6+s3+$0x0], $0xffff;
	_ =	sdelay $0x4  }
0x16b: {  	v5 =	vmul.f32 v5, v4;
	v7 =	vmul.f32 v6, v3;
	_ =	sdelay $0x1  }
0x16c: {  	v5 =	vadd.f32 v5, v7;
	_ =	sdelay $0x1  }
0x16d: {  	v7 =	vmul.f32 $2.000000030e-01, v5;
	_ =	sdelay $0x1  }
0x16e: {  	v5 =	vmax.f32 v5, v7  }
0x16f: {  	v5 =	vmul.f32 $1.442695020e+00, v5;
	_ =	sdelay $0x1  }
0x170: {  	(erf) = vpow2.f32 v5;
	_ =	sdelay $0x3  }
0x171: {  	v5 =	vmov s30  }
0x172: {  	v5 =	vshll.u32 v5, $0x7  }
0x173: {  	v5 =	vor.u32 v2, v5  }
0x174: {  	v7 =	vor.u32 $0x8, v5;
	_ =	sdelay $0x1  }
0x175: {  	v8 =	vpop (erf)  }
0x176: {  	s0 =	sshll.u32 s26, $0x7;
	s26 =	sadd.s32 $0x1, s26;
	v6 =	vmul.f32 v8, v6  }
0x177: {  	s0 =	sand.u32 $0x3FFFFF80, s0;
	p0 =	sne.s32 s26, $0x28;
	[tilespmem:v5+s23+$0x0] =	vst.idx.msk $0xffff, v8  }
.Ltmp8:
0x178: {  	s0 =	sadd.s32 $0xD780, s0;
	[tilespmem:v7+s23+$0x0] =	vst.idx.msk $0xffff, v6;
	(pc) =	sbr.rel @p0 .LBB2_16-.Ltmp8, $4  }
0x179: {  	[spmem:s1] =	stream.indirect.scatter.add.f32 [tilespmem:s23], [sflag:$0x1], $0x10, s0, s21, $0xb8;
	[tilespmem:$0x1FC80] =	vst v63  }
0x17a: {  	_ =	swait.ge [sflag:s19], $0x800  }
0x17b: {  	[sflag:s19] =	ssyncset.done $0x0  }
0x17c: {  	s29 =	sadd.s32 $0x80, s29;
	s28 =	sadd.s32 $0x80, s28;
	[sflag:s19] =	ssyncadd.s32 $0xFFFFF800  }
0x17d: {  	s26 =	simm.s32 $0x0;
	s28 =	simm.s32 $0xC380  }
0x17e: {  	[tilespmem:s28], [sflag:$0x1] =	stream.linear.gather [hbm4b:s15+s26], $0x1400, $0x38;
	[tilespmem:$0x1FC80] =	vst v63  }
0x17f: {  	_ =	swait.ge [sflag:s19], $0x1400  }
0x180: {  	[sflag:s19] =	ssyncset.done $0x0  }
0x181: {  	s29 =	simm.s32 $0xD780;
	[sflag:s19] =	ssyncadd.s32 $0xFFFFEC00  }
0x182: {  	[tilespmem:s29], [sflag:$0x1] =	stream.linear.gather [hbm4b:s16+s26], $0x1400, $0x38;
	[tilespmem:$0x1FC80] =	vst v63  }
0x183: {  	_ =	swait.ge [sflag:s19], $0x1400  }
0x184: {  	[sflag:s19] =	ssyncset.done $0x0  }
0x185: {  	[sflag:s19] =	ssyncadd.s32 $0xFFFFEC00  }
.LBB2_20:
0x186: {  	v5 =	vld [tilespmem:s29+$0x0];
	s31 =	simm.s32 $0x10  }
0x187: {  	v6 =	vld [tilespmem:s28+$0x0];
	s30 =	simm.s32 $0x0;
	s0 =	smov.u32 s29;
	s2 =	smov.u32 s28  }
.LBB2_21:
0x188: {  	p0 =	sne.s32 s31, $0x70;
	_ =	sdelay $0x5  }
0x189: {  	v5 =	vld.idx.msk [tilespmem:v5+s3+$0x0], $0xffff  }
0x18a: {  	v6 =	vld.idx.msk [tilespmem:v6+s3+$0x0], $0xffff;
	_ =	sdelay $0x5  }
0x18b: {  	v5 =	vmul.f32 v5, v4;
	v7 =	vmul.f32 v6, v3;
	_ =	sdelay $0x1  }
0x18c: {  	v5 =	vadd.f32 v5, v7;
	_ =	sdelay $0x1  }
0x18d: {  	v7 =	vmul.f32 $2.000000030e-01, v5;
	_ =	sdelay $0x1  }
0x18e: {  	v5 =	vmax.f32 v5, v7  }
0x18f: {  	v5 =	vmul.f32 $1.442695020e+00, v5;
	_ =	sdelay $0x1  }
0x190: {  	(erf) = vpow2.f32 v5;
	_ =	sdelay $0x3  }
0x191: {  	v5 =	vmov s30;
	s30 =	smov.u32 s31  }
0x192: {  	v5 =	vshll.u32 v5, $0x7  }
0x193: {  	v5 =	vor.u32 v2, v5  }
0x194: {  	v7 =	vor.u32 $0x8, v5;
	_ =	sdelay $0x1  }
0x195: {  	v8 =	vpop (erf)  }
.Ltmp9:
0x196: {  	v6 =	vmul.f32 v8, v6;
	(pc) =	sbr.rel @p0 .LBB2_21-.Ltmp9, $4  }
0x197: {  	[tilespmem:v5+s23+$0x0] =	vst.idx.msk $0xffff, v8  }
0x198: {  	s0 =	sadd.s32 $0x10, s0;
	[tilespmem:v7+s23+$0x0] =	vst.idx.msk $0xffff, v6  }
0x199: {  	s2 =	sadd.s32 $0x10, s2;
	v5 =	vld [tilespmem:s0+$0x0]  }
0x19a: {  	s31 =	sadd.s32 $0x10, s31;
	v6 =	vld [tilespmem:s2+$0x0]  }
0x19b: {  	_ =	sdelay $0x6  }
0x19c: {  	v5 =	vld.idx.msk [tilespmem:v5+s3+$0x0], $0xffff  }
0x19d: {  	v6 =	vld.idx.msk [tilespmem:v6+s3+$0x0], $0xffff;
	_ =	sdelay $0x4  }
0x19e: {  	v5 =	vmul.f32 v5, v4;
	v7 =	vmul.f32 v6, v3;
	_ =	sdelay $0x1  }
0x19f: {  	v5 =	vadd.f32 v5, v7;
	_ =	sdelay $0x1  }
0x1a0: {  	v7 =	vmul.f32 $2.000000030e-01, v5;
	_ =	sdelay $0x1  }
0x1a1: {  	v5 =	vmax.f32 v5, v7  }
0x1a2: {  	v5 =	vmul.f32 $1.442695020e+00, v5;
	_ =	sdelay $0x1  }
0x1a3: {  	(erf) = vpow2.f32 v5;
	_ =	sdelay $0x3  }
0x1a4: {  	v5 =	vmov s30  }
0x1a5: {  	v5 =	vshll.u32 v5, $0x7  }
0x1a6: {  	v5 =	vor.u32 v2, v5  }
0x1a7: {  	v7 =	vor.u32 $0x8, v5;
	_ =	sdelay $0x1  }
0x1a8: {  	v8 =	vpop (erf)  }
0x1a9: {  	s0 =	sshll.u32 s26, $0x7;
	s26 =	sadd.s32 $0x1, s26;
	v6 =	vmul.f32 v8, v6  }
0x1aa: {  	s0 =	sand.u32 $0x3FFFFF80, s0;
	p0 =	sne.s32 s26, $0x28;
	[tilespmem:v5+s23+$0x0] =	vst.idx.msk $0xffff, v8  }
.Ltmp10:
0x1ab: {  	s0 =	sadd.s32 $0xD780, s0;
	[tilespmem:v7+s23+$0x0] =	vst.idx.msk $0xffff, v6;
	(pc) =	sbr.rel @p0 .LBB2_20-.Ltmp10, $4  }
0x1ac: {  	[spmem:s1] =	stream.indirect.scatter.add.f32 [tilespmem:s23], [sflag:$0x1], $0x10, s0, s21, $0xb8;
	[tilespmem:$0x1FC80] =	vst v63  }
0x1ad: {  	_ =	swait.ge [sflag:s19], $0x800  }
0x1ae: {  	[sflag:s19] =	ssyncset.done $0x0  }
0x1af: {  	s29 =	sadd.s32 $0x80, s29;
	s28 =	sadd.s32 $0x80, s28;
	[sflag:s19] =	ssyncadd.s32 $0xFFFFF800  }
0x1b0: {  	[bflag:$0x0] =	sbarrier.arrive $0xFFFF;
	s0 =	simm.s32 $0x0  }
.LBB2_24:
0x1b1: {  	s2 =	sshll.u32 s0, $0x7  }
0x1b2: {  	s2 =	sadd.s32 s4, s2  }
0x1b3: {  	v3 =	vor.u32 s2, v0;
	s26 =	sor.u32 $0x10, s2  }
0x1b4: {  	s30 =	sor.u32 $0x20, s2;
	[tilespmem:$0x13400] =	vst v3;
	v3 =	vor.u32 s26, v0  }
0x1b5: {  	s31 =	sor.u32 $0x30, s2;
	[tilespmem:$0x13410] =	vst v3;
	v3 =	vor.u32 s30, v0  }
0x1b6: {  	s29 =	sor.u32 $0x40, s2;
	[tilespmem:$0x13420] =	vst v3;
	v3 =	vor.u32 s31, v0  }
0x1b7: {  	s30 =	sor.u32 $0x50, s2;
	[tilespmem:$0x13430] =	vst v3;
	v3 =	vor.u32 s29, v0  }
0x1b8: {  	s31 =	sor.u32 $0x60, s2;
	[tilespmem:$0x13440] =	vst v3;
	v3 =	vor.u32 s30, v0  }
0x1b9: {  	s2 =	sor.u32 $0x70, s2;
	[tilespmem:$0x13450] =	vst v3;
	v3 =	vor.u32 s31, v0  }
0x1ba: {  	[tilespmem:$0x13460] =	vst v3;
	v3 =	vor.u32 s2, v0  }
0x1bb: {  	s2 =	simm.s32 $0xEB80;
	[tilespmem:$0x13470] =	vst v3  }
0x1bc: {  	[tilespmem:s2], [sflag:$0x1] =	stream.indirect.gather [spmem:s1], $0x10, s22, s21, $0xb8;
	[tilespmem:$0x1FC80] =	vst v63  }
0x1bd: {  	_ =	swait.ge [sflag:s19], $0x800  }
0x1be: {  	[sflag:s19] =	ssyncset.done $0x0  }
0x1bf: {  	[sflag:s19] =	ssyncadd.s32 $0xFFFFF800  }
0x1c0: {  	v3 =	vld [tilespmem:s2+$0x0];
	_ =	sdelay $0x2  }
0x1c1: {  	s28 =	simm.s32 $0x0;
	s26 =	simm.s32 $0x40  }
.LBB2_25:
0x1c2: {  	p0 =	sne.s32 s26, $0x1FC0  }
0x1c3: {  	[tilespmem:s28+$0x12C00] =	vst v3;
	s2 =	sadd.s32 $0x80, s2;
	s28 =	smov.u32 s26;
	s26 =	sadd.s32 $0x40, s26  }
.Ltmp11:
0x1c4: {  	v3 =	vld [tilespmem:s2+$0x0];
	(pc) =	sbr.rel @p0 .LBB2_25-.Ltmp11, $2  }
0x1c5: {  	_ =	sdelay $0x2  }
0x1c6: {  	s28 =	sshra.s32 s28, $0x2  }
0x1c7: {  	s2 =	sshll.u32 s0, $0x8;
	s0 =	sadd.s32 $0x1, s0  }
0x1c8: {  	p0 =	sne.s32 s0, $0x19  }
.Ltmp12:
0x1c9: {  	[tilespmem:s28+$0x12C00] =	vst v3;
	s2 =	sadd.s32 s2, s17;
	(pc) =	sbr.rel @p0 .LBB2_24-.Ltmp12, $4  }
0x1ca: {  	[hbm4b:s2+s3] =	stream.linear.scatter [tilespmem:s24], [sflag:$0x1], $0x800, $0x38;
	[tilespmem:$0x1FC80] =	vst v63  }
0x1cb: {  	_ =	swait.ge [sflag:s19], $0x800  }
0x1cc: {  	[sflag:s19] =	ssyncset.done $0x0  }
0x1cd: {  	[sflag:s19] =	ssyncadd.s32 $0xFFFFF800  }
0x1ce: {  	s25 =	sadd.s32 $0x1, s25  }
0x1cf: {  	p0 =	sne.s32 s25, s18  }
.Ltmp13:
0x1d0: {  	_ = 	snop;
	(pc) =	sbr.rel @p0 .LBB2_1-.Ltmp13, $1  }
0x1d1: {  	_ =	sdelay $0x3  }
0x1d2: {  	_ =	sfence.sel $0x180000  }
0x1d3: {  	[bflag:$0x0] =	sbarrier.arrive $0xFFFF  }
0x1d4: {  	_ =	strace $0x9000004A  }
0x1d5: {  	s0 =	stileid.u32;
	[bflag:$0x2] =	sbarrier.arrive $0xFFFF  }
0x1d6: {  	p0 =	sne.s32 s0, $0x0;
	s0 =	rddreg [dreg:$0x2]  }
0x1d7: {  	s0 =	sadd.s32 @!p0 $0x100000, s0  }
0x1d8: {  	[sflag:s0] =	ssyncadd.tile.s32 @!p0 $0x1;
	_ =	shalt  }
.Lfunc_end2:
_tile_overlayer_lowered:
.L_overlay_start_2:
0x1d9: {  	(tag) =	ssettag $0x2  }
0x1da: {  	s0 =	rddreg [dreg:$0x0];
	s2 =	stileid.u32  }
0x1db: {  	s1 =	rddreg [dreg:$0x1];
	p0 =	sne.s32 s2, $0x0  }
0x1dc: {  	s3 =	rddreg [dreg:$0x2];
	[bflag:$0x3] =	sbarrier.arrive $0xFFFF;
	s2 =	simm.s32 @!p0 $0x1C01  }
0x1dd: {  	[timem:s3], [sflag:s2] =	dma.local @!p0 [hbm:s0], s1  }
0x1de: {  	s0 =	simm.s32 @!p0 $0x1  }
0x1df: {  	_ =	swait.ge @!p0 [sflag:s0], s1  }
0x1e0: {  	s1 =	ssub.s32 @!p0 $0x0, s1;
	[sflag:s0] =	ssyncset.done @!p0 $0x0  }
0x1e1: {  	[sflag:s0] =	ssyncadd.s32 @!p0 s1  }
0x1e2: {  	[bflag:$0x3] =	sbarrier.arrive $0xFFFF  }
0x1e3: {  	_ =	shalt  }

</sc_bundles>
